<compile_context>
chip_gen: v7x
topology: tpu7x:2x2x1
jax: 0.10.2.dev20260603
libtpu: 0.0.44.dev20260713+nightly
codegen_flags: <defaults>
</compile_context>

<pallas_src>
import functools

import jax
import jax.numpy as jnp
from jax import lax
from jax.experimental import pallas as pl
from jax.experimental.pallas import tpu as pltpu
from jax.experimental.pallas import tpu_sc as plsc

N_ENT = 1000000
N_REL = 1000
DIM = 32
BATCH = 16384

NUM_CORES = 2
NUM_SUBCORES = 16
NUM_WORKERS = NUM_CORES * NUM_SUBCORES
BPW = BATCH // NUM_WORKERS
LANES = 16

TILE_W = 128
N_TAIL = N_ENT % TILE_W
TAIL_START = N_ENT - N_TAIL
LAST_COL0 = TAIL_START - TILE_W
NGRP = BPW // LANES
NSUB = LANES // 4
REL_PAD = 1024


def _distmult_sc(head_idx, rel_idx, tail_idx, head_w_t, rel_w_p, tail_rows):
    mesh = plsc.VectorSubcoreMesh(core_axis_name="c", subcore_axis_name="s")

    @functools.partial(
        pl.kernel,
        mesh=mesh,
        compiler_params=pltpu.CompilerParams(needs_layout_passes=False),
        out_type=jax.ShapeDtypeStruct((BATCH,), jnp.float32),
        scratch_types=[
            pltpu.VMEM((BPW,), jnp.int32),
            pltpu.VMEM((BPW,), jnp.int32),
            pltpu.VMEM((BPW,), jnp.int32),
            pltpu.VMEM((2, 4, DIM, TILE_W), jnp.float32),
            pltpu.VMEM((2 * BPW * DIM,), jnp.float32),
            pltpu.VMEM((DIM, REL_PAD), jnp.float32),
            pltpu.VMEM((N_TAIL, TILE_W), jnp.float32),
            pltpu.VMEM((BPW,), jnp.float32),
            pltpu.SemaphoreType.DMA,
            pltpu.SemaphoreType.DMA,
        ],
    )
    def k(hid_hbm, rid_hbm, tid_hbm, hw_hbm, rw_hbm, tl_hbm, out_hbm,
          hid_v, rid_v, tid_v, bufs, rows_v, rel_v, tail_v, out_v,
          sem0, sem1):
        wid = lax.axis_index("s") * NUM_CORES + lax.axis_index("c")
        base = wid * BPW

        pltpu.sync_copy(hid_hbm.at[pl.ds(base, BPW)], hid_v)
        pltpu.sync_copy(tid_hbm.at[pl.ds(base, BPW)], tid_v)
        pltpu.sync_copy(rid_hbm.at[pl.ds(base, BPW)], rid_v)
        pltpu.sync_copy(tl_hbm, tail_v)
        for kk in range(REL_PAD // TILE_W):
            pltpu.sync_copy(rw_hbm.at[:, pl.ds(kk * TILE_W, TILE_W)],
                            rel_v.at[:, pl.ds(kk * TILE_W, TILE_W)])

        sems = (sem0, sem1)
        col_iota = lax.iota(jnp.int32, LANES)

        def group_info(idx_v, g):
            v = idx_v[pl.ds(g * LANES, LANES)]
            col0 = jnp.minimum(v & ~(TILE_W - 1),
                               jnp.full((LANES,), LAST_COL0, jnp.int32))
            return v, col0

        def fire(col0, q, half):
            for j in range(4):
                start = pl.multiple_of(col0[q * 4 + j], TILE_W)
                pltpu.async_copy(
                    hw_hbm.at[:, pl.ds(start, TILE_W)],
                    bufs.at[half, j], sems[half])

        def drain(v, col0, g, q, half, slot_base):
            half16 = jnp.full((LANES,), half, jnp.int32)
            for j in range(4):
                pltpu.make_async_copy(
                    hw_hbm.at[:, pl.ds(0, TILE_W)],
                    bufs.at[half, j], sems[half]).wait()
                jj = q * 4 + j
                r = v[jj]
                lane = jnp.minimum(r - col0[jj], TILE_W - 1)
                lane16 = jnp.full((LANES,), lane, jnp.int32)
                j16 = jnp.full((LANES,), j, jnp.int32)
                lo = plsc.load_gather(bufs, [half16, j16, col_iota, lane16])
                hi = plsc.load_gather(
                    bufs, [half16, j16, col_iota + LANES, lane16])
                is_tail = r >= TAIL_START
                rt16 = jnp.full((LANES,),
                                jnp.minimum(jnp.maximum(r - TAIL_START, 0),
                                            N_TAIL - 1), jnp.int32)
                tlo = plsc.load_gather(tail_v, [rt16, col_iota])
                thi = plsc.load_gather(tail_v, [rt16, col_iota + LANES])
                lo = lax.select(jnp.full((LANES,), is_tail), tlo, lo)
                hi = lax.select(jnp.full((LANES,), is_tail), thi, hi)
                slot = slot_base + g * LANES + jj
                rows_v[pl.ds(slot * DIM, LANES)] = lo
                rows_v[pl.ds(slot * DIM + LANES, LANES)] = hi

        def body(g, carry):
            vh, ch = group_info(hid_v, g)
            vt, ct = group_info(tid_v, g)
            fire(ch, 0, 0)
            fire(ch, 1, 1)
            drain(vh, ch, g, 0, 0, 0)
            fire(ch, 2, 0)
            drain(vh, ch, g, 1, 1, 0)
            fire(ch, 3, 1)
            drain(vh, ch, g, 2, 0, 0)
            fire(ct, 0, 0)
            drain(vh, ch, g, 3, 1, 0)
            fire(ct, 1, 1)
            drain(vt, ct, g, 0, 0, BPW)
            fire(ct, 2, 0)
            drain(vt, ct, g, 1, 1, BPW)
            fire(ct, 3, 1)
            drain(vt, ct, g, 2, 0, BPW)
            drain(vt, ct, g, 3, 1, BPW)

            row16 = g * LANES + col_iota
            rel_ids = rid_v[pl.ds(g * LANES, LANES)]
            acc = jnp.zeros((LANES,), jnp.float32)
            for d in range(DIM):
                h = plsc.load_gather(rows_v, [row16 * DIM + d])
                t = plsc.load_gather(rows_v, [(row16 + BPW) * DIM + d])
                r = plsc.load_gather(rel_v,
                                     [jnp.full((LANES,), d, jnp.int32),
                                      rel_ids])
                acc = acc + h * r * t
            out_v[pl.ds(g * LANES, LANES)] = 1.0 / (1.0 + jnp.exp(-acc))
            return carry

        lax.fori_loop(0, NGRP, body, 0)
        pltpu.sync_copy(out_v, out_hbm.at[pl.ds(base, BPW)])

    return k(head_idx, rel_idx, tail_idx, head_w_t, rel_w_p, tail_rows)


def kernel(head_idx, rel_idx, tail_idx, head_w, rel_w, tail_w):
    del tail_w
    rel_w_p = jnp.pad(rel_w.T, ((0, 0), (0, REL_PAD - N_REL)))
    tail_rows = jnp.pad(lax.slice(head_w, (TAIL_START, 0), (N_ENT, DIM)),
                        ((0, 0), (0, TILE_W - DIM)))
    return _distmult_sc(
        head_idx.astype(jnp.int32),
        rel_idx.astype(jnp.int32),
        tail_idx.astype(jnp.int32),
        head_w.T,
        rel_w_p,
        tail_rows,
    )

# --- scband reference (transcript-rebuilt; emitter-appended) ---
"""Pipeline reference for scband-dist-mult-52467320488546 (READ-ONLY COPY).

The authoritative reference and input builder live on the scoring server;
editing this copy changes nothing except your own understanding.
"""

import jax, jax.numpy as jnp
import numpy as np

N_ENT = 1000000
N_REL = 1000
DIM = 32
BATCH = 16384

def setup_inputs(seed: int = 0) -> dict:
    key = jax.random.key(seed)
    k1, k2, k3, k4, k5, k6 = jax.random.split(key, 6)
    return {
        "head_idx": jax.random.randint(k1, (BATCH,), 0, N_ENT, dtype=jnp.int64) if jax.config.jax_enable_x64 else jax.random.randint(k1, (BATCH,), 0, N_ENT, dtype=jnp.int32),
        "rel_idx": jax.random.randint(k2, (BATCH,), 0, N_REL, dtype=jnp.int32),
        "tail_idx": jax.random.randint(k3, (BATCH,), 0, N_ENT, dtype=jnp.int32),
        "head_w": jax.random.normal(k4, (N_ENT, DIM), dtype=jnp.float32),
        "rel_w": jax.random.normal(k5, (N_REL, DIM), dtype=jnp.float32),
        "tail_w": jax.random.normal(k6, (N_ENT, DIM), dtype=jnp.float32),
    }

def reference(head_idx, rel_idx, tail_idx, head_w, rel_w, tail_w):
    # Faithful translation of DistMult.forward.
    # NOTE: the original torch code looks up tail_idx in self.head (not self.tail);
    # we reproduce that exactly. tail_w is a module parameter but unused in forward.
    h_head = jnp.take(head_w, head_idx, axis=0)
    h_relation = jnp.take(rel_w, rel_idx, axis=0)
    h_tail = jnp.take(head_w, tail_idx, axis=0)
    out = jax.nn.sigmoid(jnp.sum(h_head * h_relation * h_tail, axis=1))
    return out.reshape(-1)

if __name__ == "__main__":
    import jax
    _d = setup_inputs()
    print(jax.jit(kernel)(*tuple(_d.values())))

</pallas_src>

<mosaic_0001>
#map = affine_map<(d0, d1) -> (0)>
#map1 = affine_map<(d0, d1) -> (0, 0)>
module attributes {stable_mosaic.version = 14 : i64} {
  func.func @k(%arg0: i32, %arg1: i32, %arg2: memref<16384xi32, #tpu.memory_space<hbm>>, %arg3: memref<16384xi32, #tpu.memory_space<hbm>>, %arg4: memref<16384xi32, #tpu.memory_space<hbm>>, %arg5: memref<32x1000000xf32, #tpu.memory_space<hbm>>, %arg6: memref<32x1024xf32, #tpu.memory_space<hbm>>, %arg7: memref<64x128xf32, #tpu.memory_space<hbm>>, %arg8: memref<16384xf32, #tpu.memory_space<hbm>>, %arg9: memref<512xi32, #tpu.memory_space<vmem>>, %arg10: memref<512xi32, #tpu.memory_space<vmem>>, %arg11: memref<512xi32, #tpu.memory_space<vmem>>, %arg12: memref<2x4x32x128xf32, #tpu.memory_space<vmem>>, %arg13: memref<32768xf32, #tpu.memory_space<vmem>>, %arg14: memref<32x1024xf32, #tpu.memory_space<vmem>>, %arg15: memref<64x128xf32, #tpu.memory_space<vmem>>, %arg16: memref<512xf32, #tpu.memory_space<vmem>>, %arg17: memref<!tpu.dma_semaphore, #tpu.memory_space<semaphore_mem>>, %arg18: memref<!tpu.dma_semaphore, #tpu.memory_space<semaphore_mem>>) attributes {dimension_semantics = [#tpu.dimension_semantics<core_parallel>, #tpu.dimension_semantics<subcore_parallel>], iteration_bounds = array<i64: 2, 16>, scalar_prefetch = 0 : i64, scratch_operands = 10 : i64, tpu.core_type = #tpu.core_type<sc_vector_subcore>, window_params = [{transform_indices = #map}, {transform_indices = #map}, {transform_indices = #map}, {transform_indices = #map1}, {transform_indices = #map1}, {transform_indices = #map1}, {transform_indices = #map}]} {
    %mul3A = arith.constant 2 : i32
    %mul3A_0 = arith.muli %arg1, %mul3A : i32
    %add3A = arith.addi %mul3A_0, %arg0 : i32
    %mul3A_1 = arith.constant 512 : i32
    %mul3A_2 = arith.muli %add3A, %mul3A_1 : i32
    "tpu.region"() ({
      %run_scoped3A = tpu.sem_alloc : memref<!tpu.dma_semaphore, #tpu.memory_space<semaphore_mem>>
      %dma_start3A = tpu.memref_slice %arg2[%mul3A_2] : memref<16384xi32, #tpu.memory_space<hbm>> -> memref<512xi32, #tpu.memory_space<hbm>>
      %dma_start3A_8 = tpu.memref_slice %arg2[%mul3A_2] : memref<16384xi32, #tpu.memory_space<hbm>> -> memref<512xi32, #tpu.memory_space<hbm>>
      tpu.enqueue_dma source(%dma_start3A_8 : memref<512xi32, #tpu.memory_space<hbm>>) target(%arg9 : memref<512xi32, #tpu.memory_space<vmem>>) target_semaphore(%run_scoped3A : memref<!tpu.dma_semaphore, #tpu.memory_space<semaphore_mem>>)
      %dma_wait3A = tpu.memref_slice %arg2[%mul3A_2] : memref<16384xi32, #tpu.memory_space<hbm>> -> memref<512xi32, #tpu.memory_space<hbm>>
      %dma_wait3A_9 = tpu.memref_slice %arg2[%mul3A_2] : memref<16384xi32, #tpu.memory_space<hbm>> -> memref<512xi32, #tpu.memory_space<hbm>>
      tpu.wait_dma2 semaphore(%run_scoped3A : memref<!tpu.dma_semaphore, #tpu.memory_space<semaphore_mem>>) src(%dma_wait3A_9 : memref<512xi32, #tpu.memory_space<hbm>>) dst(%arg9 : memref<512xi32, #tpu.memory_space<vmem>>)
      tpu.yield
    }) : () -> ()
    "tpu.region"() ({
      %run_scoped3A = tpu.sem_alloc : memref<!tpu.dma_semaphore, #tpu.memory_space<semaphore_mem>>
      %dma_start3A = tpu.memref_slice %arg4[%mul3A_2] : memref<16384xi32, #tpu.memory_space<hbm>> -> memref<512xi32, #tpu.memory_space<hbm>>
      %dma_start3A_8 = tpu.memref_slice %arg4[%mul3A_2] : memref<16384xi32, #tpu.memory_space<hbm>> -> memref<512xi32, #tpu.memory_space<hbm>>
      tpu.enqueue_dma source(%dma_start3A_8 : memref<512xi32, #tpu.memory_space<hbm>>) target(%arg11 : memref<512xi32, #tpu.memory_space<vmem>>) target_semaphore(%run_scoped3A : memref<!tpu.dma_semaphore, #tpu.memory_space<semaphore_mem>>)
      %dma_wait3A = tpu.memref_slice %arg4[%mul3A_2] : memref<16384xi32, #tpu.memory_space<hbm>> -> memref<512xi32, #tpu.memory_space<hbm>>
      %dma_wait3A_9 = tpu.memref_slice %arg4[%mul3A_2] : memref<16384xi32, #tpu.memory_space<hbm>> -> memref<512xi32, #tpu.memory_space<hbm>>
      tpu.wait_dma2 semaphore(%run_scoped3A : memref<!tpu.dma_semaphore, #tpu.memory_space<semaphore_mem>>) src(%dma_wait3A_9 : memref<512xi32, #tpu.memory_space<hbm>>) dst(%arg11 : memref<512xi32, #tpu.memory_space<vmem>>)
      tpu.yield
    }) : () -> ()
    "tpu.region"() ({
      %run_scoped3A = tpu.sem_alloc : memref<!tpu.dma_semaphore, #tpu.memory_space<semaphore_mem>>
      %dma_start3A = tpu.memref_slice %arg3[%mul3A_2] : memref<16384xi32, #tpu.memory_space<hbm>> -> memref<512xi32, #tpu.memory_space<hbm>>
      %dma_start3A_8 = tpu.memref_slice %arg3[%mul3A_2] : memref<16384xi32, #tpu.memory_space<hbm>> -> memref<512xi32, #tpu.memory_space<hbm>>
      tpu.enqueue_dma source(%dma_start3A_8 : memref<512xi32, #tpu.memory_space<hbm>>) target(%arg10 : memref<512xi32, #tpu.memory_space<vmem>>) target_semaphore(%run_scoped3A : memref<!tpu.dma_semaphore, #tpu.memory_space<semaphore_mem>>)
      %dma_wait3A = tpu.memref_slice %arg3[%mul3A_2] : memref<16384xi32, #tpu.memory_space<hbm>> -> memref<512xi32, #tpu.memory_space<hbm>>
      %dma_wait3A_9 = tpu.memref_slice %arg3[%mul3A_2] : memref<16384xi32, #tpu.memory_space<hbm>> -> memref<512xi32, #tpu.memory_space<hbm>>
      tpu.wait_dma2 semaphore(%run_scoped3A : memref<!tpu.dma_semaphore, #tpu.memory_space<semaphore_mem>>) src(%dma_wait3A_9 : memref<512xi32, #tpu.memory_space<hbm>>) dst(%arg10 : memref<512xi32, #tpu.memory_space<vmem>>)
      tpu.yield
    }) : () -> ()
    "tpu.region"() ({
      %run_scoped3A = tpu.sem_alloc : memref<!tpu.dma_semaphore, #tpu.memory_space<semaphore_mem>>
      tpu.enqueue_dma source(%arg7 : memref<64x128xf32, #tpu.memory_space<hbm>>) target(%arg15 : memref<64x128xf32, #tpu.memory_space<vmem>>) target_semaphore(%run_scoped3A : memref<!tpu.dma_semaphore, #tpu.memory_space<semaphore_mem>>)
      tpu.wait_dma2 semaphore(%run_scoped3A : memref<!tpu.dma_semaphore, #tpu.memory_space<semaphore_mem>>) src(%arg7 : memref<64x128xf32, #tpu.memory_space<hbm>>) dst(%arg15 : memref<64x128xf32, #tpu.memory_space<vmem>>)
      tpu.yield
    }) : () -> ()
    "tpu.region"() ({
      %run_scoped3A = tpu.sem_alloc : memref<!tpu.dma_semaphore, #tpu.memory_space<semaphore_mem>>
      %dma_start3A = arith.constant 0 : i32
      %dma_start3A_8 = arith.constant 0 : i32
      %dma_start3A_9 = tpu.memref_slice %arg14[%dma_start3A, %dma_start3A_8] : memref<32x1024xf32, #tpu.memory_space<vmem>> -> memref<32x128xf32, #tpu.memory_space<vmem>>
      %dma_start3A_10 = arith.constant 0 : i32
      %dma_start3A_11 = arith.constant 0 : i32
      %dma_start3A_12 = tpu.memref_slice %arg6[%dma_start3A_10, %dma_start3A_11] : memref<32x1024xf32, #tpu.memory_space<hbm>> -> memref<32x128xf32, #tpu.memory_space<hbm>>
      %dma_start3A_13 = arith.constant 0 : i32
      %dma_start3A_14 = arith.constant 0 : i32
      %dma_start3A_15 = tpu.memref_slice %arg14[%dma_start3A_13, %dma_start3A_14] : memref<32x1024xf32, #tpu.memory_space<vmem>> -> memref<32x128xf32, #tpu.memory_space<vmem>>
      %dma_start3A_16 = arith.constant 0 : i32
      %dma_start3A_17 = arith.constant 0 : i32
      %dma_start3A_18 = tpu.memref_slice %arg6[%dma_start3A_16, %dma_start3A_17] : memref<32x1024xf32, #tpu.memory_space<hbm>> -> memref<32x128xf32, #tpu.memory_space<hbm>>
      tpu.enqueue_dma source(%dma_start3A_18 : memref<32x128xf32, #tpu.memory_space<hbm>>) target(%dma_start3A_15 : memref<32x128xf32, #tpu.memory_space<vmem>>) target_semaphore(%run_scoped3A : memref<!tpu.dma_semaphore, #tpu.memory_space<semaphore_mem>>)
      %dma_wait3A = arith.constant 0 : i32
      %dma_wait3A_19 = arith.constant 0 : i32
      %dma_wait3A_20 = tpu.memref_slice %arg14[%dma_wait3A, %dma_wait3A_19] : memref<32x1024xf32, #tpu.memory_space<vmem>> -> memref<32x128xf32, #tpu.memory_space<vmem>>
      %dma_wait3A_21 = arith.constant 0 : i32
      %dma_wait3A_22 = arith.constant 0 : i32
      %dma_wait3A_23 = tpu.memref_slice %arg6[%dma_wait3A_21, %dma_wait3A_22] : memref<32x1024xf32, #tpu.memory_space<hbm>> -> memref<32x128xf32, #tpu.memory_space<hbm>>
      %dma_wait3A_24 = arith.constant 0 : i32
      %dma_wait3A_25 = arith.constant 0 : i32
      %dma_wait3A_26 = tpu.memref_slice %arg14[%dma_wait3A_24, %dma_wait3A_25] : memref<32x1024xf32, #tpu.memory_space<vmem>> -> memref<32x128xf32, #tpu.memory_space<vmem>>
      %dma_wait3A_27 = arith.constant 0 : i32
      %dma_wait3A_28 = arith.constant 0 : i32
      %dma_wait3A_29 = tpu.memref_slice %arg6[%dma_wait3A_27, %dma_wait3A_28] : memref<32x1024xf32, #tpu.memory_space<hbm>> -> memref<32x128xf32, #tpu.memory_space<hbm>>
      tpu.wait_dma2 semaphore(%run_scoped3A : memref<!tpu.dma_semaphore, #tpu.memory_space<semaphore_mem>>) src(%dma_wait3A_29 : memref<32x128xf32, #tpu.memory_space<hbm>>) dst(%dma_wait3A_26 : memref<32x128xf32, #tpu.memory_space<vmem>>)
      tpu.yield
    }) : () -> ()
    "tpu.region"() ({
      %run_scoped3A = tpu.sem_alloc : memref<!tpu.dma_semaphore, #tpu.memory_space<semaphore_mem>>
      %dma_start3A = arith.constant 0 : i32
      %dma_start3A_8 = arith.constant 128 : i32
      %dma_start3A_9 = tpu.memref_slice %arg14[%dma_start3A, %dma_start3A_8] : memref<32x1024xf32, #tpu.memory_space<vmem>> -> memref<32x128xf32, #tpu.memory_space<vmem>>
      %dma_start3A_10 = arith.constant 0 : i32
      %dma_start3A_11 = arith.constant 128 : i32
      %dma_start3A_12 = tpu.memref_slice %arg6[%dma_start3A_10, %dma_start3A_11] : memref<32x1024xf32, #tpu.memory_space<hbm>> -> memref<32x128xf32, #tpu.memory_space<hbm>>
      %dma_start3A_13 = arith.constant 0 : i32
      %dma_start3A_14 = arith.constant 128 : i32
      %dma_start3A_15 = tpu.memref_slice %arg14[%dma_start3A_13, %dma_start3A_14] : memref<32x1024xf32, #tpu.memory_space<vmem>> -> memref<32x128xf32, #tpu.memory_space<vmem>>
      %dma_start3A_16 = arith.constant 0 : i32
      %dma_start3A_17 = arith.constant 128 : i32
      %dma_start3A_18 = tpu.memref_slice %arg6[%dma_start3A_16, %dma_start3A_17] : memref<32x1024xf32, #tpu.memory_space<hbm>> -> memref<32x128xf32, #tpu.memory_space<hbm>>
      tpu.enqueue_dma source(%dma_start3A_18 : memref<32x128xf32, #tpu.memory_space<hbm>>) target(%dma_start3A_15 : memref<32x128xf32, #tpu.memory_space<vmem>>) target_semaphore(%run_scoped3A : memref<!tpu.dma_semaphore, #tpu.memory_space<semaphore_mem>>)
      %dma_wait3A = arith.constant 0 : i32
      %dma_wait3A_19 = arith.constant 128 : i32
      %dma_wait3A_20 = tpu.memref_slice %arg14[%dma_wait3A, %dma_wait3A_19] : memref<32x1024xf32, #tpu.memory_space<vmem>> -> memref<32x128xf32, #tpu.memory_space<vmem>>
      %dma_wait3A_21 = arith.constant 0 : i32
      %dma_wait3A_22 = arith.constant 128 : i32
      %dma_wait3A_23 = tpu.memref_slice %arg6[%dma_wait3A_21, %dma_wait3A_22] : memref<32x1024xf32, #tpu.memory_space<hbm>> -> memref<32x128xf32, #tpu.memory_space<hbm>>
      %dma_wait3A_24 = arith.constant 0 : i32
      %dma_wait3A_25 = arith.constant 128 : i32
      %dma_wait3A_26 = tpu.memref_slice %arg14[%dma_wait3A_24, %dma_wait3A_25] : memref<32x1024xf32, #tpu.memory_space<vmem>> -> memref<32x128xf32, #tpu.memory_space<vmem>>
      %dma_wait3A_27 = arith.constant 0 : i32
      %dma_wait3A_28 = arith.constant 128 : i32
      %dma_wait3A_29 = tpu.memref_slice %arg6[%dma_wait3A_27, %dma_wait3A_28] : memref<32x1024xf32, #tpu.memory_space<hbm>> -> memref<32x128xf32, #tpu.memory_space<hbm>>
      tpu.wait_dma2 semaphore(%run_scoped3A : memref<!tpu.dma_semaphore, #tpu.memory_space<semaphore_mem>>) src(%dma_wait3A_29 : memref<32x128xf32, #tpu.memory_space<hbm>>) dst(%dma_wait3A_26 : memref<32x128xf32, #tpu.memory_space<vmem>>)
      tpu.yield
    }) : () -> ()
    "tpu.region"() ({
      %run_scoped3A = tpu.sem_alloc : memref<!tpu.dma_semaphore, #tpu.memory_space<semaphore_mem>>
      %dma_start3A = arith.constant 0 : i32
      %dma_start3A_8 = arith.constant 256 : i32
      %dma_start3A_9 = tpu.memref_slice %arg14[%dma_start3A, %dma_start3A_8] : memref<32x1024xf32, #tpu.memory_space<vmem>> -> memref<32x128xf32, #tpu.memory_space<vmem>>
      %dma_start3A_10 = arith.constant 0 : i32
      %dma_start3A_11 = arith.constant 256 : i32
      %dma_start3A_12 = tpu.memref_slice %arg6[%dma_start3A_10, %dma_start3A_11] : memref<32x1024xf32, #tpu.memory_space<hbm>> -> memref<32x128xf32, #tpu.memory_space<hbm>>
      %dma_start3A_13 = arith.constant 0 : i32
      %dma_start3A_14 = arith.constant 256 : i32
      %dma_start3A_15 = tpu.memref_slice %arg14[%dma_start3A_13, %dma_start3A_14] : memref<32x1024xf32, #tpu.memory_space<vmem>> -> memref<32x128xf32, #tpu.memory_space<vmem>>
      %dma_start3A_16 = arith.constant 0 : i32
      %dma_start3A_17 = arith.constant 256 : i32
      %dma_start3A_18 = tpu.memref_slice %arg6[%dma_start3A_16, %dma_start3A_17] : memref<32x1024xf32, #tpu.memory_space<hbm>> -> memref<32x128xf32, #tpu.memory_space<hbm>>
      tpu.enqueue_dma source(%dma_start3A_18 : memref<32x128xf32, #tpu.memory_space<hbm>>) target(%dma_start3A_15 : memref<32x128xf32, #tpu.memory_space<vmem>>) target_semaphore(%run_scoped3A : memref<!tpu.dma_semaphore, #tpu.memory_space<semaphore_mem>>)
      %dma_wait3A = arith.constant 0 : i32
      %dma_wait3A_19 = arith.constant 256 : i32
      %dma_wait3A_20 = tpu.memref_slice %arg14[%dma_wait3A, %dma_wait3A_19] : memref<32x1024xf32, #tpu.memory_space<vmem>> -> memref<32x128xf32, #tpu.memory_space<vmem>>
      %dma_wait3A_21 = arith.constant 0 : i32
      %dma_wait3A_22 = arith.constant 256 : i32
      %dma_wait3A_23 = tpu.memref_slice %arg6[%dma_wait3A_21, %dma_wait3A_22] : memref<32x1024xf32, #tpu.memory_space<hbm>> -> memref<32x128xf32, #tpu.memory_space<hbm>>
      %dma_wait3A_24 = arith.constant 0 : i32
      %dma_wait3A_25 = arith.constant 256 : i32
      %dma_wait3A_26 = tpu.memref_slice %arg14[%dma_wait3A_24, %dma_wait3A_25] : memref<32x1024xf32, #tpu.memory_space<vmem>> -> memref<32x128xf32, #tpu.memory_space<vmem>>
      %dma_wait3A_27 = arith.constant 0 : i32
      %dma_wait3A_28 = arith.constant 256 : i32
      %dma_wait3A_29 = tpu.memref_slice %arg6[%dma_wait3A_27, %dma_wait3A_28] : memref<32x1024xf32, #tpu.memory_space<hbm>> -> memref<32x128xf32, #tpu.memory_space<hbm>>
      tpu.wait_dma2 semaphore(%run_scoped3A : memref<!tpu.dma_semaphore, #tpu.memory_space<semaphore_mem>>) src(%dma_wait3A_29 : memref<32x128xf32, #tpu.memory_space<hbm>>) dst(%dma_wait3A_26 : memref<32x128xf32, #tpu.memory_space<vmem>>)
      tpu.yield
    }) : () -> ()
    "tpu.region"() ({
      %run_scoped3A = tpu.sem_alloc : memref<!tpu.dma_semaphore, #tpu.memory_space<semaphore_mem>>
      %dma_start3A = arith.constant 0 : i32
      %dma_start3A_8 = arith.constant 384 : i32
      %dma_start3A_9 = tpu.memref_slice %arg14[%dma_start3A, %dma_start3A_8] : memref<32x1024xf32, #tpu.memory_space<vmem>> -> memref<32x128xf32, #tpu.memory_space<vmem>>
      %dma_start3A_10 = arith.constant 0 : i32
      %dma_start3A_11 = arith.constant 384 : i32
      %dma_start3A_12 = tpu.memref_slice %arg6[%dma_start3A_10, %dma_start3A_11] : memref<32x1024xf32, #tpu.memory_space<hbm>> -> memref<32x128xf32, #tpu.memory_space<hbm>>
      %dma_start3A_13 = arith.constant 0 : i32
      %dma_start3A_14 = arith.constant 384 : i32
      %dma_start3A_15 = tpu.memref_slice %arg14[%dma_start3A_13, %dma_start3A_14] : memref<32x1024xf32, #tpu.memory_space<vmem>> -> memref<32x128xf32, #tpu.memory_space<vmem>>
      %dma_start3A_16 = arith.constant 0 : i32
      %dma_start3A_17 = arith.constant 384 : i32
      %dma_start3A_18 = tpu.memref_slice %arg6[%dma_start3A_16, %dma_start3A_17] : memref<32x1024xf32, #tpu.memory_space<hbm>> -> memref<32x128xf32, #tpu.memory_space<hbm>>
      tpu.enqueue_dma source(%dma_start3A_18 : memref<32x128xf32, #tpu.memory_space<hbm>>) target(%dma_start3A_15 : memref<32x128xf32, #tpu.memory_space<vmem>>) target_semaphore(%run_scoped3A : memref<!tpu.dma_semaphore, #tpu.memory_space<semaphore_mem>>)
      %dma_wait3A = arith.constant 0 : i32
      %dma_wait3A_19 = arith.constant 384 : i32
      %dma_wait3A_20 = tpu.memref_slice %arg14[%dma_wait3A, %dma_wait3A_19] : memref<32x1024xf32, #tpu.memory_space<vmem>> -> memref<32x128xf32, #tpu.memory_space<vmem>>
      %dma_wait3A_21 = arith.constant 0 : i32
      %dma_wait3A_22 = arith.constant 384 : i32
      %dma_wait3A_23 = tpu.memref_slice %arg6[%dma_wait3A_21, %dma_wait3A_22] : memref<32x1024xf32, #tpu.memory_space<hbm>> -> memref<32x128xf32, #tpu.memory_space<hbm>>
      %dma_wait3A_24 = arith.constant 0 : i32
      %dma_wait3A_25 = arith.constant 384 : i32
      %dma_wait3A_26 = tpu.memref_slice %arg14[%dma_wait3A_24, %dma_wait3A_25] : memref<32x1024xf32, #tpu.memory_space<vmem>> -> memref<32x128xf32, #tpu.memory_space<vmem>>
      %dma_wait3A_27 = arith.constant 0 : i32
      %dma_wait3A_28 = arith.constant 384 : i32
      %dma_wait3A_29 = tpu.memref_slice %arg6[%dma_wait3A_27, %dma_wait3A_28] : memref<32x1024xf32, #tpu.memory_space<hbm>> -> memref<32x128xf32, #tpu.memory_space<hbm>>
      tpu.wait_dma2 semaphore(%run_scoped3A : memref<!tpu.dma_semaphore, #tpu.memory_space<semaphore_mem>>) src(%dma_wait3A_29 : memref<32x128xf32, #tpu.memory_space<hbm>>) dst(%dma_wait3A_26 : memref<32x128xf32, #tpu.memory_space<vmem>>)
      tpu.yield
    }) : () -> ()
    "tpu.region"() ({
      %run_scoped3A = tpu.sem_alloc : memref<!tpu.dma_semaphore, #tpu.memory_space<semaphore_mem>>
      %dma_start3A = arith.constant 0 : i32
      %dma_start3A_8 = arith.constant 512 : i32
      %dma_start3A_9 = tpu.memref_slice %arg14[%dma_start3A, %dma_start3A_8] : memref<32x1024xf32, #tpu.memory_space<vmem>> -> memref<32x128xf32, #tpu.memory_space<vmem>>
      %dma_start3A_10 = arith.constant 0 : i32
      %dma_start3A_11 = arith.constant 512 : i32
      %dma_start3A_12 = tpu.memref_slice %arg6[%dma_start3A_10, %dma_start3A_11] : memref<32x1024xf32, #tpu.memory_space<hbm>> -> memref<32x128xf32, #tpu.memory_space<hbm>>
      %dma_start3A_13 = arith.constant 0 : i32
      %dma_start3A_14 = arith.constant 512 : i32
      %dma_start3A_15 = tpu.memref_slice %arg14[%dma_start3A_13, %dma_start3A_14] : memref<32x1024xf32, #tpu.memory_space<vmem>> -> memref<32x128xf32, #tpu.memory_space<vmem>>
      %dma_start3A_16 = arith.constant 0 : i32
      %dma_start3A_17 = arith.constant 512 : i32
      %dma_start3A_18 = tpu.memref_slice %arg6[%dma_start3A_16, %dma_start3A_17] : memref<32x1024xf32, #tpu.memory_space<hbm>> -> memref<32x128xf32, #tpu.memory_space<hbm>>
      tpu.enqueue_dma source(%dma_start3A_18 : memref<32x128xf32, #tpu.memory_space<hbm>>) target(%dma_start3A_15 : memref<32x128xf32, #tpu.memory_space<vmem>>) target_semaphore(%run_scoped3A : memref<!tpu.dma_semaphore, #tpu.memory_space<semaphore_mem>>)
      %dma_wait3A = arith.constant 0 : i32
      %dma_wait3A_19 = arith.constant 512 : i32
      %dma_wait3A_20 = tpu.memref_slice %arg14[%dma_wait3A, %dma_wait3A_19] : memref<32x1024xf32, #tpu.memory_space<vmem>> -> memref<32x128xf32, #tpu.memory_space<vmem>>
      %dma_wait3A_21 = arith.constant 0 : i32
      %dma_wait3A_22 = arith.constant 512 : i32
      %dma_wait3A_23 = tpu.memref_slice %arg6[%dma_wait3A_21, %dma_wait3A_22] : memref<32x1024xf32, #tpu.memory_space<hbm>> -> memref<32x128xf32, #tpu.memory_space<hbm>>
      %dma_wait3A_24 = arith.constant 0 : i32
      %dma_wait3A_25 = arith.constant 512 : i32
      %dma_wait3A_26 = tpu.memref_slice %arg14[%dma_wait3A_24, %dma_wait3A_25] : memref<32x1024xf32, #tpu.memory_space<vmem>> -> memref<32x128xf32, #tpu.memory_space<vmem>>
      %dma_wait3A_27 = arith.constant 0 : i32
      %dma_wait3A_28 = arith.constant 512 : i32
      %dma_wait3A_29 = tpu.memref_slice %arg6[%dma_wait3A_27, %dma_wait3A_28] : memref<32x1024xf32, #tpu.memory_space<hbm>> -> memref<32x128xf32, #tpu.memory_space<hbm>>
      tpu.wait_dma2 semaphore(%run_scoped3A : memref<!tpu.dma_semaphore, #tpu.memory_space<semaphore_mem>>) src(%dma_wait3A_29 : memref<32x128xf32, #tpu.memory_space<hbm>>) dst(%dma_wait3A_26 : memref<32x128xf32, #tpu.memory_space<vmem>>)
      tpu.yield
    }) : () -> ()
    "tpu.region"() ({
      %run_scoped3A = tpu.sem_alloc : memref<!tpu.dma_semaphore, #tpu.memory_space<semaphore_mem>>
      %dma_start3A = arith.constant 0 : i32
      %dma_start3A_8 = arith.constant 640 : i32
      %dma_start3A_9 = tpu.memref_slice %arg14[%dma_start3A, %dma_start3A_8] : memref<32x1024xf32, #tpu.memory_space<vmem>> -> memref<32x128xf32, #tpu.memory_space<vmem>>
      %dma_start3A_10 = arith.constant 0 : i32
      %dma_start3A_11 = arith.constant 640 : i32
      %dma_start3A_12 = tpu.memref_slice %arg6[%dma_start3A_10, %dma_start3A_11] : memref<32x1024xf32, #tpu.memory_space<hbm>> -> memref<32x128xf32, #tpu.memory_space<hbm>>
      %dma_start3A_13 = arith.constant 0 : i32
      %dma_start3A_14 = arith.constant 640 : i32
      %dma_start3A_15 = tpu.memref_slice %arg14[%dma_start3A_13, %dma_start3A_14] : memref<32x1024xf32, #tpu.memory_space<vmem>> -> memref<32x128xf32, #tpu.memory_space<vmem>>
      %dma_start3A_16 = arith.constant 0 : i32
      %dma_start3A_17 = arith.constant 640 : i32
      %dma_start3A_18 = tpu.memref_slice %arg6[%dma_start3A_16, %dma_start3A_17] : memref<32x1024xf32, #tpu.memory_space<hbm>> -> memref<32x128xf32, #tpu.memory_space<hbm>>
      tpu.enqueue_dma source(%dma_start3A_18 : memref<32x128xf32, #tpu.memory_space<hbm>>) target(%dma_start3A_15 : memref<32x128xf32, #tpu.memory_space<vmem>>) target_semaphore(%run_scoped3A : memref<!tpu.dma_semaphore, #tpu.memory_space<semaphore_mem>>)
      %dma_wait3A = arith.constant 0 : i32
      %dma_wait3A_19 = arith.constant 640 : i32
      %dma_wait3A_20 = tpu.memref_slice %arg14[%dma_wait3A, %dma_wait3A_19] : memref<32x1024xf32, #tpu.memory_space<vmem>> -> memref<32x128xf32, #tpu.memory_space<vmem>>
      %dma_wait3A_21 = arith.constant 0 : i32
      %dma_wait3A_22 = arith.constant 640 : i32
      %dma_wait3A_23 = tpu.memref_slice %arg6[%dma_wait3A_21, %dma_wait3A_22] : memref<32x1024xf32, #tpu.memory_space<hbm>> -> memref<32x128xf32, #tpu.memory_space<hbm>>
      %dma_wait3A_24 = arith.constant 0 : i32
      %dma_wait3A_25 = arith.constant 640 : i32
      %dma_wait3A_26 = tpu.memref_slice %arg14[%dma_wait3A_24, %dma_wait3A_25] : memref<32x1024xf32, #tpu.memory_space<vmem>> -> memref<32x128xf32, #tpu.memory_space<vmem>>
      %dma_wait3A_27 = arith.constant 0 : i32
      %dma_wait3A_28 = arith.constant 640 : i32
      %dma_wait3A_29 = tpu.memref_slice %arg6[%dma_wait3A_27, %dma_wait3A_28] : memref<32x1024xf32, #tpu.memory_space<hbm>> -> memref<32x128xf32, #tpu.memory_space<hbm>>
      tpu.wait_dma2 semaphore(%run_scoped3A : memref<!tpu.dma_semaphore, #tpu.memory_space<semaphore_mem>>) src(%dma_wait3A_29 : memref<32x128xf32, #tpu.memory_space<hbm>>) dst(%dma_wait3A_26 : memref<32x128xf32, #tpu.memory_space<vmem>>)
      tpu.yield
    }) : () -> ()
    "tpu.region"() ({
      %run_scoped3A = tpu.sem_alloc : memref<!tpu.dma_semaphore, #tpu.memory_space<semaphore_mem>>
      %dma_start3A = arith.constant 0 : i32
      %dma_start3A_8 = arith.constant 768 : i32
      %dma_start3A_9 = tpu.memref_slice %arg14[%dma_start3A, %dma_start3A_8] : memref<32x1024xf32, #tpu.memory_space<vmem>> -> memref<32x128xf32, #tpu.memory_space<vmem>>
      %dma_start3A_10 = arith.constant 0 : i32
      %dma_start3A_11 = arith.constant 768 : i32
      %dma_start3A_12 = tpu.memref_slice %arg6[%dma_start3A_10, %dma_start3A_11] : memref<32x1024xf32, #tpu.memory_space<hbm>> -> memref<32x128xf32, #tpu.memory_space<hbm>>
      %dma_start3A_13 = arith.constant 0 : i32
      %dma_start3A_14 = arith.constant 768 : i32
      %dma_start3A_15 = tpu.memref_slice %arg14[%dma_start3A_13, %dma_start3A_14] : memref<32x1024xf32, #tpu.memory_space<vmem>> -> memref<32x128xf32, #tpu.memory_space<vmem>>
      %dma_start3A_16 = arith.constant 0 : i32
      %dma_start3A_17 = arith.constant 768 : i32
      %dma_start3A_18 = tpu.memref_slice %arg6[%dma_start3A_16, %dma_start3A_17] : memref<32x1024xf32, #tpu.memory_space<hbm>> -> memref<32x128xf32, #tpu.memory_space<hbm>>
      tpu.enqueue_dma source(%dma_start3A_18 : memref<32x128xf32, #tpu.memory_space<hbm>>) target(%dma_start3A_15 : memref<32x128xf32, #tpu.memory_space<vmem>>) target_semaphore(%run_scoped3A : memref<!tpu.dma_semaphore, #tpu.memory_space<semaphore_mem>>)
      %dma_wait3A = arith.constant 0 : i32
      %dma_wait3A_19 = arith.constant 768 : i32
      %dma_wait3A_20 = tpu.memref_slice %arg14[%dma_wait3A, %dma_wait3A_19] : memref<32x1024xf32, #tpu.memory_space<vmem>> -> memref<32x128xf32, #tpu.memory_space<vmem>>
      %dma_wait3A_21 = arith.constant 0 : i32
      %dma_wait3A_22 = arith.constant 768 : i32
      %dma_wait3A_23 = tpu.memref_slice %arg6[%dma_wait3A_21, %dma_wait3A_22] : memref<32x1024xf32, #tpu.memory_space<hbm>> -> memref<32x128xf32, #tpu.memory_space<hbm>>
      %dma_wait3A_24 = arith.constant 0 : i32
      %dma_wait3A_25 = arith.constant 768 : i32
      %dma_wait3A_26 = tpu.memref_slice %arg14[%dma_wait3A_24, %dma_wait3A_25] : memref<32x1024xf32, #tpu.memory_space<vmem>> -> memref<32x128xf32, #tpu.memory_space<vmem>>
      %dma_wait3A_27 = arith.constant 0 : i32
      %dma_wait3A_28 = arith.constant 768 : i32
      %dma_wait3A_29 = tpu.memref_slice %arg6[%dma_wait3A_27, %dma_wait3A_28] : memref<32x1024xf32, #tpu.memory_space<hbm>> -> memref<32x128xf32, #tpu.memory_space<hbm>>
      tpu.wait_dma2 semaphore(%run_scoped3A : memref<!tpu.dma_semaphore, #tpu.memory_space<semaphore_mem>>) src(%dma_wait3A_29 : memref<32x128xf32, #tpu.memory_space<hbm>>) dst(%dma_wait3A_26 : memref<32x128xf32, #tpu.memory_space<vmem>>)
      tpu.yield
    }) : () -> ()
    "tpu.region"() ({
      %run_scoped3A = tpu.sem_alloc : memref<!tpu.dma_semaphore, #tpu.memory_space<semaphore_mem>>
      %dma_start3A = arith.constant 0 : i32
      %dma_start3A_8 = arith.constant 896 : i32
      %dma_start3A_9 = tpu.memref_slice %arg14[%dma_start3A, %dma_start3A_8] : memref<32x1024xf32, #tpu.memory_space<vmem>> -> memref<32x128xf32, #tpu.memory_space<vmem>>
      %dma_start3A_10 = arith.constant 0 : i32
      %dma_start3A_11 = arith.constant 896 : i32
      %dma_start3A_12 = tpu.memref_slice %arg6[%dma_start3A_10, %dma_start3A_11] : memref<32x1024xf32, #tpu.memory_space<hbm>> -> memref<32x128xf32, #tpu.memory_space<hbm>>
      %dma_start3A_13 = arith.constant 0 : i32
      %dma_start3A_14 = arith.constant 896 : i32
      %dma_start3A_15 = tpu.memref_slice %arg14[%dma_start3A_13, %dma_start3A_14] : memref<32x1024xf32, #tpu.memory_space<vmem>> -> memref<32x128xf32, #tpu.memory_space<vmem>>
      %dma_start3A_16 = arith.constant 0 : i32
      %dma_start3A_17 = arith.constant 896 : i32
      %dma_start3A_18 = tpu.memref_slice %arg6[%dma_start3A_16, %dma_start3A_17] : memref<32x1024xf32, #tpu.memory_space<hbm>> -> memref<32x128xf32, #tpu.memory_space<hbm>>
      tpu.enqueue_dma source(%dma_start3A_18 : memref<32x128xf32, #tpu.memory_space<hbm>>) target(%dma_start3A_15 : memref<32x128xf32, #tpu.memory_space<vmem>>) target_semaphore(%run_scoped3A : memref<!tpu.dma_semaphore, #tpu.memory_space<semaphore_mem>>)
      %dma_wait3A = arith.constant 0 : i32
      %dma_wait3A_19 = arith.constant 896 : i32
      %dma_wait3A_20 = tpu.memref_slice %arg14[%dma_wait3A, %dma_wait3A_19] : memref<32x1024xf32, #tpu.memory_space<vmem>> -> memref<32x128xf32, #tpu.memory_space<vmem>>
      %dma_wait3A_21 = arith.constant 0 : i32
      %dma_wait3A_22 = arith.constant 896 : i32
      %dma_wait3A_23 = tpu.memref_slice %arg6[%dma_wait3A_21, %dma_wait3A_22] : memref<32x1024xf32, #tpu.memory_space<hbm>> -> memref<32x128xf32, #tpu.memory_space<hbm>>
      %dma_wait3A_24 = arith.constant 0 : i32
      %dma_wait3A_25 = arith.constant 896 : i32
      %dma_wait3A_26 = tpu.memref_slice %arg14[%dma_wait3A_24, %dma_wait3A_25] : memref<32x1024xf32, #tpu.memory_space<vmem>> -> memref<32x128xf32, #tpu.memory_space<vmem>>
      %dma_wait3A_27 = arith.constant 0 : i32
      %dma_wait3A_28 = arith.constant 896 : i32
      %dma_wait3A_29 = tpu.memref_slice %arg6[%dma_wait3A_27, %dma_wait3A_28] : memref<32x1024xf32, #tpu.memory_space<hbm>> -> memref<32x128xf32, #tpu.memory_space<hbm>>
      tpu.wait_dma2 semaphore(%run_scoped3A : memref<!tpu.dma_semaphore, #tpu.memory_space<semaphore_mem>>) src(%dma_wait3A_29 : memref<32x128xf32, #tpu.memory_space<hbm>>) dst(%dma_wait3A_26 : memref<32x128xf32, #tpu.memory_space<vmem>>)
      tpu.yield
    }) : () -> ()
    %iota3A = tpu.iota {dimensions = array<i32: 0>} : vector<16xi32>
    %scan3A = arith.constant 0 : i32
    %scan3A_3 = arith.constant 0 : i32
    %scan3A_4 = arith.constant 32 : i32
    %scan3A_5 = arith.addi %scan3A_3, %scan3A_4 : i32
    %scan3A_6 = arith.constant 1 : i32
    scf.for %scan3A_8 = %scan3A_3 to %scan3A_5 step %scan3A_6  : i32 {
      %mul3A_9 = arith.constant 16 : i32
      %mul3A_10 = arith.muli %scan3A_8, %mul3A_9 : i32
      %get3A = arith.index_cast %mul3A_10 : i32 to index
      %get3A_11 = tpu.vector_load %arg9[%get3A] {strides = array<i32>} : memref<512xi32, #tpu.memory_space<vmem>>, vector<16xi32>,
      %and3A = arith.constant -128 : i32
      %and3A_12 = vector.broadcast %and3A : i32 to vector<16xi32>
      %and3A_13 = arith.andi %get3A_11, %and3A_12 : vector<16xi32>
      %broadcast_in_dim3A = arith.constant 999808 : i32
      %broadcast_in_dim3A_14 = vector.broadcast %broadcast_in_dim3A : i32 to vector<16xi32>
      %min3A = arith.minsi %and3A_13, %broadcast_in_dim3A_14 : vector<16xi32>
      %mul3A_15 = arith.constant 16 : i32
      %mul3A_16 = arith.muli %scan3A_8, %mul3A_15 : i32
      %get3A_17 = arith.index_cast %mul3A_16 : i32 to index
      %get3A_18 = tpu.vector_load %arg11[%get3A_17] {strides = array<i32>} : memref<512xi32, #tpu.memory_space<vmem>>, vector<16xi32>,
      %and3A_19 = arith.constant -128 : i32
      %and3A_20 = vector.broadcast %and3A_19 : i32 to vector<16xi32>
      %and3A_21 = arith.andi %get3A_18, %and3A_20 : vector<16xi32>
      %broadcast_in_dim3A_22 = arith.constant 999808 : i32
      %broadcast_in_dim3A_23 = vector.broadcast %broadcast_in_dim3A_22 : i32 to vector<16xi32>
      %min3A_24 = arith.minsi %and3A_21, %broadcast_in_dim3A_23 : vector<16xi32>
      %slice3A = vector.extract_strided_slice %min3A {offsets = [0], sizes = [1], strides = [1]} : vector<16xi32> to vector<1xi32>
      %squeeze3A = vector.extract %slice3A[0] : i32 from vector<1xi32>
      %multiple_of3A = tpu.assume_multiple %squeeze3A, 128 : i32
      %dma_start3A = arith.constant 0 : i32
      %dma_start3A_25 = arith.constant 0 : i32
      %dma_start3A_26 = arith.constant 0 : i32
      %dma_start3A_27 = arith.constant 0 : i32
      %dma_start3A_28 = tpu.memref_slice %arg12[%dma_start3A, %dma_start3A_25, %dma_start3A_26, %dma_start3A_27] : memref<2x4x32x128xf32, #tpu.memory_space<vmem>> -> memref<1x1x32x128xf32, #tpu.memory_space<vmem>>
      %dma_start3A_29 = tpu.memref_squeeze %dma_start3A_28 : memref<1x1x32x128xf32, #tpu.memory_space<vmem>> -> memref<32x128xf32, #tpu.memory_space<vmem>>
      %dma_start3A_30 = arith.constant 0 : i32
      %dma_start3A_31 = tpu.memref_slice %arg5[%dma_start3A_30, %multiple_of3A] : memref<32x1000000xf32, #tpu.memory_space<hbm>> -> memref<32x128xf32, #tpu.memory_space<hbm>>
      %dma_start3A_32 = arith.constant 0 : i32
      %dma_start3A_33 = arith.constant 0 : i32
      %dma_start3A_34 = tpu.memref_slice %arg12[%dma_start3A, %dma_start3A_25, %dma_start3A_32, %dma_start3A_33] : memref<2x4x32x128xf32, #tpu.memory_space<vmem>> -> memref<1x1x32x128xf32, #tpu.memory_space<vmem>>
      %dma_start3A_35 = tpu.memref_squeeze %dma_start3A_34 : memref<1x1x32x128xf32, #tpu.memory_space<vmem>> -> memref<32x128xf32, #tpu.memory_space<vmem>>
      %dma_start3A_36 = arith.constant 0 : i32
      %dma_start3A_37 = tpu.memref_slice %arg5[%dma_start3A_36, %multiple_of3A] : memref<32x1000000xf32, #tpu.memory_space<hbm>> -> memref<32x128xf32, #tpu.memory_space<hbm>>
      tpu.enqueue_dma source(%dma_start3A_37 : memref<32x128xf32, #tpu.memory_space<hbm>>) target(%dma_start3A_35 : memref<32x128xf32, #tpu.memory_space<vmem>>) target_semaphore(%arg17 : memref<!tpu.dma_semaphore, #tpu.memory_space<semaphore_mem>>)
      %slice3A_38 = vector.extract_strided_slice %min3A {offsets = [1], sizes = [1], strides = [1]} : vector<16xi32> to vector<1xi32>
      %squeeze3A_39 = vector.extract %slice3A_38[0] : i32 from vector<1xi32>
      %multiple_of3A_40 = tpu.assume_multiple %squeeze3A_39, 128 : i32
      %dma_start3A_41 = arith.constant 0 : i32
      %dma_start3A_42 = arith.constant 1 : i32
      %dma_start3A_43 = arith.constant 0 : i32
      %dma_start3A_44 = arith.constant 0 : i32
      %dma_start3A_45 = tpu.memref_slice %arg12[%dma_start3A_41, %dma_start3A_42, %dma_start3A_43, %dma_start3A_44] : memref<2x4x32x128xf32, #tpu.memory_space<vmem>> -> memref<1x1x32x128xf32, #tpu.memory_space<vmem>>
      %dma_start3A_46 = tpu.memref_squeeze %dma_start3A_45 : memref<1x1x32x128xf32, #tpu.memory_space<vmem>> -> memref<32x128xf32, #tpu.memory_space<vmem>>
      %dma_start3A_47 = arith.constant 0 : i32
      %dma_start3A_48 = tpu.memref_slice %arg5[%dma_start3A_47, %multiple_of3A_40] : memref<32x1000000xf32, #tpu.memory_space<hbm>> -> memref<32x128xf32, #tpu.memory_space<hbm>>
      %dma_start3A_49 = arith.constant 0 : i32
      %dma_start3A_50 = arith.constant 0 : i32
      %dma_start3A_51 = tpu.memref_slice %arg12[%dma_start3A_41, %dma_start3A_42, %dma_start3A_49, %dma_start3A_50] : memref<2x4x32x128xf32, #tpu.memory_space<vmem>> -> memref<1x1x32x128xf32, #tpu.memory_space<vmem>>
      %dma_start3A_52 = tpu.memref_squeeze %dma_start3A_51 : memref<1x1x32x128xf32, #tpu.memory_space<vmem>> -> memref<32x128xf32, #tpu.memory_space<vmem>>
      %dma_start3A_53 = arith.constant 0 : i32
      %dma_start3A_54 = tpu.memref_slice %arg5[%dma_start3A_53, %multiple_of3A_40] : memref<32x1000000xf32, #tpu.memory_space<hbm>> -> memref<32x128xf32, #tpu.memory_space<hbm>>
      tpu.enqueue_dma source(%dma_start3A_54 : memref<32x128xf32, #tpu.memory_space<hbm>>) target(%dma_start3A_52 : memref<32x128xf32, #tpu.memory_space<vmem>>) target_semaphore(%arg17 : memref<!tpu.dma_semaphore, #tpu.memory_space<semaphore_mem>>)
      %slice3A_55 = vector.extract_strided_slice %min3A {offsets = [2], sizes = [1], strides = [1]} : vector<16xi32> to vector<1xi32>
      %squeeze3A_56 = vector.extract %slice3A_55[0] : i32 from vector<1xi32>
      %multiple_of3A_57 = tpu.assume_multiple %squeeze3A_56, 128 : i32
      %dma_start3A_58 = arith.constant 0 : i32
      %dma_start3A_59 = arith.constant 2 : i32
      %dma_start3A_60 = arith.constant 0 : i32
      %dma_start3A_61 = arith.constant 0 : i32
      %dma_start3A_62 = tpu.memref_slice %arg12[%dma_start3A_58, %dma_start3A_59, %dma_start3A_60, %dma_start3A_61] : memref<2x4x32x128xf32, #tpu.memory_space<vmem>> -> memref<1x1x32x128xf32, #tpu.memory_space<vmem>>
      %dma_start3A_63 = tpu.memref_squeeze %dma_start3A_62 : memref<1x1x32x128xf32, #tpu.memory_space<vmem>> -> memref<32x128xf32, #tpu.memory_space<vmem>>
      %dma_start3A_64 = arith.constant 0 : i32
      %dma_start3A_65 = tpu.memref_slice %arg5[%dma_start3A_64, %multiple_of3A_57] : memref<32x1000000xf32, #tpu.memory_space<hbm>> -> memref<32x128xf32, #tpu.memory_space<hbm>>
      %dma_start3A_66 = arith.constant 0 : i32
      %dma_start3A_67 = arith.constant 0 : i32
      %dma_start3A_68 = tpu.memref_slice %arg12[%dma_start3A_58, %dma_start3A_59, %dma_start3A_66, %dma_start3A_67] : memref<2x4x32x128xf32, #tpu.memory_space<vmem>> -> memref<1x1x32x128xf32, #tpu.memory_space<vmem>>
      %dma_start3A_69 = tpu.memref_squeeze %dma_start3A_68 : memref<1x1x32x128xf32, #tpu.memory_space<vmem>> -> memref<32x128xf32, #tpu.memory_space<vmem>>
      %dma_start3A_70 = arith.constant 0 : i32
      %dma_start3A_71 = tpu.memref_slice %arg5[%dma_start3A_70, %multiple_of3A_57] : memref<32x1000000xf32, #tpu.memory_space<hbm>> -> memref<32x128xf32, #tpu.memory_space<hbm>>
      tpu.enqueue_dma source(%dma_start3A_71 : memref<32x128xf32, #tpu.memory_space<hbm>>) target(%dma_start3A_69 : memref<32x128xf32, #tpu.memory_space<vmem>>) target_semaphore(%arg17 : memref<!tpu.dma_semaphore, #tpu.memory_space<semaphore_mem>>)
      %slice3A_72 = vector.extract_strided_slice %min3A {offsets = [3], sizes = [1], strides = [1]} : vector<16xi32> to vector<1xi32>
      %squeeze3A_73 = vector.extract %slice3A_72[0] : i32 from vector<1xi32>
      %multiple_of3A_74 = tpu.assume_multiple %squeeze3A_73, 128 : i32
      %dma_start3A_75 = arith.constant 0 : i32
      %dma_start3A_76 = arith.constant 3 : i32
      %dma_start3A_77 = arith.constant 0 : i32
      %dma_start3A_78 = arith.constant 0 : i32
      %dma_start3A_79 = tpu.memref_slice %arg12[%dma_start3A_75, %dma_start3A_76, %dma_start3A_77, %dma_start3A_78] : memref<2x4x32x128xf32, #tpu.memory_space<vmem>> -> memref<1x1x32x128xf32, #tpu.memory_space<vmem>>
      %dma_start3A_80 = tpu.memref_squeeze %dma_start3A_79 : memref<1x1x32x128xf32, #tpu.memory_space<vmem>> -> memref<32x128xf32, #tpu.memory_space<vmem>>
      %dma_start3A_81 = arith.constant 0 : i32
      %dma_start3A_82 = tpu.memref_slice %arg5[%dma_start3A_81, %multiple_of3A_74] : memref<32x1000000xf32, #tpu.memory_space<hbm>> -> memref<32x128xf32, #tpu.memory_space<hbm>>
      %dma_start3A_83 = arith.constant 0 : i32
      %dma_start3A_84 = arith.constant 0 : i32
      %dma_start3A_85 = tpu.memref_slice %arg12[%dma_start3A_75, %dma_start3A_76, %dma_start3A_83, %dma_start3A_84] : memref<2x4x32x128xf32, #tpu.memory_space<vmem>> -> memref<1x1x32x128xf32, #tpu.memory_space<vmem>>
      %dma_start3A_86 = tpu.memref_squeeze %dma_start3A_85 : memref<1x1x32x128xf32, #tpu.memory_space<vmem>> -> memref<32x128xf32, #tpu.memory_space<vmem>>
      %dma_start3A_87 = arith.constant 0 : i32
      %dma_start3A_88 = tpu.memref_slice %arg5[%dma_start3A_87, %multiple_of3A_74] : memref<32x1000000xf32, #tpu.memory_space<hbm>> -> memref<32x128xf32, #tpu.memory_space<hbm>>
      tpu.enqueue_dma source(%dma_start3A_88 : memref<32x128xf32, #tpu.memory_space<hbm>>) target(%dma_start3A_86 : memref<32x128xf32, #tpu.memory_space<vmem>>) target_semaphore(%arg17 : memref<!tpu.dma_semaphore, #tpu.memory_space<semaphore_mem>>)
      %slice3A_89 = vector.extract_strided_slice %min3A {offsets = [4], sizes = [1], strides = [1]} : vector<16xi32> to vector<1xi32>
      %squeeze3A_90 = vector.extract %slice3A_89[0] : i32 from vector<1xi32>
      %multiple_of3A_91 = tpu.assume_multiple %squeeze3A_90, 128 : i32
      %dma_start3A_92 = arith.constant 1 : i32
      %dma_start3A_93 = arith.constant 0 : i32
      %dma_start3A_94 = arith.constant 0 : i32
      %dma_start3A_95 = arith.constant 0 : i32
      %dma_start3A_96 = tpu.memref_slice %arg12[%dma_start3A_92, %dma_start3A_93, %dma_start3A_94, %dma_start3A_95] : memref<2x4x32x128xf32, #tpu.memory_space<vmem>> -> memref<1x1x32x128xf32, #tpu.memory_space<vmem>>
      %dma_start3A_97 = tpu.memref_squeeze %dma_start3A_96 : memref<1x1x32x128xf32, #tpu.memory_space<vmem>> -> memref<32x128xf32, #tpu.memory_space<vmem>>
      %dma_start3A_98 = arith.constant 0 : i32
      %dma_start3A_99 = tpu.memref_slice %arg5[%dma_start3A_98, %multiple_of3A_91] : memref<32x1000000xf32, #tpu.memory_space<hbm>> -> memref<32x128xf32, #tpu.memory_space<hbm>>
      %dma_start3A_100 = arith.constant 0 : i32
      %dma_start3A_101 = arith.constant 0 : i32
      %dma_start3A_102 = tpu.memref_slice %arg12[%dma_start3A_92, %dma_start3A_93, %dma_start3A_100, %dma_start3A_101] : memref<2x4x32x128xf32, #tpu.memory_space<vmem>> -> memref<1x1x32x128xf32, #tpu.memory_space<vmem>>
      %dma_start3A_103 = tpu.memref_squeeze %dma_start3A_102 : memref<1x1x32x128xf32, #tpu.memory_space<vmem>> -> memref<32x128xf32, #tpu.memory_space<vmem>>
      %dma_start3A_104 = arith.constant 0 : i32
      %dma_start3A_105 = tpu.memref_slice %arg5[%dma_start3A_104, %multiple_of3A_91] : memref<32x1000000xf32, #tpu.memory_space<hbm>> -> memref<32x128xf32, #tpu.memory_space<hbm>>
      tpu.enqueue_dma source(%dma_start3A_105 : memref<32x128xf32, #tpu.memory_space<hbm>>) target(%dma_start3A_103 : memref<32x128xf32, #tpu.memory_space<vmem>>) target_semaphore(%arg18 : memref<!tpu.dma_semaphore, #tpu.memory_space<semaphore_mem>>)
      %slice3A_106 = vector.extract_strided_slice %min3A {offsets = [5], sizes = [1], strides = [1]} : vector<16xi32> to vector<1xi32>
      %squeeze3A_107 = vector.extract %slice3A_106[0] : i32 from vector<1xi32>
      %multiple_of3A_108 = tpu.assume_multiple %squeeze3A_107, 128 : i32
      %dma_start3A_109 = arith.constant 1 : i32
      %dma_start3A_110 = arith.constant 1 : i32
      %dma_start3A_111 = arith.constant 0 : i32
      %dma_start3A_112 = arith.constant 0 : i32
      %dma_start3A_113 = tpu.memref_slice %arg12[%dma_start3A_109, %dma_start3A_110, %dma_start3A_111, %dma_start3A_112] : memref<2x4x32x128xf32, #tpu.memory_space<vmem>> -> memref<1x1x32x128xf32, #tpu.memory_space<vmem>>
      %dma_start3A_114 = tpu.memref_squeeze %dma_start3A_113 : memref<1x1x32x128xf32, #tpu.memory_space<vmem>> -> memref<32x128xf32, #tpu.memory_space<vmem>>
      %dma_start3A_115 = arith.constant 0 : i32
      %dma_start3A_116 = tpu.memref_slice %arg5[%dma_start3A_115, %multiple_of3A_108] : memref<32x1000000xf32, #tpu.memory_space<hbm>> -> memref<32x128xf32, #tpu.memory_space<hbm>>
      %dma_start3A_117 = arith.constant 0 : i32
      %dma_start3A_118 = arith.constant 0 : i32
      %dma_start3A_119 = tpu.memref_slice %arg12[%dma_start3A_109, %dma_start3A_110, %dma_start3A_117, %dma_start3A_118] : memref<2x4x32x128xf32, #tpu.memory_space<vmem>> -> memref<1x1x32x128xf32, #tpu.memory_space<vmem>>
      %dma_start3A_120 = tpu.memref_squeeze %dma_start3A_119 : memref<1x1x32x128xf32, #tpu.memory_space<vmem>> -> memref<32x128xf32, #tpu.memory_space<vmem>>
      %dma_start3A_121 = arith.constant 0 : i32
      %dma_start3A_122 = tpu.memref_slice %arg5[%dma_start3A_121, %multiple_of3A_108] : memref<32x1000000xf32, #tpu.memory_space<hbm>> -> memref<32x128xf32, #tpu.memory_space<hbm>>
      tpu.enqueue_dma source(%dma_start3A_122 : memref<32x128xf32, #tpu.memory_space<hbm>>) target(%dma_start3A_120 : memref<32x128xf32, #tpu.memory_space<vmem>>) target_semaphore(%arg18 : memref<!tpu.dma_semaphore, #tpu.memory_space<semaphore_mem>>)
      %slice3A_123 = vector.extract_strided_slice %min3A {offsets = [6], sizes = [1], strides = [1]} : vector<16xi32> to vector<1xi32>
      %squeeze3A_124 = vector.extract %slice3A_123[0] : i32 from vector<1xi32>
      %multiple_of3A_125 = tpu.assume_multiple %squeeze3A_124, 128 : i32
      %dma_start3A_126 = arith.constant 1 : i32
      %dma_start3A_127 = arith.constant 2 : i32
      %dma_start3A_128 = arith.constant 0 : i32
      %dma_start3A_129 = arith.constant 0 : i32
      %dma_start3A_130 = tpu.memref_slice %arg12[%dma_start3A_126, %dma_start3A_127, %dma_start3A_128, %dma_start3A_129] : memref<2x4x32x128xf32, #tpu.memory_space<vmem>> -> memref<1x1x32x128xf32, #tpu.memory_space<vmem>>
      %dma_start3A_131 = tpu.memref_squeeze %dma_start3A_130 : memref<1x1x32x128xf32, #tpu.memory_space<vmem>> -> memref<32x128xf32, #tpu.memory_space<vmem>>
      %dma_start3A_132 = arith.constant 0 : i32
      %dma_start3A_133 = tpu.memref_slice %arg5[%dma_start3A_132, %multiple_of3A_125] : memref<32x1000000xf32, #tpu.memory_space<hbm>> -> memref<32x128xf32, #tpu.memory_space<hbm>>
      %dma_start3A_134 = arith.constant 0 : i32
      %dma_start3A_135 = arith.constant 0 : i32
      %dma_start3A_136 = tpu.memref_slice %arg12[%dma_start3A_126, %dma_start3A_127, %dma_start3A_134, %dma_start3A_135] : memref<2x4x32x128xf32, #tpu.memory_space<vmem>> -> memref<1x1x32x128xf32, #tpu.memory_space<vmem>>
      %dma_start3A_137 = tpu.memref_squeeze %dma_start3A_136 : memref<1x1x32x128xf32, #tpu.memory_space<vmem>> -> memref<32x128xf32, #tpu.memory_space<vmem>>
      %dma_start3A_138 = arith.constant 0 : i32
      %dma_start3A_139 = tpu.memref_slice %arg5[%dma_start3A_138, %multiple_of3A_125] : memref<32x1000000xf32, #tpu.memory_space<hbm>> -> memref<32x128xf32, #tpu.memory_space<hbm>>
      tpu.enqueue_dma source(%dma_start3A_139 : memref<32x128xf32, #tpu.memory_space<hbm>>) target(%dma_start3A_137 : memref<32x128xf32, #tpu.memory_space<vmem>>) target_semaphore(%arg18 : memref<!tpu.dma_semaphore, #tpu.memory_space<semaphore_mem>>)
      %slice3A_140 = vector.extract_strided_slice %min3A {offsets = [7], sizes = [1], strides = [1]} : vector<16xi32> to vector<1xi32>
      %squeeze3A_141 = vector.extract %slice3A_140[0] : i32 from vector<1xi32>
      %multiple_of3A_142 = tpu.assume_multiple %squeeze3A_141, 128 : i32
      %dma_start3A_143 = arith.constant 1 : i32
      %dma_start3A_144 = arith.constant 3 : i32
      %dma_start3A_145 = arith.constant 0 : i32
      %dma_start3A_146 = arith.constant 0 : i32
      %dma_start3A_147 = tpu.memref_slice %arg12[%dma_start3A_143, %dma_start3A_144, %dma_start3A_145, %dma_start3A_146] : memref<2x4x32x128xf32, #tpu.memory_space<vmem>> -> memref<1x1x32x128xf32, #tpu.memory_space<vmem>>
      %dma_start3A_148 = tpu.memref_squeeze %dma_start3A_147 : memref<1x1x32x128xf32, #tpu.memory_space<vmem>> -> memref<32x128xf32, #tpu.memory_space<vmem>>
      %dma_start3A_149 = arith.constant 0 : i32
      %dma_start3A_150 = tpu.memref_slice %arg5[%dma_start3A_149, %multiple_of3A_142] : memref<32x1000000xf32, #tpu.memory_space<hbm>> -> memref<32x128xf32, #tpu.memory_space<hbm>>
      %dma_start3A_151 = arith.constant 0 : i32
      %dma_start3A_152 = arith.constant 0 : i32
      %dma_start3A_153 = tpu.memref_slice %arg12[%dma_start3A_143, %dma_start3A_144, %dma_start3A_151, %dma_start3A_152] : memref<2x4x32x128xf32, #tpu.memory_space<vmem>> -> memref<1x1x32x128xf32, #tpu.memory_space<vmem>>
      %dma_start3A_154 = tpu.memref_squeeze %dma_start3A_153 : memref<1x1x32x128xf32, #tpu.memory_space<vmem>> -> memref<32x128xf32, #tpu.memory_space<vmem>>
      %dma_start3A_155 = arith.constant 0 : i32
      %dma_start3A_156 = tpu.memref_slice %arg5[%dma_start3A_155, %multiple_of3A_142] : memref<32x1000000xf32, #tpu.memory_space<hbm>> -> memref<32x128xf32, #tpu.memory_space<hbm>>
      tpu.enqueue_dma source(%dma_start3A_156 : memref<32x128xf32, #tpu.memory_space<hbm>>) target(%dma_start3A_154 : memref<32x128xf32, #tpu.memory_space<vmem>>) target_semaphore(%arg18 : memref<!tpu.dma_semaphore, #tpu.memory_space<semaphore_mem>>)
      %broadcast_in_dim3A_157 = arith.constant 0 : i32
      %broadcast_in_dim3A_158 = vector.broadcast %broadcast_in_dim3A_157 : i32 to vector<16xi32>
      %dma_wait3A = arith.constant 0 : i32
      %dma_wait3A_159 = arith.constant 0 : i32
      %dma_wait3A_160 = arith.constant 0 : i32
      %dma_wait3A_161 = arith.constant 0 : i32
      %dma_wait3A_162 = tpu.memref_slice %arg12[%dma_wait3A, %dma_wait3A_159, %dma_wait3A_160, %dma_wait3A_161] : memref<2x4x32x128xf32, #tpu.memory_space<vmem>> -> memref<1x1x32x128xf32, #tpu.memory_space<vmem>>
      %dma_wait3A_163 = tpu.memref_squeeze %dma_wait3A_162 : memref<1x1x32x128xf32, #tpu.memory_space<vmem>> -> memref<32x128xf32, #tpu.memory_space<vmem>>
      %dma_wait3A_164 = arith.constant 0 : i32
      %dma_wait3A_165 = arith.constant 0 : i32
      %dma_wait3A_166 = tpu.memref_slice %arg5[%dma_wait3A_164, %dma_wait3A_165] : memref<32x1000000xf32, #tpu.memory_space<hbm>> -> memref<32x128xf32, #tpu.memory_space<hbm>>
      %dma_wait3A_167 = arith.constant 0 : i32
      %dma_wait3A_168 = arith.constant 0 : i32
      %dma_wait3A_169 = tpu.memref_slice %arg12[%dma_wait3A, %dma_wait3A_159, %dma_wait3A_167, %dma_wait3A_168] : memref<2x4x32x128xf32, #tpu.memory_space<vmem>> -> memref<1x1x32x128xf32, #tpu.memory_space<vmem>>
      %dma_wait3A_170 = tpu.memref_squeeze %dma_wait3A_169 : memref<1x1x32x128xf32, #tpu.memory_space<vmem>> -> memref<32x128xf32, #tpu.memory_space<vmem>>
      %dma_wait3A_171 = arith.constant 0 : i32
      %dma_wait3A_172 = arith.constant 0 : i32
      %dma_wait3A_173 = tpu.memref_slice %arg5[%dma_wait3A_171, %dma_wait3A_172] : memref<32x1000000xf32, #tpu.memory_space<hbm>> -> memref<32x128xf32, #tpu.memory_space<hbm>>
      tpu.wait_dma2 semaphore(%arg17 : memref<!tpu.dma_semaphore, #tpu.memory_space<semaphore_mem>>) src(%dma_wait3A_173 : memref<32x128xf32, #tpu.memory_space<hbm>>) dst(%dma_wait3A_170 : memref<32x128xf32, #tpu.memory_space<vmem>>)
      %slice3A_174 = vector.extract_strided_slice %get3A_11 {offsets = [0], sizes = [1], strides = [1]} : vector<16xi32> to vector<1xi32>
      %squeeze3A_175 = vector.extract %slice3A_174[0] : i32 from vector<1xi32>
      %slice3A_176 = vector.extract_strided_slice %min3A {offsets = [0], sizes = [1], strides = [1]} : vector<16xi32> to vector<1xi32>
      %squeeze3A_177 = vector.extract %slice3A_176[0] : i32 from vector<1xi32>
      %sub3A = arith.subi %squeeze3A_175, %squeeze3A_177 : i32
      %min3A_178 = arith.constant 127 : i32
      %min3A_179 = arith.minsi %sub3A, %min3A_178 : i32
      %broadcast_in_dim3A_180 = vector.broadcast %min3A_179 : i32 to vector<16xi32>
      %broadcast_in_dim3A_181 = arith.constant 0 : i32
      %broadcast_in_dim3A_182 = vector.broadcast %broadcast_in_dim3A_181 : i32 to vector<16xi32>
      %gather3A = tpu.vector_load_idx %arg12[%broadcast_in_dim3A_158, %broadcast_in_dim3A_182, %iota3A, %broadcast_in_dim3A_180] : memref<2x4x32x128xf32, #tpu.memory_space<vmem>>[vector<16xi32>, vector<16xi32>, vector<16xi32>, vector<16xi32>], vector<16xf32>,
      %add3A_183 = arith.constant 16 : i32
      %add3A_184 = vector.broadcast %add3A_183 : i32 to vector<16xi32>
      %add3A_185 = arith.addi %iota3A, %add3A_184 : vector<16xi32>
      %gather3A_186 = tpu.vector_load_idx %arg12[%broadcast_in_dim3A_158, %broadcast_in_dim3A_182, %add3A_185, %broadcast_in_dim3A_180] : memref<2x4x32x128xf32, #tpu.memory_space<vmem>>[vector<16xi32>, vector<16xi32>, vector<16xi32>, vector<16xi32>], vector<16xf32>,
      %ge3A = arith.constant 999936 : i32
      %ge3A_187 = arith.cmpi sge, %squeeze3A_175, %ge3A : i32
      %sub3A_188 = arith.constant 999936 : i32
      %sub3A_189 = arith.subi %squeeze3A_175, %sub3A_188 : i32
      %max3A = arith.constant 0 : i32
      %max3A_190 = arith.maxsi %sub3A_189, %max3A : i32
      %min3A_191 = arith.constant 63 : i32
      %min3A_192 = arith.minsi %max3A_190, %min3A_191 : i32
      %broadcast_in_dim3A_193 = vector.broadcast %min3A_192 : i32 to vector<16xi32>
      %gather3A_194 = tpu.vector_load_idx %arg15[%broadcast_in_dim3A_193, %iota3A] : memref<64x128xf32, #tpu.memory_space<vmem>>[vector<16xi32>, vector<16xi32>], vector<16xf32>,
      %add3A_195 = arith.constant 16 : i32
      %add3A_196 = vector.broadcast %add3A_195 : i32 to vector<16xi32>
      %add3A_197 = arith.addi %iota3A, %add3A_196 : vector<16xi32>
      %gather3A_198 = tpu.vector_load_idx %arg15[%broadcast_in_dim3A_193, %add3A_197] : memref<64x128xf32, #tpu.memory_space<vmem>>[vector<16xi32>, vector<16xi32>], vector<16xf32>,
      %broadcast_in_dim3A_199 = vector.broadcast %ge3A_187 : i1 to vector<16xi1>
      %select_n3A = arith.select %broadcast_in_dim3A_199, %gather3A_194, %gather3A : vector<16xi1>, vector<16xf32>
      %broadcast_in_dim3A_200 = vector.broadcast %ge3A_187 : i1 to vector<16xi1>
      %select_n3A_201 = arith.select %broadcast_in_dim3A_200, %gather3A_198, %gather3A_186 : vector<16xi1>, vector<16xf32>
      %mul3A_202 = arith.constant 16 : i32
      %mul3A_203 = arith.muli %scan3A_8, %mul3A_202 : i32
      %add3A_204 = arith.constant 0 : i32
      %add3A_205 = arith.addi %add3A_204, %mul3A_203 : i32
      %add3A_206 = arith.constant 0 : i32
      %add3A_207 = arith.addi %add3A_205, %add3A_206 : i32
      %mul3A_208 = arith.constant 32 : i32
      %mul3A_209 = arith.muli %add3A_207, %mul3A_208 : i32
      %swap3A = arith.index_cast %mul3A_209 : i32 to index
      %swap3A_210 = tpu.vector_load %arg13[%swap3A] {strides = array<i32>} : memref<32768xf32, #tpu.memory_space<vmem>>, vector<16xf32>,
      tpu.vector_store %arg13[%swap3A], %select_n3A {strides = array<i32>} : memref<32768xf32, #tpu.memory_space<vmem>>, vector<16xf32>,
      %mul3A_211 = arith.constant 32 : i32
      %mul3A_212 = arith.muli %add3A_207, %mul3A_211 : i32
      %add3A_213 = arith.constant 16 : i32
      %add3A_214 = arith.addi %mul3A_212, %add3A_213 : i32
      %swap3A_215 = arith.index_cast %add3A_214 : i32 to index
      %swap3A_216 = tpu.vector_load %arg13[%swap3A_215] {strides = array<i32>} : memref<32768xf32, #tpu.memory_space<vmem>>, vector<16xf32>,
      tpu.vector_store %arg13[%swap3A_215], %select_n3A_201 {strides = array<i32>} : memref<32768xf32, #tpu.memory_space<vmem>>, vector<16xf32>,
      %dma_wait3A_217 = arith.constant 0 : i32
      %dma_wait3A_218 = arith.constant 1 : i32
      %dma_wait3A_219 = arith.constant 0 : i32
      %dma_wait3A_220 = arith.constant 0 : i32
      %dma_wait3A_221 = tpu.memref_slice %arg12[%dma_wait3A_217, %dma_wait3A_218, %dma_wait3A_219, %dma_wait3A_220] : memref<2x4x32x128xf32, #tpu.memory_space<vmem>> -> memref<1x1x32x128xf32, #tpu.memory_space<vmem>>
      %dma_wait3A_222 = tpu.memref_squeeze %dma_wait3A_221 : memref<1x1x32x128xf32, #tpu.memory_space<vmem>> -> memref<32x128xf32, #tpu.memory_space<vmem>>
      %dma_wait3A_223 = arith.constant 0 : i32
      %dma_wait3A_224 = arith.constant 0 : i32
      %dma_wait3A_225 = tpu.memref_slice %arg5[%dma_wait3A_223, %dma_wait3A_224] : memref<32x1000000xf32, #tpu.memory_space<hbm>> -> memref<32x128xf32, #tpu.memory_space<hbm>>
      %dma_wait3A_226 = arith.constant 0 : i32
      %dma_wait3A_227 = arith.constant 0 : i32
      %dma_wait3A_228 = tpu.memref_slice %arg12[%dma_wait3A_217, %dma_wait3A_218, %dma_wait3A_226, %dma_wait3A_227] : memref<2x4x32x128xf32, #tpu.memory_space<vmem>> -> memref<1x1x32x128xf32, #tpu.memory_space<vmem>>
      %dma_wait3A_229 = tpu.memref_squeeze %dma_wait3A_228 : memref<1x1x32x128xf32, #tpu.memory_space<vmem>> -> memref<32x128xf32, #tpu.memory_space<vmem>>
      %dma_wait3A_230 = arith.constant 0 : i32
      %dma_wait3A_231 = arith.constant 0 : i32
      %dma_wait3A_232 = tpu.memref_slice %arg5[%dma_wait3A_230, %dma_wait3A_231] : memref<32x1000000xf32, #tpu.memory_space<hbm>> -> memref<32x128xf32, #tpu.memory_space<hbm>>
      tpu.wait_dma2 semaphore(%arg17 : memref<!tpu.dma_semaphore, #tpu.memory_space<semaphore_mem>>) src(%dma_wait3A_232 : memref<32x128xf32, #tpu.memory_space<hbm>>) dst(%dma_wait3A_229 : memref<32x128xf32, #tpu.memory_space<vmem>>)
      %slice3A_233 = vector.extract_strided_slice %get3A_11 {offsets = [1], sizes = [1], strides = [1]} : vector<16xi32> to vector<1xi32>
      %squeeze3A_234 = vector.extract %slice3A_233[0] : i32 from vector<1xi32>
      %slice3A_235 = vector.extract_strided_slice %min3A {offsets = [1], sizes = [1], strides = [1]} : vector<16xi32> to vector<1xi32>
      %squeeze3A_236 = vector.extract %slice3A_235[0] : i32 from vector<1xi32>
      %sub3A_237 = arith.subi %squeeze3A_234, %squeeze3A_236 : i32
      %min3A_238 = arith.constant 127 : i32
      %min3A_239 = arith.minsi %sub3A_237, %min3A_238 : i32
      %broadcast_in_dim3A_240 = vector.broadcast %min3A_239 : i32 to vector<16xi32>
      %broadcast_in_dim3A_241 = arith.constant 1 : i32
      %broadcast_in_dim3A_242 = vector.broadcast %broadcast_in_dim3A_241 : i32 to vector<16xi32>
      %gather3A_243 = tpu.vector_load_idx %arg12[%broadcast_in_dim3A_158, %broadcast_in_dim3A_242, %iota3A, %broadcast_in_dim3A_240] : memref<2x4x32x128xf32, #tpu.memory_space<vmem>>[vector<16xi32>, vector<16xi32>, vector<16xi32>, vector<16xi32>], vector<16xf32>,
      %add3A_244 = arith.constant 16 : i32
      %add3A_245 = vector.broadcast %add3A_244 : i32 to vector<16xi32>
      %add3A_246 = arith.addi %iota3A, %add3A_245 : vector<16xi32>
      %gather3A_247 = tpu.vector_load_idx %arg12[%broadcast_in_dim3A_158, %broadcast_in_dim3A_242, %add3A_246, %broadcast_in_dim3A_240] : memref<2x4x32x128xf32, #tpu.memory_space<vmem>>[vector<16xi32>, vector<16xi32>, vector<16xi32>, vector<16xi32>], vector<16xf32>,
      %ge3A_248 = arith.constant 999936 : i32
      %ge3A_249 = arith.cmpi sge, %squeeze3A_234, %ge3A_248 : i32
      %sub3A_250 = arith.constant 999936 : i32
      %sub3A_251 = arith.subi %squeeze3A_234, %sub3A_250 : i32
      %max3A_252 = arith.constant 0 : i32
      %max3A_253 = arith.maxsi %sub3A_251, %max3A_252 : i32
      %min3A_254 = arith.constant 63 : i32
      %min3A_255 = arith.minsi %max3A_253, %min3A_254 : i32
      %broadcast_in_dim3A_256 = vector.broadcast %min3A_255 : i32 to vector<16xi32>
      %gather3A_257 = tpu.vector_load_idx %arg15[%broadcast_in_dim3A_256, %iota3A] : memref<64x128xf32, #tpu.memory_space<vmem>>[vector<16xi32>, vector<16xi32>], vector<16xf32>,
      %add3A_258 = arith.constant 16 : i32
      %add3A_259 = vector.broadcast %add3A_258 : i32 to vector<16xi32>
      %add3A_260 = arith.addi %iota3A, %add3A_259 : vector<16xi32>
      %gather3A_261 = tpu.vector_load_idx %arg15[%broadcast_in_dim3A_256, %add3A_260] : memref<64x128xf32, #tpu.memory_space<vmem>>[vector<16xi32>, vector<16xi32>], vector<16xf32>,
      %broadcast_in_dim3A_262 = vector.broadcast %ge3A_249 : i1 to vector<16xi1>
      %select_n3A_263 = arith.select %broadcast_in_dim3A_262, %gather3A_257, %gather3A_243 : vector<16xi1>, vector<16xf32>
      %broadcast_in_dim3A_264 = vector.broadcast %ge3A_249 : i1 to vector<16xi1>
      %select_n3A_265 = arith.select %broadcast_in_dim3A_264, %gather3A_261, %gather3A_247 : vector<16xi1>, vector<16xf32>
      %mul3A_266 = arith.constant 16 : i32
      %mul3A_267 = arith.muli %scan3A_8, %mul3A_266 : i32
      %add3A_268 = arith.constant 0 : i32
      %add3A_269 = arith.addi %add3A_268, %mul3A_267 : i32
      %add3A_270 = arith.constant 1 : i32
      %add3A_271 = arith.addi %add3A_269, %add3A_270 : i32
      %mul3A_272 = arith.constant 32 : i32
      %mul3A_273 = arith.muli %add3A_271, %mul3A_272 : i32
      %swap3A_274 = arith.index_cast %mul3A_273 : i32 to index
      %swap3A_275 = tpu.vector_load %arg13[%swap3A_274] {strides = array<i32>} : memref<32768xf32, #tpu.memory_space<vmem>>, vector<16xf32>,
      tpu.vector_store %arg13[%swap3A_274], %select_n3A_263 {strides = array<i32>} : memref<32768xf32, #tpu.memory_space<vmem>>, vector<16xf32>,
      %mul3A_276 = arith.constant 32 : i32
      %mul3A_277 = arith.muli %add3A_271, %mul3A_276 : i32
      %add3A_278 = arith.constant 16 : i32
      %add3A_279 = arith.addi %mul3A_277, %add3A_278 : i32
      %swap3A_280 = arith.index_cast %add3A_279 : i32 to index
      %swap3A_281 = tpu.vector_load %arg13[%swap3A_280] {strides = array<i32>} : memref<32768xf32, #tpu.memory_space<vmem>>, vector<16xf32>,
      tpu.vector_store %arg13[%swap3A_280], %select_n3A_265 {strides = array<i32>} : memref<32768xf32, #tpu.memory_space<vmem>>, vector<16xf32>,
      %dma_wait3A_282 = arith.constant 0 : i32
      %dma_wait3A_283 = arith.constant 2 : i32
      %dma_wait3A_284 = arith.constant 0 : i32
      %dma_wait3A_285 = arith.constant 0 : i32
      %dma_wait3A_286 = tpu.memref_slice %arg12[%dma_wait3A_282, %dma_wait3A_283, %dma_wait3A_284, %dma_wait3A_285] : memref<2x4x32x128xf32, #tpu.memory_space<vmem>> -> memref<1x1x32x128xf32, #tpu.memory_space<vmem>>
      %dma_wait3A_287 = tpu.memref_squeeze %dma_wait3A_286 : memref<1x1x32x128xf32, #tpu.memory_space<vmem>> -> memref<32x128xf32, #tpu.memory_space<vmem>>
      %dma_wait3A_288 = arith.constant 0 : i32
      %dma_wait3A_289 = arith.constant 0 : i32
      %dma_wait3A_290 = tpu.memref_slice %arg5[%dma_wait3A_288, %dma_wait3A_289] : memref<32x1000000xf32, #tpu.memory_space<hbm>> -> memref<32x128xf32, #tpu.memory_space<hbm>>
      %dma_wait3A_291 = arith.constant 0 : i32
      %dma_wait3A_292 = arith.constant 0 : i32
      %dma_wait3A_293 = tpu.memref_slice %arg12[%dma_wait3A_282, %dma_wait3A_283, %dma_wait3A_291, %dma_wait3A_292] : memref<2x4x32x128xf32, #tpu.memory_space<vmem>> -> memref<1x1x32x128xf32, #tpu.memory_space<vmem>>
      %dma_wait3A_294 = tpu.memref_squeeze %dma_wait3A_293 : memref<1x1x32x128xf32, #tpu.memory_space<vmem>> -> memref<32x128xf32, #tpu.memory_space<vmem>>
      %dma_wait3A_295 = arith.constant 0 : i32
      %dma_wait3A_296 = arith.constant 0 : i32
      %dma_wait3A_297 = tpu.memref_slice %arg5[%dma_wait3A_295, %dma_wait3A_296] : memref<32x1000000xf32, #tpu.memory_space<hbm>> -> memref<32x128xf32, #tpu.memory_space<hbm>>
      tpu.wait_dma2 semaphore(%arg17 : memref<!tpu.dma_semaphore, #tpu.memory_space<semaphore_mem>>) src(%dma_wait3A_297 : memref<32x128xf32, #tpu.memory_space<hbm>>) dst(%dma_wait3A_294 : memref<32x128xf32, #tpu.memory_space<vmem>>)
      %slice3A_298 = vector.extract_strided_slice %get3A_11 {offsets = [2], sizes = [1], strides = [1]} : vector<16xi32> to vector<1xi32>
      %squeeze3A_299 = vector.extract %slice3A_298[0] : i32 from vector<1xi32>
      %slice3A_300 = vector.extract_strided_slice %min3A {offsets = [2], sizes = [1], strides = [1]} : vector<16xi32> to vector<1xi32>
      %squeeze3A_301 = vector.extract %slice3A_300[0] : i32 from vector<1xi32>
      %sub3A_302 = arith.subi %squeeze3A_299, %squeeze3A_301 : i32
      %min3A_303 = arith.constant 127 : i32
      %min3A_304 = arith.minsi %sub3A_302, %min3A_303 : i32
      %broadcast_in_dim3A_305 = vector.broadcast %min3A_304 : i32 to vector<16xi32>
      %broadcast_in_dim3A_306 = arith.constant 2 : i32
      %broadcast_in_dim3A_307 = vector.broadcast %broadcast_in_dim3A_306 : i32 to vector<16xi32>
      %gather3A_308 = tpu.vector_load_idx %arg12[%broadcast_in_dim3A_158, %broadcast_in_dim3A_307, %iota3A, %broadcast_in_dim3A_305] : memref<2x4x32x128xf32, #tpu.memory_space<vmem>>[vector<16xi32>, vector<16xi32>, vector<16xi32>, vector<16xi32>], vector<16xf32>,
      %add3A_309 = arith.constant 16 : i32
      %add3A_310 = vector.broadcast %add3A_309 : i32 to vector<16xi32>
      %add3A_311 = arith.addi %iota3A, %add3A_310 : vector<16xi32>
      %gather3A_312 = tpu.vector_load_idx %arg12[%broadcast_in_dim3A_158, %broadcast_in_dim3A_307, %add3A_311, %broadcast_in_dim3A_305] : memref<2x4x32x128xf32, #tpu.memory_space<vmem>>[vector<16xi32>, vector<16xi32>, vector<16xi32>, vector<16xi32>], vector<16xf32>,
      %ge3A_313 = arith.constant 999936 : i32
      %ge3A_314 = arith.cmpi sge, %squeeze3A_299, %ge3A_313 : i32
      %sub3A_315 = arith.constant 999936 : i32
      %sub3A_316 = arith.subi %squeeze3A_299, %sub3A_315 : i32
      %max3A_317 = arith.constant 0 : i32
      %max3A_318 = arith.maxsi %sub3A_316, %max3A_317 : i32
      %min3A_319 = arith.constant 63 : i32
      %min3A_320 = arith.minsi %max3A_318, %min3A_319 : i32
      %broadcast_in_dim3A_321 = vector.broadcast %min3A_320 : i32 to vector<16xi32>
      %gather3A_322 = tpu.vector_load_idx %arg15[%broadcast_in_dim3A_321, %iota3A] : memref<64x128xf32, #tpu.memory_space<vmem>>[vector<16xi32>, vector<16xi32>], vector<16xf32>,
      %add3A_323 = arith.constant 16 : i32
      %add3A_324 = vector.broadcast %add3A_323 : i32 to vector<16xi32>
      %add3A_325 = arith.addi %iota3A, %add3A_324 : vector<16xi32>
      %gather3A_326 = tpu.vector_load_idx %arg15[%broadcast_in_dim3A_321, %add3A_325] : memref<64x128xf32, #tpu.memory_space<vmem>>[vector<16xi32>, vector<16xi32>], vector<16xf32>,
      %broadcast_in_dim3A_327 = vector.broadcast %ge3A_314 : i1 to vector<16xi1>
      %select_n3A_328 = arith.select %broadcast_in_dim3A_327, %gather3A_322, %gather3A_308 : vector<16xi1>, vector<16xf32>
      %broadcast_in_dim3A_329 = vector.broadcast %ge3A_314 : i1 to vector<16xi1>
      %select_n3A_330 = arith.select %broadcast_in_dim3A_329, %gather3A_326, %gather3A_312 : vector<16xi1>, vector<16xf32>
      %mul3A_331 = arith.constant 16 : i32
      %mul3A_332 = arith.muli %scan3A_8, %mul3A_331 : i32
      %add3A_333 = arith.constant 0 : i32
      %add3A_334 = arith.addi %add3A_333, %mul3A_332 : i32
      %add3A_335 = arith.constant 2 : i32
      %add3A_336 = arith.addi %add3A_334, %add3A_335 : i32
      %mul3A_337 = arith.constant 32 : i32
      %mul3A_338 = arith.muli %add3A_336, %mul3A_337 : i32
      %swap3A_339 = arith.index_cast %mul3A_338 : i32 to index
      %swap3A_340 = tpu.vector_load %arg13[%swap3A_339] {strides = array<i32>} : memref<32768xf32, #tpu.memory_space<vmem>>, vector<16xf32>,
      tpu.vector_store %arg13[%swap3A_339], %select_n3A_328 {strides = array<i32>} : memref<32768xf32, #tpu.memory_space<vmem>>, vector<16xf32>,
      %mul3A_341 = arith.constant 32 : i32
      %mul3A_342 = arith.muli %add3A_336, %mul3A_341 : i32
      %add3A_343 = arith.constant 16 : i32
      %add3A_344 = arith.addi %mul3A_342, %add3A_343 : i32
      %swap3A_345 = arith.index_cast %add3A_344 : i32 to index
      %swap3A_346 = tpu.vector_load %arg13[%swap3A_345] {strides = array<i32>} : memref<32768xf32, #tpu.memory_space<vmem>>, vector<16xf32>,
      tpu.vector_store %arg13[%swap3A_345], %select_n3A_330 {strides = array<i32>} : memref<32768xf32, #tpu.memory_space<vmem>>, vector<16xf32>,
      %dma_wait3A_347 = arith.constant 0 : i32
      %dma_wait3A_348 = arith.constant 3 : i32
      %dma_wait3A_349 = arith.constant 0 : i32
      %dma_wait3A_350 = arith.constant 0 : i32
      %dma_wait3A_351 = tpu.memref_slice %arg12[%dma_wait3A_347, %dma_wait3A_348, %dma_wait3A_349, %dma_wait3A_350] : memref<2x4x32x128xf32, #tpu.memory_space<vmem>> -> memref<1x1x32x128xf32, #tpu.memory_space<vmem>>
      %dma_wait3A_352 = tpu.memref_squeeze %dma_wait3A_351 : memref<1x1x32x128xf32, #tpu.memory_space<vmem>> -> memref<32x128xf32, #tpu.memory_space<vmem>>
      %dma_wait3A_353 = arith.constant 0 : i32
      %dma_wait3A_354 = arith.constant 0 : i32
      %dma_wait3A_355 = tpu.memref_slice %arg5[%dma_wait3A_353, %dma_wait3A_354] : memref<32x1000000xf32, #tpu.memory_space<hbm>> -> memref<32x128xf32, #tpu.memory_space<hbm>>
      %dma_wait3A_356 = arith.constant 0 : i32
      %dma_wait3A_357 = arith.constant 0 : i32
      %dma_wait3A_358 = tpu.memref_slice %arg12[%dma_wait3A_347, %dma_wait3A_348, %dma_wait3A_356, %dma_wait3A_357] : memref<2x4x32x128xf32, #tpu.memory_space<vmem>> -> memref<1x1x32x128xf32, #tpu.memory_space<vmem>>
      %dma_wait3A_359 = tpu.memref_squeeze %dma_wait3A_358 : memref<1x1x32x128xf32, #tpu.memory_space<vmem>> -> memref<32x128xf32, #tpu.memory_space<vmem>>
      %dma_wait3A_360 = arith.constant 0 : i32
      %dma_wait3A_361 = arith.constant 0 : i32
      %dma_wait3A_362 = tpu.memref_slice %arg5[%dma_wait3A_360, %dma_wait3A_361] : memref<32x1000000xf32, #tpu.memory_space<hbm>> -> memref<32x128xf32, #tpu.memory_space<hbm>>
      tpu.wait_dma2 semaphore(%arg17 : memref<!tpu.dma_semaphore, #tpu.memory_space<semaphore_mem>>) src(%dma_wait3A_362 : memref<32x128xf32, #tpu.memory_space<hbm>>) dst(%dma_wait3A_359 : memref<32x128xf32, #tpu.memory_space<vmem>>)
      %slice3A_363 = vector.extract_strided_slice %get3A_11 {offsets = [3], sizes = [1], strides = [1]} : vector<16xi32> to vector<1xi32>
      %squeeze3A_364 = vector.extract %slice3A_363[0] : i32 from vector<1xi32>
      %slice3A_365 = vector.extract_strided_slice %min3A {offsets = [3], sizes = [1], strides = [1]} : vector<16xi32> to vector<1xi32>
      %squeeze3A_366 = vector.extract %slice3A_365[0] : i32 from vector<1xi32>
      %sub3A_367 = arith.subi %squeeze3A_364, %squeeze3A_366 : i32
      %min3A_368 = arith.constant 127 : i32
      %min3A_369 = arith.minsi %sub3A_367, %min3A_368 : i32
      %broadcast_in_dim3A_370 = vector.broadcast %min3A_369 : i32 to vector<16xi32>
      %broadcast_in_dim3A_371 = arith.constant 3 : i32
      %broadcast_in_dim3A_372 = vector.broadcast %broadcast_in_dim3A_371 : i32 to vector<16xi32>
      %gather3A_373 = tpu.vector_load_idx %arg12[%broadcast_in_dim3A_158, %broadcast_in_dim3A_372, %iota3A, %broadcast_in_dim3A_370] : memref<2x4x32x128xf32, #tpu.memory_space<vmem>>[vector<16xi32>, vector<16xi32>, vector<16xi32>, vector<16xi32>], vector<16xf32>,
      %add3A_374 = arith.constant 16 : i32
      %add3A_375 = vector.broadcast %add3A_374 : i32 to vector<16xi32>
      %add3A_376 = arith.addi %iota3A, %add3A_375 : vector<16xi32>
      %gather3A_377 = tpu.vector_load_idx %arg12[%broadcast_in_dim3A_158, %broadcast_in_dim3A_372, %add3A_376, %broadcast_in_dim3A_370] : memref<2x4x32x128xf32, #tpu.memory_space<vmem>>[vector<16xi32>, vector<16xi32>, vector<16xi32>, vector<16xi32>], vector<16xf32>,
      %ge3A_378 = arith.constant 999936 : i32
      %ge3A_379 = arith.cmpi sge, %squeeze3A_364, %ge3A_378 : i32
      %sub3A_380 = arith.constant 999936 : i32
      %sub3A_381 = arith.subi %squeeze3A_364, %sub3A_380 : i32
      %max3A_382 = arith.constant 0 : i32
      %max3A_383 = arith.maxsi %sub3A_381, %max3A_382 : i32
      %min3A_384 = arith.constant 63 : i32
      %min3A_385 = arith.minsi %max3A_383, %min3A_384 : i32
      %broadcast_in_dim3A_386 = vector.broadcast %min3A_385 : i32 to vector<16xi32>
      %gather3A_387 = tpu.vector_load_idx %arg15[%broadcast_in_dim3A_386, %iota3A] : memref<64x128xf32, #tpu.memory_space<vmem>>[vector<16xi32>, vector<16xi32>], vector<16xf32>,
      %add3A_388 = arith.constant 16 : i32
      %add3A_389 = vector.broadcast %add3A_388 : i32 to vector<16xi32>
      %add3A_390 = arith.addi %iota3A, %add3A_389 : vector<16xi32>
      %gather3A_391 = tpu.vector_load_idx %arg15[%broadcast_in_dim3A_386, %add3A_390] : memref<64x128xf32, #tpu.memory_space<vmem>>[vector<16xi32>, vector<16xi32>], vector<16xf32>,
      %broadcast_in_dim3A_392 = vector.broadcast %ge3A_379 : i1 to vector<16xi1>
      %select_n3A_393 = arith.select %broadcast_in_dim3A_392, %gather3A_387, %gather3A_373 : vector<16xi1>, vector<16xf32>
      %broadcast_in_dim3A_394 = vector.broadcast %ge3A_379 : i1 to vector<16xi1>
      %select_n3A_395 = arith.select %broadcast_in_dim3A_394, %gather3A_391, %gather3A_377 : vector<16xi1>, vector<16xf32>
      %mul3A_396 = arith.constant 16 : i32
      %mul3A_397 = arith.muli %scan3A_8, %mul3A_396 : i32
      %add3A_398 = arith.constant 0 : i32
      %add3A_399 = arith.addi %add3A_398, %mul3A_397 : i32
      %add3A_400 = arith.constant 3 : i32
      %add3A_401 = arith.addi %add3A_399, %add3A_400 : i32
      %mul3A_402 = arith.constant 32 : i32
      %mul3A_403 = arith.muli %add3A_401, %mul3A_402 : i32
      %swap3A_404 = arith.index_cast %mul3A_403 : i32 to index
      %swap3A_405 = tpu.vector_load %arg13[%swap3A_404] {strides = array<i32>} : memref<32768xf32, #tpu.memory_space<vmem>>, vector<16xf32>,
      tpu.vector_store %arg13[%swap3A_404], %select_n3A_393 {strides = array<i32>} : memref<32768xf32, #tpu.memory_space<vmem>>, vector<16xf32>,
      %mul3A_406 = arith.constant 32 : i32
      %mul3A_407 = arith.muli %add3A_401, %mul3A_406 : i32
      %add3A_408 = arith.constant 16 : i32
      %add3A_409 = arith.addi %mul3A_407, %add3A_408 : i32
      %swap3A_410 = arith.index_cast %add3A_409 : i32 to index
      %swap3A_411 = tpu.vector_load %arg13[%swap3A_410] {strides = array<i32>} : memref<32768xf32, #tpu.memory_space<vmem>>, vector<16xf32>,
      tpu.vector_store %arg13[%swap3A_410], %select_n3A_395 {strides = array<i32>} : memref<32768xf32, #tpu.memory_space<vmem>>, vector<16xf32>,
      %slice3A_412 = vector.extract_strided_slice %min3A {offsets = [8], sizes = [1], strides = [1]} : vector<16xi32> to vector<1xi32>
      %squeeze3A_413 = vector.extract %slice3A_412[0] : i32 from vector<1xi32>
      %multiple_of3A_414 = tpu.assume_multiple %squeeze3A_413, 128 : i32
      %dma_start3A_415 = arith.constant 0 : i32
      %dma_start3A_416 = arith.constant 0 : i32
      %dma_start3A_417 = arith.constant 0 : i32
      %dma_start3A_418 = arith.constant 0 : i32
      %dma_start3A_419 = tpu.memref_slice %arg12[%dma_start3A_415, %dma_start3A_416, %dma_start3A_417, %dma_start3A_418] : memref<2x4x32x128xf32, #tpu.memory_space<vmem>> -> memref<1x1x32x128xf32, #tpu.memory_space<vmem>>
      %dma_start3A_420 = tpu.memref_squeeze %dma_start3A_419 : memref<1x1x32x128xf32, #tpu.memory_space<vmem>> -> memref<32x128xf32, #tpu.memory_space<vmem>>
      %dma_start3A_421 = arith.constant 0 : i32
      %dma_start3A_422 = tpu.memref_slice %arg5[%dma_start3A_421, %multiple_of3A_414] : memref<32x1000000xf32, #tpu.memory_space<hbm>> -> memref<32x128xf32, #tpu.memory_space<hbm>>
      %dma_start3A_423 = arith.constant 0 : i32
      %dma_start3A_424 = arith.constant 0 : i32
      %dma_start3A_425 = tpu.memref_slice %arg12[%dma_start3A_415, %dma_start3A_416, %dma_start3A_423, %dma_start3A_424] : memref<2x4x32x128xf32, #tpu.memory_space<vmem>> -> memref<1x1x32x128xf32, #tpu.memory_space<vmem>>
      %dma_start3A_426 = tpu.memref_squeeze %dma_start3A_425 : memref<1x1x32x128xf32, #tpu.memory_space<vmem>> -> memref<32x128xf32, #tpu.memory_space<vmem>>
      %dma_start3A_427 = arith.constant 0 : i32
      %dma_start3A_428 = tpu.memref_slice %arg5[%dma_start3A_427, %multiple_of3A_414] : memref<32x1000000xf32, #tpu.memory_space<hbm>> -> memref<32x128xf32, #tpu.memory_space<hbm>>
      tpu.enqueue_dma source(%dma_start3A_428 : memref<32x128xf32, #tpu.memory_space<hbm>>) target(%dma_start3A_426 : memref<32x128xf32, #tpu.memory_space<vmem>>) target_semaphore(%arg17 : memref<!tpu.dma_semaphore, #tpu.memory_space<semaphore_mem>>)
      %slice3A_429 = vector.extract_strided_slice %min3A {offsets = [9], sizes = [1], strides = [1]} : vector<16xi32> to vector<1xi32>
      %squeeze3A_430 = vector.extract %slice3A_429[0] : i32 from vector<1xi32>
      %multiple_of3A_431 = tpu.assume_multiple %squeeze3A_430, 128 : i32
      %dma_start3A_432 = arith.constant 0 : i32
      %dma_start3A_433 = arith.constant 1 : i32
      %dma_start3A_434 = arith.constant 0 : i32
      %dma_start3A_435 = arith.constant 0 : i32
      %dma_start3A_436 = tpu.memref_slice %arg12[%dma_start3A_432, %dma_start3A_433, %dma_start3A_434, %dma_start3A_435] : memref<2x4x32x128xf32, #tpu.memory_space<vmem>> -> memref<1x1x32x128xf32, #tpu.memory_space<vmem>>
      %dma_start3A_437 = tpu.memref_squeeze %dma_start3A_436 : memref<1x1x32x128xf32, #tpu.memory_space<vmem>> -> memref<32x128xf32, #tpu.memory_space<vmem>>
      %dma_start3A_438 = arith.constant 0 : i32
      %dma_start3A_439 = tpu.memref_slice %arg5[%dma_start3A_438, %multiple_of3A_431] : memref<32x1000000xf32, #tpu.memory_space<hbm>> -> memref<32x128xf32, #tpu.memory_space<hbm>>
      %dma_start3A_440 = arith.constant 0 : i32
      %dma_start3A_441 = arith.constant 0 : i32
      %dma_start3A_442 = tpu.memref_slice %arg12[%dma_start3A_432, %dma_start3A_433, %dma_start3A_440, %dma_start3A_441] : memref<2x4x32x128xf32, #tpu.memory_space<vmem>> -> memref<1x1x32x128xf32, #tpu.memory_space<vmem>>
      %dma_start3A_443 = tpu.memref_squeeze %dma_start3A_442 : memref<1x1x32x128xf32, #tpu.memory_space<vmem>> -> memref<32x128xf32, #tpu.memory_space<vmem>>
      %dma_start3A_444 = arith.constant 0 : i32
      %dma_start3A_445 = tpu.memref_slice %arg5[%dma_start3A_444, %multiple_of3A_431] : memref<32x1000000xf32, #tpu.memory_space<hbm>> -> memref<32x128xf32, #tpu.memory_space<hbm>>
      tpu.enqueue_dma source(%dma_start3A_445 : memref<32x128xf32, #tpu.memory_space<hbm>>) target(%dma_start3A_443 : memref<32x128xf32, #tpu.memory_space<vmem>>) target_semaphore(%arg17 : memref<!tpu.dma_semaphore, #tpu.memory_space<semaphore_mem>>)
      %slice3A_446 = vector.extract_strided_slice %min3A {offsets = [10], sizes = [1], strides = [1]} : vector<16xi32> to vector<1xi32>
      %squeeze3A_447 = vector.extract %slice3A_446[0] : i32 from vector<1xi32>
      %multiple_of3A_448 = tpu.assume_multiple %squeeze3A_447, 128 : i32
      %dma_start3A_449 = arith.constant 0 : i32
      %dma_start3A_450 = arith.constant 2 : i32
      %dma_start3A_451 = arith.constant 0 : i32
      %dma_start3A_452 = arith.constant 0 : i32
      %dma_start3A_453 = tpu.memref_slice %arg12[%dma_start3A_449, %dma_start3A_450, %dma_start3A_451, %dma_start3A_452] : memref<2x4x32x128xf32, #tpu.memory_space<vmem>> -> memref<1x1x32x128xf32, #tpu.memory_space<vmem>>
      %dma_start3A_454 = tpu.memref_squeeze %dma_start3A_453 : memref<1x1x32x128xf32, #tpu.memory_space<vmem>> -> memref<32x128xf32, #tpu.memory_space<vmem>>
      %dma_start3A_455 = arith.constant 0 : i32
      %dma_start3A_456 = tpu.memref_slice %arg5[%dma_start3A_455, %multiple_of3A_448] : memref<32x1000000xf32, #tpu.memory_space<hbm>> -> memref<32x128xf32, #tpu.memory_space<hbm>>
      %dma_start3A_457 = arith.constant 0 : i32
      %dma_start3A_458 = arith.constant 0 : i32
      %dma_start3A_459 = tpu.memref_slice %arg12[%dma_start3A_449, %dma_start3A_450, %dma_start3A_457, %dma_start3A_458] : memref<2x4x32x128xf32, #tpu.memory_space<vmem>> -> memref<1x1x32x128xf32, #tpu.memory_space<vmem>>
      %dma_start3A_460 = tpu.memref_squeeze %dma_start3A_459 : memref<1x1x32x128xf32, #tpu.memory_space<vmem>> -> memref<32x128xf32, #tpu.memory_space<vmem>>
      %dma_start3A_461 = arith.constant 0 : i32
      %dma_start3A_462 = tpu.memref_slice %arg5[%dma_start3A_461, %multiple_of3A_448] : memref<32x1000000xf32, #tpu.memory_space<hbm>> -> memref<32x128xf32, #tpu.memory_space<hbm>>
      tpu.enqueue_dma source(%dma_start3A_462 : memref<32x128xf32, #tpu.memory_space<hbm>>) target(%dma_start3A_460 : memref<32x128xf32, #tpu.memory_space<vmem>>) target_semaphore(%arg17 : memref<!tpu.dma_semaphore, #tpu.memory_space<semaphore_mem>>)
      %slice3A_463 = vector.extract_strided_slice %min3A {offsets = [11], sizes = [1], strides = [1]} : vector<16xi32> to vector<1xi32>
      %squeeze3A_464 = vector.extract %slice3A_463[0] : i32 from vector<1xi32>
      %multiple_of3A_465 = tpu.assume_multiple %squeeze3A_464, 128 : i32
      %dma_start3A_466 = arith.constant 0 : i32
      %dma_start3A_467 = arith.constant 3 : i32
      %dma_start3A_468 = arith.constant 0 : i32
      %dma_start3A_469 = arith.constant 0 : i32
      %dma_start3A_470 = tpu.memref_slice %arg12[%dma_start3A_466, %dma_start3A_467, %dma_start3A_468, %dma_start3A_469] : memref<2x4x32x128xf32, #tpu.memory_space<vmem>> -> memref<1x1x32x128xf32, #tpu.memory_space<vmem>>
      %dma_start3A_471 = tpu.memref_squeeze %dma_start3A_470 : memref<1x1x32x128xf32, #tpu.memory_space<vmem>> -> memref<32x128xf32, #tpu.memory_space<vmem>>
      %dma_start3A_472 = arith.constant 0 : i32
      %dma_start3A_473 = tpu.memref_slice %arg5[%dma_start3A_472, %multiple_of3A_465] : memref<32x1000000xf32, #tpu.memory_space<hbm>> -> memref<32x128xf32, #tpu.memory_space<hbm>>
      %dma_start3A_474 = arith.constant 0 : i32
      %dma_start3A_475 = arith.constant 0 : i32
      %dma_start3A_476 = tpu.memref_slice %arg12[%dma_start3A_466, %dma_start3A_467, %dma_start3A_474, %dma_start3A_475] : memref<2x4x32x128xf32, #tpu.memory_space<vmem>> -> memref<1x1x32x128xf32, #tpu.memory_space<vmem>>
      %dma_start3A_477 = tpu.memref_squeeze %dma_start3A_476 : memref<1x1x32x128xf32, #tpu.memory_space<vmem>> -> memref<32x128xf32, #tpu.memory_space<vmem>>
      %dma_start3A_478 = arith.constant 0 : i32
      %dma_start3A_479 = tpu.memref_slice %arg5[%dma_start3A_478, %multiple_of3A_465] : memref<32x1000000xf32, #tpu.memory_space<hbm>> -> memref<32x128xf32, #tpu.memory_space<hbm>>
      tpu.enqueue_dma source(%dma_start3A_479 : memref<32x128xf32, #tpu.memory_space<hbm>>) target(%dma_start3A_477 : memref<32x128xf32, #tpu.memory_space<vmem>>) target_semaphore(%arg17 : memref<!tpu.dma_semaphore, #tpu.memory_space<semaphore_mem>>)
      %broadcast_in_dim3A_480 = arith.constant 1 : i32
      %broadcast_in_dim3A_481 = vector.broadcast %broadcast_in_dim3A_480 : i32 to vector<16xi32>
      %dma_wait3A_482 = arith.constant 1 : i32
      %dma_wait3A_483 = arith.constant 0 : i32
      %dma_wait3A_484 = arith.constant 0 : i32
      %dma_wait3A_485 = arith.constant 0 : i32
      %dma_wait3A_486 = tpu.memref_slice %arg12[%dma_wait3A_482, %dma_wait3A_483, %dma_wait3A_484, %dma_wait3A_485] : memref<2x4x32x128xf32, #tpu.memory_space<vmem>> -> memref<1x1x32x128xf32, #tpu.memory_space<vmem>>
      %dma_wait3A_487 = tpu.memref_squeeze %dma_wait3A_486 : memref<1x1x32x128xf32, #tpu.memory_space<vmem>> -> memref<32x128xf32, #tpu.memory_space<vmem>>
      %dma_wait3A_488 = arith.constant 0 : i32
      %dma_wait3A_489 = arith.constant 0 : i32
      %dma_wait3A_490 = tpu.memref_slice %arg5[%dma_wait3A_488, %dma_wait3A_489] : memref<32x1000000xf32, #tpu.memory_space<hbm>> -> memref<32x128xf32, #tpu.memory_space<hbm>>
      %dma_wait3A_491 = arith.constant 0 : i32
      %dma_wait3A_492 = arith.constant 0 : i32
      %dma_wait3A_493 = tpu.memref_slice %arg12[%dma_wait3A_482, %dma_wait3A_483, %dma_wait3A_491, %dma_wait3A_492] : memref<2x4x32x128xf32, #tpu.memory_space<vmem>> -> memref<1x1x32x128xf32, #tpu.memory_space<vmem>>
      %dma_wait3A_494 = tpu.memref_squeeze %dma_wait3A_493 : memref<1x1x32x128xf32, #tpu.memory_space<vmem>> -> memref<32x128xf32, #tpu.memory_space<vmem>>
      %dma_wait3A_495 = arith.constant 0 : i32
      %dma_wait3A_496 = arith.constant 0 : i32
      %dma_wait3A_497 = tpu.memref_slice %arg5[%dma_wait3A_495, %dma_wait3A_496] : memref<32x1000000xf32, #tpu.memory_space<hbm>> -> memref<32x128xf32, #tpu.memory_space<hbm>>
      tpu.wait_dma2 semaphore(%arg18 : memref<!tpu.dma_semaphore, #tpu.memory_space<semaphore_mem>>) src(%dma_wait3A_497 : memref<32x128xf32, #tpu.memory_space<hbm>>) dst(%dma_wait3A_494 : memref<32x128xf32, #tpu.memory_space<vmem>>)
      %slice3A_498 = vector.extract_strided_slice %get3A_11 {offsets = [4], sizes = [1], strides = [1]} : vector<16xi32> to vector<1xi32>
      %squeeze3A_499 = vector.extract %slice3A_498[0] : i32 from vector<1xi32>
      %slice3A_500 = vector.extract_strided_slice %min3A {offsets = [4], sizes = [1], strides = [1]} : vector<16xi32> to vector<1xi32>
      %squeeze3A_501 = vector.extract %slice3A_500[0] : i32 from vector<1xi32>
      %sub3A_502 = arith.subi %squeeze3A_499, %squeeze3A_501 : i32
      %min3A_503 = arith.constant 127 : i32
      %min3A_504 = arith.minsi %sub3A_502, %min3A_503 : i32
      %broadcast_in_dim3A_505 = vector.broadcast %min3A_504 : i32 to vector<16xi32>
      %broadcast_in_dim3A_506 = arith.constant 0 : i32
      %broadcast_in_dim3A_507 = vector.broadcast %broadcast_in_dim3A_506 : i32 to vector<16xi32>
      %gather3A_508 = tpu.vector_load_idx %arg12[%broadcast_in_dim3A_481, %broadcast_in_dim3A_507, %iota3A, %broadcast_in_dim3A_505] : memref<2x4x32x128xf32, #tpu.memory_space<vmem>>[vector<16xi32>, vector<16xi32>, vector<16xi32>, vector<16xi32>], vector<16xf32>,
      %add3A_509 = arith.constant 16 : i32
      %add3A_510 = vector.broadcast %add3A_509 : i32 to vector<16xi32>
      %add3A_511 = arith.addi %iota3A, %add3A_510 : vector<16xi32>
      %gather3A_512 = tpu.vector_load_idx %arg12[%broadcast_in_dim3A_481, %broadcast_in_dim3A_507, %add3A_511, %broadcast_in_dim3A_505] : memref<2x4x32x128xf32, #tpu.memory_space<vmem>>[vector<16xi32>, vector<16xi32>, vector<16xi32>, vector<16xi32>], vector<16xf32>,
      %ge3A_513 = arith.constant 999936 : i32
      %ge3A_514 = arith.cmpi sge, %squeeze3A_499, %ge3A_513 : i32
      %sub3A_515 = arith.constant 999936 : i32
      %sub3A_516 = arith.subi %squeeze3A_499, %sub3A_515 : i32
      %max3A_517 = arith.constant 0 : i32
      %max3A_518 = arith.maxsi %sub3A_516, %max3A_517 : i32
      %min3A_519 = arith.constant 63 : i32
      %min3A_520 = arith.minsi %max3A_518, %min3A_519 : i32
      %broadcast_in_dim3A_521 = vector.broadcast %min3A_520 : i32 to vector<16xi32>
      %gather3A_522 = tpu.vector_load_idx %arg15[%broadcast_in_dim3A_521, %iota3A] : memref<64x128xf32, #tpu.memory_space<vmem>>[vector<16xi32>, vector<16xi32>], vector<16xf32>,
      %add3A_523 = arith.constant 16 : i32
      %add3A_524 = vector.broadcast %add3A_523 : i32 to vector<16xi32>
      %add3A_525 = arith.addi %iota3A, %add3A_524 : vector<16xi32>
      %gather3A_526 = tpu.vector_load_idx %arg15[%broadcast_in_dim3A_521, %add3A_525] : memref<64x128xf32, #tpu.memory_space<vmem>>[vector<16xi32>, vector<16xi32>], vector<16xf32>,
      %broadcast_in_dim3A_527 = vector.broadcast %ge3A_514 : i1 to vector<16xi1>
      %select_n3A_528 = arith.select %broadcast_in_dim3A_527, %gather3A_522, %gather3A_508 : vector<16xi1>, vector<16xf32>
      %broadcast_in_dim3A_529 = vector.broadcast %ge3A_514 : i1 to vector<16xi1>
      %select_n3A_530 = arith.select %broadcast_in_dim3A_529, %gather3A_526, %gather3A_512 : vector<16xi1>, vector<16xf32>
      %mul3A_531 = arith.constant 16 : i32
      %mul3A_532 = arith.muli %scan3A_8, %mul3A_531 : i32
      %add3A_533 = arith.constant 0 : i32
      %add3A_534 = arith.addi %add3A_533, %mul3A_532 : i32
      %add3A_535 = arith.constant 4 : i32
      %add3A_536 = arith.addi %add3A_534, %add3A_535 : i32
      %mul3A_537 = arith.constant 32 : i32
      %mul3A_538 = arith.muli %add3A_536, %mul3A_537 : i32
      %swap3A_539 = arith.index_cast %mul3A_538 : i32 to index
      %swap3A_540 = tpu.vector_load %arg13[%swap3A_539] {strides = array<i32>} : memref<32768xf32, #tpu.memory_space<vmem>>, vector<16xf32>,
      tpu.vector_store %arg13[%swap3A_539], %select_n3A_528 {strides = array<i32>} : memref<32768xf32, #tpu.memory_space<vmem>>, vector<16xf32>,
      %mul3A_541 = arith.constant 32 : i32
      %mul3A_542 = arith.muli %add3A_536, %mul3A_541 : i32
      %add3A_543 = arith.constant 16 : i32
      %add3A_544 = arith.addi %mul3A_542, %add3A_543 : i32
      %swap3A_545 = arith.index_cast %add3A_544 : i32 to index
      %swap3A_546 = tpu.vector_load %arg13[%swap3A_545] {strides = array<i32>} : memref<32768xf32, #tpu.memory_space<vmem>>, vector<16xf32>,
      tpu.vector_store %arg13[%swap3A_545], %select_n3A_530 {strides = array<i32>} : memref<32768xf32, #tpu.memory_space<vmem>>, vector<16xf32>,
      %dma_wait3A_547 = arith.constant 1 : i32
      %dma_wait3A_548 = arith.constant 1 : i32
      %dma_wait3A_549 = arith.constant 0 : i32
      %dma_wait3A_550 = arith.constant 0 : i32
      %dma_wait3A_551 = tpu.memref_slice %arg12[%dma_wait3A_547, %dma_wait3A_548, %dma_wait3A_549, %dma_wait3A_550] : memref<2x4x32x128xf32, #tpu.memory_space<vmem>> -> memref<1x1x32x128xf32, #tpu.memory_space<vmem>>
      %dma_wait3A_552 = tpu.memref_squeeze %dma_wait3A_551 : memref<1x1x32x128xf32, #tpu.memory_space<vmem>> -> memref<32x128xf32, #tpu.memory_space<vmem>>
      %dma_wait3A_553 = arith.constant 0 : i32
      %dma_wait3A_554 = arith.constant 0 : i32
      %dma_wait3A_555 = tpu.memref_slice %arg5[%dma_wait3A_553, %dma_wait3A_554] : memref<32x1000000xf32, #tpu.memory_space<hbm>> -> memref<32x128xf32, #tpu.memory_space<hbm>>
      %dma_wait3A_556 = arith.constant 0 : i32
      %dma_wait3A_557 = arith.constant 0 : i32
      %dma_wait3A_558 = tpu.memref_slice %arg12[%dma_wait3A_547, %dma_wait3A_548, %dma_wait3A_556, %dma_wait3A_557] : memref<2x4x32x128xf32, #tpu.memory_space<vmem>> -> memref<1x1x32x128xf32, #tpu.memory_space<vmem>>
      %dma_wait3A_559 = tpu.memref_squeeze %dma_wait3A_558 : memref<1x1x32x128xf32, #tpu.memory_space<vmem>> -> memref<32x128xf32, #tpu.memory_space<vmem>>
      %dma_wait3A_560 = arith.constant 0 : i32
      %dma_wait3A_561 = arith.constant 0 : i32
      %dma_wait3A_562 = tpu.memref_slice %arg5[%dma_wait3A_560, %dma_wait3A_561] : memref<32x1000000xf32, #tpu.memory_space<hbm>> -> memref<32x128xf32, #tpu.memory_space<hbm>>
      tpu.wait_dma2 semaphore(%arg18 : memref<!tpu.dma_semaphore, #tpu.memory_space<semaphore_mem>>) src(%dma_wait3A_562 : memref<32x128xf32, #tpu.memory_space<hbm>>) dst(%dma_wait3A_559 : memref<32x128xf32, #tpu.memory_space<vmem>>)
      %slice3A_563 = vector.extract_strided_slice %get3A_11 {offsets = [5], sizes = [1], strides = [1]} : vector<16xi32> to vector<1xi32>
      %squeeze3A_564 = vector.extract %slice3A_563[0] : i32 from vector<1xi32>
      %slice3A_565 = vector.extract_strided_slice %min3A {offsets = [5], sizes = [1], strides = [1]} : vector<16xi32> to vector<1xi32>
      %squeeze3A_566 = vector.extract %slice3A_565[0] : i32 from vector<1xi32>
      %sub3A_567 = arith.subi %squeeze3A_564, %squeeze3A_566 : i32
      %min3A_568 = arith.constant 127 : i32
      %min3A_569 = arith.minsi %sub3A_567, %min3A_568 : i32
      %broadcast_in_dim3A_570 = vector.broadcast %min3A_569 : i32 to vector<16xi32>
      %broadcast_in_dim3A_571 = arith.constant 1 : i32
      %broadcast_in_dim3A_572 = vector.broadcast %broadcast_in_dim3A_571 : i32 to vector<16xi32>
      %gather3A_573 = tpu.vector_load_idx %arg12[%broadcast_in_dim3A_481, %broadcast_in_dim3A_572, %iota3A, %broadcast_in_dim3A_570] : memref<2x4x32x128xf32, #tpu.memory_space<vmem>>[vector<16xi32>, vector<16xi32>, vector<16xi32>, vector<16xi32>], vector<16xf32>,
      %add3A_574 = arith.constant 16 : i32
      %add3A_575 = vector.broadcast %add3A_574 : i32 to vector<16xi32>
      %add3A_576 = arith.addi %iota3A, %add3A_575 : vector<16xi32>
      %gather3A_577 = tpu.vector_load_idx %arg12[%broadcast_in_dim3A_481, %broadcast_in_dim3A_572, %add3A_576, %broadcast_in_dim3A_570] : memref<2x4x32x128xf32, #tpu.memory_space<vmem>>[vector<16xi32>, vector<16xi32>, vector<16xi32>, vector<16xi32>], vector<16xf32>,
      %ge3A_578 = arith.constant 999936 : i32
      %ge3A_579 = arith.cmpi sge, %squeeze3A_564, %ge3A_578 : i32
      %sub3A_580 = arith.constant 999936 : i32
      %sub3A_581 = arith.subi %squeeze3A_564, %sub3A_580 : i32
      %max3A_582 = arith.constant 0 : i32
      %max3A_583 = arith.maxsi %sub3A_581, %max3A_582 : i32
      %min3A_584 = arith.constant 63 : i32
      %min3A_585 = arith.minsi %max3A_583, %min3A_584 : i32
      %broadcast_in_dim3A_586 = vector.broadcast %min3A_585 : i32 to vector<16xi32>
      %gather3A_587 = tpu.vector_load_idx %arg15[%broadcast_in_dim3A_586, %iota3A] : memref<64x128xf32, #tpu.memory_space<vmem>>[vector<16xi32>, vector<16xi32>], vector<16xf32>,
      %add3A_588 = arith.constant 16 : i32
      %add3A_589 = vector.broadcast %add3A_588 : i32 to vector<16xi32>
      %add3A_590 = arith.addi %iota3A, %add3A_589 : vector<16xi32>
      %gather3A_591 = tpu.vector_load_idx %arg15[%broadcast_in_dim3A_586, %add3A_590] : memref<64x128xf32, #tpu.memory_space<vmem>>[vector<16xi32>, vector<16xi32>], vector<16xf32>,
      %broadcast_in_dim3A_592 = vector.broadcast %ge3A_579 : i1 to vector<16xi1>
      %select_n3A_593 = arith.select %broadcast_in_dim3A_592, %gather3A_587, %gather3A_573 : vector<16xi1>, vector<16xf32>
      %broadcast_in_dim3A_594 = vector.broadcast %ge3A_579 : i1 to vector<16xi1>
      %select_n3A_595 = arith.select %broadcast_in_dim3A_594, %gather3A_591, %gather3A_577 : vector<16xi1>, vector<16xf32>
      %mul3A_596 = arith.constant 16 : i32
      %mul3A_597 = arith.muli %scan3A_8, %mul3A_596 : i32
      %add3A_598 = arith.constant 0 : i32
      %add3A_599 = arith.addi %add3A_598, %mul3A_597 : i32
      %add3A_600 = arith.constant 5 : i32
      %add3A_601 = arith.addi %add3A_599, %add3A_600 : i32
      %mul3A_602 = arith.constant 32 : i32
      %mul3A_603 = arith.muli %add3A_601, %mul3A_602 : i32
      %swap3A_604 = arith.index_cast %mul3A_603 : i32 to index
      %swap3A_605 = tpu.vector_load %arg13[%swap3A_604] {strides = array<i32>} : memref<32768xf32, #tpu.memory_space<vmem>>, vector<16xf32>,
      tpu.vector_store %arg13[%swap3A_604], %select_n3A_593 {strides = array<i32>} : memref<32768xf32, #tpu.memory_space<vmem>>, vector<16xf32>,
      %mul3A_606 = arith.constant 32 : i32
      %mul3A_607 = arith.muli %add3A_601, %mul3A_606 : i32
      %add3A_608 = arith.constant 16 : i32
      %add3A_609 = arith.addi %mul3A_607, %add3A_608 : i32
      %swap3A_610 = arith.index_cast %add3A_609 : i32 to index
      %swap3A_611 = tpu.vector_load %arg13[%swap3A_610] {strides = array<i32>} : memref<32768xf32, #tpu.memory_space<vmem>>, vector<16xf32>,
      tpu.vector_store %arg13[%swap3A_610], %select_n3A_595 {strides = array<i32>} : memref<32768xf32, #tpu.memory_space<vmem>>, vector<16xf32>,
      %dma_wait3A_612 = arith.constant 1 : i32
      %dma_wait3A_613 = arith.constant 2 : i32
      %dma_wait3A_614 = arith.constant 0 : i32
      %dma_wait3A_615 = arith.constant 0 : i32
      %dma_wait3A_616 = tpu.memref_slice %arg12[%dma_wait3A_612, %dma_wait3A_613, %dma_wait3A_614, %dma_wait3A_615] : memref<2x4x32x128xf32, #tpu.memory_space<vmem>> -> memref<1x1x32x128xf32, #tpu.memory_space<vmem>>
      %dma_wait3A_617 = tpu.memref_squeeze %dma_wait3A_616 : memref<1x1x32x128xf32, #tpu.memory_space<vmem>> -> memref<32x128xf32, #tpu.memory_space<vmem>>
      %dma_wait3A_618 = arith.constant 0 : i32
      %dma_wait3A_619 = arith.constant 0 : i32
      %dma_wait3A_620 = tpu.memref_slice %arg5[%dma_wait3A_618, %dma_wait3A_619] : memref<32x1000000xf32, #tpu.memory_space<hbm>> -> memref<32x128xf32, #tpu.memory_space<hbm>>
      %dma_wait3A_621 = arith.constant 0 : i32
      %dma_wait3A_622 = arith.constant 0 : i32
      %dma_wait3A_623 = tpu.memref_slice %arg12[%dma_wait3A_612, %dma_wait3A_613, %dma_wait3A_621, %dma_wait3A_622] : memref<2x4x32x128xf32, #tpu.memory_space<vmem>> -> memref<1x1x32x128xf32, #tpu.memory_space<vmem>>
      %dma_wait3A_624 = tpu.memref_squeeze %dma_wait3A_623 : memref<1x1x32x128xf32, #tpu.memory_space<vmem>> -> memref<32x128xf32, #tpu.memory_space<vmem>>
      %dma_wait3A_625 = arith.constant 0 : i32
      %dma_wait3A_626 = arith.constant 0 : i32
      %dma_wait3A_627 = tpu.memref_slice %arg5[%dma_wait3A_625, %dma_wait3A_626] : memref<32x1000000xf32, #tpu.memory_space<hbm>> -> memref<32x128xf32, #tpu.memory_space<hbm>>
      tpu.wait_dma2 semaphore(%arg18 : memref<!tpu.dma_semaphore, #tpu.memory_space<semaphore_mem>>) src(%dma_wait3A_627 : memref<32x128xf32, #tpu.memory_space<hbm>>) dst(%dma_wait3A_624 : memref<32x128xf32, #tpu.memory_space<vmem>>)
      %slice3A_628 = vector.extract_strided_slice %get3A_11 {offsets = [6], sizes = [1], strides = [1]} : vector<16xi32> to vector<1xi32>
      %squeeze3A_629 = vector.extract %slice3A_628[0] : i32 from vector<1xi32>
      %slice3A_630 = vector.extract_strided_slice %min3A {offsets = [6], sizes = [1], strides = [1]} : vector<16xi32> to vector<1xi32>
      %squeeze3A_631 = vector.extract %slice3A_630[0] : i32 from vector<1xi32>
      %sub3A_632 = arith.subi %squeeze3A_629, %squeeze3A_631 : i32
      %min3A_633 = arith.constant 127 : i32
      %min3A_634 = arith.minsi %sub3A_632, %min3A_633 : i32
      %broadcast_in_dim3A_635 = vector.broadcast %min3A_634 : i32 to vector<16xi32>
      %broadcast_in_dim3A_636 = arith.constant 2 : i32
      %broadcast_in_dim3A_637 = vector.broadcast %broadcast_in_dim3A_636 : i32 to vector<16xi32>
      %gather3A_638 = tpu.vector_load_idx %arg12[%broadcast_in_dim3A_481, %broadcast_in_dim3A_637, %iota3A, %broadcast_in_dim3A_635] : memref<2x4x32x128xf32, #tpu.memory_space<vmem>>[vector<16xi32>, vector<16xi32>, vector<16xi32>, vector<16xi32>], vector<16xf32>,
      %add3A_639 = arith.constant 16 : i32
      %add3A_640 = vector.broadcast %add3A_639 : i32 to vector<16xi32>
      %add3A_641 = arith.addi %iota3A, %add3A_640 : vector<16xi32>
      %gather3A_642 = tpu.vector_load_idx %arg12[%broadcast_in_dim3A_481, %broadcast_in_dim3A_637, %add3A_641, %broadcast_in_dim3A_635] : memref<2x4x32x128xf32, #tpu.memory_space<vmem>>[vector<16xi32>, vector<16xi32>, vector<16xi32>, vector<16xi32>], vector<16xf32>,
      %ge3A_643 = arith.constant 999936 : i32
      %ge3A_644 = arith.cmpi sge, %squeeze3A_629, %ge3A_643 : i32
      %sub3A_645 = arith.constant 999936 : i32
      %sub3A_646 = arith.subi %squeeze3A_629, %sub3A_645 : i32
      %max3A_647 = arith.constant 0 : i32
      %max3A_648 = arith.maxsi %sub3A_646, %max3A_647 : i32
      %min3A_649 = arith.constant 63 : i32
      %min3A_650 = arith.minsi %max3A_648, %min3A_649 : i32
      %broadcast_in_dim3A_651 = vector.broadcast %min3A_650 : i32 to vector<16xi32>
      %gather3A_652 = tpu.vector_load_idx %arg15[%broadcast_in_dim3A_651, %iota3A] : memref<64x128xf32, #tpu.memory_space<vmem>>[vector<16xi32>, vector<16xi32>], vector<16xf32>,
      %add3A_653 = arith.constant 16 : i32
      %add3A_654 = vector.broadcast %add3A_653 : i32 to vector<16xi32>
      %add3A_655 = arith.addi %iota3A, %add3A_654 : vector<16xi32>
      %gather3A_656 = tpu.vector_load_idx %arg15[%broadcast_in_dim3A_651, %add3A_655] : memref<64x128xf32, #tpu.memory_space<vmem>>[vector<16xi32>, vector<16xi32>], vector<16xf32>,
      %broadcast_in_dim3A_657 = vector.broadcast %ge3A_644 : i1 to vector<16xi1>
      %select_n3A_658 = arith.select %broadcast_in_dim3A_657, %gather3A_652, %gather3A_638 : vector<16xi1>, vector<16xf32>
      %broadcast_in_dim3A_659 = vector.broadcast %ge3A_644 : i1 to vector<16xi1>
      %select_n3A_660 = arith.select %broadcast_in_dim3A_659, %gather3A_656, %gather3A_642 : vector<16xi1>, vector<16xf32>
      %mul3A_661 = arith.constant 16 : i32
      %mul3A_662 = arith.muli %scan3A_8, %mul3A_661 : i32
      %add3A_663 = arith.constant 0 : i32
      %add3A_664 = arith.addi %add3A_663, %mul3A_662 : i32
      %add3A_665 = arith.constant 6 : i32
      %add3A_666 = arith.addi %add3A_664, %add3A_665 : i32
      %mul3A_667 = arith.constant 32 : i32
      %mul3A_668 = arith.muli %add3A_666, %mul3A_667 : i32
      %swap3A_669 = arith.index_cast %mul3A_668 : i32 to index
      %swap3A_670 = tpu.vector_load %arg13[%swap3A_669] {strides = array<i32>} : memref<32768xf32, #tpu.memory_space<vmem>>, vector<16xf32>,
      tpu.vector_store %arg13[%swap3A_669], %select_n3A_658 {strides = array<i32>} : memref<32768xf32, #tpu.memory_space<vmem>>, vector<16xf32>,
      %mul3A_671 = arith.constant 32 : i32
      %mul3A_672 = arith.muli %add3A_666, %mul3A_671 : i32
      %add3A_673 = arith.constant 16 : i32
      %add3A_674 = arith.addi %mul3A_672, %add3A_673 : i32
      %swap3A_675 = arith.index_cast %add3A_674 : i32 to index
      %swap3A_676 = tpu.vector_load %arg13[%swap3A_675] {strides = array<i32>} : memref<32768xf32, #tpu.memory_space<vmem>>, vector<16xf32>,
      tpu.vector_store %arg13[%swap3A_675], %select_n3A_660 {strides = array<i32>} : memref<32768xf32, #tpu.memory_space<vmem>>, vector<16xf32>,
      %dma_wait3A_677 = arith.constant 1 : i32
      %dma_wait3A_678 = arith.constant 3 : i32
      %dma_wait3A_679 = arith.constant 0 : i32
      %dma_wait3A_680 = arith.constant 0 : i32
      %dma_wait3A_681 = tpu.memref_slice %arg12[%dma_wait3A_677, %dma_wait3A_678, %dma_wait3A_679, %dma_wait3A_680] : memref<2x4x32x128xf32, #tpu.memory_space<vmem>> -> memref<1x1x32x128xf32, #tpu.memory_space<vmem>>
      %dma_wait3A_682 = tpu.memref_squeeze %dma_wait3A_681 : memref<1x1x32x128xf32, #tpu.memory_space<vmem>> -> memref<32x128xf32, #tpu.memory_space<vmem>>
      %dma_wait3A_683 = arith.constant 0 : i32
      %dma_wait3A_684 = arith.constant 0 : i32
      %dma_wait3A_685 = tpu.memref_slice %arg5[%dma_wait3A_683, %dma_wait3A_684] : memref<32x1000000xf32, #tpu.memory_space<hbm>> -> memref<32x128xf32, #tpu.memory_space<hbm>>
      %dma_wait3A_686 = arith.constant 0 : i32
      %dma_wait3A_687 = arith.constant 0 : i32
      %dma_wait3A_688 = tpu.memref_slice %arg12[%dma_wait3A_677, %dma_wait3A_678, %dma_wait3A_686, %dma_wait3A_687] : memref<2x4x32x128xf32, #tpu.memory_space<vmem>> -> memref<1x1x32x128xf32, #tpu.memory_space<vmem>>
      %dma_wait3A_689 = tpu.memref_squeeze %dma_wait3A_688 : memref<1x1x32x128xf32, #tpu.memory_space<vmem>> -> memref<32x128xf32, #tpu.memory_space<vmem>>
      %dma_wait3A_690 = arith.constant 0 : i32
      %dma_wait3A_691 = arith.constant 0 : i32
      %dma_wait3A_692 = tpu.memref_slice %arg5[%dma_wait3A_690, %dma_wait3A_691] : memref<32x1000000xf32, #tpu.memory_space<hbm>> -> memref<32x128xf32, #tpu.memory_space<hbm>>
      tpu.wait_dma2 semaphore(%arg18 : memref<!tpu.dma_semaphore, #tpu.memory_space<semaphore_mem>>) src(%dma_wait3A_692 : memref<32x128xf32, #tpu.memory_space<hbm>>) dst(%dma_wait3A_689 : memref<32x128xf32, #tpu.memory_space<vmem>>)
      %slice3A_693 = vector.extract_strided_slice %get3A_11 {offsets = [7], sizes = [1], strides = [1]} : vector<16xi32> to vector<1xi32>
      %squeeze3A_694 = vector.extract %slice3A_693[0] : i32 from vector<1xi32>
      %slice3A_695 = vector.extract_strided_slice %min3A {offsets = [7], sizes = [1], strides = [1]} : vector<16xi32> to vector<1xi32>
      %squeeze3A_696 = vector.extract %slice3A_695[0] : i32 from vector<1xi32>
      %sub3A_697 = arith.subi %squeeze3A_694, %squeeze3A_696 : i32
      %min3A_698 = arith.constant 127 : i32
      %min3A_699 = arith.minsi %sub3A_697, %min3A_698 : i32
      %broadcast_in_dim3A_700 = vector.broadcast %min3A_699 : i32 to vector<16xi32>
      %broadcast_in_dim3A_701 = arith.constant 3 : i32
      %broadcast_in_dim3A_702 = vector.broadcast %broadcast_in_dim3A_701 : i32 to vector<16xi32>
      %gather3A_703 = tpu.vector_load_idx %arg12[%broadcast_in_dim3A_481, %broadcast_in_dim3A_702, %iota3A, %broadcast_in_dim3A_700] : memref<2x4x32x128xf32, #tpu.memory_space<vmem>>[vector<16xi32>, vector<16xi32>, vector<16xi32>, vector<16xi32>], vector<16xf32>,
      %add3A_704 = arith.constant 16 : i32
      %add3A_705 = vector.broadcast %add3A_704 : i32 to vector<16xi32>
      %add3A_706 = arith.addi %iota3A, %add3A_705 : vector<16xi32>
      %gather3A_707 = tpu.vector_load_idx %arg12[%broadcast_in_dim3A_481, %broadcast_in_dim3A_702, %add3A_706, %broadcast_in_dim3A_700] : memref<2x4x32x128xf32, #tpu.memory_space<vmem>>[vector<16xi32>, vector<16xi32>, vector<16xi32>, vector<16xi32>], vector<16xf32>,
      %ge3A_708 = arith.constant 999936 : i32
      %ge3A_709 = arith.cmpi sge, %squeeze3A_694, %ge3A_708 : i32
      %sub3A_710 = arith.constant 999936 : i32
      %sub3A_711 = arith.subi %squeeze3A_694, %sub3A_710 : i32
      %max3A_712 = arith.constant 0 : i32
      %max3A_713 = arith.maxsi %sub3A_711, %max3A_712 : i32
      %min3A_714 = arith.constant 63 : i32
      %min3A_715 = arith.minsi %max3A_713, %min3A_714 : i32
      %broadcast_in_dim3A_716 = vector.broadcast %min3A_715 : i32 to vector<16xi32>
      %gather3A_717 = tpu.vector_load_idx %arg15[%broadcast_in_dim3A_716, %iota3A] : memref<64x128xf32, #tpu.memory_space<vmem>>[vector<16xi32>, vector<16xi32>], vector<16xf32>,
      %add3A_718 = arith.constant 16 : i32
      %add3A_719 = vector.broadcast %add3A_718 : i32 to vector<16xi32>
      %add3A_720 = arith.addi %iota3A, %add3A_719 : vector<16xi32>
      %gather3A_721 = tpu.vector_load_idx %arg15[%broadcast_in_dim3A_716, %add3A_720] : memref<64x128xf32, #tpu.memory_space<vmem>>[vector<16xi32>, vector<16xi32>], vector<16xf32>,
      %broadcast_in_dim3A_722 = vector.broadcast %ge3A_709 : i1 to vector<16xi1>
      %select_n3A_723 = arith.select %broadcast_in_dim3A_722, %gather3A_717, %gather3A_703 : vector<16xi1>, vector<16xf32>
      %broadcast_in_dim3A_724 = vector.broadcast %ge3A_709 : i1 to vector<16xi1>
      %select_n3A_725 = arith.select %broadcast_in_dim3A_724, %gather3A_721, %gather3A_707 : vector<16xi1>, vector<16xf32>
      %mul3A_726 = arith.constant 16 : i32
      %mul3A_727 = arith.muli %scan3A_8, %mul3A_726 : i32
      %add3A_728 = arith.constant 0 : i32
      %add3A_729 = arith.addi %add3A_728, %mul3A_727 : i32
      %add3A_730 = arith.constant 7 : i32
      %add3A_731 = arith.addi %add3A_729, %add3A_730 : i32
      %mul3A_732 = arith.constant 32 : i32
      %mul3A_733 = arith.muli %add3A_731, %mul3A_732 : i32
      %swap3A_734 = arith.index_cast %mul3A_733 : i32 to index
      %swap3A_735 = tpu.vector_load %arg13[%swap3A_734] {strides = array<i32>} : memref<32768xf32, #tpu.memory_space<vmem>>, vector<16xf32>,
      tpu.vector_store %arg13[%swap3A_734], %select_n3A_723 {strides = array<i32>} : memref<32768xf32, #tpu.memory_space<vmem>>, vector<16xf32>,
      %mul3A_736 = arith.constant 32 : i32
      %mul3A_737 = arith.muli %add3A_731, %mul3A_736 : i32
      %add3A_738 = arith.constant 16 : i32
      %add3A_739 = arith.addi %mul3A_737, %add3A_738 : i32
      %swap3A_740 = arith.index_cast %add3A_739 : i32 to index
      %swap3A_741 = tpu.vector_load %arg13[%swap3A_740] {strides = array<i32>} : memref<32768xf32, #tpu.memory_space<vmem>>, vector<16xf32>,
      tpu.vector_store %arg13[%swap3A_740], %select_n3A_725 {strides = array<i32>} : memref<32768xf32, #tpu.memory_space<vmem>>, vector<16xf32>,
      %slice3A_742 = vector.extract_strided_slice %min3A {offsets = [12], sizes = [1], strides = [1]} : vector<16xi32> to vector<1xi32>
      %squeeze3A_743 = vector.extract %slice3A_742[0] : i32 from vector<1xi32>
      %multiple_of3A_744 = tpu.assume_multiple %squeeze3A_743, 128 : i32
      %dma_start3A_745 = arith.constant 1 : i32
      %dma_start3A_746 = arith.constant 0 : i32
      %dma_start3A_747 = arith.constant 0 : i32
      %dma_start3A_748 = arith.constant 0 : i32
      %dma_start3A_749 = tpu.memref_slice %arg12[%dma_start3A_745, %dma_start3A_746, %dma_start3A_747, %dma_start3A_748] : memref<2x4x32x128xf32, #tpu.memory_space<vmem>> -> memref<1x1x32x128xf32, #tpu.memory_space<vmem>>
      %dma_start3A_750 = tpu.memref_squeeze %dma_start3A_749 : memref<1x1x32x128xf32, #tpu.memory_space<vmem>> -> memref<32x128xf32, #tpu.memory_space<vmem>>
      %dma_start3A_751 = arith.constant 0 : i32
      %dma_start3A_752 = tpu.memref_slice %arg5[%dma_start3A_751, %multiple_of3A_744] : memref<32x1000000xf32, #tpu.memory_space<hbm>> -> memref<32x128xf32, #tpu.memory_space<hbm>>
      %dma_start3A_753 = arith.constant 0 : i32
      %dma_start3A_754 = arith.constant 0 : i32
      %dma_start3A_755 = tpu.memref_slice %arg12[%dma_start3A_745, %dma_start3A_746, %dma_start3A_753, %dma_start3A_754] : memref<2x4x32x128xf32, #tpu.memory_space<vmem>> -> memref<1x1x32x128xf32, #tpu.memory_space<vmem>>
      %dma_start3A_756 = tpu.memref_squeeze %dma_start3A_755 : memref<1x1x32x128xf32, #tpu.memory_space<vmem>> -> memref<32x128xf32, #tpu.memory_space<vmem>>
      %dma_start3A_757 = arith.constant 0 : i32
      %dma_start3A_758 = tpu.memref_slice %arg5[%dma_start3A_757, %multiple_of3A_744] : memref<32x1000000xf32, #tpu.memory_space<hbm>> -> memref<32x128xf32, #tpu.memory_space<hbm>>
      tpu.enqueue_dma source(%dma_start3A_758 : memref<32x128xf32, #tpu.memory_space<hbm>>) target(%dma_start3A_756 : memref<32x128xf32, #tpu.memory_space<vmem>>) target_semaphore(%arg18 : memref<!tpu.dma_semaphore, #tpu.memory_space<semaphore_mem>>)
      %slice3A_759 = vector.extract_strided_slice %min3A {offsets = [13], sizes = [1], strides = [1]} : vector<16xi32> to vector<1xi32>
      %squeeze3A_760 = vector.extract %slice3A_759[0] : i32 from vector<1xi32>
      %multiple_of3A_761 = tpu.assume_multiple %squeeze3A_760, 128 : i32
      %dma_start3A_762 = arith.constant 1 : i32
      %dma_start3A_763 = arith.constant 1 : i32
      %dma_start3A_764 = arith.constant 0 : i32
      %dma_start3A_765 = arith.constant 0 : i32
      %dma_start3A_766 = tpu.memref_slice %arg12[%dma_start3A_762, %dma_start3A_763, %dma_start3A_764, %dma_start3A_765] : memref<2x4x32x128xf32, #tpu.memory_space<vmem>> -> memref<1x1x32x128xf32, #tpu.memory_space<vmem>>
      %dma_start3A_767 = tpu.memref_squeeze %dma_start3A_766 : memref<1x1x32x128xf32, #tpu.memory_space<vmem>> -> memref<32x128xf32, #tpu.memory_space<vmem>>
      %dma_start3A_768 = arith.constant 0 : i32
      %dma_start3A_769 = tpu.memref_slice %arg5[%dma_start3A_768, %multiple_of3A_761] : memref<32x1000000xf32, #tpu.memory_space<hbm>> -> memref<32x128xf32, #tpu.memory_space<hbm>>
      %dma_start3A_770 = arith.constant 0 : i32
      %dma_start3A_771 = arith.constant 0 : i32
      %dma_start3A_772 = tpu.memref_slice %arg12[%dma_start3A_762, %dma_start3A_763, %dma_start3A_770, %dma_start3A_771] : memref<2x4x32x128xf32, #tpu.memory_space<vmem>> -> memref<1x1x32x128xf32, #tpu.memory_space<vmem>>
      %dma_start3A_773 = tpu.memref_squeeze %dma_start3A_772 : memref<1x1x32x128xf32, #tpu.memory_space<vmem>> -> memref<32x128xf32, #tpu.memory_space<vmem>>
      %dma_start3A_774 = arith.constant 0 : i32
      %dma_start3A_775 = tpu.memref_slice %arg5[%dma_start3A_774, %multiple_of3A_761] : memref<32x1000000xf32, #tpu.memory_space<hbm>> -> memref<32x128xf32, #tpu.memory_space<hbm>>
      tpu.enqueue_dma source(%dma_start3A_775 : memref<32x128xf32, #tpu.memory_space<hbm>>) target(%dma_start3A_773 : memref<32x128xf32, #tpu.memory_space<vmem>>) target_semaphore(%arg18 : memref<!tpu.dma_semaphore, #tpu.memory_space<semaphore_mem>>)
      %slice3A_776 = vector.extract_strided_slice %min3A {offsets = [14], sizes = [1], strides = [1]} : vector<16xi32> to vector<1xi32>
      %squeeze3A_777 = vector.extract %slice3A_776[0] : i32 from vector<1xi32>
      %multiple_of3A_778 = tpu.assume_multiple %squeeze3A_777, 128 : i32
      %dma_start3A_779 = arith.constant 1 : i32
      %dma_start3A_780 = arith.constant 2 : i32
      %dma_start3A_781 = arith.constant 0 : i32
      %dma_start3A_782 = arith.constant 0 : i32
      %dma_start3A_783 = tpu.memref_slice %arg12[%dma_start3A_779, %dma_start3A_780, %dma_start3A_781, %dma_start3A_782] : memref<2x4x32x128xf32, #tpu.memory_space<vmem>> -> memref<1x1x32x128xf32, #tpu.memory_space<vmem>>
      %dma_start3A_784 = tpu.memref_squeeze %dma_start3A_783 : memref<1x1x32x128xf32, #tpu.memory_space<vmem>> -> memref<32x128xf32, #tpu.memory_space<vmem>>
      %dma_start3A_785 = arith.constant 0 : i32
      %dma_start3A_786 = tpu.memref_slice %arg5[%dma_start3A_785, %multiple_of3A_778] : memref<32x1000000xf32, #tpu.memory_space<hbm>> -> memref<32x128xf32, #tpu.memory_space<hbm>>
      %dma_start3A_787 = arith.constant 0 : i32
      %dma_start3A_788 = arith.constant 0 : i32
      %dma_start3A_789 = tpu.memref_slice %arg12[%dma_start3A_779, %dma_start3A_780, %dma_start3A_787, %dma_start3A_788] : memref<2x4x32x128xf32, #tpu.memory_space<vmem>> -> memref<1x1x32x128xf32, #tpu.memory_space<vmem>>
      %dma_start3A_790 = tpu.memref_squeeze %dma_start3A_789 : memref<1x1x32x128xf32, #tpu.memory_space<vmem>> -> memref<32x128xf32, #tpu.memory_space<vmem>>
      %dma_start3A_791 = arith.constant 0 : i32
      %dma_start3A_792 = tpu.memref_slice %arg5[%dma_start3A_791, %multiple_of3A_778] : memref<32x1000000xf32, #tpu.memory_space<hbm>> -> memref<32x128xf32, #tpu.memory_space<hbm>>
      tpu.enqueue_dma source(%dma_start3A_792 : memref<32x128xf32, #tpu.memory_space<hbm>>) target(%dma_start3A_790 : memref<32x128xf32, #tpu.memory_space<vmem>>) target_semaphore(%arg18 : memref<!tpu.dma_semaphore, #tpu.memory_space<semaphore_mem>>)
      %slice3A_793 = vector.extract_strided_slice %min3A {offsets = [15], sizes = [1], strides = [1]} : vector<16xi32> to vector<1xi32>
      %squeeze3A_794 = vector.extract %slice3A_793[0] : i32 from vector<1xi32>
      %multiple_of3A_795 = tpu.assume_multiple %squeeze3A_794, 128 : i32
      %dma_start3A_796 = arith.constant 1 : i32
      %dma_start3A_797 = arith.constant 3 : i32
      %dma_start3A_798 = arith.constant 0 : i32
      %dma_start3A_799 = arith.constant 0 : i32
      %dma_start3A_800 = tpu.memref_slice %arg12[%dma_start3A_796, %dma_start3A_797, %dma_start3A_798, %dma_start3A_799] : memref<2x4x32x128xf32, #tpu.memory_space<vmem>> -> memref<1x1x32x128xf32, #tpu.memory_space<vmem>>
      %dma_start3A_801 = tpu.memref_squeeze %dma_start3A_800 : memref<1x1x32x128xf32, #tpu.memory_space<vmem>> -> memref<32x128xf32, #tpu.memory_space<vmem>>
      %dma_start3A_802 = arith.constant 0 : i32
      %dma_start3A_803 = tpu.memref_slice %arg5[%dma_start3A_802, %multiple_of3A_795] : memref<32x1000000xf32, #tpu.memory_space<hbm>> -> memref<32x128xf32, #tpu.memory_space<hbm>>
      %dma_start3A_804 = arith.constant 0 : i32
      %dma_start3A_805 = arith.constant 0 : i32
      %dma_start3A_806 = tpu.memref_slice %arg12[%dma_start3A_796, %dma_start3A_797, %dma_start3A_804, %dma_start3A_805] : memref<2x4x32x128xf32, #tpu.memory_space<vmem>> -> memref<1x1x32x128xf32, #tpu.memory_space<vmem>>
      %dma_start3A_807 = tpu.memref_squeeze %dma_start3A_806 : memref<1x1x32x128xf32, #tpu.memory_space<vmem>> -> memref<32x128xf32, #tpu.memory_space<vmem>>
      %dma_start3A_808 = arith.constant 0 : i32
      %dma_start3A_809 = tpu.memref_slice %arg5[%dma_start3A_808, %multiple_of3A_795] : memref<32x1000000xf32, #tpu.memory_space<hbm>> -> memref<32x128xf32, #tpu.memory_space<hbm>>
      tpu.enqueue_dma source(%dma_start3A_809 : memref<32x128xf32, #tpu.memory_space<hbm>>) target(%dma_start3A_807 : memref<32x128xf32, #tpu.memory_space<vmem>>) target_semaphore(%arg18 : memref<!tpu.dma_semaphore, #tpu.memory_space<semaphore_mem>>)
      %broadcast_in_dim3A_810 = arith.constant 0 : i32
      %broadcast_in_dim3A_811 = vector.broadcast %broadcast_in_dim3A_810 : i32 to vector<16xi32>
      %dma_wait3A_812 = arith.constant 0 : i32
      %dma_wait3A_813 = arith.constant 0 : i32
      %dma_wait3A_814 = arith.constant 0 : i32
      %dma_wait3A_815 = arith.constant 0 : i32
      %dma_wait3A_816 = tpu.memref_slice %arg12[%dma_wait3A_812, %dma_wait3A_813, %dma_wait3A_814, %dma_wait3A_815] : memref<2x4x32x128xf32, #tpu.memory_space<vmem>> -> memref<1x1x32x128xf32, #tpu.memory_space<vmem>>
      %dma_wait3A_817 = tpu.memref_squeeze %dma_wait3A_816 : memref<1x1x32x128xf32, #tpu.memory_space<vmem>> -> memref<32x128xf32, #tpu.memory_space<vmem>>
      %dma_wait3A_818 = arith.constant 0 : i32
      %dma_wait3A_819 = arith.constant 0 : i32
      %dma_wait3A_820 = tpu.memref_slice %arg5[%dma_wait3A_818, %dma_wait3A_819] : memref<32x1000000xf32, #tpu.memory_space<hbm>> -> memref<32x128xf32, #tpu.memory_space<hbm>>
      %dma_wait3A_821 = arith.constant 0 : i32
      %dma_wait3A_822 = arith.constant 0 : i32
      %dma_wait3A_823 = tpu.memref_slice %arg12[%dma_wait3A_812, %dma_wait3A_813, %dma_wait3A_821, %dma_wait3A_822] : memref<2x4x32x128xf32, #tpu.memory_space<vmem>> -> memref<1x1x32x128xf32, #tpu.memory_space<vmem>>
      %dma_wait3A_824 = tpu.memref_squeeze %dma_wait3A_823 : memref<1x1x32x128xf32, #tpu.memory_space<vmem>> -> memref<32x128xf32, #tpu.memory_space<vmem>>
      %dma_wait3A_825 = arith.constant 0 : i32
      %dma_wait3A_826 = arith.constant 0 : i32
      %dma_wait3A_827 = tpu.memref_slice %arg5[%dma_wait3A_825, %dma_wait3A_826] : memref<32x1000000xf32, #tpu.memory_space<hbm>> -> memref<32x128xf32, #tpu.memory_space<hbm>>
      tpu.wait_dma2 semaphore(%arg17 : memref<!tpu.dma_semaphore, #tpu.memory_space<semaphore_mem>>) src(%dma_wait3A_827 : memref<32x128xf32, #tpu.memory_space<hbm>>) dst(%dma_wait3A_824 : memref<32x128xf32, #tpu.memory_space<vmem>>)
      %slice3A_828 = vector.extract_strided_slice %get3A_11 {offsets = [8], sizes = [1], strides = [1]} : vector<16xi32> to vector<1xi32>
      %squeeze3A_829 = vector.extract %slice3A_828[0] : i32 from vector<1xi32>
      %slice3A_830 = vector.extract_strided_slice %min3A {offsets = [8], sizes = [1], strides = [1]} : vector<16xi32> to vector<1xi32>
      %squeeze3A_831 = vector.extract %slice3A_830[0] : i32 from vector<1xi32>
      %sub3A_832 = arith.subi %squeeze3A_829, %squeeze3A_831 : i32
      %min3A_833 = arith.constant 127 : i32
      %min3A_834 = arith.minsi %sub3A_832, %min3A_833 : i32
      %broadcast_in_dim3A_835 = vector.broadcast %min3A_834 : i32 to vector<16xi32>
      %broadcast_in_dim3A_836 = arith.constant 0 : i32
      %broadcast_in_dim3A_837 = vector.broadcast %broadcast_in_dim3A_836 : i32 to vector<16xi32>
      %gather3A_838 = tpu.vector_load_idx %arg12[%broadcast_in_dim3A_811, %broadcast_in_dim3A_837, %iota3A, %broadcast_in_dim3A_835] : memref<2x4x32x128xf32, #tpu.memory_space<vmem>>[vector<16xi32>, vector<16xi32>, vector<16xi32>, vector<16xi32>], vector<16xf32>,
      %add3A_839 = arith.constant 16 : i32
      %add3A_840 = vector.broadcast %add3A_839 : i32 to vector<16xi32>
      %add3A_841 = arith.addi %iota3A, %add3A_840 : vector<16xi32>
      %gather3A_842 = tpu.vector_load_idx %arg12[%broadcast_in_dim3A_811, %broadcast_in_dim3A_837, %add3A_841, %broadcast_in_dim3A_835] : memref<2x4x32x128xf32, #tpu.memory_space<vmem>>[vector<16xi32>, vector<16xi32>, vector<16xi32>, vector<16xi32>], vector<16xf32>,
      %ge3A_843 = arith.constant 999936 : i32
      %ge3A_844 = arith.cmpi sge, %squeeze3A_829, %ge3A_843 : i32
      %sub3A_845 = arith.constant 999936 : i32
      %sub3A_846 = arith.subi %squeeze3A_829, %sub3A_845 : i32
      %max3A_847 = arith.constant 0 : i32
      %max3A_848 = arith.maxsi %sub3A_846, %max3A_847 : i32
      %min3A_849 = arith.constant 63 : i32
      %min3A_850 = arith.minsi %max3A_848, %min3A_849 : i32
      %broadcast_in_dim3A_851 = vector.broadcast %min3A_850 : i32 to vector<16xi32>
      %gather3A_852 = tpu.vector_load_idx %arg15[%broadcast_in_dim3A_851, %iota3A] : memref<64x128xf32, #tpu.memory_space<vmem>>[vector<16xi32>, vector<16xi32>], vector<16xf32>,
      %add3A_853 = arith.constant 16 : i32
      %add3A_854 = vector.broadcast %add3A_853 : i32 to vector<16xi32>
      %add3A_855 = arith.addi %iota3A, %add3A_854 : vector<16xi32>
      %gather3A_856 = tpu.vector_load_idx %arg15[%broadcast_in_dim3A_851, %add3A_855] : memref<64x128xf32, #tpu.memory_space<vmem>>[vector<16xi32>, vector<16xi32>], vector<16xf32>,
      %broadcast_in_dim3A_857 = vector.broadcast %ge3A_844 : i1 to vector<16xi1>
      %select_n3A_858 = arith.select %broadcast_in_dim3A_857, %gather3A_852, %gather3A_838 : vector<16xi1>, vector<16xf32>
      %broadcast_in_dim3A_859 = vector.broadcast %ge3A_844 : i1 to vector<16xi1>
      %select_n3A_860 = arith.select %broadcast_in_dim3A_859, %gather3A_856, %gather3A_842 : vector<16xi1>, vector<16xf32>
      %mul3A_861 = arith.constant 16 : i32
      %mul3A_862 = arith.muli %scan3A_8, %mul3A_861 : i32
      %add3A_863 = arith.constant 0 : i32
      %add3A_864 = arith.addi %add3A_863, %mul3A_862 : i32
      %add3A_865 = arith.constant 8 : i32
      %add3A_866 = arith.addi %add3A_864, %add3A_865 : i32
      %mul3A_867 = arith.constant 32 : i32
      %mul3A_868 = arith.muli %add3A_866, %mul3A_867 : i32
      %swap3A_869 = arith.index_cast %mul3A_868 : i32 to index
      %swap3A_870 = tpu.vector_load %arg13[%swap3A_869] {strides = array<i32>} : memref<32768xf32, #tpu.memory_space<vmem>>, vector<16xf32>,
      tpu.vector_store %arg13[%swap3A_869], %select_n3A_858 {strides = array<i32>} : memref<32768xf32, #tpu.memory_space<vmem>>, vector<16xf32>,
      %mul3A_871 = arith.constant 32 : i32
      %mul3A_872 = arith.muli %add3A_866, %mul3A_871 : i32
      %add3A_873 = arith.constant 16 : i32
      %add3A_874 = arith.addi %mul3A_872, %add3A_873 : i32
      %swap3A_875 = arith.index_cast %add3A_874 : i32 to index
      %swap3A_876 = tpu.vector_load %arg13[%swap3A_875] {strides = array<i32>} : memref<32768xf32, #tpu.memory_space<vmem>>, vector<16xf32>,
      tpu.vector_store %arg13[%swap3A_875], %select_n3A_860 {strides = array<i32>} : memref<32768xf32, #tpu.memory_space<vmem>>, vector<16xf32>,
      %dma_wait3A_877 = arith.constant 0 : i32
      %dma_wait3A_878 = arith.constant 1 : i32
      %dma_wait3A_879 = arith.constant 0 : i32
      %dma_wait3A_880 = arith.constant 0 : i32
      %dma_wait3A_881 = tpu.memref_slice %arg12[%dma_wait3A_877, %dma_wait3A_878, %dma_wait3A_879, %dma_wait3A_880] : memref<2x4x32x128xf32, #tpu.memory_space<vmem>> -> memref<1x1x32x128xf32, #tpu.memory_space<vmem>>
      %dma_wait3A_882 = tpu.memref_squeeze %dma_wait3A_881 : memref<1x1x32x128xf32, #tpu.memory_space<vmem>> -> memref<32x128xf32, #tpu.memory_space<vmem>>
      %dma_wait3A_883 = arith.constant 0 : i32
      %dma_wait3A_884 = arith.constant 0 : i32
      %dma_wait3A_885 = tpu.memref_slice %arg5[%dma_wait3A_883, %dma_wait3A_884] : memref<32x1000000xf32, #tpu.memory_space<hbm>> -> memref<32x128xf32, #tpu.memory_space<hbm>>
      %dma_wait3A_886 = arith.constant 0 : i32
      %dma_wait3A_887 = arith.constant 0 : i32
      %dma_wait3A_888 = tpu.memref_slice %arg12[%dma_wait3A_877, %dma_wait3A_878, %dma_wait3A_886, %dma_wait3A_887] : memref<2x4x32x128xf32, #tpu.memory_space<vmem>> -> memref<1x1x32x128xf32, #tpu.memory_space<vmem>>
      %dma_wait3A_889 = tpu.memref_squeeze %dma_wait3A_888 : memref<1x1x32x128xf32, #tpu.memory_space<vmem>> -> memref<32x128xf32, #tpu.memory_space<vmem>>
      %dma_wait3A_890 = arith.constant 0 : i32
      %dma_wait3A_891 = arith.constant 0 : i32
      %dma_wait3A_892 = tpu.memref_slice %arg5[%dma_wait3A_890, %dma_wait3A_891] : memref<32x1000000xf32, #tpu.memory_space<hbm>> -> memref<32x128xf32, #tpu.memory_space<hbm>>
      tpu.wait_dma2 semaphore(%arg17 : memref<!tpu.dma_semaphore, #tpu.memory_space<semaphore_mem>>) src(%dma_wait3A_892 : memref<32x128xf32, #tpu.memory_space<hbm>>) dst(%dma_wait3A_889 : memref<32x128xf32, #tpu.memory_space<vmem>>)
      %slice3A_893 = vector.extract_strided_slice %get3A_11 {offsets = [9], sizes = [1], strides = [1]} : vector<16xi32> to vector<1xi32>
      %squeeze3A_894 = vector.extract %slice3A_893[0] : i32 from vector<1xi32>
      %slice3A_895 = vector.extract_strided_slice %min3A {offsets = [9], sizes = [1], strides = [1]} : vector<16xi32> to vector<1xi32>
      %squeeze3A_896 = vector.extract %slice3A_895[0] : i32 from vector<1xi32>
      %sub3A_897 = arith.subi %squeeze3A_894, %squeeze3A_896 : i32
      %min3A_898 = arith.constant 127 : i32
      %min3A_899 = arith.minsi %sub3A_897, %min3A_898 : i32
      %broadcast_in_dim3A_900 = vector.broadcast %min3A_899 : i32 to vector<16xi32>
      %broadcast_in_dim3A_901 = arith.constant 1 : i32
      %broadcast_in_dim3A_902 = vector.broadcast %broadcast_in_dim3A_901 : i32 to vector<16xi32>
      %gather3A_903 = tpu.vector_load_idx %arg12[%broadcast_in_dim3A_811, %broadcast_in_dim3A_902, %iota3A, %broadcast_in_dim3A_900] : memref<2x4x32x128xf32, #tpu.memory_space<vmem>>[vector<16xi32>, vector<16xi32>, vector<16xi32>, vector<16xi32>], vector<16xf32>,
      %add3A_904 = arith.constant 16 : i32
      %add3A_905 = vector.broadcast %add3A_904 : i32 to vector<16xi32>
      %add3A_906 = arith.addi %iota3A, %add3A_905 : vector<16xi32>
      %gather3A_907 = tpu.vector_load_idx %arg12[%broadcast_in_dim3A_811, %broadcast_in_dim3A_902, %add3A_906, %broadcast_in_dim3A_900] : memref<2x4x32x128xf32, #tpu.memory_space<vmem>>[vector<16xi32>, vector<16xi32>, vector<16xi32>, vector<16xi32>], vector<16xf32>,
      %ge3A_908 = arith.constant 999936 : i32
      %ge3A_909 = arith.cmpi sge, %squeeze3A_894, %ge3A_908 : i32
      %sub3A_910 = arith.constant 999936 : i32
      %sub3A_911 = arith.subi %squeeze3A_894, %sub3A_910 : i32
      %max3A_912 = arith.constant 0 : i32
      %max3A_913 = arith.maxsi %sub3A_911, %max3A_912 : i32
      %min3A_914 = arith.constant 63 : i32
      %min3A_915 = arith.minsi %max3A_913, %min3A_914 : i32
      %broadcast_in_dim3A_916 = vector.broadcast %min3A_915 : i32 to vector<16xi32>
      %gather3A_917 = tpu.vector_load_idx %arg15[%broadcast_in_dim3A_916, %iota3A] : memref<64x128xf32, #tpu.memory_space<vmem>>[vector<16xi32>, vector<16xi32>], vector<16xf32>,
      %add3A_918 = arith.constant 16 : i32
      %add3A_919 = vector.broadcast %add3A_918 : i32 to vector<16xi32>
      %add3A_920 = arith.addi %iota3A, %add3A_919 : vector<16xi32>
      %gather3A_921 = tpu.vector_load_idx %arg15[%broadcast_in_dim3A_916, %add3A_920] : memref<64x128xf32, #tpu.memory_space<vmem>>[vector<16xi32>, vector<16xi32>], vector<16xf32>,
      %broadcast_in_dim3A_922 = vector.broadcast %ge3A_909 : i1 to vector<16xi1>
      %select_n3A_923 = arith.select %broadcast_in_dim3A_922, %gather3A_917, %gather3A_903 : vector<16xi1>, vector<16xf32>
      %broadcast_in_dim3A_924 = vector.broadcast %ge3A_909 : i1 to vector<16xi1>
      %select_n3A_925 = arith.select %broadcast_in_dim3A_924, %gather3A_921, %gather3A_907 : vector<16xi1>, vector<16xf32>
      %mul3A_926 = arith.constant 16 : i32
      %mul3A_927 = arith.muli %scan3A_8, %mul3A_926 : i32
      %add3A_928 = arith.constant 0 : i32
      %add3A_929 = arith.addi %add3A_928, %mul3A_927 : i32
      %add3A_930 = arith.constant 9 : i32
      %add3A_931 = arith.addi %add3A_929, %add3A_930 : i32
      %mul3A_932 = arith.constant 32 : i32
      %mul3A_933 = arith.muli %add3A_931, %mul3A_932 : i32
      %swap3A_934 = arith.index_cast %mul3A_933 : i32 to index
      %swap3A_935 = tpu.vector_load %arg13[%swap3A_934] {strides = array<i32>} : memref<32768xf32, #tpu.memory_space<vmem>>, vector<16xf32>,
      tpu.vector_store %arg13[%swap3A_934], %select_n3A_923 {strides = array<i32>} : memref<32768xf32, #tpu.memory_space<vmem>>, vector<16xf32>,
      %mul3A_936 = arith.constant 32 : i32
      %mul3A_937 = arith.muli %add3A_931, %mul3A_936 : i32
      %add3A_938 = arith.constant 16 : i32
      %add3A_939 = arith.addi %mul3A_937, %add3A_938 : i32
      %swap3A_940 = arith.index_cast %add3A_939 : i32 to index
      %swap3A_941 = tpu.vector_load %arg13[%swap3A_940] {strides = array<i32>} : memref<32768xf32, #tpu.memory_space<vmem>>, vector<16xf32>,
      tpu.vector_store %arg13[%swap3A_940], %select_n3A_925 {strides = array<i32>} : memref<32768xf32, #tpu.memory_space<vmem>>, vector<16xf32>,
      %dma_wait3A_942 = arith.constant 0 : i32
      %dma_wait3A_943 = arith.constant 2 : i32
      %dma_wait3A_944 = arith.constant 0 : i32
      %dma_wait3A_945 = arith.constant 0 : i32
      %dma_wait3A_946 = tpu.memref_slice %arg12[%dma_wait3A_942, %dma_wait3A_943, %dma_wait3A_944, %dma_wait3A_945] : memref<2x4x32x128xf32, #tpu.memory_space<vmem>> -> memref<1x1x32x128xf32, #tpu.memory_space<vmem>>
      %dma_wait3A_947 = tpu.memref_squeeze %dma_wait3A_946 : memref<1x1x32x128xf32, #tpu.memory_space<vmem>> -> memref<32x128xf32, #tpu.memory_space<vmem>>
      %dma_wait3A_948 = arith.constant 0 : i32
      %dma_wait3A_949 = arith.constant 0 : i32
      %dma_wait3A_950 = tpu.memref_slice %arg5[%dma_wait3A_948, %dma_wait3A_949] : memref<32x1000000xf32, #tpu.memory_space<hbm>> -> memref<32x128xf32, #tpu.memory_space<hbm>>
      %dma_wait3A_951 = arith.constant 0 : i32
      %dma_wait3A_952 = arith.constant 0 : i32
      %dma_wait3A_953 = tpu.memref_slice %arg12[%dma_wait3A_942, %dma_wait3A_943, %dma_wait3A_951, %dma_wait3A_952] : memref<2x4x32x128xf32, #tpu.memory_space<vmem>> -> memref<1x1x32x128xf32, #tpu.memory_space<vmem>>
      %dma_wait3A_954 = tpu.memref_squeeze %dma_wait3A_953 : memref<1x1x32x128xf32, #tpu.memory_space<vmem>> -> memref<32x128xf32, #tpu.memory_space<vmem>>
      %dma_wait3A_955 = arith.constant 0 : i32
      %dma_wait3A_956 = arith.constant 0 : i32
      %dma_wait3A_957 = tpu.memref_slice %arg5[%dma_wait3A_955, %dma_wait3A_956] : memref<32x1000000xf32, #tpu.memory_space<hbm>> -> memref<32x128xf32, #tpu.memory_space<hbm>>
      tpu.wait_dma2 semaphore(%arg17 : memref<!tpu.dma_semaphore, #tpu.memory_space<semaphore_mem>>) src(%dma_wait3A_957 : memref<32x128xf32, #tpu.memory_space<hbm>>) dst(%dma_wait3A_954 : memref<32x128xf32, #tpu.memory_space<vmem>>)
      %slice3A_958 = vector.extract_strided_slice %get3A_11 {offsets = [10], sizes = [1], strides = [1]} : vector<16xi32> to vector<1xi32>
      %squeeze3A_959 = vector.extract %slice3A_958[0] : i32 from vector<1xi32>
      %slice3A_960 = vector.extract_strided_slice %min3A {offsets = [10], sizes = [1], strides = [1]} : vector<16xi32> to vector<1xi32>
      %squeeze3A_961 = vector.extract %slice3A_960[0] : i32 from vector<1xi32>
      %sub3A_962 = arith.subi %squeeze3A_959, %squeeze3A_961 : i32
      %min3A_963 = arith.constant 127 : i32
      %min3A_964 = arith.minsi %sub3A_962, %min3A_963 : i32
      %broadcast_in_dim3A_965 = vector.broadcast %min3A_964 : i32 to vector<16xi32>
      %broadcast_in_dim3A_966 = arith.constant 2 : i32
      %broadcast_in_dim3A_967 = vector.broadcast %broadcast_in_dim3A_966 : i32 to vector<16xi32>
      %gather3A_968 = tpu.vector_load_idx %arg12[%broadcast_in_dim3A_811, %broadcast_in_dim3A_967, %iota3A, %broadcast_in_dim3A_965] : memref<2x4x32x128xf32, #tpu.memory_space<vmem>>[vector<16xi32>, vector<16xi32>, vector<16xi32>, vector<16xi32>], vector<16xf32>,
      %add3A_969 = arith.constant 16 : i32
      %add3A_970 = vector.broadcast %add3A_969 : i32 to vector<16xi32>
      %add3A_971 = arith.addi %iota3A, %add3A_970 : vector<16xi32>
      %gather3A_972 = tpu.vector_load_idx %arg12[%broadcast_in_dim3A_811, %broadcast_in_dim3A_967, %add3A_971, %broadcast_in_dim3A_965] : memref<2x4x32x128xf32, #tpu.memory_space<vmem>>[vector<16xi32>, vector<16xi32>, vector<16xi32>, vector<16xi32>], vector<16xf32>,
      %ge3A_973 = arith.constant 999936 : i32
      %ge3A_974 = arith.cmpi sge, %squeeze3A_959, %ge3A_973 : i32
      %sub3A_975 = arith.constant 999936 : i32
      %sub3A_976 = arith.subi %squeeze3A_959, %sub3A_975 : i32
      %max3A_977 = arith.constant 0 : i32
      %max3A_978 = arith.maxsi %sub3A_976, %max3A_977 : i32
      %min3A_979 = arith.constant 63 : i32
      %min3A_980 = arith.minsi %max3A_978, %min3A_979 : i32
      %broadcast_in_dim3A_981 = vector.broadcast %min3A_980 : i32 to vector<16xi32>
      %gather3A_982 = tpu.vector_load_idx %arg15[%broadcast_in_dim3A_981, %iota3A] : memref<64x128xf32, #tpu.memory_space<vmem>>[vector<16xi32>, vector<16xi32>], vector<16xf32>,
      %add3A_983 = arith.constant 16 : i32
      %add3A_984 = vector.broadcast %add3A_983 : i32 to vector<16xi32>
      %add3A_985 = arith.addi %iota3A, %add3A_984 : vector<16xi32>
      %gather3A_986 = tpu.vector_load_idx %arg15[%broadcast_in_dim3A_981, %add3A_985] : memref<64x128xf32, #tpu.memory_space<vmem>>[vector<16xi32>, vector<16xi32>], vector<16xf32>,
      %broadcast_in_dim3A_987 = vector.broadcast %ge3A_974 : i1 to vector<16xi1>
      %select_n3A_988 = arith.select %broadcast_in_dim3A_987, %gather3A_982, %gather3A_968 : vector<16xi1>, vector<16xf32>
      %broadcast_in_dim3A_989 = vector.broadcast %ge3A_974 : i1 to vector<16xi1>
      %select_n3A_990 = arith.select %broadcast_in_dim3A_989, %gather3A_986, %gather3A_972 : vector<16xi1>, vector<16xf32>
      %mul3A_991 = arith.constant 16 : i32
      %mul3A_992 = arith.muli %scan3A_8, %mul3A_991 : i32
      %add3A_993 = arith.constant 0 : i32
      %add3A_994 = arith.addi %add3A_993, %mul3A_992 : i32
      %add3A_995 = arith.constant 10 : i32
      %add3A_996 = arith.addi %add3A_994, %add3A_995 : i32
      %mul3A_997 = arith.constant 32 : i32
      %mul3A_998 = arith.muli %add3A_996, %mul3A_997 : i32
      %swap3A_999 = arith.index_cast %mul3A_998 : i32 to index
      %swap3A_1000 = tpu.vector_load %arg13[%swap3A_999] {strides = array<i32>} : memref<32768xf32, #tpu.memory_space<vmem>>, vector<16xf32>,
      tpu.vector_store %arg13[%swap3A_999], %select_n3A_988 {strides = array<i32>} : memref<32768xf32, #tpu.memory_space<vmem>>, vector<16xf32>,
      %mul3A_1001 = arith.constant 32 : i32
      %mul3A_1002 = arith.muli %add3A_996, %mul3A_1001 : i32
      %add3A_1003 = arith.constant 16 : i32
      %add3A_1004 = arith.addi %mul3A_1002, %add3A_1003 : i32
      %swap3A_1005 = arith.index_cast %add3A_1004 : i32 to index
      %swap3A_1006 = tpu.vector_load %arg13[%swap3A_1005] {strides = array<i32>} : memref<32768xf32, #tpu.memory_space<vmem>>, vector<16xf32>,
      tpu.vector_store %arg13[%swap3A_1005], %select_n3A_990 {strides = array<i32>} : memref<32768xf32, #tpu.memory_space<vmem>>, vector<16xf32>,
      %dma_wait3A_1007 = arith.constant 0 : i32
      %dma_wait3A_1008 = arith.constant 3 : i32
      %dma_wait3A_1009 = arith.constant 0 : i32
      %dma_wait3A_1010 = arith.constant 0 : i32
      %dma_wait3A_1011 = tpu.memref_slice %arg12[%dma_wait3A_1007, %dma_wait3A_1008, %dma_wait3A_1009, %dma_wait3A_1010] : memref<2x4x32x128xf32, #tpu.memory_space<vmem>> -> memref<1x1x32x128xf32, #tpu.memory_space<vmem>>
      %dma_wait3A_1012 = tpu.memref_squeeze %dma_wait3A_1011 : memref<1x1x32x128xf32, #tpu.memory_space<vmem>> -> memref<32x128xf32, #tpu.memory_space<vmem>>
      %dma_wait3A_1013 = arith.constant 0 : i32
      %dma_wait3A_1014 = arith.constant 0 : i32
      %dma_wait3A_1015 = tpu.memref_slice %arg5[%dma_wait3A_1013, %dma_wait3A_1014] : memref<32x1000000xf32, #tpu.memory_space<hbm>> -> memref<32x128xf32, #tpu.memory_space<hbm>>
      %dma_wait3A_1016 = arith.constant 0 : i32
      %dma_wait3A_1017 = arith.constant 0 : i32
      %dma_wait3A_1018 = tpu.memref_slice %arg12[%dma_wait3A_1007, %dma_wait3A_1008, %dma_wait3A_1016, %dma_wait3A_1017] : memref<2x4x32x128xf32, #tpu.memory_space<vmem>> -> memref<1x1x32x128xf32, #tpu.memory_space<vmem>>
      %dma_wait3A_1019 = tpu.memref_squeeze %dma_wait3A_1018 : memref<1x1x32x128xf32, #tpu.memory_space<vmem>> -> memref<32x128xf32, #tpu.memory_space<vmem>>
      %dma_wait3A_1020 = arith.constant 0 : i32
      %dma_wait3A_1021 = arith.constant 0 : i32
      %dma_wait3A_1022 = tpu.memref_slice %arg5[%dma_wait3A_1020, %dma_wait3A_1021] : memref<32x1000000xf32, #tpu.memory_space<hbm>> -> memref<32x128xf32, #tpu.memory_space<hbm>>
      tpu.wait_dma2 semaphore(%arg17 : memref<!tpu.dma_semaphore, #tpu.memory_space<semaphore_mem>>) src(%dma_wait3A_1022 : memref<32x128xf32, #tpu.memory_space<hbm>>) dst(%dma_wait3A_1019 : memref<32x128xf32, #tpu.memory_space<vmem>>)
      %slice3A_1023 = vector.extract_strided_slice %get3A_11 {offsets = [11], sizes = [1], strides = [1]} : vector<16xi32> to vector<1xi32>
      %squeeze3A_1024 = vector.extract %slice3A_1023[0] : i32 from vector<1xi32>
      %slice3A_1025 = vector.extract_strided_slice %min3A {offsets = [11], sizes = [1], strides = [1]} : vector<16xi32> to vector<1xi32>
      %squeeze3A_1026 = vector.extract %slice3A_1025[0] : i32 from vector<1xi32>
      %sub3A_1027 = arith.subi %squeeze3A_1024, %squeeze3A_1026 : i32
      %min3A_1028 = arith.constant 127 : i32
      %min3A_1029 = arith.minsi %sub3A_1027, %min3A_1028 : i32
      %broadcast_in_dim3A_1030 = vector.broadcast %min3A_1029 : i32 to vector<16xi32>
      %broadcast_in_dim3A_1031 = arith.constant 3 : i32
      %broadcast_in_dim3A_1032 = vector.broadcast %broadcast_in_dim3A_1031 : i32 to vector<16xi32>
      %gather3A_1033 = tpu.vector_load_idx %arg12[%broadcast_in_dim3A_811, %broadcast_in_dim3A_1032, %iota3A, %broadcast_in_dim3A_1030] : memref<2x4x32x128xf32, #tpu.memory_space<vmem>>[vector<16xi32>, vector<16xi32>, vector<16xi32>, vector<16xi32>], vector<16xf32>,
      %add3A_1034 = arith.constant 16 : i32
      %add3A_1035 = vector.broadcast %add3A_1034 : i32 to vector<16xi32>
      %add3A_1036 = arith.addi %iota3A, %add3A_1035 : vector<16xi32>
      %gather3A_1037 = tpu.vector_load_idx %arg12[%broadcast_in_dim3A_811, %broadcast_in_dim3A_1032, %add3A_1036, %broadcast_in_dim3A_1030] : memref<2x4x32x128xf32, #tpu.memory_space<vmem>>[vector<16xi32>, vector<16xi32>, vector<16xi32>, vector<16xi32>], vector<16xf32>,
      %ge3A_1038 = arith.constant 999936 : i32
      %ge3A_1039 = arith.cmpi sge, %squeeze3A_1024, %ge3A_1038 : i32
      %sub3A_1040 = arith.constant 999936 : i32
      %sub3A_1041 = arith.subi %squeeze3A_1024, %sub3A_1040 : i32
      %max3A_1042 = arith.constant 0 : i32
      %max3A_1043 = arith.maxsi %sub3A_1041, %max3A_1042 : i32
      %min3A_1044 = arith.constant 63 : i32
      %min3A_1045 = arith.minsi %max3A_1043, %min3A_1044 : i32
      %broadcast_in_dim3A_1046 = vector.broadcast %min3A_1045 : i32 to vector<16xi32>
      %gather3A_1047 = tpu.vector_load_idx %arg15[%broadcast_in_dim3A_1046, %iota3A] : memref<64x128xf32, #tpu.memory_space<vmem>>[vector<16xi32>, vector<16xi32>], vector<16xf32>,
      %add3A_1048 = arith.constant 16 : i32
      %add3A_1049 = vector.broadcast %add3A_1048 : i32 to vector<16xi32>
      %add3A_1050 = arith.addi %iota3A, %add3A_1049 : vector<16xi32>
      %gather3A_1051 = tpu.vector_load_idx %arg15[%broadcast_in_dim3A_1046, %add3A_1050] : memref<64x128xf32, #tpu.memory_space<vmem>>[vector<16xi32>, vector<16xi32>], vector<16xf32>,
      %broadcast_in_dim3A_1052 = vector.broadcast %ge3A_1039 : i1 to vector<16xi1>
      %select_n3A_1053 = arith.select %broadcast_in_dim3A_1052, %gather3A_1047, %gather3A_1033 : vector<16xi1>, vector<16xf32>
      %broadcast_in_dim3A_1054 = vector.broadcast %ge3A_1039 : i1 to vector<16xi1>
      %select_n3A_1055 = arith.select %broadcast_in_dim3A_1054, %gather3A_1051, %gather3A_1037 : vector<16xi1>, vector<16xf32>
      %mul3A_1056 = arith.constant 16 : i32
      %mul3A_1057 = arith.muli %scan3A_8, %mul3A_1056 : i32
      %add3A_1058 = arith.constant 0 : i32
      %add3A_1059 = arith.addi %add3A_1058, %mul3A_1057 : i32
      %add3A_1060 = arith.constant 11 : i32
      %add3A_1061 = arith.addi %add3A_1059, %add3A_1060 : i32
      %mul3A_1062 = arith.constant 32 : i32
      %mul3A_1063 = arith.muli %add3A_1061, %mul3A_1062 : i32
      %swap3A_1064 = arith.index_cast %mul3A_1063 : i32 to index
      %swap3A_1065 = tpu.vector_load %arg13[%swap3A_1064] {strides = array<i32>} : memref<32768xf32, #tpu.memory_space<vmem>>, vector<16xf32>,
      tpu.vector_store %arg13[%swap3A_1064], %select_n3A_1053 {strides = array<i32>} : memref<32768xf32, #tpu.memory_space<vmem>>, vector<16xf32>,
      %mul3A_1066 = arith.constant 32 : i32
      %mul3A_1067 = arith.muli %add3A_1061, %mul3A_1066 : i32
      %add3A_1068 = arith.constant 16 : i32
      %add3A_1069 = arith.addi %mul3A_1067, %add3A_1068 : i32
      %swap3A_1070 = arith.index_cast %add3A_1069 : i32 to index
      %swap3A_1071 = tpu.vector_load %arg13[%swap3A_1070] {strides = array<i32>} : memref<32768xf32, #tpu.memory_space<vmem>>, vector<16xf32>,
      tpu.vector_store %arg13[%swap3A_1070], %select_n3A_1055 {strides = array<i32>} : memref<32768xf32, #tpu.memory_space<vmem>>, vector<16xf32>,
      %slice3A_1072 = vector.extract_strided_slice %min3A_24 {offsets = [0], sizes = [1], strides = [1]} : vector<16xi32> to vector<1xi32>
      %squeeze3A_1073 = vector.extract %slice3A_1072[0] : i32 from vector<1xi32>
      %multiple_of3A_1074 = tpu.assume_multiple %squeeze3A_1073, 128 : i32
      %dma_start3A_1075 = arith.constant 0 : i32
      %dma_start3A_1076 = arith.constant 0 : i32
      %dma_start3A_1077 = arith.constant 0 : i32
      %dma_start3A_1078 = arith.constant 0 : i32
      %dma_start3A_1079 = tpu.memref_slice %arg12[%dma_start3A_1075, %dma_start3A_1076, %dma_start3A_1077, %dma_start3A_1078] : memref<2x4x32x128xf32, #tpu.memory_space<vmem>> -> memref<1x1x32x128xf32, #tpu.memory_space<vmem>>
      %dma_start3A_1080 = tpu.memref_squeeze %dma_start3A_1079 : memref<1x1x32x128xf32, #tpu.memory_space<vmem>> -> memref<32x128xf32, #tpu.memory_space<vmem>>
      %dma_start3A_1081 = arith.constant 0 : i32
      %dma_start3A_1082 = tpu.memref_slice %arg5[%dma_start3A_1081, %multiple_of3A_1074] : memref<32x1000000xf32, #tpu.memory_space<hbm>> -> memref<32x128xf32, #tpu.memory_space<hbm>>
      %dma_start3A_1083 = arith.constant 0 : i32
      %dma_start3A_1084 = arith.constant 0 : i32
      %dma_start3A_1085 = tpu.memref_slice %arg12[%dma_start3A_1075, %dma_start3A_1076, %dma_start3A_1083, %dma_start3A_1084] : memref<2x4x32x128xf32, #tpu.memory_space<vmem>> -> memref<1x1x32x128xf32, #tpu.memory_space<vmem>>
      %dma_start3A_1086 = tpu.memref_squeeze %dma_start3A_1085 : memref<1x1x32x128xf32, #tpu.memory_space<vmem>> -> memref<32x128xf32, #tpu.memory_space<vmem>>
      %dma_start3A_1087 = arith.constant 0 : i32
      %dma_start3A_1088 = tpu.memref_slice %arg5[%dma_start3A_1087, %multiple_of3A_1074] : memref<32x1000000xf32, #tpu.memory_space<hbm>> -> memref<32x128xf32, #tpu.memory_space<hbm>>
      tpu.enqueue_dma source(%dma_start3A_1088 : memref<32x128xf32, #tpu.memory_space<hbm>>) target(%dma_start3A_1086 : memref<32x128xf32, #tpu.memory_space<vmem>>) target_semaphore(%arg17 : memref<!tpu.dma_semaphore, #tpu.memory_space<semaphore_mem>>)
      %slice3A_1089 = vector.extract_strided_slice %min3A_24 {offsets = [1], sizes = [1], strides = [1]} : vector<16xi32> to vector<1xi32>
      %squeeze3A_1090 = vector.extract %slice3A_1089[0] : i32 from vector<1xi32>
      %multiple_of3A_1091 = tpu.assume_multiple %squeeze3A_1090, 128 : i32
      %dma_start3A_1092 = arith.constant 0 : i32
      %dma_start3A_1093 = arith.constant 1 : i32
      %dma_start3A_1094 = arith.constant 0 : i32
      %dma_start3A_1095 = arith.constant 0 : i32
      %dma_start3A_1096 = tpu.memref_slice %arg12[%dma_start3A_1092, %dma_start3A_1093, %dma_start3A_1094, %dma_start3A_1095] : memref<2x4x32x128xf32, #tpu.memory_space<vmem>> -> memref<1x1x32x128xf32, #tpu.memory_space<vmem>>
      %dma_start3A_1097 = tpu.memref_squeeze %dma_start3A_1096 : memref<1x1x32x128xf32, #tpu.memory_space<vmem>> -> memref<32x128xf32, #tpu.memory_space<vmem>>
      %dma_start3A_1098 = arith.constant 0 : i32
      %dma_start3A_1099 = tpu.memref_slice %arg5[%dma_start3A_1098, %multiple_of3A_1091] : memref<32x1000000xf32, #tpu.memory_space<hbm>> -> memref<32x128xf32, #tpu.memory_space<hbm>>
      %dma_start3A_1100 = arith.constant 0 : i32
      %dma_start3A_1101 = arith.constant 0 : i32
      %dma_start3A_1102 = tpu.memref_slice %arg12[%dma_start3A_1092, %dma_start3A_1093, %dma_start3A_1100, %dma_start3A_1101] : memref<2x4x32x128xf32, #tpu.memory_space<vmem>> -> memref<1x1x32x128xf32, #tpu.memory_space<vmem>>
      %dma_start3A_1103 = tpu.memref_squeeze %dma_start3A_1102 : memref<1x1x32x128xf32, #tpu.memory_space<vmem>> -> memref<32x128xf32, #tpu.memory_space<vmem>>
      %dma_start3A_1104 = arith.constant 0 : i32
      %dma_start3A_1105 = tpu.memref_slice %arg5[%dma_start3A_1104, %multiple_of3A_1091] : memref<32x1000000xf32, #tpu.memory_space<hbm>> -> memref<32x128xf32, #tpu.memory_space<hbm>>
      tpu.enqueue_dma source(%dma_start3A_1105 : memref<32x128xf32, #tpu.memory_space<hbm>>) target(%dma_start3A_1103 : memref<32x128xf32, #tpu.memory_space<vmem>>) target_semaphore(%arg17 : memref<!tpu.dma_semaphore, #tpu.memory_space<semaphore_mem>>)
      %slice3A_1106 = vector.extract_strided_slice %min3A_24 {offsets = [2], sizes = [1], strides = [1]} : vector<16xi32> to vector<1xi32>
      %squeeze3A_1107 = vector.extract %slice3A_1106[0] : i32 from vector<1xi32>
      %multiple_of3A_1108 = tpu.assume_multiple %squeeze3A_1107, 128 : i32
      %dma_start3A_1109 = arith.constant 0 : i32
      %dma_start3A_1110 = arith.constant 2 : i32
      %dma_start3A_1111 = arith.constant 0 : i32
      %dma_start3A_1112 = arith.constant 0 : i32
      %dma_start3A_1113 = tpu.memref_slice %arg12[%dma_start3A_1109, %dma_start3A_1110, %dma_start3A_1111, %dma_start3A_1112] : memref<2x4x32x128xf32, #tpu.memory_space<vmem>> -> memref<1x1x32x128xf32, #tpu.memory_space<vmem>>
      %dma_start3A_1114 = tpu.memref_squeeze %dma_start3A_1113 : memref<1x1x32x128xf32, #tpu.memory_space<vmem>> -> memref<32x128xf32, #tpu.memory_space<vmem>>
      %dma_start3A_1115 = arith.constant 0 : i32
      %dma_start3A_1116 = tpu.memref_slice %arg5[%dma_start3A_1115, %multiple_of3A_1108] : memref<32x1000000xf32, #tpu.memory_space<hbm>> -> memref<32x128xf32, #tpu.memory_space<hbm>>
      %dma_start3A_1117 = arith.constant 0 : i32
      %dma_start3A_1118 = arith.constant 0 : i32
      %dma_start3A_1119 = tpu.memref_slice %arg12[%dma_start3A_1109, %dma_start3A_1110, %dma_start3A_1117, %dma_start3A_1118] : memref<2x4x32x128xf32, #tpu.memory_space<vmem>> -> memref<1x1x32x128xf32, #tpu.memory_space<vmem>>
      %dma_start3A_1120 = tpu.memref_squeeze %dma_start3A_1119 : memref<1x1x32x128xf32, #tpu.memory_space<vmem>> -> memref<32x128xf32, #tpu.memory_space<vmem>>
      %dma_start3A_1121 = arith.constant 0 : i32
      %dma_start3A_1122 = tpu.memref_slice %arg5[%dma_start3A_1121, %multiple_of3A_1108] : memref<32x1000000xf32, #tpu.memory_space<hbm>> -> memref<32x128xf32, #tpu.memory_space<hbm>>
      tpu.enqueue_dma source(%dma_start3A_1122 : memref<32x128xf32, #tpu.memory_space<hbm>>) target(%dma_start3A_1120 : memref<32x128xf32, #tpu.memory_space<vmem>>) target_semaphore(%arg17 : memref<!tpu.dma_semaphore, #tpu.memory_space<semaphore_mem>>)
      %slice3A_1123 = vector.extract_strided_slice %min3A_24 {offsets = [3], sizes = [1], strides = [1]} : vector<16xi32> to vector<1xi32>
      %squeeze3A_1124 = vector.extract %slice3A_1123[0] : i32 from vector<1xi32>
      %multiple_of3A_1125 = tpu.assume_multiple %squeeze3A_1124, 128 : i32
      %dma_start3A_1126 = arith.constant 0 : i32
      %dma_start3A_1127 = arith.constant 3 : i32
      %dma_start3A_1128 = arith.constant 0 : i32
      %dma_start3A_1129 = arith.constant 0 : i32
      %dma_start3A_1130 = tpu.memref_slice %arg12[%dma_start3A_1126, %dma_start3A_1127, %dma_start3A_1128, %dma_start3A_1129] : memref<2x4x32x128xf32, #tpu.memory_space<vmem>> -> memref<1x1x32x128xf32, #tpu.memory_space<vmem>>
      %dma_start3A_1131 = tpu.memref_squeeze %dma_start3A_1130 : memref<1x1x32x128xf32, #tpu.memory_space<vmem>> -> memref<32x128xf32, #tpu.memory_space<vmem>>
      %dma_start3A_1132 = arith.constant 0 : i32
      %dma_start3A_1133 = tpu.memref_slice %arg5[%dma_start3A_1132, %multiple_of3A_1125] : memref<32x1000000xf32, #tpu.memory_space<hbm>> -> memref<32x128xf32, #tpu.memory_space<hbm>>
      %dma_start3A_1134 = arith.constant 0 : i32
      %dma_start3A_1135 = arith.constant 0 : i32
      %dma_start3A_1136 = tpu.memref_slice %arg12[%dma_start3A_1126, %dma_start3A_1127, %dma_start3A_1134, %dma_start3A_1135] : memref<2x4x32x128xf32, #tpu.memory_space<vmem>> -> memref<1x1x32x128xf32, #tpu.memory_space<vmem>>
      %dma_start3A_1137 = tpu.memref_squeeze %dma_start3A_1136 : memref<1x1x32x128xf32, #tpu.memory_space<vmem>> -> memref<32x128xf32, #tpu.memory_space<vmem>>
      %dma_start3A_1138 = arith.constant 0 : i32
      %dma_start3A_1139 = tpu.memref_slice %arg5[%dma_start3A_1138, %multiple_of3A_1125] : memref<32x1000000xf32, #tpu.memory_space<hbm>> -> memref<32x128xf32, #tpu.memory_space<hbm>>
      tpu.enqueue_dma source(%dma_start3A_1139 : memref<32x128xf32, #tpu.memory_space<hbm>>) target(%dma_start3A_1137 : memref<32x128xf32, #tpu.memory_space<vmem>>) target_semaphore(%arg17 : memref<!tpu.dma_semaphore, #tpu.memory_space<semaphore_mem>>)
      %broadcast_in_dim3A_1140 = arith.constant 1 : i32
      %broadcast_in_dim3A_1141 = vector.broadcast %broadcast_in_dim3A_1140 : i32 to vector<16xi32>
      %dma_wait3A_1142 = arith.constant 1 : i32
      %dma_wait3A_1143 = arith.constant 0 : i32
      %dma_wait3A_1144 = arith.constant 0 : i32
      %dma_wait3A_1145 = arith.constant 0 : i32
      %dma_wait3A_1146 = tpu.memref_slice %arg12[%dma_wait3A_1142, %dma_wait3A_1143, %dma_wait3A_1144, %dma_wait3A_1145] : memref<2x4x32x128xf32, #tpu.memory_space<vmem>> -> memref<1x1x32x128xf32, #tpu.memory_space<vmem>>
      %dma_wait3A_1147 = tpu.memref_squeeze %dma_wait3A_1146 : memref<1x1x32x128xf32, #tpu.memory_space<vmem>> -> memref<32x128xf32, #tpu.memory_space<vmem>>
      %dma_wait3A_1148 = arith.constant 0 : i32
      %dma_wait3A_1149 = arith.constant 0 : i32
      %dma_wait3A_1150 = tpu.memref_slice %arg5[%dma_wait3A_1148, %dma_wait3A_1149] : memref<32x1000000xf32, #tpu.memory_space<hbm>> -> memref<32x128xf32, #tpu.memory_space<hbm>>
      %dma_wait3A_1151 = arith.constant 0 : i32
      %dma_wait3A_1152 = arith.constant 0 : i32
      %dma_wait3A_1153 = tpu.memref_slice %arg12[%dma_wait3A_1142, %dma_wait3A_1143, %dma_wait3A_1151, %dma_wait3A_1152] : memref<2x4x32x128xf32, #tpu.memory_space<vmem>> -> memref<1x1x32x128xf32, #tpu.memory_space<vmem>>
      %dma_wait3A_1154 = tpu.memref_squeeze %dma_wait3A_1153 : memref<1x1x32x128xf32, #tpu.memory_space<vmem>> -> memref<32x128xf32, #tpu.memory_space<vmem>>
      %dma_wait3A_1155 = arith.constant 0 : i32
      %dma_wait3A_1156 = arith.constant 0 : i32
      %dma_wait3A_1157 = tpu.memref_slice %arg5[%dma_wait3A_1155, %dma_wait3A_1156] : memref<32x1000000xf32, #tpu.memory_space<hbm>> -> memref<32x128xf32, #tpu.memory_space<hbm>>
      tpu.wait_dma2 semaphore(%arg18 : memref<!tpu.dma_semaphore, #tpu.memory_space<semaphore_mem>>) src(%dma_wait3A_1157 : memref<32x128xf32, #tpu.memory_space<hbm>>) dst(%dma_wait3A_1154 : memref<32x128xf32, #tpu.memory_space<vmem>>)
      %slice3A_1158 = vector.extract_strided_slice %get3A_11 {offsets = [12], sizes = [1], strides = [1]} : vector<16xi32> to vector<1xi32>
      %squeeze3A_1159 = vector.extract %slice3A_1158[0] : i32 from vector<1xi32>
      %slice3A_1160 = vector.extract_strided_slice %min3A {offsets = [12], sizes = [1], strides = [1]} : vector<16xi32> to vector<1xi32>
      %squeeze3A_1161 = vector.extract %slice3A_1160[0] : i32 from vector<1xi32>
      %sub3A_1162 = arith.subi %squeeze3A_1159, %squeeze3A_1161 : i32
      %min3A_1163 = arith.constant 127 : i32
      %min3A_1164 = arith.minsi %sub3A_1162, %min3A_1163 : i32
      %broadcast_in_dim3A_1165 = vector.broadcast %min3A_1164 : i32 to vector<16xi32>
      %broadcast_in_dim3A_1166 = arith.constant 0 : i32
      %broadcast_in_dim3A_1167 = vector.broadcast %broadcast_in_dim3A_1166 : i32 to vector<16xi32>
      %gather3A_1168 = tpu.vector_load_idx %arg12[%broadcast_in_dim3A_1141, %broadcast_in_dim3A_1167, %iota3A, %broadcast_in_dim3A_1165] : memref<2x4x32x128xf32, #tpu.memory_space<vmem>>[vector<16xi32>, vector<16xi32>, vector<16xi32>, vector<16xi32>], vector<16xf32>,
      %add3A_1169 = arith.constant 16 : i32
      %add3A_1170 = vector.broadcast %add3A_1169 : i32 to vector<16xi32>
      %add3A_1171 = arith.addi %iota3A, %add3A_1170 : vector<16xi32>
      %gather3A_1172 = tpu.vector_load_idx %arg12[%broadcast_in_dim3A_1141, %broadcast_in_dim3A_1167, %add3A_1171, %broadcast_in_dim3A_1165] : memref<2x4x32x128xf32, #tpu.memory_space<vmem>>[vector<16xi32>, vector<16xi32>, vector<16xi32>, vector<16xi32>], vector<16xf32>,
      %ge3A_1173 = arith.constant 999936 : i32
      %ge3A_1174 = arith.cmpi sge, %squeeze3A_1159, %ge3A_1173 : i32
      %sub3A_1175 = arith.constant 999936 : i32
      %sub3A_1176 = arith.subi %squeeze3A_1159, %sub3A_1175 : i32
      %max3A_1177 = arith.constant 0 : i32
      %max3A_1178 = arith.maxsi %sub3A_1176, %max3A_1177 : i32
      %min3A_1179 = arith.constant 63 : i32
      %min3A_1180 = arith.minsi %max3A_1178, %min3A_1179 : i32
      %broadcast_in_dim3A_1181 = vector.broadcast %min3A_1180 : i32 to vector<16xi32>
      %gather3A_1182 = tpu.vector_load_idx %arg15[%broadcast_in_dim3A_1181, %iota3A] : memref<64x128xf32, #tpu.memory_space<vmem>>[vector<16xi32>, vector<16xi32>], vector<16xf32>,
      %add3A_1183 = arith.constant 16 : i32
      %add3A_1184 = vector.broadcast %add3A_1183 : i32 to vector<16xi32>
      %add3A_1185 = arith.addi %iota3A, %add3A_1184 : vector<16xi32>
      %gather3A_1186 = tpu.vector_load_idx %arg15[%broadcast_in_dim3A_1181, %add3A_1185] : memref<64x128xf32, #tpu.memory_space<vmem>>[vector<16xi32>, vector<16xi32>], vector<16xf32>,
      %broadcast_in_dim3A_1187 = vector.broadcast %ge3A_1174 : i1 to vector<16xi1>
      %select_n3A_1188 = arith.select %broadcast_in_dim3A_1187, %gather3A_1182, %gather3A_1168 : vector<16xi1>, vector<16xf32>
      %broadcast_in_dim3A_1189 = vector.broadcast %ge3A_1174 : i1 to vector<16xi1>
      %select_n3A_1190 = arith.select %broadcast_in_dim3A_1189, %gather3A_1186, %gather3A_1172 : vector<16xi1>, vector<16xf32>
      %mul3A_1191 = arith.constant 16 : i32
      %mul3A_1192 = arith.muli %scan3A_8, %mul3A_1191 : i32
      %add3A_1193 = arith.constant 0 : i32
      %add3A_1194 = arith.addi %add3A_1193, %mul3A_1192 : i32
      %add3A_1195 = arith.constant 12 : i32
      %add3A_1196 = arith.addi %add3A_1194, %add3A_1195 : i32
      %mul3A_1197 = arith.constant 32 : i32
      %mul3A_1198 = arith.muli %add3A_1196, %mul3A_1197 : i32
      %swap3A_1199 = arith.index_cast %mul3A_1198 : i32 to index
      %swap3A_1200 = tpu.vector_load %arg13[%swap3A_1199] {strides = array<i32>} : memref<32768xf32, #tpu.memory_space<vmem>>, vector<16xf32>,
      tpu.vector_store %arg13[%swap3A_1199], %select_n3A_1188 {strides = array<i32>} : memref<32768xf32, #tpu.memory_space<vmem>>, vector<16xf32>,
      %mul3A_1201 = arith.constant 32 : i32
      %mul3A_1202 = arith.muli %add3A_1196, %mul3A_1201 : i32
      %add3A_1203 = arith.constant 16 : i32
      %add3A_1204 = arith.addi %mul3A_1202, %add3A_1203 : i32
      %swap3A_1205 = arith.index_cast %add3A_1204 : i32 to index
      %swap3A_1206 = tpu.vector_load %arg13[%swap3A_1205] {strides = array<i32>} : memref<32768xf32, #tpu.memory_space<vmem>>, vector<16xf32>,
      tpu.vector_store %arg13[%swap3A_1205], %select_n3A_1190 {strides = array<i32>} : memref<32768xf32, #tpu.memory_space<vmem>>, vector<16xf32>,
      %dma_wait3A_1207 = arith.constant 1 : i32
      %dma_wait3A_1208 = arith.constant 1 : i32
      %dma_wait3A_1209 = arith.constant 0 : i32
      %dma_wait3A_1210 = arith.constant 0 : i32
      %dma_wait3A_1211 = tpu.memref_slice %arg12[%dma_wait3A_1207, %dma_wait3A_1208, %dma_wait3A_1209, %dma_wait3A_1210] : memref<2x4x32x128xf32, #tpu.memory_space<vmem>> -> memref<1x1x32x128xf32, #tpu.memory_space<vmem>>
      %dma_wait3A_1212 = tpu.memref_squeeze %dma_wait3A_1211 : memref<1x1x32x128xf32, #tpu.memory_space<vmem>> -> memref<32x128xf32, #tpu.memory_space<vmem>>
      %dma_wait3A_1213 = arith.constant 0 : i32
      %dma_wait3A_1214 = arith.constant 0 : i32
      %dma_wait3A_1215 = tpu.memref_slice %arg5[%dma_wait3A_1213, %dma_wait3A_1214] : memref<32x1000000xf32, #tpu.memory_space<hbm>> -> memref<32x128xf32, #tpu.memory_space<hbm>>
      %dma_wait3A_1216 = arith.constant 0 : i32
      %dma_wait3A_1217 = arith.constant 0 : i32
      %dma_wait3A_1218 = tpu.memref_slice %arg12[%dma_wait3A_1207, %dma_wait3A_1208, %dma_wait3A_1216, %dma_wait3A_1217] : memref<2x4x32x128xf32, #tpu.memory_space<vmem>> -> memref<1x1x32x128xf32, #tpu.memory_space<vmem>>
      %dma_wait3A_1219 = tpu.memref_squeeze %dma_wait3A_1218 : memref<1x1x32x128xf32, #tpu.memory_space<vmem>> -> memref<32x128xf32, #tpu.memory_space<vmem>>
      %dma_wait3A_1220 = arith.constant 0 : i32
      %dma_wait3A_1221 = arith.constant 0 : i32
      %dma_wait3A_1222 = tpu.memref_slice %arg5[%dma_wait3A_1220, %dma_wait3A_1221] : memref<32x1000000xf32, #tpu.memory_space<hbm>> -> memref<32x128xf32, #tpu.memory_space<hbm>>
      tpu.wait_dma2 semaphore(%arg18 : memref<!tpu.dma_semaphore, #tpu.memory_space<semaphore_mem>>) src(%dma_wait3A_1222 : memref<32x128xf32, #tpu.memory_space<hbm>>) dst(%dma_wait3A_1219 : memref<32x128xf32, #tpu.memory_space<vmem>>)
      %slice3A_1223 = vector.extract_strided_slice %get3A_11 {offsets = [13], sizes = [1], strides = [1]} : vector<16xi32> to vector<1xi32>
      %squeeze3A_1224 = vector.extract %slice3A_1223[0] : i32 from vector<1xi32>
      %slice3A_1225 = vector.extract_strided_slice %min3A {offsets = [13], sizes = [1], strides = [1]} : vector<16xi32> to vector<1xi32>
      %squeeze3A_1226 = vector.extract %slice3A_1225[0] : i32 from vector<1xi32>
      %sub3A_1227 = arith.subi %squeeze3A_1224, %squeeze3A_1226 : i32
      %min3A_1228 = arith.constant 127 : i32
      %min3A_1229 = arith.minsi %sub3A_1227, %min3A_1228 : i32
      %broadcast_in_dim3A_1230 = vector.broadcast %min3A_1229 : i32 to vector<16xi32>
      %broadcast_in_dim3A_1231 = arith.constant 1 : i32
      %broadcast_in_dim3A_1232 = vector.broadcast %broadcast_in_dim3A_1231 : i32 to vector<16xi32>
      %gather3A_1233 = tpu.vector_load_idx %arg12[%broadcast_in_dim3A_1141, %broadcast_in_dim3A_1232, %iota3A, %broadcast_in_dim3A_1230] : memref<2x4x32x128xf32, #tpu.memory_space<vmem>>[vector<16xi32>, vector<16xi32>, vector<16xi32>, vector<16xi32>], vector<16xf32>,
      %add3A_1234 = arith.constant 16 : i32
      %add3A_1235 = vector.broadcast %add3A_1234 : i32 to vector<16xi32>
      %add3A_1236 = arith.addi %iota3A, %add3A_1235 : vector<16xi32>
      %gather3A_1237 = tpu.vector_load_idx %arg12[%broadcast_in_dim3A_1141, %broadcast_in_dim3A_1232, %add3A_1236, %broadcast_in_dim3A_1230] : memref<2x4x32x128xf32, #tpu.memory_space<vmem>>[vector<16xi32>, vector<16xi32>, vector<16xi32>, vector<16xi32>], vector<16xf32>,
      %ge3A_1238 = arith.constant 999936 : i32
      %ge3A_1239 = arith.cmpi sge, %squeeze3A_1224, %ge3A_1238 : i32
      %sub3A_1240 = arith.constant 999936 : i32
      %sub3A_1241 = arith.subi %squeeze3A_1224, %sub3A_1240 : i32
      %max3A_1242 = arith.constant 0 : i32
      %max3A_1243 = arith.maxsi %sub3A_1241, %max3A_1242 : i32
      %min3A_1244 = arith.constant 63 : i32
      %min3A_1245 = arith.minsi %max3A_1243, %min3A_1244 : i32
      %broadcast_in_dim3A_1246 = vector.broadcast %min3A_1245 : i32 to vector<16xi32>
      %gather3A_1247 = tpu.vector_load_idx %arg15[%broadcast_in_dim3A_1246, %iota3A] : memref<64x128xf32, #tpu.memory_space<vmem>>[vector<16xi32>, vector<16xi32>], vector<16xf32>,
      %add3A_1248 = arith.constant 16 : i32
      %add3A_1249 = vector.broadcast %add3A_1248 : i32 to vector<16xi32>
      %add3A_1250 = arith.addi %iota3A, %add3A_1249 : vector<16xi32>
      %gather3A_1251 = tpu.vector_load_idx %arg15[%broadcast_in_dim3A_1246, %add3A_1250] : memref<64x128xf32, #tpu.memory_space<vmem>>[vector<16xi32>, vector<16xi32>], vector<16xf32>,
      %broadcast_in_dim3A_1252 = vector.broadcast %ge3A_1239 : i1 to vector<16xi1>
      %select_n3A_1253 = arith.select %broadcast_in_dim3A_1252, %gather3A_1247, %gather3A_1233 : vector<16xi1>, vector<16xf32>
      %broadcast_in_dim3A_1254 = vector.broadcast %ge3A_1239 : i1 to vector<16xi1>
      %select_n3A_1255 = arith.select %broadcast_in_dim3A_1254, %gather3A_1251, %gather3A_1237 : vector<16xi1>, vector<16xf32>
      %mul3A_1256 = arith.constant 16 : i32
      %mul3A_1257 = arith.muli %scan3A_8, %mul3A_1256 : i32
      %add3A_1258 = arith.constant 0 : i32
      %add3A_1259 = arith.addi %add3A_1258, %mul3A_1257 : i32
      %add3A_1260 = arith.constant 13 : i32
      %add3A_1261 = arith.addi %add3A_1259, %add3A_1260 : i32
      %mul3A_1262 = arith.constant 32 : i32
      %mul3A_1263 = arith.muli %add3A_1261, %mul3A_1262 : i32
      %swap3A_1264 = arith.index_cast %mul3A_1263 : i32 to index
      %swap3A_1265 = tpu.vector_load %arg13[%swap3A_1264] {strides = array<i32>} : memref<32768xf32, #tpu.memory_space<vmem>>, vector<16xf32>,
      tpu.vector_store %arg13[%swap3A_1264], %select_n3A_1253 {strides = array<i32>} : memref<32768xf32, #tpu.memory_space<vmem>>, vector<16xf32>,
      %mul3A_1266 = arith.constant 32 : i32
      %mul3A_1267 = arith.muli %add3A_1261, %mul3A_1266 : i32
      %add3A_1268 = arith.constant 16 : i32
      %add3A_1269 = arith.addi %mul3A_1267, %add3A_1268 : i32
      %swap3A_1270 = arith.index_cast %add3A_1269 : i32 to index
      %swap3A_1271 = tpu.vector_load %arg13[%swap3A_1270] {strides = array<i32>} : memref<32768xf32, #tpu.memory_space<vmem>>, vector<16xf32>,
      tpu.vector_store %arg13[%swap3A_1270], %select_n3A_1255 {strides = array<i32>} : memref<32768xf32, #tpu.memory_space<vmem>>, vector<16xf32>,
      %dma_wait3A_1272 = arith.constant 1 : i32
      %dma_wait3A_1273 = arith.constant 2 : i32
      %dma_wait3A_1274 = arith.constant 0 : i32
      %dma_wait3A_1275 = arith.constant 0 : i32
      %dma_wait3A_1276 = tpu.memref_slice %arg12[%dma_wait3A_1272, %dma_wait3A_1273, %dma_wait3A_1274, %dma_wait3A_1275] : memref<2x4x32x128xf32, #tpu.memory_space<vmem>> -> memref<1x1x32x128xf32, #tpu.memory_space<vmem>>
      %dma_wait3A_1277 = tpu.memref_squeeze %dma_wait3A_1276 : memref<1x1x32x128xf32, #tpu.memory_space<vmem>> -> memref<32x128xf32, #tpu.memory_space<vmem>>
      %dma_wait3A_1278 = arith.constant 0 : i32
      %dma_wait3A_1279 = arith.constant 0 : i32
      %dma_wait3A_1280 = tpu.memref_slice %arg5[%dma_wait3A_1278, %dma_wait3A_1279] : memref<32x1000000xf32, #tpu.memory_space<hbm>> -> memref<32x128xf32, #tpu.memory_space<hbm>>
      %dma_wait3A_1281 = arith.constant 0 : i32
      %dma_wait3A_1282 = arith.constant 0 : i32
      %dma_wait3A_1283 = tpu.memref_slice %arg12[%dma_wait3A_1272, %dma_wait3A_1273, %dma_wait3A_1281, %dma_wait3A_1282] : memref<2x4x32x128xf32, #tpu.memory_space<vmem>> -> memref<1x1x32x128xf32, #tpu.memory_space<vmem>>
      %dma_wait3A_1284 = tpu.memref_squeeze %dma_wait3A_1283 : memref<1x1x32x128xf32, #tpu.memory_space<vmem>> -> memref<32x128xf32, #tpu.memory_space<vmem>>
      %dma_wait3A_1285 = arith.constant 0 : i32
      %dma_wait3A_1286 = arith.constant 0 : i32
      %dma_wait3A_1287 = tpu.memref_slice %arg5[%dma_wait3A_1285, %dma_wait3A_1286] : memref<32x1000000xf32, #tpu.memory_space<hbm>> -> memref<32x128xf32, #tpu.memory_space<hbm>>
      tpu.wait_dma2 semaphore(%arg18 : memref<!tpu.dma_semaphore, #tpu.memory_space<semaphore_mem>>) src(%dma_wait3A_1287 : memref<32x128xf32, #tpu.memory_space<hbm>>) dst(%dma_wait3A_1284 : memref<32x128xf32, #tpu.memory_space<vmem>>)
      %slice3A_1288 = vector.extract_strided_slice %get3A_11 {offsets = [14], sizes = [1], strides = [1]} : vector<16xi32> to vector<1xi32>
      %squeeze3A_1289 = vector.extract %slice3A_1288[0] : i32 from vector<1xi32>
      %slice3A_1290 = vector.extract_strided_slice %min3A {offsets = [14], sizes = [1], strides = [1]} : vector<16xi32> to vector<1xi32>
      %squeeze3A_1291 = vector.extract %slice3A_1290[0] : i32 from vector<1xi32>
      %sub3A_1292 = arith.subi %squeeze3A_1289, %squeeze3A_1291 : i32
      %min3A_1293 = arith.constant 127 : i32
      %min3A_1294 = arith.minsi %sub3A_1292, %min3A_1293 : i32
      %broadcast_in_dim3A_1295 = vector.broadcast %min3A_1294 : i32 to vector<16xi32>
      %broadcast_in_dim3A_1296 = arith.constant 2 : i32
      %broadcast_in_dim3A_1297 = vector.broadcast %broadcast_in_dim3A_1296 : i32 to vector<16xi32>
      %gather3A_1298 = tpu.vector_load_idx %arg12[%broadcast_in_dim3A_1141, %broadcast_in_dim3A_1297, %iota3A, %broadcast_in_dim3A_1295] : memref<2x4x32x128xf32, #tpu.memory_space<vmem>>[vector<16xi32>, vector<16xi32>, vector<16xi32>, vector<16xi32>], vector<16xf32>,
      %add3A_1299 = arith.constant 16 : i32
      %add3A_1300 = vector.broadcast %add3A_1299 : i32 to vector<16xi32>
      %add3A_1301 = arith.addi %iota3A, %add3A_1300 : vector<16xi32>
      %gather3A_1302 = tpu.vector_load_idx %arg12[%broadcast_in_dim3A_1141, %broadcast_in_dim3A_1297, %add3A_1301, %broadcast_in_dim3A_1295] : memref<2x4x32x128xf32, #tpu.memory_space<vmem>>[vector<16xi32>, vector<16xi32>, vector<16xi32>, vector<16xi32>], vector<16xf32>,
      %ge3A_1303 = arith.constant 999936 : i32
      %ge3A_1304 = arith.cmpi sge, %squeeze3A_1289, %ge3A_1303 : i32
      %sub3A_1305 = arith.constant 999936 : i32
      %sub3A_1306 = arith.subi %squeeze3A_1289, %sub3A_1305 : i32
      %max3A_1307 = arith.constant 0 : i32
      %max3A_1308 = arith.maxsi %sub3A_1306, %max3A_1307 : i32
      %min3A_1309 = arith.constant 63 : i32
      %min3A_1310 = arith.minsi %max3A_1308, %min3A_1309 : i32
      %broadcast_in_dim3A_1311 = vector.broadcast %min3A_1310 : i32 to vector<16xi32>
      %gather3A_1312 = tpu.vector_load_idx %arg15[%broadcast_in_dim3A_1311, %iota3A] : memref<64x128xf32, #tpu.memory_space<vmem>>[vector<16xi32>, vector<16xi32>], vector<16xf32>,
      %add3A_1313 = arith.constant 16 : i32
      %add3A_1314 = vector.broadcast %add3A_1313 : i32 to vector<16xi32>
      %add3A_1315 = arith.addi %iota3A, %add3A_1314 : vector<16xi32>
      %gather3A_1316 = tpu.vector_load_idx %arg15[%broadcast_in_dim3A_1311, %add3A_1315] : memref<64x128xf32, #tpu.memory_space<vmem>>[vector<16xi32>, vector<16xi32>], vector<16xf32>,
      %broadcast_in_dim3A_1317 = vector.broadcast %ge3A_1304 : i1 to vector<16xi1>
      %select_n3A_1318 = arith.select %broadcast_in_dim3A_1317, %gather3A_1312, %gather3A_1298 : vector<16xi1>, vector<16xf32>
      %broadcast_in_dim3A_1319 = vector.broadcast %ge3A_1304 : i1 to vector<16xi1>
      %select_n3A_1320 = arith.select %broadcast_in_dim3A_1319, %gather3A_1316, %gather3A_1302 : vector<16xi1>, vector<16xf32>
      %mul3A_1321 = arith.constant 16 : i32
      %mul3A_1322 = arith.muli %scan3A_8, %mul3A_1321 : i32
      %add3A_1323 = arith.constant 0 : i32
      %add3A_1324 = arith.addi %add3A_1323, %mul3A_1322 : i32
      %add3A_1325 = arith.constant 14 : i32
      %add3A_1326 = arith.addi %add3A_1324, %add3A_1325 : i32
      %mul3A_1327 = arith.constant 32 : i32
      %mul3A_1328 = arith.muli %add3A_1326, %mul3A_1327 : i32
      %swap3A_1329 = arith.index_cast %mul3A_1328 : i32 to index
      %swap3A_1330 = tpu.vector_load %arg13[%swap3A_1329] {strides = array<i32>} : memref<32768xf32, #tpu.memory_space<vmem>>, vector<16xf32>,
      tpu.vector_store %arg13[%swap3A_1329], %select_n3A_1318 {strides = array<i32>} : memref<32768xf32, #tpu.memory_space<vmem>>, vector<16xf32>,
      %mul3A_1331 = arith.constant 32 : i32
      %mul3A_1332 = arith.muli %add3A_1326, %mul3A_1331 : i32
      %add3A_1333 = arith.constant 16 : i32
      %add3A_1334 = arith.addi %mul3A_1332, %add3A_1333 : i32
      %swap3A_1335 = arith.index_cast %add3A_1334 : i32 to index
      %swap3A_1336 = tpu.vector_load %arg13[%swap3A_1335] {strides = array<i32>} : memref<32768xf32, #tpu.memory_space<vmem>>, vector<16xf32>,
      tpu.vector_store %arg13[%swap3A_1335], %select_n3A_1320 {strides = array<i32>} : memref<32768xf32, #tpu.memory_space<vmem>>, vector<16xf32>,
      %dma_wait3A_1337 = arith.constant 1 : i32
      %dma_wait3A_1338 = arith.constant 3 : i32
      %dma_wait3A_1339 = arith.constant 0 : i32
      %dma_wait3A_1340 = arith.constant 0 : i32
      %dma_wait3A_1341 = tpu.memref_slice %arg12[%dma_wait3A_1337, %dma_wait3A_1338, %dma_wait3A_1339, %dma_wait3A_1340] : memref<2x4x32x128xf32, #tpu.memory_space<vmem>> -> memref<1x1x32x128xf32, #tpu.memory_space<vmem>>
      %dma_wait3A_1342 = tpu.memref_squeeze %dma_wait3A_1341 : memref<1x1x32x128xf32, #tpu.memory_space<vmem>> -> memref<32x128xf32, #tpu.memory_space<vmem>>
      %dma_wait3A_1343 = arith.constant 0 : i32
      %dma_wait3A_1344 = arith.constant 0 : i32
      %dma_wait3A_1345 = tpu.memref_slice %arg5[%dma_wait3A_1343, %dma_wait3A_1344] : memref<32x1000000xf32, #tpu.memory_space<hbm>> -> memref<32x128xf32, #tpu.memory_space<hbm>>
      %dma_wait3A_1346 = arith.constant 0 : i32
      %dma_wait3A_1347 = arith.constant 0 : i32
      %dma_wait3A_1348 = tpu.memref_slice %arg12[%dma_wait3A_1337, %dma_wait3A_1338, %dma_wait3A_1346, %dma_wait3A_1347] : memref<2x4x32x128xf32, #tpu.memory_space<vmem>> -> memref<1x1x32x128xf32, #tpu.memory_space<vmem>>
      %dma_wait3A_1349 = tpu.memref_squeeze %dma_wait3A_1348 : memref<1x1x32x128xf32, #tpu.memory_space<vmem>> -> memref<32x128xf32, #tpu.memory_space<vmem>>
      %dma_wait3A_1350 = arith.constant 0 : i32
      %dma_wait3A_1351 = arith.constant 0 : i32
      %dma_wait3A_1352 = tpu.memref_slice %arg5[%dma_wait3A_1350, %dma_wait3A_1351] : memref<32x1000000xf32, #tpu.memory_space<hbm>> -> memref<32x128xf32, #tpu.memory_space<hbm>>
      tpu.wait_dma2 semaphore(%arg18 : memref<!tpu.dma_semaphore, #tpu.memory_space<semaphore_mem>>) src(%dma_wait3A_1352 : memref<32x128xf32, #tpu.memory_space<hbm>>) dst(%dma_wait3A_1349 : memref<32x128xf32, #tpu.memory_space<vmem>>)
      %slice3A_1353 = vector.extract_strided_slice %get3A_11 {offsets = [15], sizes = [1], strides = [1]} : vector<16xi32> to vector<1xi32>
      %squeeze3A_1354 = vector.extract %slice3A_1353[0] : i32 from vector<1xi32>
      %slice3A_1355 = vector.extract_strided_slice %min3A {offsets = [15], sizes = [1], strides = [1]} : vector<16xi32> to vector<1xi32>
      %squeeze3A_1356 = vector.extract %slice3A_1355[0] : i32 from vector<1xi32>
      %sub3A_1357 = arith.subi %squeeze3A_1354, %squeeze3A_1356 : i32
      %min3A_1358 = arith.constant 127 : i32
      %min3A_1359 = arith.minsi %sub3A_1357, %min3A_1358 : i32
      %broadcast_in_dim3A_1360 = vector.broadcast %min3A_1359 : i32 to vector<16xi32>
      %broadcast_in_dim3A_1361 = arith.constant 3 : i32
      %broadcast_in_dim3A_1362 = vector.broadcast %broadcast_in_dim3A_1361 : i32 to vector<16xi32>
      %gather3A_1363 = tpu.vector_load_idx %arg12[%broadcast_in_dim3A_1141, %broadcast_in_dim3A_1362, %iota3A, %broadcast_in_dim3A_1360] : memref<2x4x32x128xf32, #tpu.memory_space<vmem>>[vector<16xi32>, vector<16xi32>, vector<16xi32>, vector<16xi32>], vector<16xf32>,
      %add3A_1364 = arith.constant 16 : i32
      %add3A_1365 = vector.broadcast %add3A_1364 : i32 to vector<16xi32>
      %add3A_1366 = arith.addi %iota3A, %add3A_1365 : vector<16xi32>
      %gather3A_1367 = tpu.vector_load_idx %arg12[%broadcast_in_dim3A_1141, %broadcast_in_dim3A_1362, %add3A_1366, %broadcast_in_dim3A_1360] : memref<2x4x32x128xf32, #tpu.memory_space<vmem>>[vector<16xi32>, vector<16xi32>, vector<16xi32>, vector<16xi32>], vector<16xf32>,
      %ge3A_1368 = arith.constant 999936 : i32
      %ge3A_1369 = arith.cmpi sge, %squeeze3A_1354, %ge3A_1368 : i32
      %sub3A_1370 = arith.constant 999936 : i32
      %sub3A_1371 = arith.subi %squeeze3A_1354, %sub3A_1370 : i32
      %max3A_1372 = arith.constant 0 : i32
      %max3A_1373 = arith.maxsi %sub3A_1371, %max3A_1372 : i32
      %min3A_1374 = arith.constant 63 : i32
      %min3A_1375 = arith.minsi %max3A_1373, %min3A_1374 : i32
      %broadcast_in_dim3A_1376 = vector.broadcast %min3A_1375 : i32 to vector<16xi32>
      %gather3A_1377 = tpu.vector_load_idx %arg15[%broadcast_in_dim3A_1376, %iota3A] : memref<64x128xf32, #tpu.memory_space<vmem>>[vector<16xi32>, vector<16xi32>], vector<16xf32>,
      %add3A_1378 = arith.constant 16 : i32
      %add3A_1379 = vector.broadcast %add3A_1378 : i32 to vector<16xi32>
      %add3A_1380 = arith.addi %iota3A, %add3A_1379 : vector<16xi32>
      %gather3A_1381 = tpu.vector_load_idx %arg15[%broadcast_in_dim3A_1376, %add3A_1380] : memref<64x128xf32, #tpu.memory_space<vmem>>[vector<16xi32>, vector<16xi32>], vector<16xf32>,
      %broadcast_in_dim3A_1382 = vector.broadcast %ge3A_1369 : i1 to vector<16xi1>
      %select_n3A_1383 = arith.select %broadcast_in_dim3A_1382, %gather3A_1377, %gather3A_1363 : vector<16xi1>, vector<16xf32>
      %broadcast_in_dim3A_1384 = vector.broadcast %ge3A_1369 : i1 to vector<16xi1>
      %select_n3A_1385 = arith.select %broadcast_in_dim3A_1384, %gather3A_1381, %gather3A_1367 : vector<16xi1>, vector<16xf32>
      %mul3A_1386 = arith.constant 16 : i32
      %mul3A_1387 = arith.muli %scan3A_8, %mul3A_1386 : i32
      %add3A_1388 = arith.constant 0 : i32
      %add3A_1389 = arith.addi %add3A_1388, %mul3A_1387 : i32
      %add3A_1390 = arith.constant 15 : i32
      %add3A_1391 = arith.addi %add3A_1389, %add3A_1390 : i32
      %mul3A_1392 = arith.constant 32 : i32
      %mul3A_1393 = arith.muli %add3A_1391, %mul3A_1392 : i32
      %swap3A_1394 = arith.index_cast %mul3A_1393 : i32 to index
      %swap3A_1395 = tpu.vector_load %arg13[%swap3A_1394] {strides = array<i32>} : memref<32768xf32, #tpu.memory_space<vmem>>, vector<16xf32>,
      tpu.vector_store %arg13[%swap3A_1394], %select_n3A_1383 {strides = array<i32>} : memref<32768xf32, #tpu.memory_space<vmem>>, vector<16xf32>,
      %mul3A_1396 = arith.constant 32 : i32
      %mul3A_1397 = arith.muli %add3A_1391, %mul3A_1396 : i32
      %add3A_1398 = arith.constant 16 : i32
      %add3A_1399 = arith.addi %mul3A_1397, %add3A_1398 : i32
      %swap3A_1400 = arith.index_cast %add3A_1399 : i32 to index
      %swap3A_1401 = tpu.vector_load %arg13[%swap3A_1400] {strides = array<i32>} : memref<32768xf32, #tpu.memory_space<vmem>>, vector<16xf32>,
      tpu.vector_store %arg13[%swap3A_1400], %select_n3A_1385 {strides = array<i32>} : memref<32768xf32, #tpu.memory_space<vmem>>, vector<16xf32>,
      %slice3A_1402 = vector.extract_strided_slice %min3A_24 {offsets = [4], sizes = [1], strides = [1]} : vector<16xi32> to vector<1xi32>
      %squeeze3A_1403 = vector.extract %slice3A_1402[0] : i32 from vector<1xi32>
      %multiple_of3A_1404 = tpu.assume_multiple %squeeze3A_1403, 128 : i32
      %dma_start3A_1405 = arith.constant 1 : i32
      %dma_start3A_1406 = arith.constant 0 : i32
      %dma_start3A_1407 = arith.constant 0 : i32
      %dma_start3A_1408 = arith.constant 0 : i32
      %dma_start3A_1409 = tpu.memref_slice %arg12[%dma_start3A_1405, %dma_start3A_1406, %dma_start3A_1407, %dma_start3A_1408] : memref<2x4x32x128xf32, #tpu.memory_space<vmem>> -> memref<1x1x32x128xf32, #tpu.memory_space<vmem>>
      %dma_start3A_1410 = tpu.memref_squeeze %dma_start3A_1409 : memref<1x1x32x128xf32, #tpu.memory_space<vmem>> -> memref<32x128xf32, #tpu.memory_space<vmem>>
      %dma_start3A_1411 = arith.constant 0 : i32
      %dma_start3A_1412 = tpu.memref_slice %arg5[%dma_start3A_1411, %multiple_of3A_1404] : memref<32x1000000xf32, #tpu.memory_space<hbm>> -> memref<32x128xf32, #tpu.memory_space<hbm>>
      %dma_start3A_1413 = arith.constant 0 : i32
      %dma_start3A_1414 = arith.constant 0 : i32
      %dma_start3A_1415 = tpu.memref_slice %arg12[%dma_start3A_1405, %dma_start3A_1406, %dma_start3A_1413, %dma_start3A_1414] : memref<2x4x32x128xf32, #tpu.memory_space<vmem>> -> memref<1x1x32x128xf32, #tpu.memory_space<vmem>>
      %dma_start3A_1416 = tpu.memref_squeeze %dma_start3A_1415 : memref<1x1x32x128xf32, #tpu.memory_space<vmem>> -> memref<32x128xf32, #tpu.memory_space<vmem>>
      %dma_start3A_1417 = arith.constant 0 : i32
      %dma_start3A_1418 = tpu.memref_slice %arg5[%dma_start3A_1417, %multiple_of3A_1404] : memref<32x1000000xf32, #tpu.memory_space<hbm>> -> memref<32x128xf32, #tpu.memory_space<hbm>>
      tpu.enqueue_dma source(%dma_start3A_1418 : memref<32x128xf32, #tpu.memory_space<hbm>>) target(%dma_start3A_1416 : memref<32x128xf32, #tpu.memory_space<vmem>>) target_semaphore(%arg18 : memref<!tpu.dma_semaphore, #tpu.memory_space<semaphore_mem>>)
      %slice3A_1419 = vector.extract_strided_slice %min3A_24 {offsets = [5], sizes = [1], strides = [1]} : vector<16xi32> to vector<1xi32>
      %squeeze3A_1420 = vector.extract %slice3A_1419[0] : i32 from vector<1xi32>
      %multiple_of3A_1421 = tpu.assume_multiple %squeeze3A_1420, 128 : i32
      %dma_start3A_1422 = arith.constant 1 : i32
      %dma_start3A_1423 = arith.constant 1 : i32
      %dma_start3A_1424 = arith.constant 0 : i32
      %dma_start3A_1425 = arith.constant 0 : i32
      %dma_start3A_1426 = tpu.memref_slice %arg12[%dma_start3A_1422, %dma_start3A_1423, %dma_start3A_1424, %dma_start3A_1425] : memref<2x4x32x128xf32, #tpu.memory_space<vmem>> -> memref<1x1x32x128xf32, #tpu.memory_space<vmem>>
      %dma_start3A_1427 = tpu.memref_squeeze %dma_start3A_1426 : memref<1x1x32x128xf32, #tpu.memory_space<vmem>> -> memref<32x128xf32, #tpu.memory_space<vmem>>
      %dma_start3A_1428 = arith.constant 0 : i32
      %dma_start3A_1429 = tpu.memref_slice %arg5[%dma_start3A_1428, %multiple_of3A_1421] : memref<32x1000000xf32, #tpu.memory_space<hbm>> -> memref<32x128xf32, #tpu.memory_space<hbm>>
      %dma_start3A_1430 = arith.constant 0 : i32
      %dma_start3A_1431 = arith.constant 0 : i32
      %dma_start3A_1432 = tpu.memref_slice %arg12[%dma_start3A_1422, %dma_start3A_1423, %dma_start3A_1430, %dma_start3A_1431] : memref<2x4x32x128xf32, #tpu.memory_space<vmem>> -> memref<1x1x32x128xf32, #tpu.memory_space<vmem>>
      %dma_start3A_1433 = tpu.memref_squeeze %dma_start3A_1432 : memref<1x1x32x128xf32, #tpu.memory_space<vmem>> -> memref<32x128xf32, #tpu.memory_space<vmem>>
      %dma_start3A_1434 = arith.constant 0 : i32
      %dma_start3A_1435 = tpu.memref_slice %arg5[%dma_start3A_1434, %multiple_of3A_1421] : memref<32x1000000xf32, #tpu.memory_space<hbm>> -> memref<32x128xf32, #tpu.memory_space<hbm>>
      tpu.enqueue_dma source(%dma_start3A_1435 : memref<32x128xf32, #tpu.memory_space<hbm>>) target(%dma_start3A_1433 : memref<32x128xf32, #tpu.memory_space<vmem>>) target_semaphore(%arg18 : memref<!tpu.dma_semaphore, #tpu.memory_space<semaphore_mem>>)
      %slice3A_1436 = vector.extract_strided_slice %min3A_24 {offsets = [6], sizes = [1], strides = [1]} : vector<16xi32> to vector<1xi32>
      %squeeze3A_1437 = vector.extract %slice3A_1436[0] : i32 from vector<1xi32>
      %multiple_of3A_1438 = tpu.assume_multiple %squeeze3A_1437, 128 : i32
      %dma_start3A_1439 = arith.constant 1 : i32
      %dma_start3A_1440 = arith.constant 2 : i32
      %dma_start3A_1441 = arith.constant 0 : i32
      %dma_start3A_1442 = arith.constant 0 : i32
      %dma_start3A_1443 = tpu.memref_slice %arg12[%dma_start3A_1439, %dma_start3A_1440, %dma_start3A_1441, %dma_start3A_1442] : memref<2x4x32x128xf32, #tpu.memory_space<vmem>> -> memref<1x1x32x128xf32, #tpu.memory_space<vmem>>
      %dma_start3A_1444 = tpu.memref_squeeze %dma_start3A_1443 : memref<1x1x32x128xf32, #tpu.memory_space<vmem>> -> memref<32x128xf32, #tpu.memory_space<vmem>>
      %dma_start3A_1445 = arith.constant 0 : i32
      %dma_start3A_1446 = tpu.memref_slice %arg5[%dma_start3A_1445, %multiple_of3A_1438] : memref<32x1000000xf32, #tpu.memory_space<hbm>> -> memref<32x128xf32, #tpu.memory_space<hbm>>
      %dma_start3A_1447 = arith.constant 0 : i32
      %dma_start3A_1448 = arith.constant 0 : i32
      %dma_start3A_1449 = tpu.memref_slice %arg12[%dma_start3A_1439, %dma_start3A_1440, %dma_start3A_1447, %dma_start3A_1448] : memref<2x4x32x128xf32, #tpu.memory_space<vmem>> -> memref<1x1x32x128xf32, #tpu.memory_space<vmem>>
      %dma_start3A_1450 = tpu.memref_squeeze %dma_start3A_1449 : memref<1x1x32x128xf32, #tpu.memory_space<vmem>> -> memref<32x128xf32, #tpu.memory_space<vmem>>
      %dma_start3A_1451 = arith.constant 0 : i32
      %dma_start3A_1452 = tpu.memref_slice %arg5[%dma_start3A_1451, %multiple_of3A_1438] : memref<32x1000000xf32, #tpu.memory_space<hbm>> -> memref<32x128xf32, #tpu.memory_space<hbm>>
      tpu.enqueue_dma source(%dma_start3A_1452 : memref<32x128xf32, #tpu.memory_space<hbm>>) target(%dma_start3A_1450 : memref<32x128xf32, #tpu.memory_space<vmem>>) target_semaphore(%arg18 : memref<!tpu.dma_semaphore, #tpu.memory_space<semaphore_mem>>)
      %slice3A_1453 = vector.extract_strided_slice %min3A_24 {offsets = [7], sizes = [1], strides = [1]} : vector<16xi32> to vector<1xi32>
      %squeeze3A_1454 = vector.extract %slice3A_1453[0] : i32 from vector<1xi32>
      %multiple_of3A_1455 = tpu.assume_multiple %squeeze3A_1454, 128 : i32
      %dma_start3A_1456 = arith.constant 1 : i32
      %dma_start3A_1457 = arith.constant 3 : i32
      %dma_start3A_1458 = arith.constant 0 : i32
      %dma_start3A_1459 = arith.constant 0 : i32
      %dma_start3A_1460 = tpu.memref_slice %arg12[%dma_start3A_1456, %dma_start3A_1457, %dma_start3A_1458, %dma_start3A_1459] : memref<2x4x32x128xf32, #tpu.memory_space<vmem>> -> memref<1x1x32x128xf32, #tpu.memory_space<vmem>>
      %dma_start3A_1461 = tpu.memref_squeeze %dma_start3A_1460 : memref<1x1x32x128xf32, #tpu.memory_space<vmem>> -> memref<32x128xf32, #tpu.memory_space<vmem>>
      %dma_start3A_1462 = arith.constant 0 : i32
      %dma_start3A_1463 = tpu.memref_slice %arg5[%dma_start3A_1462, %multiple_of3A_1455] : memref<32x1000000xf32, #tpu.memory_space<hbm>> -> memref<32x128xf32, #tpu.memory_space<hbm>>
      %dma_start3A_1464 = arith.constant 0 : i32
      %dma_start3A_1465 = arith.constant 0 : i32
      %dma_start3A_1466 = tpu.memref_slice %arg12[%dma_start3A_1456, %dma_start3A_1457, %dma_start3A_1464, %dma_start3A_1465] : memref<2x4x32x128xf32, #tpu.memory_space<vmem>> -> memref<1x1x32x128xf32, #tpu.memory_space<vmem>>
      %dma_start3A_1467 = tpu.memref_squeeze %dma_start3A_1466 : memref<1x1x32x128xf32, #tpu.memory_space<vmem>> -> memref<32x128xf32, #tpu.memory_space<vmem>>
      %dma_start3A_1468 = arith.constant 0 : i32
      %dma_start3A_1469 = tpu.memref_slice %arg5[%dma_start3A_1468, %multiple_of3A_1455] : memref<32x1000000xf32, #tpu.memory_space<hbm>> -> memref<32x128xf32, #tpu.memory_space<hbm>>
      tpu.enqueue_dma source(%dma_start3A_1469 : memref<32x128xf32, #tpu.memory_space<hbm>>) target(%dma_start3A_1467 : memref<32x128xf32, #tpu.memory_space<vmem>>) target_semaphore(%arg18 : memref<!tpu.dma_semaphore, #tpu.memory_space<semaphore_mem>>)
      %broadcast_in_dim3A_1470 = arith.constant 0 : i32
      %broadcast_in_dim3A_1471 = vector.broadcast %broadcast_in_dim3A_1470 : i32 to vector<16xi32>
      %dma_wait3A_1472 = arith.constant 0 : i32
      %dma_wait3A_1473 = arith.constant 0 : i32
      %dma_wait3A_1474 = arith.constant 0 : i32
      %dma_wait3A_1475 = arith.constant 0 : i32
      %dma_wait3A_1476 = tpu.memref_slice %arg12[%dma_wait3A_1472, %dma_wait3A_1473, %dma_wait3A_1474, %dma_wait3A_1475] : memref<2x4x32x128xf32, #tpu.memory_space<vmem>> -> memref<1x1x32x128xf32, #tpu.memory_space<vmem>>
      %dma_wait3A_1477 = tpu.memref_squeeze %dma_wait3A_1476 : memref<1x1x32x128xf32, #tpu.memory_space<vmem>> -> memref<32x128xf32, #tpu.memory_space<vmem>>
      %dma_wait3A_1478 = arith.constant 0 : i32
      %dma_wait3A_1479 = arith.constant 0 : i32
      %dma_wait3A_1480 = tpu.memref_slice %arg5[%dma_wait3A_1478, %dma_wait3A_1479] : memref<32x1000000xf32, #tpu.memory_space<hbm>> -> memref<32x128xf32, #tpu.memory_space<hbm>>
      %dma_wait3A_1481 = arith.constant 0 : i32
      %dma_wait3A_1482 = arith.constant 0 : i32
      %dma_wait3A_1483 = tpu.memref_slice %arg12[%dma_wait3A_1472, %dma_wait3A_1473, %dma_wait3A_1481, %dma_wait3A_1482] : memref<2x4x32x128xf32, #tpu.memory_space<vmem>> -> memref<1x1x32x128xf32, #tpu.memory_space<vmem>>
      %dma_wait3A_1484 = tpu.memref_squeeze %dma_wait3A_1483 : memref<1x1x32x128xf32, #tpu.memory_space<vmem>> -> memref<32x128xf32, #tpu.memory_space<vmem>>
      %dma_wait3A_1485 = arith.constant 0 : i32
      %dma_wait3A_1486 = arith.constant 0 : i32
      %dma_wait3A_1487 = tpu.memref_slice %arg5[%dma_wait3A_1485, %dma_wait3A_1486] : memref<32x1000000xf32, #tpu.memory_space<hbm>> -> memref<32x128xf32, #tpu.memory_space<hbm>>
      tpu.wait_dma2 semaphore(%arg17 : memref<!tpu.dma_semaphore, #tpu.memory_space<semaphore_mem>>) src(%dma_wait3A_1487 : memref<32x128xf32, #tpu.memory_space<hbm>>) dst(%dma_wait3A_1484 : memref<32x128xf32, #tpu.memory_space<vmem>>)
      %slice3A_1488 = vector.extract_strided_slice %get3A_18 {offsets = [0], sizes = [1], strides = [1]} : vector<16xi32> to vector<1xi32>
      %squeeze3A_1489 = vector.extract %slice3A_1488[0] : i32 from vector<1xi32>
      %slice3A_1490 = vector.extract_strided_slice %min3A_24 {offsets = [0], sizes = [1], strides = [1]} : vector<16xi32> to vector<1xi32>
      %squeeze3A_1491 = vector.extract %slice3A_1490[0] : i32 from vector<1xi32>
      %sub3A_1492 = arith.subi %squeeze3A_1489, %squeeze3A_1491 : i32
      %min3A_1493 = arith.constant 127 : i32
      %min3A_1494 = arith.minsi %sub3A_1492, %min3A_1493 : i32
      %broadcast_in_dim3A_1495 = vector.broadcast %min3A_1494 : i32 to vector<16xi32>
      %broadcast_in_dim3A_1496 = arith.constant 0 : i32
      %broadcast_in_dim3A_1497 = vector.broadcast %broadcast_in_dim3A_1496 : i32 to vector<16xi32>
      %gather3A_1498 = tpu.vector_load_idx %arg12[%broadcast_in_dim3A_1471, %broadcast_in_dim3A_1497, %iota3A, %broadcast_in_dim3A_1495] : memref<2x4x32x128xf32, #tpu.memory_space<vmem>>[vector<16xi32>, vector<16xi32>, vector<16xi32>, vector<16xi32>], vector<16xf32>,
      %add3A_1499 = arith.constant 16 : i32
      %add3A_1500 = vector.broadcast %add3A_1499 : i32 to vector<16xi32>
      %add3A_1501 = arith.addi %iota3A, %add3A_1500 : vector<16xi32>
      %gather3A_1502 = tpu.vector_load_idx %arg12[%broadcast_in_dim3A_1471, %broadcast_in_dim3A_1497, %add3A_1501, %broadcast_in_dim3A_1495] : memref<2x4x32x128xf32, #tpu.memory_space<vmem>>[vector<16xi32>, vector<16xi32>, vector<16xi32>, vector<16xi32>], vector<16xf32>,
      %ge3A_1503 = arith.constant 999936 : i32
      %ge3A_1504 = arith.cmpi sge, %squeeze3A_1489, %ge3A_1503 : i32
      %sub3A_1505 = arith.constant 999936 : i32
      %sub3A_1506 = arith.subi %squeeze3A_1489, %sub3A_1505 : i32
      %max3A_1507 = arith.constant 0 : i32
      %max3A_1508 = arith.maxsi %sub3A_1506, %max3A_1507 : i32
      %min3A_1509 = arith.constant 63 : i32
      %min3A_1510 = arith.minsi %max3A_1508, %min3A_1509 : i32
      %broadcast_in_dim3A_1511 = vector.broadcast %min3A_1510 : i32 to vector<16xi32>
      %gather3A_1512 = tpu.vector_load_idx %arg15[%broadcast_in_dim3A_1511, %iota3A] : memref<64x128xf32, #tpu.memory_space<vmem>>[vector<16xi32>, vector<16xi32>], vector<16xf32>,
      %add3A_1513 = arith.constant 16 : i32
      %add3A_1514 = vector.broadcast %add3A_1513 : i32 to vector<16xi32>
      %add3A_1515 = arith.addi %iota3A, %add3A_1514 : vector<16xi32>
      %gather3A_1516 = tpu.vector_load_idx %arg15[%broadcast_in_dim3A_1511, %add3A_1515] : memref<64x128xf32, #tpu.memory_space<vmem>>[vector<16xi32>, vector<16xi32>], vector<16xf32>,
      %broadcast_in_dim3A_1517 = vector.broadcast %ge3A_1504 : i1 to vector<16xi1>
      %select_n3A_1518 = arith.select %broadcast_in_dim3A_1517, %gather3A_1512, %gather3A_1498 : vector<16xi1>, vector<16xf32>
      %broadcast_in_dim3A_1519 = vector.broadcast %ge3A_1504 : i1 to vector<16xi1>
      %select_n3A_1520 = arith.select %broadcast_in_dim3A_1519, %gather3A_1516, %gather3A_1502 : vector<16xi1>, vector<16xf32>
      %mul3A_1521 = arith.constant 16 : i32
      %mul3A_1522 = arith.muli %scan3A_8, %mul3A_1521 : i32
      %add3A_1523 = arith.constant 512 : i32
      %add3A_1524 = arith.addi %add3A_1523, %mul3A_1522 : i32
      %add3A_1525 = arith.constant 0 : i32
      %add3A_1526 = arith.addi %add3A_1524, %add3A_1525 : i32
      %mul3A_1527 = arith.constant 32 : i32
      %mul3A_1528 = arith.muli %add3A_1526, %mul3A_1527 : i32
      %swap3A_1529 = arith.index_cast %mul3A_1528 : i32 to index
      %swap3A_1530 = tpu.vector_load %arg13[%swap3A_1529] {strides = array<i32>} : memref<32768xf32, #tpu.memory_space<vmem>>, vector<16xf32>,
      tpu.vector_store %arg13[%swap3A_1529], %select_n3A_1518 {strides = array<i32>} : memref<32768xf32, #tpu.memory_space<vmem>>, vector<16xf32>,
      %mul3A_1531 = arith.constant 32 : i32
      %mul3A_1532 = arith.muli %add3A_1526, %mul3A_1531 : i32
      %add3A_1533 = arith.constant 16 : i32
      %add3A_1534 = arith.addi %mul3A_1532, %add3A_1533 : i32
      %swap3A_1535 = arith.index_cast %add3A_1534 : i32 to index
      %swap3A_1536 = tpu.vector_load %arg13[%swap3A_1535] {strides = array<i32>} : memref<32768xf32, #tpu.memory_space<vmem>>, vector<16xf32>,
      tpu.vector_store %arg13[%swap3A_1535], %select_n3A_1520 {strides = array<i32>} : memref<32768xf32, #tpu.memory_space<vmem>>, vector<16xf32>,
      %dma_wait3A_1537 = arith.constant 0 : i32
      %dma_wait3A_1538 = arith.constant 1 : i32
      %dma_wait3A_1539 = arith.constant 0 : i32
      %dma_wait3A_1540 = arith.constant 0 : i32
      %dma_wait3A_1541 = tpu.memref_slice %arg12[%dma_wait3A_1537, %dma_wait3A_1538, %dma_wait3A_1539, %dma_wait3A_1540] : memref<2x4x32x128xf32, #tpu.memory_space<vmem>> -> memref<1x1x32x128xf32, #tpu.memory_space<vmem>>
      %dma_wait3A_1542 = tpu.memref_squeeze %dma_wait3A_1541 : memref<1x1x32x128xf32, #tpu.memory_space<vmem>> -> memref<32x128xf32, #tpu.memory_space<vmem>>
      %dma_wait3A_1543 = arith.constant 0 : i32
      %dma_wait3A_1544 = arith.constant 0 : i32
      %dma_wait3A_1545 = tpu.memref_slice %arg5[%dma_wait3A_1543, %dma_wait3A_1544] : memref<32x1000000xf32, #tpu.memory_space<hbm>> -> memref<32x128xf32, #tpu.memory_space<hbm>>
      %dma_wait3A_1546 = arith.constant 0 : i32
      %dma_wait3A_1547 = arith.constant 0 : i32
      %dma_wait3A_1548 = tpu.memref_slice %arg12[%dma_wait3A_1537, %dma_wait3A_1538, %dma_wait3A_1546, %dma_wait3A_1547] : memref<2x4x32x128xf32, #tpu.memory_space<vmem>> -> memref<1x1x32x128xf32, #tpu.memory_space<vmem>>
      %dma_wait3A_1549 = tpu.memref_squeeze %dma_wait3A_1548 : memref<1x1x32x128xf32, #tpu.memory_space<vmem>> -> memref<32x128xf32, #tpu.memory_space<vmem>>
      %dma_wait3A_1550 = arith.constant 0 : i32
      %dma_wait3A_1551 = arith.constant 0 : i32
      %dma_wait3A_1552 = tpu.memref_slice %arg5[%dma_wait3A_1550, %dma_wait3A_1551] : memref<32x1000000xf32, #tpu.memory_space<hbm>> -> memref<32x128xf32, #tpu.memory_space<hbm>>
      tpu.wait_dma2 semaphore(%arg17 : memref<!tpu.dma_semaphore, #tpu.memory_space<semaphore_mem>>) src(%dma_wait3A_1552 : memref<32x128xf32, #tpu.memory_space<hbm>>) dst(%dma_wait3A_1549 : memref<32x128xf32, #tpu.memory_space<vmem>>)
      %slice3A_1553 = vector.extract_strided_slice %get3A_18 {offsets = [1], sizes = [1], strides = [1]} : vector<16xi32> to vector<1xi32>
      %squeeze3A_1554 = vector.extract %slice3A_1553[0] : i32 from vector<1xi32>
      %slice3A_1555 = vector.extract_strided_slice %min3A_24 {offsets = [1], sizes = [1], strides = [1]} : vector<16xi32> to vector<1xi32>
      %squeeze3A_1556 = vector.extract %slice3A_1555[0] : i32 from vector<1xi32>
      %sub3A_1557 = arith.subi %squeeze3A_1554, %squeeze3A_1556 : i32
      %min3A_1558 = arith.constant 127 : i32
      %min3A_1559 = arith.minsi %sub3A_1557, %min3A_1558 : i32
      %broadcast_in_dim3A_1560 = vector.broadcast %min3A_1559 : i32 to vector<16xi32>
      %broadcast_in_dim3A_1561 = arith.constant 1 : i32
      %broadcast_in_dim3A_1562 = vector.broadcast %broadcast_in_dim3A_1561 : i32 to vector<16xi32>
      %gather3A_1563 = tpu.vector_load_idx %arg12[%broadcast_in_dim3A_1471, %broadcast_in_dim3A_1562, %iota3A, %broadcast_in_dim3A_1560] : memref<2x4x32x128xf32, #tpu.memory_space<vmem>>[vector<16xi32>, vector<16xi32>, vector<16xi32>, vector<16xi32>], vector<16xf32>,
      %add3A_1564 = arith.constant 16 : i32
      %add3A_1565 = vector.broadcast %add3A_1564 : i32 to vector<16xi32>
      %add3A_1566 = arith.addi %iota3A, %add3A_1565 : vector<16xi32>
      %gather3A_1567 = tpu.vector_load_idx %arg12[%broadcast_in_dim3A_1471, %broadcast_in_dim3A_1562, %add3A_1566, %broadcast_in_dim3A_1560] : memref<2x4x32x128xf32, #tpu.memory_space<vmem>>[vector<16xi32>, vector<16xi32>, vector<16xi32>, vector<16xi32>], vector<16xf32>,
      %ge3A_1568 = arith.constant 999936 : i32
      %ge3A_1569 = arith.cmpi sge, %squeeze3A_1554, %ge3A_1568 : i32
      %sub3A_1570 = arith.constant 999936 : i32
      %sub3A_1571 = arith.subi %squeeze3A_1554, %sub3A_1570 : i32
      %max3A_1572 = arith.constant 0 : i32
      %max3A_1573 = arith.maxsi %sub3A_1571, %max3A_1572 : i32
      %min3A_1574 = arith.constant 63 : i32
      %min3A_1575 = arith.minsi %max3A_1573, %min3A_1574 : i32
      %broadcast_in_dim3A_1576 = vector.broadcast %min3A_1575 : i32 to vector<16xi32>
      %gather3A_1577 = tpu.vector_load_idx %arg15[%broadcast_in_dim3A_1576, %iota3A] : memref<64x128xf32, #tpu.memory_space<vmem>>[vector<16xi32>, vector<16xi32>], vector<16xf32>,
      %add3A_1578 = arith.constant 16 : i32
      %add3A_1579 = vector.broadcast %add3A_1578 : i32 to vector<16xi32>
      %add3A_1580 = arith.addi %iota3A, %add3A_1579 : vector<16xi32>
      %gather3A_1581 = tpu.vector_load_idx %arg15[%broadcast_in_dim3A_1576, %add3A_1580] : memref<64x128xf32, #tpu.memory_space<vmem>>[vector<16xi32>, vector<16xi32>], vector<16xf32>,
      %broadcast_in_dim3A_1582 = vector.broadcast %ge3A_1569 : i1 to vector<16xi1>
      %select_n3A_1583 = arith.select %broadcast_in_dim3A_1582, %gather3A_1577, %gather3A_1563 : vector<16xi1>, vector<16xf32>
      %broadcast_in_dim3A_1584 = vector.broadcast %ge3A_1569 : i1 to vector<16xi1>
      %select_n3A_1585 = arith.select %broadcast_in_dim3A_1584, %gather3A_1581, %gather3A_1567 : vector<16xi1>, vector<16xf32>
      %mul3A_1586 = arith.constant 16 : i32
      %mul3A_1587 = arith.muli %scan3A_8, %mul3A_1586 : i32
      %add3A_1588 = arith.constant 512 : i32
      %add3A_1589 = arith.addi %add3A_1588, %mul3A_1587 : i32
      %add3A_1590 = arith.constant 1 : i32
      %add3A_1591 = arith.addi %add3A_1589, %add3A_1590 : i32
      %mul3A_1592 = arith.constant 32 : i32
      %mul3A_1593 = arith.muli %add3A_1591, %mul3A_1592 : i32
      %swap3A_1594 = arith.index_cast %mul3A_1593 : i32 to index
      %swap3A_1595 = tpu.vector_load %arg13[%swap3A_1594] {strides = array<i32>} : memref<32768xf32, #tpu.memory_space<vmem>>, vector<16xf32>,
      tpu.vector_store %arg13[%swap3A_1594], %select_n3A_1583 {strides = array<i32>} : memref<32768xf32, #tpu.memory_space<vmem>>, vector<16xf32>,
      %mul3A_1596 = arith.constant 32 : i32
      %mul3A_1597 = arith.muli %add3A_1591, %mul3A_1596 : i32
      %add3A_1598 = arith.constant 16 : i32
      %add3A_1599 = arith.addi %mul3A_1597, %add3A_1598 : i32
      %swap3A_1600 = arith.index_cast %add3A_1599 : i32 to index
      %swap3A_1601 = tpu.vector_load %arg13[%swap3A_1600] {strides = array<i32>} : memref<32768xf32, #tpu.memory_space<vmem>>, vector<16xf32>,
      tpu.vector_store %arg13[%swap3A_1600], %select_n3A_1585 {strides = array<i32>} : memref<32768xf32, #tpu.memory_space<vmem>>, vector<16xf32>,
      %dma_wait3A_1602 = arith.constant 0 : i32
      %dma_wait3A_1603 = arith.constant 2 : i32
      %dma_wait3A_1604 = arith.constant 0 : i32
      %dma_wait3A_1605 = arith.constant 0 : i32
      %dma_wait3A_1606 = tpu.memref_slice %arg12[%dma_wait3A_1602, %dma_wait3A_1603, %dma_wait3A_1604, %dma_wait3A_1605] : memref<2x4x32x128xf32, #tpu.memory_space<vmem>> -> memref<1x1x32x128xf32, #tpu.memory_space<vmem>>
      %dma_wait3A_1607 = tpu.memref_squeeze %dma_wait3A_1606 : memref<1x1x32x128xf32, #tpu.memory_space<vmem>> -> memref<32x128xf32, #tpu.memory_space<vmem>>
      %dma_wait3A_1608 = arith.constant 0 : i32
      %dma_wait3A_1609 = arith.constant 0 : i32
      %dma_wait3A_1610 = tpu.memref_slice %arg5[%dma_wait3A_1608, %dma_wait3A_1609] : memref<32x1000000xf32, #tpu.memory_space<hbm>> -> memref<32x128xf32, #tpu.memory_space<hbm>>
      %dma_wait3A_1611 = arith.constant 0 : i32
      %dma_wait3A_1612 = arith.constant 0 : i32
      %dma_wait3A_1613 = tpu.memref_slice %arg12[%dma_wait3A_1602, %dma_wait3A_1603, %dma_wait3A_1611, %dma_wait3A_1612] : memref<2x4x32x128xf32, #tpu.memory_space<vmem>> -> memref<1x1x32x128xf32, #tpu.memory_space<vmem>>
      %dma_wait3A_1614 = tpu.memref_squeeze %dma_wait3A_1613 : memref<1x1x32x128xf32, #tpu.memory_space<vmem>> -> memref<32x128xf32, #tpu.memory_space<vmem>>
      %dma_wait3A_1615 = arith.constant 0 : i32
      %dma_wait3A_1616 = arith.constant 0 : i32
      %dma_wait3A_1617 = tpu.memref_slice %arg5[%dma_wait3A_1615, %dma_wait3A_1616] : memref<32x1000000xf32, #tpu.memory_space<hbm>> -> memref<32x128xf32, #tpu.memory_space<hbm>>
      tpu.wait_dma2 semaphore(%arg17 : memref<!tpu.dma_semaphore, #tpu.memory_space<semaphore_mem>>) src(%dma_wait3A_1617 : memref<32x128xf32, #tpu.memory_space<hbm>>) dst(%dma_wait3A_1614 : memref<32x128xf32, #tpu.memory_space<vmem>>)
      %slice3A_1618 = vector.extract_strided_slice %get3A_18 {offsets = [2], sizes = [1], strides = [1]} : vector<16xi32> to vector<1xi32>
      %squeeze3A_1619 = vector.extract %slice3A_1618[0] : i32 from vector<1xi32>
      %slice3A_1620 = vector.extract_strided_slice %min3A_24 {offsets = [2], sizes = [1], strides = [1]} : vector<16xi32> to vector<1xi32>
      %squeeze3A_1621 = vector.extract %slice3A_1620[0] : i32 from vector<1xi32>
      %sub3A_1622 = arith.subi %squeeze3A_1619, %squeeze3A_1621 : i32
      %min3A_1623 = arith.constant 127 : i32
      %min3A_1624 = arith.minsi %sub3A_1622, %min3A_1623 : i32
      %broadcast_in_dim3A_1625 = vector.broadcast %min3A_1624 : i32 to vector<16xi32>
      %broadcast_in_dim3A_1626 = arith.constant 2 : i32
      %broadcast_in_dim3A_1627 = vector.broadcast %broadcast_in_dim3A_1626 : i32 to vector<16xi32>
      %gather3A_1628 = tpu.vector_load_idx %arg12[%broadcast_in_dim3A_1471, %broadcast_in_dim3A_1627, %iota3A, %broadcast_in_dim3A_1625] : memref<2x4x32x128xf32, #tpu.memory_space<vmem>>[vector<16xi32>, vector<16xi32>, vector<16xi32>, vector<16xi32>], vector<16xf32>,
      %add3A_1629 = arith.constant 16 : i32
      %add3A_1630 = vector.broadcast %add3A_1629 : i32 to vector<16xi32>
      %add3A_1631 = arith.addi %iota3A, %add3A_1630 : vector<16xi32>
      %gather3A_1632 = tpu.vector_load_idx %arg12[%broadcast_in_dim3A_1471, %broadcast_in_dim3A_1627, %add3A_1631, %broadcast_in_dim3A_1625] : memref<2x4x32x128xf32, #tpu.memory_space<vmem>>[vector<16xi32>, vector<16xi32>, vector<16xi32>, vector<16xi32>], vector<16xf32>,
      %ge3A_1633 = arith.constant 999936 : i32
      %ge3A_1634 = arith.cmpi sge, %squeeze3A_1619, %ge3A_1633 : i32
      %sub3A_1635 = arith.constant 999936 : i32
      %sub3A_1636 = arith.subi %squeeze3A_1619, %sub3A_1635 : i32
      %max3A_1637 = arith.constant 0 : i32
      %max3A_1638 = arith.maxsi %sub3A_1636, %max3A_1637 : i32
      %min3A_1639 = arith.constant 63 : i32
      %min3A_1640 = arith.minsi %max3A_1638, %min3A_1639 : i32
      %broadcast_in_dim3A_1641 = vector.broadcast %min3A_1640 : i32 to vector<16xi32>
      %gather3A_1642 = tpu.vector_load_idx %arg15[%broadcast_in_dim3A_1641, %iota3A] : memref<64x128xf32, #tpu.memory_space<vmem>>[vector<16xi32>, vector<16xi32>], vector<16xf32>,
      %add3A_1643 = arith.constant 16 : i32
      %add3A_1644 = vector.broadcast %add3A_1643 : i32 to vector<16xi32>
      %add3A_1645 = arith.addi %iota3A, %add3A_1644 : vector<16xi32>
      %gather3A_1646 = tpu.vector_load_idx %arg15[%broadcast_in_dim3A_1641, %add3A_1645] : memref<64x128xf32, #tpu.memory_space<vmem>>[vector<16xi32>, vector<16xi32>], vector<16xf32>,
      %broadcast_in_dim3A_1647 = vector.broadcast %ge3A_1634 : i1 to vector<16xi1>
      %select_n3A_1648 = arith.select %broadcast_in_dim3A_1647, %gather3A_1642, %gather3A_1628 : vector<16xi1>, vector<16xf32>
      %broadcast_in_dim3A_1649 = vector.broadcast %ge3A_1634 : i1 to vector<16xi1>
      %select_n3A_1650 = arith.select %broadcast_in_dim3A_1649, %gather3A_1646, %gather3A_1632 : vector<16xi1>, vector<16xf32>
      %mul3A_1651 = arith.constant 16 : i32
      %mul3A_1652 = arith.muli %scan3A_8, %mul3A_1651 : i32
      %add3A_1653 = arith.constant 512 : i32
      %add3A_1654 = arith.addi %add3A_1653, %mul3A_1652 : i32
      %add3A_1655 = arith.constant 2 : i32
      %add3A_1656 = arith.addi %add3A_1654, %add3A_1655 : i32
      %mul3A_1657 = arith.constant 32 : i32
      %mul3A_1658 = arith.muli %add3A_1656, %mul3A_1657 : i32
      %swap3A_1659 = arith.index_cast %mul3A_1658 : i32 to index
      %swap3A_1660 = tpu.vector_load %arg13[%swap3A_1659] {strides = array<i32>} : memref<32768xf32, #tpu.memory_space<vmem>>, vector<16xf32>,
      tpu.vector_store %arg13[%swap3A_1659], %select_n3A_1648 {strides = array<i32>} : memref<32768xf32, #tpu.memory_space<vmem>>, vector<16xf32>,
      %mul3A_1661 = arith.constant 32 : i32
      %mul3A_1662 = arith.muli %add3A_1656, %mul3A_1661 : i32
      %add3A_1663 = arith.constant 16 : i32
      %add3A_1664 = arith.addi %mul3A_1662, %add3A_1663 : i32
      %swap3A_1665 = arith.index_cast %add3A_1664 : i32 to index
      %swap3A_1666 = tpu.vector_load %arg13[%swap3A_1665] {strides = array<i32>} : memref<32768xf32, #tpu.memory_space<vmem>>, vector<16xf32>,
      tpu.vector_store %arg13[%swap3A_1665], %select_n3A_1650 {strides = array<i32>} : memref<32768xf32, #tpu.memory_space<vmem>>, vector<16xf32>,
      %dma_wait3A_1667 = arith.constant 0 : i32
      %dma_wait3A_1668 = arith.constant 3 : i32
      %dma_wait3A_1669 = arith.constant 0 : i32
      %dma_wait3A_1670 = arith.constant 0 : i32
      %dma_wait3A_1671 = tpu.memref_slice %arg12[%dma_wait3A_1667, %dma_wait3A_1668, %dma_wait3A_1669, %dma_wait3A_1670] : memref<2x4x32x128xf32, #tpu.memory_space<vmem>> -> memref<1x1x32x128xf32, #tpu.memory_space<vmem>>
      %dma_wait3A_1672 = tpu.memref_squeeze %dma_wait3A_1671 : memref<1x1x32x128xf32, #tpu.memory_space<vmem>> -> memref<32x128xf32, #tpu.memory_space<vmem>>
      %dma_wait3A_1673 = arith.constant 0 : i32
      %dma_wait3A_1674 = arith.constant 0 : i32
      %dma_wait3A_1675 = tpu.memref_slice %arg5[%dma_wait3A_1673, %dma_wait3A_1674] : memref<32x1000000xf32, #tpu.memory_space<hbm>> -> memref<32x128xf32, #tpu.memory_space<hbm>>
      %dma_wait3A_1676 = arith.constant 0 : i32
      %dma_wait3A_1677 = arith.constant 0 : i32
      %dma_wait3A_1678 = tpu.memref_slice %arg12[%dma_wait3A_1667, %dma_wait3A_1668, %dma_wait3A_1676, %dma_wait3A_1677] : memref<2x4x32x128xf32, #tpu.memory_space<vmem>> -> memref<1x1x32x128xf32, #tpu.memory_space<vmem>>
      %dma_wait3A_1679 = tpu.memref_squeeze %dma_wait3A_1678 : memref<1x1x32x128xf32, #tpu.memory_space<vmem>> -> memref<32x128xf32, #tpu.memory_space<vmem>>
      %dma_wait3A_1680 = arith.constant 0 : i32
      %dma_wait3A_1681 = arith.constant 0 : i32
      %dma_wait3A_1682 = tpu.memref_slice %arg5[%dma_wait3A_1680, %dma_wait3A_1681] : memref<32x1000000xf32, #tpu.memory_space<hbm>> -> memref<32x128xf32, #tpu.memory_space<hbm>>
      tpu.wait_dma2 semaphore(%arg17 : memref<!tpu.dma_semaphore, #tpu.memory_space<semaphore_mem>>) src(%dma_wait3A_1682 : memref<32x128xf32, #tpu.memory_space<hbm>>) dst(%dma_wait3A_1679 : memref<32x128xf32, #tpu.memory_space<vmem>>)
      %slice3A_1683 = vector.extract_strided_slice %get3A_18 {offsets = [3], sizes = [1], strides = [1]} : vector<16xi32> to vector<1xi32>
      %squeeze3A_1684 = vector.extract %slice3A_1683[0] : i32 from vector<1xi32>
      %slice3A_1685 = vector.extract_strided_slice %min3A_24 {offsets = [3], sizes = [1], strides = [1]} : vector<16xi32> to vector<1xi32>
      %squeeze3A_1686 = vector.extract %slice3A_1685[0] : i32 from vector<1xi32>
      %sub3A_1687 = arith.subi %squeeze3A_1684, %squeeze3A_1686 : i32
      %min3A_1688 = arith.constant 127 : i32
      %min3A_1689 = arith.minsi %sub3A_1687, %min3A_1688 : i32
      %broadcast_in_dim3A_1690 = vector.broadcast %min3A_1689 : i32 to vector<16xi32>
      %broadcast_in_dim3A_1691 = arith.constant 3 : i32
      %broadcast_in_dim3A_1692 = vector.broadcast %broadcast_in_dim3A_1691 : i32 to vector<16xi32>
      %gather3A_1693 = tpu.vector_load_idx %arg12[%broadcast_in_dim3A_1471, %broadcast_in_dim3A_1692, %iota3A, %broadcast_in_dim3A_1690] : memref<2x4x32x128xf32, #tpu.memory_space<vmem>>[vector<16xi32>, vector<16xi32>, vector<16xi32>, vector<16xi32>], vector<16xf32>,
      %add3A_1694 = arith.constant 16 : i32
      %add3A_1695 = vector.broadcast %add3A_1694 : i32 to vector<16xi32>
      %add3A_1696 = arith.addi %iota3A, %add3A_1695 : vector<16xi32>
      %gather3A_1697 = tpu.vector_load_idx %arg12[%broadcast_in_dim3A_1471, %broadcast_in_dim3A_1692, %add3A_1696, %broadcast_in_dim3A_1690] : memref<2x4x32x128xf32, #tpu.memory_space<vmem>>[vector<16xi32>, vector<16xi32>, vector<16xi32>, vector<16xi32>], vector<16xf32>,
      %ge3A_1698 = arith.constant 999936 : i32
      %ge3A_1699 = arith.cmpi sge, %squeeze3A_1684, %ge3A_1698 : i32
      %sub3A_1700 = arith.constant 999936 : i32
      %sub3A_1701 = arith.subi %squeeze3A_1684, %sub3A_1700 : i32
      %max3A_1702 = arith.constant 0 : i32
      %max3A_1703 = arith.maxsi %sub3A_1701, %max3A_1702 : i32
      %min3A_1704 = arith.constant 63 : i32
      %min3A_1705 = arith.minsi %max3A_1703, %min3A_1704 : i32
      %broadcast_in_dim3A_1706 = vector.broadcast %min3A_1705 : i32 to vector<16xi32>
      %gather3A_1707 = tpu.vector_load_idx %arg15[%broadcast_in_dim3A_1706, %iota3A] : memref<64x128xf32, #tpu.memory_space<vmem>>[vector<16xi32>, vector<16xi32>], vector<16xf32>,
      %add3A_1708 = arith.constant 16 : i32
      %add3A_1709 = vector.broadcast %add3A_1708 : i32 to vector<16xi32>
      %add3A_1710 = arith.addi %iota3A, %add3A_1709 : vector<16xi32>
      %gather3A_1711 = tpu.vector_load_idx %arg15[%broadcast_in_dim3A_1706, %add3A_1710] : memref<64x128xf32, #tpu.memory_space<vmem>>[vector<16xi32>, vector<16xi32>], vector<16xf32>,
      %broadcast_in_dim3A_1712 = vector.broadcast %ge3A_1699 : i1 to vector<16xi1>
      %select_n3A_1713 = arith.select %broadcast_in_dim3A_1712, %gather3A_1707, %gather3A_1693 : vector<16xi1>, vector<16xf32>
      %broadcast_in_dim3A_1714 = vector.broadcast %ge3A_1699 : i1 to vector<16xi1>
      %select_n3A_1715 = arith.select %broadcast_in_dim3A_1714, %gather3A_1711, %gather3A_1697 : vector<16xi1>, vector<16xf32>
      %mul3A_1716 = arith.constant 16 : i32
      %mul3A_1717 = arith.muli %scan3A_8, %mul3A_1716 : i32
      %add3A_1718 = arith.constant 512 : i32
      %add3A_1719 = arith.addi %add3A_1718, %mul3A_1717 : i32
      %add3A_1720 = arith.constant 3 : i32
      %add3A_1721 = arith.addi %add3A_1719, %add3A_1720 : i32
      %mul3A_1722 = arith.constant 32 : i32
      %mul3A_1723 = arith.muli %add3A_1721, %mul3A_1722 : i32
      %swap3A_1724 = arith.index_cast %mul3A_1723 : i32 to index
      %swap3A_1725 = tpu.vector_load %arg13[%swap3A_1724] {strides = array<i32>} : memref<32768xf32, #tpu.memory_space<vmem>>, vector<16xf32>,
      tpu.vector_store %arg13[%swap3A_1724], %select_n3A_1713 {strides = array<i32>} : memref<32768xf32, #tpu.memory_space<vmem>>, vector<16xf32>,
      %mul3A_1726 = arith.constant 32 : i32
      %mul3A_1727 = arith.muli %add3A_1721, %mul3A_1726 : i32
      %add3A_1728 = arith.constant 16 : i32
      %add3A_1729 = arith.addi %mul3A_1727, %add3A_1728 : i32
      %swap3A_1730 = arith.index_cast %add3A_1729 : i32 to index
      %swap3A_1731 = tpu.vector_load %arg13[%swap3A_1730] {strides = array<i32>} : memref<32768xf32, #tpu.memory_space<vmem>>, vector<16xf32>,
      tpu.vector_store %arg13[%swap3A_1730], %select_n3A_1715 {strides = array<i32>} : memref<32768xf32, #tpu.memory_space<vmem>>, vector<16xf32>,
      %slice3A_1732 = vector.extract_strided_slice %min3A_24 {offsets = [8], sizes = [1], strides = [1]} : vector<16xi32> to vector<1xi32>
      %squeeze3A_1733 = vector.extract %slice3A_1732[0] : i32 from vector<1xi32>
      %multiple_of3A_1734 = tpu.assume_multiple %squeeze3A_1733, 128 : i32
      %dma_start3A_1735 = arith.constant 0 : i32
      %dma_start3A_1736 = arith.constant 0 : i32
      %dma_start3A_1737 = arith.constant 0 : i32
      %dma_start3A_1738 = arith.constant 0 : i32
      %dma_start3A_1739 = tpu.memref_slice %arg12[%dma_start3A_1735, %dma_start3A_1736, %dma_start3A_1737, %dma_start3A_1738] : memref<2x4x32x128xf32, #tpu.memory_space<vmem>> -> memref<1x1x32x128xf32, #tpu.memory_space<vmem>>
      %dma_start3A_1740 = tpu.memref_squeeze %dma_start3A_1739 : memref<1x1x32x128xf32, #tpu.memory_space<vmem>> -> memref<32x128xf32, #tpu.memory_space<vmem>>
      %dma_start3A_1741 = arith.constant 0 : i32
      %dma_start3A_1742 = tpu.memref_slice %arg5[%dma_start3A_1741, %multiple_of3A_1734] : memref<32x1000000xf32, #tpu.memory_space<hbm>> -> memref<32x128xf32, #tpu.memory_space<hbm>>
      %dma_start3A_1743 = arith.constant 0 : i32
      %dma_start3A_1744 = arith.constant 0 : i32
      %dma_start3A_1745 = tpu.memref_slice %arg12[%dma_start3A_1735, %dma_start3A_1736, %dma_start3A_1743, %dma_start3A_1744] : memref<2x4x32x128xf32, #tpu.memory_space<vmem>> -> memref<1x1x32x128xf32, #tpu.memory_space<vmem>>
      %dma_start3A_1746 = tpu.memref_squeeze %dma_start3A_1745 : memref<1x1x32x128xf32, #tpu.memory_space<vmem>> -> memref<32x128xf32, #tpu.memory_space<vmem>>
      %dma_start3A_1747 = arith.constant 0 : i32
      %dma_start3A_1748 = tpu.memref_slice %arg5[%dma_start3A_1747, %multiple_of3A_1734] : memref<32x1000000xf32, #tpu.memory_space<hbm>> -> memref<32x128xf32, #tpu.memory_space<hbm>>
      tpu.enqueue_dma source(%dma_start3A_1748 : memref<32x128xf32, #tpu.memory_space<hbm>>) target(%dma_start3A_1746 : memref<32x128xf32, #tpu.memory_space<vmem>>) target_semaphore(%arg17 : memref<!tpu.dma_semaphore, #tpu.memory_space<semaphore_mem>>)
      %slice3A_1749 = vector.extract_strided_slice %min3A_24 {offsets = [9], sizes = [1], strides = [1]} : vector<16xi32> to vector<1xi32>
      %squeeze3A_1750 = vector.extract %slice3A_1749[0] : i32 from vector<1xi32>
      %multiple_of3A_1751 = tpu.assume_multiple %squeeze3A_1750, 128 : i32
      %dma_start3A_1752 = arith.constant 0 : i32
      %dma_start3A_1753 = arith.constant 1 : i32
      %dma_start3A_1754 = arith.constant 0 : i32
      %dma_start3A_1755 = arith.constant 0 : i32
      %dma_start3A_1756 = tpu.memref_slice %arg12[%dma_start3A_1752, %dma_start3A_1753, %dma_start3A_1754, %dma_start3A_1755] : memref<2x4x32x128xf32, #tpu.memory_space<vmem>> -> memref<1x1x32x128xf32, #tpu.memory_space<vmem>>
      %dma_start3A_1757 = tpu.memref_squeeze %dma_start3A_1756 : memref<1x1x32x128xf32, #tpu.memory_space<vmem>> -> memref<32x128xf32, #tpu.memory_space<vmem>>
      %dma_start3A_1758 = arith.constant 0 : i32
      %dma_start3A_1759 = tpu.memref_slice %arg5[%dma_start3A_1758, %multiple_of3A_1751] : memref<32x1000000xf32, #tpu.memory_space<hbm>> -> memref<32x128xf32, #tpu.memory_space<hbm>>
      %dma_start3A_1760 = arith.constant 0 : i32
      %dma_start3A_1761 = arith.constant 0 : i32
      %dma_start3A_1762 = tpu.memref_slice %arg12[%dma_start3A_1752, %dma_start3A_1753, %dma_start3A_1760, %dma_start3A_1761] : memref<2x4x32x128xf32, #tpu.memory_space<vmem>> -> memref<1x1x32x128xf32, #tpu.memory_space<vmem>>
      %dma_start3A_1763 = tpu.memref_squeeze %dma_start3A_1762 : memref<1x1x32x128xf32, #tpu.memory_space<vmem>> -> memref<32x128xf32, #tpu.memory_space<vmem>>
      %dma_start3A_1764 = arith.constant 0 : i32
      %dma_start3A_1765 = tpu.memref_slice %arg5[%dma_start3A_1764, %multiple_of3A_1751] : memref<32x1000000xf32, #tpu.memory_space<hbm>> -> memref<32x128xf32, #tpu.memory_space<hbm>>
      tpu.enqueue_dma source(%dma_start3A_1765 : memref<32x128xf32, #tpu.memory_space<hbm>>) target(%dma_start3A_1763 : memref<32x128xf32, #tpu.memory_space<vmem>>) target_semaphore(%arg17 : memref<!tpu.dma_semaphore, #tpu.memory_space<semaphore_mem>>)
      %slice3A_1766 = vector.extract_strided_slice %min3A_24 {offsets = [10], sizes = [1], strides = [1]} : vector<16xi32> to vector<1xi32>
      %squeeze3A_1767 = vector.extract %slice3A_1766[0] : i32 from vector<1xi32>
      %multiple_of3A_1768 = tpu.assume_multiple %squeeze3A_1767, 128 : i32
      %dma_start3A_1769 = arith.constant 0 : i32
      %dma_start3A_1770 = arith.constant 2 : i32
      %dma_start3A_1771 = arith.constant 0 : i32
      %dma_start3A_1772 = arith.constant 0 : i32
      %dma_start3A_1773 = tpu.memref_slice %arg12[%dma_start3A_1769, %dma_start3A_1770, %dma_start3A_1771, %dma_start3A_1772] : memref<2x4x32x128xf32, #tpu.memory_space<vmem>> -> memref<1x1x32x128xf32, #tpu.memory_space<vmem>>
      %dma_start3A_1774 = tpu.memref_squeeze %dma_start3A_1773 : memref<1x1x32x128xf32, #tpu.memory_space<vmem>> -> memref<32x128xf32, #tpu.memory_space<vmem>>
      %dma_start3A_1775 = arith.constant 0 : i32
      %dma_start3A_1776 = tpu.memref_slice %arg5[%dma_start3A_1775, %multiple_of3A_1768] : memref<32x1000000xf32, #tpu.memory_space<hbm>> -> memref<32x128xf32, #tpu.memory_space<hbm>>
      %dma_start3A_1777 = arith.constant 0 : i32
      %dma_start3A_1778 = arith.constant 0 : i32
      %dma_start3A_1779 = tpu.memref_slice %arg12[%dma_start3A_1769, %dma_start3A_1770, %dma_start3A_1777, %dma_start3A_1778] : memref<2x4x32x128xf32, #tpu.memory_space<vmem>> -> memref<1x1x32x128xf32, #tpu.memory_space<vmem>>
      %dma_start3A_1780 = tpu.memref_squeeze %dma_start3A_1779 : memref<1x1x32x128xf32, #tpu.memory_space<vmem>> -> memref<32x128xf32, #tpu.memory_space<vmem>>
      %dma_start3A_1781 = arith.constant 0 : i32
      %dma_start3A_1782 = tpu.memref_slice %arg5[%dma_start3A_1781, %multiple_of3A_1768] : memref<32x1000000xf32, #tpu.memory_space<hbm>> -> memref<32x128xf32, #tpu.memory_space<hbm>>
      tpu.enqueue_dma source(%dma_start3A_1782 : memref<32x128xf32, #tpu.memory_space<hbm>>) target(%dma_start3A_1780 : memref<32x128xf32, #tpu.memory_space<vmem>>) target_semaphore(%arg17 : memref<!tpu.dma_semaphore, #tpu.memory_space<semaphore_mem>>)
      %slice3A_1783 = vector.extract_strided_slice %min3A_24 {offsets = [11], sizes = [1], strides = [1]} : vector<16xi32> to vector<1xi32>
      %squeeze3A_1784 = vector.extract %slice3A_1783[0] : i32 from vector<1xi32>
      %multiple_of3A_1785 = tpu.assume_multiple %squeeze3A_1784, 128 : i32
      %dma_start3A_1786 = arith.constant 0 : i32
      %dma_start3A_1787 = arith.constant 3 : i32
      %dma_start3A_1788 = arith.constant 0 : i32
      %dma_start3A_1789 = arith.constant 0 : i32
      %dma_start3A_1790 = tpu.memref_slice %arg12[%dma_start3A_1786, %dma_start3A_1787, %dma_start3A_1788, %dma_start3A_1789] : memref<2x4x32x128xf32, #tpu.memory_space<vmem>> -> memref<1x1x32x128xf32, #tpu.memory_space<vmem>>
      %dma_start3A_1791 = tpu.memref_squeeze %dma_start3A_1790 : memref<1x1x32x128xf32, #tpu.memory_space<vmem>> -> memref<32x128xf32, #tpu.memory_space<vmem>>
      %dma_start3A_1792 = arith.constant 0 : i32
      %dma_start3A_1793 = tpu.memref_slice %arg5[%dma_start3A_1792, %multiple_of3A_1785] : memref<32x1000000xf32, #tpu.memory_space<hbm>> -> memref<32x128xf32, #tpu.memory_space<hbm>>
      %dma_start3A_1794 = arith.constant 0 : i32
      %dma_start3A_1795 = arith.constant 0 : i32
      %dma_start3A_1796 = tpu.memref_slice %arg12[%dma_start3A_1786, %dma_start3A_1787, %dma_start3A_1794, %dma_start3A_1795] : memref<2x4x32x128xf32, #tpu.memory_space<vmem>> -> memref<1x1x32x128xf32, #tpu.memory_space<vmem>>
      %dma_start3A_1797 = tpu.memref_squeeze %dma_start3A_1796 : memref<1x1x32x128xf32, #tpu.memory_space<vmem>> -> memref<32x128xf32, #tpu.memory_space<vmem>>
      %dma_start3A_1798 = arith.constant 0 : i32
      %dma_start3A_1799 = tpu.memref_slice %arg5[%dma_start3A_1798, %multiple_of3A_1785] : memref<32x1000000xf32, #tpu.memory_space<hbm>> -> memref<32x128xf32, #tpu.memory_space<hbm>>
      tpu.enqueue_dma source(%dma_start3A_1799 : memref<32x128xf32, #tpu.memory_space<hbm>>) target(%dma_start3A_1797 : memref<32x128xf32, #tpu.memory_space<vmem>>) target_semaphore(%arg17 : memref<!tpu.dma_semaphore, #tpu.memory_space<semaphore_mem>>)
      %broadcast_in_dim3A_1800 = arith.constant 1 : i32
      %broadcast_in_dim3A_1801 = vector.broadcast %broadcast_in_dim3A_1800 : i32 to vector<16xi32>
      %dma_wait3A_1802 = arith.constant 1 : i32
      %dma_wait3A_1803 = arith.constant 0 : i32
      %dma_wait3A_1804 = arith.constant 0 : i32
      %dma_wait3A_1805 = arith.constant 0 : i32
      %dma_wait3A_1806 = tpu.memref_slice %arg12[%dma_wait3A_1802, %dma_wait3A_1803, %dma_wait3A_1804, %dma_wait3A_1805] : memref<2x4x32x128xf32, #tpu.memory_space<vmem>> -> memref<1x1x32x128xf32, #tpu.memory_space<vmem>>
      %dma_wait3A_1807 = tpu.memref_squeeze %dma_wait3A_1806 : memref<1x1x32x128xf32, #tpu.memory_space<vmem>> -> memref<32x128xf32, #tpu.memory_space<vmem>>
      %dma_wait3A_1808 = arith.constant 0 : i32
      %dma_wait3A_1809 = arith.constant 0 : i32
      %dma_wait3A_1810 = tpu.memref_slice %arg5[%dma_wait3A_1808, %dma_wait3A_1809] : memref<32x1000000xf32, #tpu.memory_space<hbm>> -> memref<32x128xf32, #tpu.memory_space<hbm>>
      %dma_wait3A_1811 = arith.constant 0 : i32
      %dma_wait3A_1812 = arith.constant 0 : i32
      %dma_wait3A_1813 = tpu.memref_slice %arg12[%dma_wait3A_1802, %dma_wait3A_1803, %dma_wait3A_1811, %dma_wait3A_1812] : memref<2x4x32x128xf32, #tpu.memory_space<vmem>> -> memref<1x1x32x128xf32, #tpu.memory_space<vmem>>
      %dma_wait3A_1814 = tpu.memref_squeeze %dma_wait3A_1813 : memref<1x1x32x128xf32, #tpu.memory_space<vmem>> -> memref<32x128xf32, #tpu.memory_space<vmem>>
      %dma_wait3A_1815 = arith.constant 0 : i32
      %dma_wait3A_1816 = arith.constant 0 : i32
      %dma_wait3A_1817 = tpu.memref_slice %arg5[%dma_wait3A_1815, %dma_wait3A_1816] : memref<32x1000000xf32, #tpu.memory_space<hbm>> -> memref<32x128xf32, #tpu.memory_space<hbm>>
      tpu.wait_dma2 semaphore(%arg18 : memref<!tpu.dma_semaphore, #tpu.memory_space<semaphore_mem>>) src(%dma_wait3A_1817 : memref<32x128xf32, #tpu.memory_space<hbm>>) dst(%dma_wait3A_1814 : memref<32x128xf32, #tpu.memory_space<vmem>>)
      %slice3A_1818 = vector.extract_strided_slice %get3A_18 {offsets = [4], sizes = [1], strides = [1]} : vector<16xi32> to vector<1xi32>
      %squeeze3A_1819 = vector.extract %slice3A_1818[0] : i32 from vector<1xi32>
      %slice3A_1820 = vector.extract_strided_slice %min3A_24 {offsets = [4], sizes = [1], strides = [1]} : vector<16xi32> to vector<1xi32>
      %squeeze3A_1821 = vector.extract %slice3A_1820[0] : i32 from vector<1xi32>
      %sub3A_1822 = arith.subi %squeeze3A_1819, %squeeze3A_1821 : i32
      %min3A_1823 = arith.constant 127 : i32
      %min3A_1824 = arith.minsi %sub3A_1822, %min3A_1823 : i32
      %broadcast_in_dim3A_1825 = vector.broadcast %min3A_1824 : i32 to vector<16xi32>
      %broadcast_in_dim3A_1826 = arith.constant 0 : i32
      %broadcast_in_dim3A_1827 = vector.broadcast %broadcast_in_dim3A_1826 : i32 to vector<16xi32>
      %gather3A_1828 = tpu.vector_load_idx %arg12[%broadcast_in_dim3A_1801, %broadcast_in_dim3A_1827, %iota3A, %broadcast_in_dim3A_1825] : memref<2x4x32x128xf32, #tpu.memory_space<vmem>>[vector<16xi32>, vector<16xi32>, vector<16xi32>, vector<16xi32>], vector<16xf32>,
      %add3A_1829 = arith.constant 16 : i32
      %add3A_1830 = vector.broadcast %add3A_1829 : i32 to vector<16xi32>
      %add3A_1831 = arith.addi %iota3A, %add3A_1830 : vector<16xi32>
      %gather3A_1832 = tpu.vector_load_idx %arg12[%broadcast_in_dim3A_1801, %broadcast_in_dim3A_1827, %add3A_1831, %broadcast_in_dim3A_1825] : memref<2x4x32x128xf32, #tpu.memory_space<vmem>>[vector<16xi32>, vector<16xi32>, vector<16xi32>, vector<16xi32>], vector<16xf32>,
      %ge3A_1833 = arith.constant 999936 : i32
      %ge3A_1834 = arith.cmpi sge, %squeeze3A_1819, %ge3A_1833 : i32
      %sub3A_1835 = arith.constant 999936 : i32
      %sub3A_1836 = arith.subi %squeeze3A_1819, %sub3A_1835 : i32
      %max3A_1837 = arith.constant 0 : i32
      %max3A_1838 = arith.maxsi %sub3A_1836, %max3A_1837 : i32
      %min3A_1839 = arith.constant 63 : i32
      %min3A_1840 = arith.minsi %max3A_1838, %min3A_1839 : i32
      %broadcast_in_dim3A_1841 = vector.broadcast %min3A_1840 : i32 to vector<16xi32>
      %gather3A_1842 = tpu.vector_load_idx %arg15[%broadcast_in_dim3A_1841, %iota3A] : memref<64x128xf32, #tpu.memory_space<vmem>>[vector<16xi32>, vector<16xi32>], vector<16xf32>,
      %add3A_1843 = arith.constant 16 : i32
      %add3A_1844 = vector.broadcast %add3A_1843 : i32 to vector<16xi32>
      %add3A_1845 = arith.addi %iota3A, %add3A_1844 : vector<16xi32>
      %gather3A_1846 = tpu.vector_load_idx %arg15[%broadcast_in_dim3A_1841, %add3A_1845] : memref<64x128xf32, #tpu.memory_space<vmem>>[vector<16xi32>, vector<16xi32>], vector<16xf32>,
      %broadcast_in_dim3A_1847 = vector.broadcast %ge3A_1834 : i1 to vector<16xi1>
      %select_n3A_1848 = arith.select %broadcast_in_dim3A_1847, %gather3A_1842, %gather3A_1828 : vector<16xi1>, vector<16xf32>
      %broadcast_in_dim3A_1849 = vector.broadcast %ge3A_1834 : i1 to vector<16xi1>
      %select_n3A_1850 = arith.select %broadcast_in_dim3A_1849, %gather3A_1846, %gather3A_1832 : vector<16xi1>, vector<16xf32>
      %mul3A_1851 = arith.constant 16 : i32
      %mul3A_1852 = arith.muli %scan3A_8, %mul3A_1851 : i32
      %add3A_1853 = arith.constant 512 : i32
      %add3A_1854 = arith.addi %add3A_1853, %mul3A_1852 : i32
      %add3A_1855 = arith.constant 4 : i32
      %add3A_1856 = arith.addi %add3A_1854, %add3A_1855 : i32
      %mul3A_1857 = arith.constant 32 : i32
      %mul3A_1858 = arith.muli %add3A_1856, %mul3A_1857 : i32
      %swap3A_1859 = arith.index_cast %mul3A_1858 : i32 to index
      %swap3A_1860 = tpu.vector_load %arg13[%swap3A_1859] {strides = array<i32>} : memref<32768xf32, #tpu.memory_space<vmem>>, vector<16xf32>,
      tpu.vector_store %arg13[%swap3A_1859], %select_n3A_1848 {strides = array<i32>} : memref<32768xf32, #tpu.memory_space<vmem>>, vector<16xf32>,
      %mul3A_1861 = arith.constant 32 : i32
      %mul3A_1862 = arith.muli %add3A_1856, %mul3A_1861 : i32
      %add3A_1863 = arith.constant 16 : i32
      %add3A_1864 = arith.addi %mul3A_1862, %add3A_1863 : i32
      %swap3A_1865 = arith.index_cast %add3A_1864 : i32 to index
      %swap3A_1866 = tpu.vector_load %arg13[%swap3A_1865] {strides = array<i32>} : memref<32768xf32, #tpu.memory_space<vmem>>, vector<16xf32>,
      tpu.vector_store %arg13[%swap3A_1865], %select_n3A_1850 {strides = array<i32>} : memref<32768xf32, #tpu.memory_space<vmem>>, vector<16xf32>,
      %dma_wait3A_1867 = arith.constant 1 : i32
      %dma_wait3A_1868 = arith.constant 1 : i32
      %dma_wait3A_1869 = arith.constant 0 : i32
      %dma_wait3A_1870 = arith.constant 0 : i32
      %dma_wait3A_1871 = tpu.memref_slice %arg12[%dma_wait3A_1867, %dma_wait3A_1868, %dma_wait3A_1869, %dma_wait3A_1870] : memref<2x4x32x128xf32, #tpu.memory_space<vmem>> -> memref<1x1x32x128xf32, #tpu.memory_space<vmem>>
      %dma_wait3A_1872 = tpu.memref_squeeze %dma_wait3A_1871 : memref<1x1x32x128xf32, #tpu.memory_space<vmem>> -> memref<32x128xf32, #tpu.memory_space<vmem>>
      %dma_wait3A_1873 = arith.constant 0 : i32
      %dma_wait3A_1874 = arith.constant 0 : i32
      %dma_wait3A_1875 = tpu.memref_slice %arg5[%dma_wait3A_1873, %dma_wait3A_1874] : memref<32x1000000xf32, #tpu.memory_space<hbm>> -> memref<32x128xf32, #tpu.memory_space<hbm>>
      %dma_wait3A_1876 = arith.constant 0 : i32
      %dma_wait3A_1877 = arith.constant 0 : i32
      %dma_wait3A_1878 = tpu.memref_slice %arg12[%dma_wait3A_1867, %dma_wait3A_1868, %dma_wait3A_1876, %dma_wait3A_1877] : memref<2x4x32x128xf32, #tpu.memory_space<vmem>> -> memref<1x1x32x128xf32, #tpu.memory_space<vmem>>
      %dma_wait3A_1879 = tpu.memref_squeeze %dma_wait3A_1878 : memref<1x1x32x128xf32, #tpu.memory_space<vmem>> -> memref<32x128xf32, #tpu.memory_space<vmem>>
      %dma_wait3A_1880 = arith.constant 0 : i32
      %dma_wait3A_1881 = arith.constant 0 : i32
      %dma_wait3A_1882 = tpu.memref_slice %arg5[%dma_wait3A_1880, %dma_wait3A_1881] : memref<32x1000000xf32, #tpu.memory_space<hbm>> -> memref<32x128xf32, #tpu.memory_space<hbm>>
      tpu.wait_dma2 semaphore(%arg18 : memref<!tpu.dma_semaphore, #tpu.memory_space<semaphore_mem>>) src(%dma_wait3A_1882 : memref<32x128xf32, #tpu.memory_space<hbm>>) dst(%dma_wait3A_1879 : memref<32x128xf32, #tpu.memory_space<vmem>>)
      %slice3A_1883 = vector.extract_strided_slice %get3A_18 {offsets = [5], sizes = [1], strides = [1]} : vector<16xi32> to vector<1xi32>
      %squeeze3A_1884 = vector.extract %slice3A_1883[0] : i32 from vector<1xi32>
      %slice3A_1885 = vector.extract_strided_slice %min3A_24 {offsets = [5], sizes = [1], strides = [1]} : vector<16xi32> to vector<1xi32>
      %squeeze3A_1886 = vector.extract %slice3A_1885[0] : i32 from vector<1xi32>
      %sub3A_1887 = arith.subi %squeeze3A_1884, %squeeze3A_1886 : i32
      %min3A_1888 = arith.constant 127 : i32
      %min3A_1889 = arith.minsi %sub3A_1887, %min3A_1888 : i32
      %broadcast_in_dim3A_1890 = vector.broadcast %min3A_1889 : i32 to vector<16xi32>
      %broadcast_in_dim3A_1891 = arith.constant 1 : i32
      %broadcast_in_dim3A_1892 = vector.broadcast %broadcast_in_dim3A_1891 : i32 to vector<16xi32>
      %gather3A_1893 = tpu.vector_load_idx %arg12[%broadcast_in_dim3A_1801, %broadcast_in_dim3A_1892, %iota3A, %broadcast_in_dim3A_1890] : memref<2x4x32x128xf32, #tpu.memory_space<vmem>>[vector<16xi32>, vector<16xi32>, vector<16xi32>, vector<16xi32>], vector<16xf32>,
      %add3A_1894 = arith.constant 16 : i32
      %add3A_1895 = vector.broadcast %add3A_1894 : i32 to vector<16xi32>
      %add3A_1896 = arith.addi %iota3A, %add3A_1895 : vector<16xi32>
      %gather3A_1897 = tpu.vector_load_idx %arg12[%broadcast_in_dim3A_1801, %broadcast_in_dim3A_1892, %add3A_1896, %broadcast_in_dim3A_1890] : memref<2x4x32x128xf32, #tpu.memory_space<vmem>>[vector<16xi32>, vector<16xi32>, vector<16xi32>, vector<16xi32>], vector<16xf32>,
      %ge3A_1898 = arith.constant 999936 : i32
      %ge3A_1899 = arith.cmpi sge, %squeeze3A_1884, %ge3A_1898 : i32
      %sub3A_1900 = arith.constant 999936 : i32
      %sub3A_1901 = arith.subi %squeeze3A_1884, %sub3A_1900 : i32
      %max3A_1902 = arith.constant 0 : i32
      %max3A_1903 = arith.maxsi %sub3A_1901, %max3A_1902 : i32
      %min3A_1904 = arith.constant 63 : i32
      %min3A_1905 = arith.minsi %max3A_1903, %min3A_1904 : i32
      %broadcast_in_dim3A_1906 = vector.broadcast %min3A_1905 : i32 to vector<16xi32>
      %gather3A_1907 = tpu.vector_load_idx %arg15[%broadcast_in_dim3A_1906, %iota3A] : memref<64x128xf32, #tpu.memory_space<vmem>>[vector<16xi32>, vector<16xi32>], vector<16xf32>,
      %add3A_1908 = arith.constant 16 : i32
      %add3A_1909 = vector.broadcast %add3A_1908 : i32 to vector<16xi32>
      %add3A_1910 = arith.addi %iota3A, %add3A_1909 : vector<16xi32>
      %gather3A_1911 = tpu.vector_load_idx %arg15[%broadcast_in_dim3A_1906, %add3A_1910] : memref<64x128xf32, #tpu.memory_space<vmem>>[vector<16xi32>, vector<16xi32>], vector<16xf32>,
      %broadcast_in_dim3A_1912 = vector.broadcast %ge3A_1899 : i1 to vector<16xi1>
      %select_n3A_1913 = arith.select %broadcast_in_dim3A_1912, %gather3A_1907, %gather3A_1893 : vector<16xi1>, vector<16xf32>
      %broadcast_in_dim3A_1914 = vector.broadcast %ge3A_1899 : i1 to vector<16xi1>
      %select_n3A_1915 = arith.select %broadcast_in_dim3A_1914, %gather3A_1911, %gather3A_1897 : vector<16xi1>, vector<16xf32>
      %mul3A_1916 = arith.constant 16 : i32
      %mul3A_1917 = arith.muli %scan3A_8, %mul3A_1916 : i32
      %add3A_1918 = arith.constant 512 : i32
      %add3A_1919 = arith.addi %add3A_1918, %mul3A_1917 : i32
      %add3A_1920 = arith.constant 5 : i32
      %add3A_1921 = arith.addi %add3A_1919, %add3A_1920 : i32
      %mul3A_1922 = arith.constant 32 : i32
      %mul3A_1923 = arith.muli %add3A_1921, %mul3A_1922 : i32
      %swap3A_1924 = arith.index_cast %mul3A_1923 : i32 to index
      %swap3A_1925 = tpu.vector_load %arg13[%swap3A_1924] {strides = array<i32>} : memref<32768xf32, #tpu.memory_space<vmem>>, vector<16xf32>,
      tpu.vector_store %arg13[%swap3A_1924], %select_n3A_1913 {strides = array<i32>} : memref<32768xf32, #tpu.memory_space<vmem>>, vector<16xf32>,
      %mul3A_1926 = arith.constant 32 : i32
      %mul3A_1927 = arith.muli %add3A_1921, %mul3A_1926 : i32
      %add3A_1928 = arith.constant 16 : i32
      %add3A_1929 = arith.addi %mul3A_1927, %add3A_1928 : i32
      %swap3A_1930 = arith.index_cast %add3A_1929 : i32 to index
      %swap3A_1931 = tpu.vector_load %arg13[%swap3A_1930] {strides = array<i32>} : memref<32768xf32, #tpu.memory_space<vmem>>, vector<16xf32>,
      tpu.vector_store %arg13[%swap3A_1930], %select_n3A_1915 {strides = array<i32>} : memref<32768xf32, #tpu.memory_space<vmem>>, vector<16xf32>,
      %dma_wait3A_1932 = arith.constant 1 : i32
      %dma_wait3A_1933 = arith.constant 2 : i32
      %dma_wait3A_1934 = arith.constant 0 : i32
      %dma_wait3A_1935 = arith.constant 0 : i32
      %dma_wait3A_1936 = tpu.memref_slice %arg12[%dma_wait3A_1932, %dma_wait3A_1933, %dma_wait3A_1934, %dma_wait3A_1935] : memref<2x4x32x128xf32, #tpu.memory_space<vmem>> -> memref<1x1x32x128xf32, #tpu.memory_space<vmem>>
      %dma_wait3A_1937 = tpu.memref_squeeze %dma_wait3A_1936 : memref<1x1x32x128xf32, #tpu.memory_space<vmem>> -> memref<32x128xf32, #tpu.memory_space<vmem>>
      %dma_wait3A_1938 = arith.constant 0 : i32
      %dma_wait3A_1939 = arith.constant 0 : i32
      %dma_wait3A_1940 = tpu.memref_slice %arg5[%dma_wait3A_1938, %dma_wait3A_1939] : memref<32x1000000xf32, #tpu.memory_space<hbm>> -> memref<32x128xf32, #tpu.memory_space<hbm>>
      %dma_wait3A_1941 = arith.constant 0 : i32
      %dma_wait3A_1942 = arith.constant 0 : i32
      %dma_wait3A_1943 = tpu.memref_slice %arg12[%dma_wait3A_1932, %dma_wait3A_1933, %dma_wait3A_1941, %dma_wait3A_1942] : memref<2x4x32x128xf32, #tpu.memory_space<vmem>> -> memref<1x1x32x128xf32, #tpu.memory_space<vmem>>
      %dma_wait3A_1944 = tpu.memref_squeeze %dma_wait3A_1943 : memref<1x1x32x128xf32, #tpu.memory_space<vmem>> -> memref<32x128xf32, #tpu.memory_space<vmem>>
      %dma_wait3A_1945 = arith.constant 0 : i32
      %dma_wait3A_1946 = arith.constant 0 : i32
      %dma_wait3A_1947 = tpu.memref_slice %arg5[%dma_wait3A_1945, %dma_wait3A_1946] : memref<32x1000000xf32, #tpu.memory_space<hbm>> -> memref<32x128xf32, #tpu.memory_space<hbm>>
      tpu.wait_dma2 semaphore(%arg18 : memref<!tpu.dma_semaphore, #tpu.memory_space<semaphore_mem>>) src(%dma_wait3A_1947 : memref<32x128xf32, #tpu.memory_space<hbm>>) dst(%dma_wait3A_1944 : memref<32x128xf32, #tpu.memory_space<vmem>>)
      %slice3A_1948 = vector.extract_strided_slice %get3A_18 {offsets = [6], sizes = [1], strides = [1]} : vector<16xi32> to vector<1xi32>
      %squeeze3A_1949 = vector.extract %slice3A_1948[0] : i32 from vector<1xi32>
      %slice3A_1950 = vector.extract_strided_slice %min3A_24 {offsets = [6], sizes = [1], strides = [1]} : vector<16xi32> to vector<1xi32>
      %squeeze3A_1951 = vector.extract %slice3A_1950[0] : i32 from vector<1xi32>
      %sub3A_1952 = arith.subi %squeeze3A_1949, %squeeze3A_1951 : i32
      %min3A_1953 = arith.constant 127 : i32
      %min3A_1954 = arith.minsi %sub3A_1952, %min3A_1953 : i32
      %broadcast_in_dim3A_1955 = vector.broadcast %min3A_1954 : i32 to vector<16xi32>
      %broadcast_in_dim3A_1956 = arith.constant 2 : i32
      %broadcast_in_dim3A_1957 = vector.broadcast %broadcast_in_dim3A_1956 : i32 to vector<16xi32>
      %gather3A_1958 = tpu.vector_load_idx %arg12[%broadcast_in_dim3A_1801, %broadcast_in_dim3A_1957, %iota3A, %broadcast_in_dim3A_1955] : memref<2x4x32x128xf32, #tpu.memory_space<vmem>>[vector<16xi32>, vector<16xi32>, vector<16xi32>, vector<16xi32>], vector<16xf32>,
      %add3A_1959 = arith.constant 16 : i32
      %add3A_1960 = vector.broadcast %add3A_1959 : i32 to vector<16xi32>
      %add3A_1961 = arith.addi %iota3A, %add3A_1960 : vector<16xi32>
      %gather3A_1962 = tpu.vector_load_idx %arg12[%broadcast_in_dim3A_1801, %broadcast_in_dim3A_1957, %add3A_1961, %broadcast_in_dim3A_1955] : memref<2x4x32x128xf32, #tpu.memory_space<vmem>>[vector<16xi32>, vector<16xi32>, vector<16xi32>, vector<16xi32>], vector<16xf32>,
      %ge3A_1963 = arith.constant 999936 : i32
      %ge3A_1964 = arith.cmpi sge, %squeeze3A_1949, %ge3A_1963 : i32
      %sub3A_1965 = arith.constant 999936 : i32
      %sub3A_1966 = arith.subi %squeeze3A_1949, %sub3A_1965 : i32
      %max3A_1967 = arith.constant 0 : i32
      %max3A_1968 = arith.maxsi %sub3A_1966, %max3A_1967 : i32
      %min3A_1969 = arith.constant 63 : i32
      %min3A_1970 = arith.minsi %max3A_1968, %min3A_1969 : i32
      %broadcast_in_dim3A_1971 = vector.broadcast %min3A_1970 : i32 to vector<16xi32>
      %gather3A_1972 = tpu.vector_load_idx %arg15[%broadcast_in_dim3A_1971, %iota3A] : memref<64x128xf32, #tpu.memory_space<vmem>>[vector<16xi32>, vector<16xi32>], vector<16xf32>,
      %add3A_1973 = arith.constant 16 : i32
      %add3A_1974 = vector.broadcast %add3A_1973 : i32 to vector<16xi32>
      %add3A_1975 = arith.addi %iota3A, %add3A_1974 : vector<16xi32>
      %gather3A_1976 = tpu.vector_load_idx %arg15[%broadcast_in_dim3A_1971, %add3A_1975] : memref<64x128xf32, #tpu.memory_space<vmem>>[vector<16xi32>, vector<16xi32>], vector<16xf32>,
      %broadcast_in_dim3A_1977 = vector.broadcast %ge3A_1964 : i1 to vector<16xi1>
      %select_n3A_1978 = arith.select %broadcast_in_dim3A_1977, %gather3A_1972, %gather3A_1958 : vector<16xi1>, vector<16xf32>
      %broadcast_in_dim3A_1979 = vector.broadcast %ge3A_1964 : i1 to vector<16xi1>
      %select_n3A_1980 = arith.select %broadcast_in_dim3A_1979, %gather3A_1976, %gather3A_1962 : vector<16xi1>, vector<16xf32>
      %mul3A_1981 = arith.constant 16 : i32
      %mul3A_1982 = arith.muli %scan3A_8, %mul3A_1981 : i32
      %add3A_1983 = arith.constant 512 : i32
      %add3A_1984 = arith.addi %add3A_1983, %mul3A_1982 : i32
      %add3A_1985 = arith.constant 6 : i32
      %add3A_1986 = arith.addi %add3A_1984, %add3A_1985 : i32
      %mul3A_1987 = arith.constant 32 : i32
      %mul3A_1988 = arith.muli %add3A_1986, %mul3A_1987 : i32
      %swap3A_1989 = arith.index_cast %mul3A_1988 : i32 to index
      %swap3A_1990 = tpu.vector_load %arg13[%swap3A_1989] {strides = array<i32>} : memref<32768xf32, #tpu.memory_space<vmem>>, vector<16xf32>,
      tpu.vector_store %arg13[%swap3A_1989], %select_n3A_1978 {strides = array<i32>} : memref<32768xf32, #tpu.memory_space<vmem>>, vector<16xf32>,
      %mul3A_1991 = arith.constant 32 : i32
      %mul3A_1992 = arith.muli %add3A_1986, %mul3A_1991 : i32
      %add3A_1993 = arith.constant 16 : i32
      %add3A_1994 = arith.addi %mul3A_1992, %add3A_1993 : i32
      %swap3A_1995 = arith.index_cast %add3A_1994 : i32 to index
      %swap3A_1996 = tpu.vector_load %arg13[%swap3A_1995] {strides = array<i32>} : memref<32768xf32, #tpu.memory_space<vmem>>, vector<16xf32>,
      tpu.vector_store %arg13[%swap3A_1995], %select_n3A_1980 {strides = array<i32>} : memref<32768xf32, #tpu.memory_space<vmem>>, vector<16xf32>,
      %dma_wait3A_1997 = arith.constant 1 : i32
      %dma_wait3A_1998 = arith.constant 3 : i32
      %dma_wait3A_1999 = arith.constant 0 : i32
      %dma_wait3A_2000 = arith.constant 0 : i32
      %dma_wait3A_2001 = tpu.memref_slice %arg12[%dma_wait3A_1997, %dma_wait3A_1998, %dma_wait3A_1999, %dma_wait3A_2000] : memref<2x4x32x128xf32, #tpu.memory_space<vmem>> -> memref<1x1x32x128xf32, #tpu.memory_space<vmem>>
      %dma_wait3A_2002 = tpu.memref_squeeze %dma_wait3A_2001 : memref<1x1x32x128xf32, #tpu.memory_space<vmem>> -> memref<32x128xf32, #tpu.memory_space<vmem>>
      %dma_wait3A_2003 = arith.constant 0 : i32
      %dma_wait3A_2004 = arith.constant 0 : i32
      %dma_wait3A_2005 = tpu.memref_slice %arg5[%dma_wait3A_2003, %dma_wait3A_2004] : memref<32x1000000xf32, #tpu.memory_space<hbm>> -> memref<32x128xf32, #tpu.memory_space<hbm>>
      %dma_wait3A_2006 = arith.constant 0 : i32
      %dma_wait3A_2007 = arith.constant 0 : i32
      %dma_wait3A_2008 = tpu.memref_slice %arg12[%dma_wait3A_1997, %dma_wait3A_1998, %dma_wait3A_2006, %dma_wait3A_2007] : memref<2x4x32x128xf32, #tpu.memory_space<vmem>> -> memref<1x1x32x128xf32, #tpu.memory_space<vmem>>
      %dma_wait3A_2009 = tpu.memref_squeeze %dma_wait3A_2008 : memref<1x1x32x128xf32, #tpu.memory_space<vmem>> -> memref<32x128xf32, #tpu.memory_space<vmem>>
      %dma_wait3A_2010 = arith.constant 0 : i32
      %dma_wait3A_2011 = arith.constant 0 : i32
      %dma_wait3A_2012 = tpu.memref_slice %arg5[%dma_wait3A_2010, %dma_wait3A_2011] : memref<32x1000000xf32, #tpu.memory_space<hbm>> -> memref<32x128xf32, #tpu.memory_space<hbm>>
      tpu.wait_dma2 semaphore(%arg18 : memref<!tpu.dma_semaphore, #tpu.memory_space<semaphore_mem>>) src(%dma_wait3A_2012 : memref<32x128xf32, #tpu.memory_space<hbm>>) dst(%dma_wait3A_2009 : memref<32x128xf32, #tpu.memory_space<vmem>>)
      %slice3A_2013 = vector.extract_strided_slice %get3A_18 {offsets = [7], sizes = [1], strides = [1]} : vector<16xi32> to vector<1xi32>
      %squeeze3A_2014 = vector.extract %slice3A_2013[0] : i32 from vector<1xi32>
      %slice3A_2015 = vector.extract_strided_slice %min3A_24 {offsets = [7], sizes = [1], strides = [1]} : vector<16xi32> to vector<1xi32>
      %squeeze3A_2016 = vector.extract %slice3A_2015[0] : i32 from vector<1xi32>
      %sub3A_2017 = arith.subi %squeeze3A_2014, %squeeze3A_2016 : i32
      %min3A_2018 = arith.constant 127 : i32
      %min3A_2019 = arith.minsi %sub3A_2017, %min3A_2018 : i32
      %broadcast_in_dim3A_2020 = vector.broadcast %min3A_2019 : i32 to vector<16xi32>
      %broadcast_in_dim3A_2021 = arith.constant 3 : i32
      %broadcast_in_dim3A_2022 = vector.broadcast %broadcast_in_dim3A_2021 : i32 to vector<16xi32>
      %gather3A_2023 = tpu.vector_load_idx %arg12[%broadcast_in_dim3A_1801, %broadcast_in_dim3A_2022, %iota3A, %broadcast_in_dim3A_2020] : memref<2x4x32x128xf32, #tpu.memory_space<vmem>>[vector<16xi32>, vector<16xi32>, vector<16xi32>, vector<16xi32>], vector<16xf32>,
      %add3A_2024 = arith.constant 16 : i32
      %add3A_2025 = vector.broadcast %add3A_2024 : i32 to vector<16xi32>
      %add3A_2026 = arith.addi %iota3A, %add3A_2025 : vector<16xi32>
      %gather3A_2027 = tpu.vector_load_idx %arg12[%broadcast_in_dim3A_1801, %broadcast_in_dim3A_2022, %add3A_2026, %broadcast_in_dim3A_2020] : memref<2x4x32x128xf32, #tpu.memory_space<vmem>>[vector<16xi32>, vector<16xi32>, vector<16xi32>, vector<16xi32>], vector<16xf32>,
      %ge3A_2028 = arith.constant 999936 : i32
      %ge3A_2029 = arith.cmpi sge, %squeeze3A_2014, %ge3A_2028 : i32
      %sub3A_2030 = arith.constant 999936 : i32
      %sub3A_2031 = arith.subi %squeeze3A_2014, %sub3A_2030 : i32
      %max3A_2032 = arith.constant 0 : i32
      %max3A_2033 = arith.maxsi %sub3A_2031, %max3A_2032 : i32
      %min3A_2034 = arith.constant 63 : i32
      %min3A_2035 = arith.minsi %max3A_2033, %min3A_2034 : i32
      %broadcast_in_dim3A_2036 = vector.broadcast %min3A_2035 : i32 to vector<16xi32>
      %gather3A_2037 = tpu.vector_load_idx %arg15[%broadcast_in_dim3A_2036, %iota3A] : memref<64x128xf32, #tpu.memory_space<vmem>>[vector<16xi32>, vector<16xi32>], vector<16xf32>,
      %add3A_2038 = arith.constant 16 : i32
      %add3A_2039 = vector.broadcast %add3A_2038 : i32 to vector<16xi32>
      %add3A_2040 = arith.addi %iota3A, %add3A_2039 : vector<16xi32>
      %gather3A_2041 = tpu.vector_load_idx %arg15[%broadcast_in_dim3A_2036, %add3A_2040] : memref<64x128xf32, #tpu.memory_space<vmem>>[vector<16xi32>, vector<16xi32>], vector<16xf32>,
      %broadcast_in_dim3A_2042 = vector.broadcast %ge3A_2029 : i1 to vector<16xi1>
      %select_n3A_2043 = arith.select %broadcast_in_dim3A_2042, %gather3A_2037, %gather3A_2023 : vector<16xi1>, vector<16xf32>
      %broadcast_in_dim3A_2044 = vector.broadcast %ge3A_2029 : i1 to vector<16xi1>
      %select_n3A_2045 = arith.select %broadcast_in_dim3A_2044, %gather3A_2041, %gather3A_2027 : vector<16xi1>, vector<16xf32>
      %mul3A_2046 = arith.constant 16 : i32
      %mul3A_2047 = arith.muli %scan3A_8, %mul3A_2046 : i32
      %add3A_2048 = arith.constant 512 : i32
      %add3A_2049 = arith.addi %add3A_2048, %mul3A_2047 : i32
      %add3A_2050 = arith.constant 7 : i32
      %add3A_2051 = arith.addi %add3A_2049, %add3A_2050 : i32
      %mul3A_2052 = arith.constant 32 : i32
      %mul3A_2053 = arith.muli %add3A_2051, %mul3A_2052 : i32
      %swap3A_2054 = arith.index_cast %mul3A_2053 : i32 to index
      %swap3A_2055 = tpu.vector_load %arg13[%swap3A_2054] {strides = array<i32>} : memref<32768xf32, #tpu.memory_space<vmem>>, vector<16xf32>,
      tpu.vector_store %arg13[%swap3A_2054], %select_n3A_2043 {strides = array<i32>} : memref<32768xf32, #tpu.memory_space<vmem>>, vector<16xf32>,
      %mul3A_2056 = arith.constant 32 : i32
      %mul3A_2057 = arith.muli %add3A_2051, %mul3A_2056 : i32
      %add3A_2058 = arith.constant 16 : i32
      %add3A_2059 = arith.addi %mul3A_2057, %add3A_2058 : i32
      %swap3A_2060 = arith.index_cast %add3A_2059 : i32 to index
      %swap3A_2061 = tpu.vector_load %arg13[%swap3A_2060] {strides = array<i32>} : memref<32768xf32, #tpu.memory_space<vmem>>, vector<16xf32>,
      tpu.vector_store %arg13[%swap3A_2060], %select_n3A_2045 {strides = array<i32>} : memref<32768xf32, #tpu.memory_space<vmem>>, vector<16xf32>,
      %slice3A_2062 = vector.extract_strided_slice %min3A_24 {offsets = [12], sizes = [1], strides = [1]} : vector<16xi32> to vector<1xi32>
      %squeeze3A_2063 = vector.extract %slice3A_2062[0] : i32 from vector<1xi32>
      %multiple_of3A_2064 = tpu.assume_multiple %squeeze3A_2063, 128 : i32
      %dma_start3A_2065 = arith.constant 1 : i32
      %dma_start3A_2066 = arith.constant 0 : i32
      %dma_start3A_2067 = arith.constant 0 : i32
      %dma_start3A_2068 = arith.constant 0 : i32
      %dma_start3A_2069 = tpu.memref_slice %arg12[%dma_start3A_2065, %dma_start3A_2066, %dma_start3A_2067, %dma_start3A_2068] : memref<2x4x32x128xf32, #tpu.memory_space<vmem>> -> memref<1x1x32x128xf32, #tpu.memory_space<vmem>>
      %dma_start3A_2070 = tpu.memref_squeeze %dma_start3A_2069 : memref<1x1x32x128xf32, #tpu.memory_space<vmem>> -> memref<32x128xf32, #tpu.memory_space<vmem>>
      %dma_start3A_2071 = arith.constant 0 : i32
      %dma_start3A_2072 = tpu.memref_slice %arg5[%dma_start3A_2071, %multiple_of3A_2064] : memref<32x1000000xf32, #tpu.memory_space<hbm>> -> memref<32x128xf32, #tpu.memory_space<hbm>>
      %dma_start3A_2073 = arith.constant 0 : i32
      %dma_start3A_2074 = arith.constant 0 : i32
      %dma_start3A_2075 = tpu.memref_slice %arg12[%dma_start3A_2065, %dma_start3A_2066, %dma_start3A_2073, %dma_start3A_2074] : memref<2x4x32x128xf32, #tpu.memory_space<vmem>> -> memref<1x1x32x128xf32, #tpu.memory_space<vmem>>
      %dma_start3A_2076 = tpu.memref_squeeze %dma_start3A_2075 : memref<1x1x32x128xf32, #tpu.memory_space<vmem>> -> memref<32x128xf32, #tpu.memory_space<vmem>>
      %dma_start3A_2077 = arith.constant 0 : i32
      %dma_start3A_2078 = tpu.memref_slice %arg5[%dma_start3A_2077, %multiple_of3A_2064] : memref<32x1000000xf32, #tpu.memory_space<hbm>> -> memref<32x128xf32, #tpu.memory_space<hbm>>
      tpu.enqueue_dma source(%dma_start3A_2078 : memref<32x128xf32, #tpu.memory_space<hbm>>) target(%dma_start3A_2076 : memref<32x128xf32, #tpu.memory_space<vmem>>) target_semaphore(%arg18 : memref<!tpu.dma_semaphore, #tpu.memory_space<semaphore_mem>>)
      %slice3A_2079 = vector.extract_strided_slice %min3A_24 {offsets = [13], sizes = [1], strides = [1]} : vector<16xi32> to vector<1xi32>
      %squeeze3A_2080 = vector.extract %slice3A_2079[0] : i32 from vector<1xi32>
      %multiple_of3A_2081 = tpu.assume_multiple %squeeze3A_2080, 128 : i32
      %dma_start3A_2082 = arith.constant 1 : i32
      %dma_start3A_2083 = arith.constant 1 : i32
      %dma_start3A_2084 = arith.constant 0 : i32
      %dma_start3A_2085 = arith.constant 0 : i32
      %dma_start3A_2086 = tpu.memref_slice %arg12[%dma_start3A_2082, %dma_start3A_2083, %dma_start3A_2084, %dma_start3A_2085] : memref<2x4x32x128xf32, #tpu.memory_space<vmem>> -> memref<1x1x32x128xf32, #tpu.memory_space<vmem>>
      %dma_start3A_2087 = tpu.memref_squeeze %dma_start3A_2086 : memref<1x1x32x128xf32, #tpu.memory_space<vmem>> -> memref<32x128xf32, #tpu.memory_space<vmem>>
      %dma_start3A_2088 = arith.constant 0 : i32
      %dma_start3A_2089 = tpu.memref_slice %arg5[%dma_start3A_2088, %multiple_of3A_2081] : memref<32x1000000xf32, #tpu.memory_space<hbm>> -> memref<32x128xf32, #tpu.memory_space<hbm>>
      %dma_start3A_2090 = arith.constant 0 : i32
      %dma_start3A_2091 = arith.constant 0 : i32
      %dma_start3A_2092 = tpu.memref_slice %arg12[%dma_start3A_2082, %dma_start3A_2083, %dma_start3A_2090, %dma_start3A_2091] : memref<2x4x32x128xf32, #tpu.memory_space<vmem>> -> memref<1x1x32x128xf32, #tpu.memory_space<vmem>>
      %dma_start3A_2093 = tpu.memref_squeeze %dma_start3A_2092 : memref<1x1x32x128xf32, #tpu.memory_space<vmem>> -> memref<32x128xf32, #tpu.memory_space<vmem>>
      %dma_start3A_2094 = arith.constant 0 : i32
      %dma_start3A_2095 = tpu.memref_slice %arg5[%dma_start3A_2094, %multiple_of3A_2081] : memref<32x1000000xf32, #tpu.memory_space<hbm>> -> memref<32x128xf32, #tpu.memory_space<hbm>>
      tpu.enqueue_dma source(%dma_start3A_2095 : memref<32x128xf32, #tpu.memory_space<hbm>>) target(%dma_start3A_2093 : memref<32x128xf32, #tpu.memory_space<vmem>>) target_semaphore(%arg18 : memref<!tpu.dma_semaphore, #tpu.memory_space<semaphore_mem>>)
      %slice3A_2096 = vector.extract_strided_slice %min3A_24 {offsets = [14], sizes = [1], strides = [1]} : vector<16xi32> to vector<1xi32>
      %squeeze3A_2097 = vector.extract %slice3A_2096[0] : i32 from vector<1xi32>
      %multiple_of3A_2098 = tpu.assume_multiple %squeeze3A_2097, 128 : i32
      %dma_start3A_2099 = arith.constant 1 : i32
      %dma_start3A_2100 = arith.constant 2 : i32
      %dma_start3A_2101 = arith.constant 0 : i32
      %dma_start3A_2102 = arith.constant 0 : i32
      %dma_start3A_2103 = tpu.memref_slice %arg12[%dma_start3A_2099, %dma_start3A_2100, %dma_start3A_2101, %dma_start3A_2102] : memref<2x4x32x128xf32, #tpu.memory_space<vmem>> -> memref<1x1x32x128xf32, #tpu.memory_space<vmem>>
      %dma_start3A_2104 = tpu.memref_squeeze %dma_start3A_2103 : memref<1x1x32x128xf32, #tpu.memory_space<vmem>> -> memref<32x128xf32, #tpu.memory_space<vmem>>
      %dma_start3A_2105 = arith.constant 0 : i32
      %dma_start3A_2106 = tpu.memref_slice %arg5[%dma_start3A_2105, %multiple_of3A_2098] : memref<32x1000000xf32, #tpu.memory_space<hbm>> -> memref<32x128xf32, #tpu.memory_space<hbm>>
      %dma_start3A_2107 = arith.constant 0 : i32
      %dma_start3A_2108 = arith.constant 0 : i32
      %dma_start3A_2109 = tpu.memref_slice %arg12[%dma_start3A_2099, %dma_start3A_2100, %dma_start3A_2107, %dma_start3A_2108] : memref<2x4x32x128xf32, #tpu.memory_space<vmem>> -> memref<1x1x32x128xf32, #tpu.memory_space<vmem>>
      %dma_start3A_2110 = tpu.memref_squeeze %dma_start3A_2109 : memref<1x1x32x128xf32, #tpu.memory_space<vmem>> -> memref<32x128xf32, #tpu.memory_space<vmem>>
      %dma_start3A_2111 = arith.constant 0 : i32
      %dma_start3A_2112 = tpu.memref_slice %arg5[%dma_start3A_2111, %multiple_of3A_2098] : memref<32x1000000xf32, #tpu.memory_space<hbm>> -> memref<32x128xf32, #tpu.memory_space<hbm>>
      tpu.enqueue_dma source(%dma_start3A_2112 : memref<32x128xf32, #tpu.memory_space<hbm>>) target(%dma_start3A_2110 : memref<32x128xf32, #tpu.memory_space<vmem>>) target_semaphore(%arg18 : memref<!tpu.dma_semaphore, #tpu.memory_space<semaphore_mem>>)
      %slice3A_2113 = vector.extract_strided_slice %min3A_24 {offsets = [15], sizes = [1], strides = [1]} : vector<16xi32> to vector<1xi32>
      %squeeze3A_2114 = vector.extract %slice3A_2113[0] : i32 from vector<1xi32>
      %multiple_of3A_2115 = tpu.assume_multiple %squeeze3A_2114, 128 : i32
      %dma_start3A_2116 = arith.constant 1 : i32
      %dma_start3A_2117 = arith.constant 3 : i32
      %dma_start3A_2118 = arith.constant 0 : i32
      %dma_start3A_2119 = arith.constant 0 : i32
      %dma_start3A_2120 = tpu.memref_slice %arg12[%dma_start3A_2116, %dma_start3A_2117, %dma_start3A_2118, %dma_start3A_2119] : memref<2x4x32x128xf32, #tpu.memory_space<vmem>> -> memref<1x1x32x128xf32, #tpu.memory_space<vmem>>
      %dma_start3A_2121 = tpu.memref_squeeze %dma_start3A_2120 : memref<1x1x32x128xf32, #tpu.memory_space<vmem>> -> memref<32x128xf32, #tpu.memory_space<vmem>>
      %dma_start3A_2122 = arith.constant 0 : i32
      %dma_start3A_2123 = tpu.memref_slice %arg5[%dma_start3A_2122, %multiple_of3A_2115] : memref<32x1000000xf32, #tpu.memory_space<hbm>> -> memref<32x128xf32, #tpu.memory_space<hbm>>
      %dma_start3A_2124 = arith.constant 0 : i32
      %dma_start3A_2125 = arith.constant 0 : i32
      %dma_start3A_2126 = tpu.memref_slice %arg12[%dma_start3A_2116, %dma_start3A_2117, %dma_start3A_2124, %dma_start3A_2125] : memref<2x4x32x128xf32, #tpu.memory_space<vmem>> -> memref<1x1x32x128xf32, #tpu.memory_space<vmem>>
      %dma_start3A_2127 = tpu.memref_squeeze %dma_start3A_2126 : memref<1x1x32x128xf32, #tpu.memory_space<vmem>> -> memref<32x128xf32, #tpu.memory_space<vmem>>
      %dma_start3A_2128 = arith.constant 0 : i32
      %dma_start3A_2129 = tpu.memref_slice %arg5[%dma_start3A_2128, %multiple_of3A_2115] : memref<32x1000000xf32, #tpu.memory_space<hbm>> -> memref<32x128xf32, #tpu.memory_space<hbm>>
      tpu.enqueue_dma source(%dma_start3A_2129 : memref<32x128xf32, #tpu.memory_space<hbm>>) target(%dma_start3A_2127 : memref<32x128xf32, #tpu.memory_space<vmem>>) target_semaphore(%arg18 : memref<!tpu.dma_semaphore, #tpu.memory_space<semaphore_mem>>)
      %broadcast_in_dim3A_2130 = arith.constant 0 : i32
      %broadcast_in_dim3A_2131 = vector.broadcast %broadcast_in_dim3A_2130 : i32 to vector<16xi32>
      %dma_wait3A_2132 = arith.constant 0 : i32
      %dma_wait3A_2133 = arith.constant 0 : i32
      %dma_wait3A_2134 = arith.constant 0 : i32
      %dma_wait3A_2135 = arith.constant 0 : i32
      %dma_wait3A_2136 = tpu.memref_slice %arg12[%dma_wait3A_2132, %dma_wait3A_2133, %dma_wait3A_2134, %dma_wait3A_2135] : memref<2x4x32x128xf32, #tpu.memory_space<vmem>> -> memref<1x1x32x128xf32, #tpu.memory_space<vmem>>
      %dma_wait3A_2137 = tpu.memref_squeeze %dma_wait3A_2136 : memref<1x1x32x128xf32, #tpu.memory_space<vmem>> -> memref<32x128xf32, #tpu.memory_space<vmem>>
      %dma_wait3A_2138 = arith.constant 0 : i32
      %dma_wait3A_2139 = arith.constant 0 : i32
      %dma_wait3A_2140 = tpu.memref_slice %arg5[%dma_wait3A_2138, %dma_wait3A_2139] : memref<32x1000000xf32, #tpu.memory_space<hbm>> -> memref<32x128xf32, #tpu.memory_space<hbm>>
      %dma_wait3A_2141 = arith.constant 0 : i32
      %dma_wait3A_2142 = arith.constant 0 : i32
      %dma_wait3A_2143 = tpu.memref_slice %arg12[%dma_wait3A_2132, %dma_wait3A_2133, %dma_wait3A_2141, %dma_wait3A_2142] : memref<2x4x32x128xf32, #tpu.memory_space<vmem>> -> memref<1x1x32x128xf32, #tpu.memory_space<vmem>>
      %dma_wait3A_2144 = tpu.memref_squeeze %dma_wait3A_2143 : memref<1x1x32x128xf32, #tpu.memory_space<vmem>> -> memref<32x128xf32, #tpu.memory_space<vmem>>
      %dma_wait3A_2145 = arith.constant 0 : i32
      %dma_wait3A_2146 = arith.constant 0 : i32
      %dma_wait3A_2147 = tpu.memref_slice %arg5[%dma_wait3A_2145, %dma_wait3A_2146] : memref<32x1000000xf32, #tpu.memory_space<hbm>> -> memref<32x128xf32, #tpu.memory_space<hbm>>
      tpu.wait_dma2 semaphore(%arg17 : memref<!tpu.dma_semaphore, #tpu.memory_space<semaphore_mem>>) src(%dma_wait3A_2147 : memref<32x128xf32, #tpu.memory_space<hbm>>) dst(%dma_wait3A_2144 : memref<32x128xf32, #tpu.memory_space<vmem>>)
      %slice3A_2148 = vector.extract_strided_slice %get3A_18 {offsets = [8], sizes = [1], strides = [1]} : vector<16xi32> to vector<1xi32>
      %squeeze3A_2149 = vector.extract %slice3A_2148[0] : i32 from vector<1xi32>
      %slice3A_2150 = vector.extract_strided_slice %min3A_24 {offsets = [8], sizes = [1], strides = [1]} : vector<16xi32> to vector<1xi32>
      %squeeze3A_2151 = vector.extract %slice3A_2150[0] : i32 from vector<1xi32>
      %sub3A_2152 = arith.subi %squeeze3A_2149, %squeeze3A_2151 : i32
      %min3A_2153 = arith.constant 127 : i32
      %min3A_2154 = arith.minsi %sub3A_2152, %min3A_2153 : i32
      %broadcast_in_dim3A_2155 = vector.broadcast %min3A_2154 : i32 to vector<16xi32>
      %broadcast_in_dim3A_2156 = arith.constant 0 : i32
      %broadcast_in_dim3A_2157 = vector.broadcast %broadcast_in_dim3A_2156 : i32 to vector<16xi32>
      %gather3A_2158 = tpu.vector_load_idx %arg12[%broadcast_in_dim3A_2131, %broadcast_in_dim3A_2157, %iota3A, %broadcast_in_dim3A_2155] : memref<2x4x32x128xf32, #tpu.memory_space<vmem>>[vector<16xi32>, vector<16xi32>, vector<16xi32>, vector<16xi32>], vector<16xf32>,
      %add3A_2159 = arith.constant 16 : i32
      %add3A_2160 = vector.broadcast %add3A_2159 : i32 to vector<16xi32>
      %add3A_2161 = arith.addi %iota3A, %add3A_2160 : vector<16xi32>
      %gather3A_2162 = tpu.vector_load_idx %arg12[%broadcast_in_dim3A_2131, %broadcast_in_dim3A_2157, %add3A_2161, %broadcast_in_dim3A_2155] : memref<2x4x32x128xf32, #tpu.memory_space<vmem>>[vector<16xi32>, vector<16xi32>, vector<16xi32>, vector<16xi32>], vector<16xf32>,
      %ge3A_2163 = arith.constant 999936 : i32
      %ge3A_2164 = arith.cmpi sge, %squeeze3A_2149, %ge3A_2163 : i32
      %sub3A_2165 = arith.constant 999936 : i32
      %sub3A_2166 = arith.subi %squeeze3A_2149, %sub3A_2165 : i32
      %max3A_2167 = arith.constant 0 : i32
      %max3A_2168 = arith.maxsi %sub3A_2166, %max3A_2167 : i32
      %min3A_2169 = arith.constant 63 : i32
      %min3A_2170 = arith.minsi %max3A_2168, %min3A_2169 : i32
      %broadcast_in_dim3A_2171 = vector.broadcast %min3A_2170 : i32 to vector<16xi32>
      %gather3A_2172 = tpu.vector_load_idx %arg15[%broadcast_in_dim3A_2171, %iota3A] : memref<64x128xf32, #tpu.memory_space<vmem>>[vector<16xi32>, vector<16xi32>], vector<16xf32>,
      %add3A_2173 = arith.constant 16 : i32
      %add3A_2174 = vector.broadcast %add3A_2173 : i32 to vector<16xi32>
      %add3A_2175 = arith.addi %iota3A, %add3A_2174 : vector<16xi32>
      %gather3A_2176 = tpu.vector_load_idx %arg15[%broadcast_in_dim3A_2171, %add3A_2175] : memref<64x128xf32, #tpu.memory_space<vmem>>[vector<16xi32>, vector<16xi32>], vector<16xf32>,
      %broadcast_in_dim3A_2177 = vector.broadcast %ge3A_2164 : i1 to vector<16xi1>
      %select_n3A_2178 = arith.select %broadcast_in_dim3A_2177, %gather3A_2172, %gather3A_2158 : vector<16xi1>, vector<16xf32>
      %broadcast_in_dim3A_2179 = vector.broadcast %ge3A_2164 : i1 to vector<16xi1>
      %select_n3A_2180 = arith.select %broadcast_in_dim3A_2179, %gather3A_2176, %gather3A_2162 : vector<16xi1>, vector<16xf32>
      %mul3A_2181 = arith.constant 16 : i32
      %mul3A_2182 = arith.muli %scan3A_8, %mul3A_2181 : i32
      %add3A_2183 = arith.constant 512 : i32
      %add3A_2184 = arith.addi %add3A_2183, %mul3A_2182 : i32
      %add3A_2185 = arith.constant 8 : i32
      %add3A_2186 = arith.addi %add3A_2184, %add3A_2185 : i32
      %mul3A_2187 = arith.constant 32 : i32
      %mul3A_2188 = arith.muli %add3A_2186, %mul3A_2187 : i32
      %swap3A_2189 = arith.index_cast %mul3A_2188 : i32 to index
      %swap3A_2190 = tpu.vector_load %arg13[%swap3A_2189] {strides = array<i32>} : memref<32768xf32, #tpu.memory_space<vmem>>, vector<16xf32>,
      tpu.vector_store %arg13[%swap3A_2189], %select_n3A_2178 {strides = array<i32>} : memref<32768xf32, #tpu.memory_space<vmem>>, vector<16xf32>,
      %mul3A_2191 = arith.constant 32 : i32
      %mul3A_2192 = arith.muli %add3A_2186, %mul3A_2191 : i32
      %add3A_2193 = arith.constant 16 : i32
      %add3A_2194 = arith.addi %mul3A_2192, %add3A_2193 : i32
      %swap3A_2195 = arith.index_cast %add3A_2194 : i32 to index
      %swap3A_2196 = tpu.vector_load %arg13[%swap3A_2195] {strides = array<i32>} : memref<32768xf32, #tpu.memory_space<vmem>>, vector<16xf32>,
      tpu.vector_store %arg13[%swap3A_2195], %select_n3A_2180 {strides = array<i32>} : memref<32768xf32, #tpu.memory_space<vmem>>, vector<16xf32>,
      %dma_wait3A_2197 = arith.constant 0 : i32
      %dma_wait3A_2198 = arith.constant 1 : i32
      %dma_wait3A_2199 = arith.constant 0 : i32
      %dma_wait3A_2200 = arith.constant 0 : i32
      %dma_wait3A_2201 = tpu.memref_slice %arg12[%dma_wait3A_2197, %dma_wait3A_2198, %dma_wait3A_2199, %dma_wait3A_2200] : memref<2x4x32x128xf32, #tpu.memory_space<vmem>> -> memref<1x1x32x128xf32, #tpu.memory_space<vmem>>
      %dma_wait3A_2202 = tpu.memref_squeeze %dma_wait3A_2201 : memref<1x1x32x128xf32, #tpu.memory_space<vmem>> -> memref<32x128xf32, #tpu.memory_space<vmem>>
      %dma_wait3A_2203 = arith.constant 0 : i32
      %dma_wait3A_2204 = arith.constant 0 : i32
      %dma_wait3A_2205 = tpu.memref_slice %arg5[%dma_wait3A_2203, %dma_wait3A_2204] : memref<32x1000000xf32, #tpu.memory_space<hbm>> -> memref<32x128xf32, #tpu.memory_space<hbm>>
      %dma_wait3A_2206 = arith.constant 0 : i32
      %dma_wait3A_2207 = arith.constant 0 : i32
      %dma_wait3A_2208 = tpu.memref_slice %arg12[%dma_wait3A_2197, %dma_wait3A_2198, %dma_wait3A_2206, %dma_wait3A_2207] : memref<2x4x32x128xf32, #tpu.memory_space<vmem>> -> memref<1x1x32x128xf32, #tpu.memory_space<vmem>>
      %dma_wait3A_2209 = tpu.memref_squeeze %dma_wait3A_2208 : memref<1x1x32x128xf32, #tpu.memory_space<vmem>> -> memref<32x128xf32, #tpu.memory_space<vmem>>
      %dma_wait3A_2210 = arith.constant 0 : i32
      %dma_wait3A_2211 = arith.constant 0 : i32
      %dma_wait3A_2212 = tpu.memref_slice %arg5[%dma_wait3A_2210, %dma_wait3A_2211] : memref<32x1000000xf32, #tpu.memory_space<hbm>> -> memref<32x128xf32, #tpu.memory_space<hbm>>
      tpu.wait_dma2 semaphore(%arg17 : memref<!tpu.dma_semaphore, #tpu.memory_space<semaphore_mem>>) src(%dma_wait3A_2212 : memref<32x128xf32, #tpu.memory_space<hbm>>) dst(%dma_wait3A_2209 : memref<32x128xf32, #tpu.memory_space<vmem>>)
      %slice3A_2213 = vector.extract_strided_slice %get3A_18 {offsets = [9], sizes = [1], strides = [1]} : vector<16xi32> to vector<1xi32>
      %squeeze3A_2214 = vector.extract %slice3A_2213[0] : i32 from vector<1xi32>
      %slice3A_2215 = vector.extract_strided_slice %min3A_24 {offsets = [9], sizes = [1], strides = [1]} : vector<16xi32> to vector<1xi32>
      %squeeze3A_2216 = vector.extract %slice3A_2215[0] : i32 from vector<1xi32>
      %sub3A_2217 = arith.subi %squeeze3A_2214, %squeeze3A_2216 : i32
      %min3A_2218 = arith.constant 127 : i32
      %min3A_2219 = arith.minsi %sub3A_2217, %min3A_2218 : i32
      %broadcast_in_dim3A_2220 = vector.broadcast %min3A_2219 : i32 to vector<16xi32>
      %broadcast_in_dim3A_2221 = arith.constant 1 : i32
      %broadcast_in_dim3A_2222 = vector.broadcast %broadcast_in_dim3A_2221 : i32 to vector<16xi32>
      %gather3A_2223 = tpu.vector_load_idx %arg12[%broadcast_in_dim3A_2131, %broadcast_in_dim3A_2222, %iota3A, %broadcast_in_dim3A_2220] : memref<2x4x32x128xf32, #tpu.memory_space<vmem>>[vector<16xi32>, vector<16xi32>, vector<16xi32>, vector<16xi32>], vector<16xf32>,
      %add3A_2224 = arith.constant 16 : i32
      %add3A_2225 = vector.broadcast %add3A_2224 : i32 to vector<16xi32>
      %add3A_2226 = arith.addi %iota3A, %add3A_2225 : vector<16xi32>
      %gather3A_2227 = tpu.vector_load_idx %arg12[%broadcast_in_dim3A_2131, %broadcast_in_dim3A_2222, %add3A_2226, %broadcast_in_dim3A_2220] : memref<2x4x32x128xf32, #tpu.memory_space<vmem>>[vector<16xi32>, vector<16xi32>, vector<16xi32>, vector<16xi32>], vector<16xf32>,
      %ge3A_2228 = arith.constant 999936 : i32
      %ge3A_2229 = arith.cmpi sge, %squeeze3A_2214, %ge3A_2228 : i32
      %sub3A_2230 = arith.constant 999936 : i32
      %sub3A_2231 = arith.subi %squeeze3A_2214, %sub3A_2230 : i32
      %max3A_2232 = arith.constant 0 : i32
      %max3A_2233 = arith.maxsi %sub3A_2231, %max3A_2232 : i32
      %min3A_2234 = arith.constant 63 : i32
      %min3A_2235 = arith.minsi %max3A_2233, %min3A_2234 : i32
      %broadcast_in_dim3A_2236 = vector.broadcast %min3A_2235 : i32 to vector<16xi32>
      %gather3A_2237 = tpu.vector_load_idx %arg15[%broadcast_in_dim3A_2236, %iota3A] : memref<64x128xf32, #tpu.memory_space<vmem>>[vector<16xi32>, vector<16xi32>], vector<16xf32>,
      %add3A_2238 = arith.constant 16 : i32
      %add3A_2239 = vector.broadcast %add3A_2238 : i32 to vector<16xi32>
      %add3A_2240 = arith.addi %iota3A, %add3A_2239 : vector<16xi32>
      %gather3A_2241 = tpu.vector_load_idx %arg15[%broadcast_in_dim3A_2236, %add3A_2240] : memref<64x128xf32, #tpu.memory_space<vmem>>[vector<16xi32>, vector<16xi32>], vector<16xf32>,
      %broadcast_in_dim3A_2242 = vector.broadcast %ge3A_2229 : i1 to vector<16xi1>
      %select_n3A_2243 = arith.select %broadcast_in_dim3A_2242, %gather3A_2237, %gather3A_2223 : vector<16xi1>, vector<16xf32>
      %broadcast_in_dim3A_2244 = vector.broadcast %ge3A_2229 : i1 to vector<16xi1>
      %select_n3A_2245 = arith.select %broadcast_in_dim3A_2244, %gather3A_2241, %gather3A_2227 : vector<16xi1>, vector<16xf32>
      %mul3A_2246 = arith.constant 16 : i32
      %mul3A_2247 = arith.muli %scan3A_8, %mul3A_2246 : i32
      %add3A_2248 = arith.constant 512 : i32
      %add3A_2249 = arith.addi %add3A_2248, %mul3A_2247 : i32
      %add3A_2250 = arith.constant 9 : i32
      %add3A_2251 = arith.addi %add3A_2249, %add3A_2250 : i32
      %mul3A_2252 = arith.constant 32 : i32
      %mul3A_2253 = arith.muli %add3A_2251, %mul3A_2252 : i32
      %swap3A_2254 = arith.index_cast %mul3A_2253 : i32 to index
      %swap3A_2255 = tpu.vector_load %arg13[%swap3A_2254] {strides = array<i32>} : memref<32768xf32, #tpu.memory_space<vmem>>, vector<16xf32>,
      tpu.vector_store %arg13[%swap3A_2254], %select_n3A_2243 {strides = array<i32>} : memref<32768xf32, #tpu.memory_space<vmem>>, vector<16xf32>,
      %mul3A_2256 = arith.constant 32 : i32
      %mul3A_2257 = arith.muli %add3A_2251, %mul3A_2256 : i32
      %add3A_2258 = arith.constant 16 : i32
      %add3A_2259 = arith.addi %mul3A_2257, %add3A_2258 : i32
      %swap3A_2260 = arith.index_cast %add3A_2259 : i32 to index
      %swap3A_2261 = tpu.vector_load %arg13[%swap3A_2260] {strides = array<i32>} : memref<32768xf32, #tpu.memory_space<vmem>>, vector<16xf32>,
      tpu.vector_store %arg13[%swap3A_2260], %select_n3A_2245 {strides = array<i32>} : memref<32768xf32, #tpu.memory_space<vmem>>, vector<16xf32>,
      %dma_wait3A_2262 = arith.constant 0 : i32
      %dma_wait3A_2263 = arith.constant 2 : i32
      %dma_wait3A_2264 = arith.constant 0 : i32
      %dma_wait3A_2265 = arith.constant 0 : i32
      %dma_wait3A_2266 = tpu.memref_slice %arg12[%dma_wait3A_2262, %dma_wait3A_2263, %dma_wait3A_2264, %dma_wait3A_2265] : memref<2x4x32x128xf32, #tpu.memory_space<vmem>> -> memref<1x1x32x128xf32, #tpu.memory_space<vmem>>
      %dma_wait3A_2267 = tpu.memref_squeeze %dma_wait3A_2266 : memref<1x1x32x128xf32, #tpu.memory_space<vmem>> -> memref<32x128xf32, #tpu.memory_space<vmem>>
      %dma_wait3A_2268 = arith.constant 0 : i32
      %dma_wait3A_2269 = arith.constant 0 : i32
      %dma_wait3A_2270 = tpu.memref_slice %arg5[%dma_wait3A_2268, %dma_wait3A_2269] : memref<32x1000000xf32, #tpu.memory_space<hbm>> -> memref<32x128xf32, #tpu.memory_space<hbm>>
      %dma_wait3A_2271 = arith.constant 0 : i32
      %dma_wait3A_2272 = arith.constant 0 : i32
      %dma_wait3A_2273 = tpu.memref_slice %arg12[%dma_wait3A_2262, %dma_wait3A_2263, %dma_wait3A_2271, %dma_wait3A_2272] : memref<2x4x32x128xf32, #tpu.memory_space<vmem>> -> memref<1x1x32x128xf32, #tpu.memory_space<vmem>>
      %dma_wait3A_2274 = tpu.memref_squeeze %dma_wait3A_2273 : memref<1x1x32x128xf32, #tpu.memory_space<vmem>> -> memref<32x128xf32, #tpu.memory_space<vmem>>
      %dma_wait3A_2275 = arith.constant 0 : i32
      %dma_wait3A_2276 = arith.constant 0 : i32
      %dma_wait3A_2277 = tpu.memref_slice %arg5[%dma_wait3A_2275, %dma_wait3A_2276] : memref<32x1000000xf32, #tpu.memory_space<hbm>> -> memref<32x128xf32, #tpu.memory_space<hbm>>
      tpu.wait_dma2 semaphore(%arg17 : memref<!tpu.dma_semaphore, #tpu.memory_space<semaphore_mem>>) src(%dma_wait3A_2277 : memref<32x128xf32, #tpu.memory_space<hbm>>) dst(%dma_wait3A_2274 : memref<32x128xf32, #tpu.memory_space<vmem>>)
      %slice3A_2278 = vector.extract_strided_slice %get3A_18 {offsets = [10], sizes = [1], strides = [1]} : vector<16xi32> to vector<1xi32>
      %squeeze3A_2279 = vector.extract %slice3A_2278[0] : i32 from vector<1xi32>
      %slice3A_2280 = vector.extract_strided_slice %min3A_24 {offsets = [10], sizes = [1], strides = [1]} : vector<16xi32> to vector<1xi32>
      %squeeze3A_2281 = vector.extract %slice3A_2280[0] : i32 from vector<1xi32>
      %sub3A_2282 = arith.subi %squeeze3A_2279, %squeeze3A_2281 : i32
      %min3A_2283 = arith.constant 127 : i32
      %min3A_2284 = arith.minsi %sub3A_2282, %min3A_2283 : i32
      %broadcast_in_dim3A_2285 = vector.broadcast %min3A_2284 : i32 to vector<16xi32>
      %broadcast_in_dim3A_2286 = arith.constant 2 : i32
      %broadcast_in_dim3A_2287 = vector.broadcast %broadcast_in_dim3A_2286 : i32 to vector<16xi32>
      %gather3A_2288 = tpu.vector_load_idx %arg12[%broadcast_in_dim3A_2131, %broadcast_in_dim3A_2287, %iota3A, %broadcast_in_dim3A_2285] : memref<2x4x32x128xf32, #tpu.memory_space<vmem>>[vector<16xi32>, vector<16xi32>, vector<16xi32>, vector<16xi32>], vector<16xf32>,
      %add3A_2289 = arith.constant 16 : i32
      %add3A_2290 = vector.broadcast %add3A_2289 : i32 to vector<16xi32>
      %add3A_2291 = arith.addi %iota3A, %add3A_2290 : vector<16xi32>
      %gather3A_2292 = tpu.vector_load_idx %arg12[%broadcast_in_dim3A_2131, %broadcast_in_dim3A_2287, %add3A_2291, %broadcast_in_dim3A_2285] : memref<2x4x32x128xf32, #tpu.memory_space<vmem>>[vector<16xi32>, vector<16xi32>, vector<16xi32>, vector<16xi32>], vector<16xf32>,
      %ge3A_2293 = arith.constant 999936 : i32
      %ge3A_2294 = arith.cmpi sge, %squeeze3A_2279, %ge3A_2293 : i32
      %sub3A_2295 = arith.constant 999936 : i32
      %sub3A_2296 = arith.subi %squeeze3A_2279, %sub3A_2295 : i32
      %max3A_2297 = arith.constant 0 : i32
      %max3A_2298 = arith.maxsi %sub3A_2296, %max3A_2297 : i32
      %min3A_2299 = arith.constant 63 : i32
      %min3A_2300 = arith.minsi %max3A_2298, %min3A_2299 : i32
      %broadcast_in_dim3A_2301 = vector.broadcast %min3A_2300 : i32 to vector<16xi32>
      %gather3A_2302 = tpu.vector_load_idx %arg15[%broadcast_in_dim3A_2301, %iota3A] : memref<64x128xf32, #tpu.memory_space<vmem>>[vector<16xi32>, vector<16xi32>], vector<16xf32>,
      %add3A_2303 = arith.constant 16 : i32
      %add3A_2304 = vector.broadcast %add3A_2303 : i32 to vector<16xi32>
      %add3A_2305 = arith.addi %iota3A, %add3A_2304 : vector<16xi32>
      %gather3A_2306 = tpu.vector_load_idx %arg15[%broadcast_in_dim3A_2301, %add3A_2305] : memref<64x128xf32, #tpu.memory_space<vmem>>[vector<16xi32>, vector<16xi32>], vector<16xf32>,
      %broadcast_in_dim3A_2307 = vector.broadcast %ge3A_2294 : i1 to vector<16xi1>
      %select_n3A_2308 = arith.select %broadcast_in_dim3A_2307, %gather3A_2302, %gather3A_2288 : vector<16xi1>, vector<16xf32>
      %broadcast_in_dim3A_2309 = vector.broadcast %ge3A_2294 : i1 to vector<16xi1>
      %select_n3A_2310 = arith.select %broadcast_in_dim3A_2309, %gather3A_2306, %gather3A_2292 : vector<16xi1>, vector<16xf32>
      %mul3A_2311 = arith.constant 16 : i32
      %mul3A_2312 = arith.muli %scan3A_8, %mul3A_2311 : i32
      %add3A_2313 = arith.constant 512 : i32
      %add3A_2314 = arith.addi %add3A_2313, %mul3A_2312 : i32
      %add3A_2315 = arith.constant 10 : i32
      %add3A_2316 = arith.addi %add3A_2314, %add3A_2315 : i32
      %mul3A_2317 = arith.constant 32 : i32
      %mul3A_2318 = arith.muli %add3A_2316, %mul3A_2317 : i32
      %swap3A_2319 = arith.index_cast %mul3A_2318 : i32 to index
      %swap3A_2320 = tpu.vector_load %arg13[%swap3A_2319] {strides = array<i32>} : memref<32768xf32, #tpu.memory_space<vmem>>, vector<16xf32>,
      tpu.vector_store %arg13[%swap3A_2319], %select_n3A_2308 {strides = array<i32>} : memref<32768xf32, #tpu.memory_space<vmem>>, vector<16xf32>,
      %mul3A_2321 = arith.constant 32 : i32
      %mul3A_2322 = arith.muli %add3A_2316, %mul3A_2321 : i32
      %add3A_2323 = arith.constant 16 : i32
      %add3A_2324 = arith.addi %mul3A_2322, %add3A_2323 : i32
      %swap3A_2325 = arith.index_cast %add3A_2324 : i32 to index
      %swap3A_2326 = tpu.vector_load %arg13[%swap3A_2325] {strides = array<i32>} : memref<32768xf32, #tpu.memory_space<vmem>>, vector<16xf32>,
      tpu.vector_store %arg13[%swap3A_2325], %select_n3A_2310 {strides = array<i32>} : memref<32768xf32, #tpu.memory_space<vmem>>, vector<16xf32>,
      %dma_wait3A_2327 = arith.constant 0 : i32
      %dma_wait3A_2328 = arith.constant 3 : i32
      %dma_wait3A_2329 = arith.constant 0 : i32
      %dma_wait3A_2330 = arith.constant 0 : i32
      %dma_wait3A_2331 = tpu.memref_slice %arg12[%dma_wait3A_2327, %dma_wait3A_2328, %dma_wait3A_2329, %dma_wait3A_2330] : memref<2x4x32x128xf32, #tpu.memory_space<vmem>> -> memref<1x1x32x128xf32, #tpu.memory_space<vmem>>
      %dma_wait3A_2332 = tpu.memref_squeeze %dma_wait3A_2331 : memref<1x1x32x128xf32, #tpu.memory_space<vmem>> -> memref<32x128xf32, #tpu.memory_space<vmem>>
      %dma_wait3A_2333 = arith.constant 0 : i32
      %dma_wait3A_2334 = arith.constant 0 : i32
      %dma_wait3A_2335 = tpu.memref_slice %arg5[%dma_wait3A_2333, %dma_wait3A_2334] : memref<32x1000000xf32, #tpu.memory_space<hbm>> -> memref<32x128xf32, #tpu.memory_space<hbm>>
      %dma_wait3A_2336 = arith.constant 0 : i32
      %dma_wait3A_2337 = arith.constant 0 : i32
      %dma_wait3A_2338 = tpu.memref_slice %arg12[%dma_wait3A_2327, %dma_wait3A_2328, %dma_wait3A_2336, %dma_wait3A_2337] : memref<2x4x32x128xf32, #tpu.memory_space<vmem>> -> memref<1x1x32x128xf32, #tpu.memory_space<vmem>>
      %dma_wait3A_2339 = tpu.memref_squeeze %dma_wait3A_2338 : memref<1x1x32x128xf32, #tpu.memory_space<vmem>> -> memref<32x128xf32, #tpu.memory_space<vmem>>
      %dma_wait3A_2340 = arith.constant 0 : i32
      %dma_wait3A_2341 = arith.constant 0 : i32
      %dma_wait3A_2342 = tpu.memref_slice %arg5[%dma_wait3A_2340, %dma_wait3A_2341] : memref<32x1000000xf32, #tpu.memory_space<hbm>> -> memref<32x128xf32, #tpu.memory_space<hbm>>
      tpu.wait_dma2 semaphore(%arg17 : memref<!tpu.dma_semaphore, #tpu.memory_space<semaphore_mem>>) src(%dma_wait3A_2342 : memref<32x128xf32, #tpu.memory_space<hbm>>) dst(%dma_wait3A_2339 : memref<32x128xf32, #tpu.memory_space<vmem>>)
      %slice3A_2343 = vector.extract_strided_slice %get3A_18 {offsets = [11], sizes = [1], strides = [1]} : vector<16xi32> to vector<1xi32>
      %squeeze3A_2344 = vector.extract %slice3A_2343[0] : i32 from vector<1xi32>
      %slice3A_2345 = vector.extract_strided_slice %min3A_24 {offsets = [11], sizes = [1], strides = [1]} : vector<16xi32> to vector<1xi32>
      %squeeze3A_2346 = vector.extract %slice3A_2345[0] : i32 from vector<1xi32>
      %sub3A_2347 = arith.subi %squeeze3A_2344, %squeeze3A_2346 : i32
      %min3A_2348 = arith.constant 127 : i32
      %min3A_2349 = arith.minsi %sub3A_2347, %min3A_2348 : i32
      %broadcast_in_dim3A_2350 = vector.broadcast %min3A_2349 : i32 to vector<16xi32>
      %broadcast_in_dim3A_2351 = arith.constant 3 : i32
      %broadcast_in_dim3A_2352 = vector.broadcast %broadcast_in_dim3A_2351 : i32 to vector<16xi32>
      %gather3A_2353 = tpu.vector_load_idx %arg12[%broadcast_in_dim3A_2131, %broadcast_in_dim3A_2352, %iota3A, %broadcast_in_dim3A_2350] : memref<2x4x32x128xf32, #tpu.memory_space<vmem>>[vector<16xi32>, vector<16xi32>, vector<16xi32>, vector<16xi32>], vector<16xf32>,
      %add3A_2354 = arith.constant 16 : i32
      %add3A_2355 = vector.broadcast %add3A_2354 : i32 to vector<16xi32>
      %add3A_2356 = arith.addi %iota3A, %add3A_2355 : vector<16xi32>
      %gather3A_2357 = tpu.vector_load_idx %arg12[%broadcast_in_dim3A_2131, %broadcast_in_dim3A_2352, %add3A_2356, %broadcast_in_dim3A_2350] : memref<2x4x32x128xf32, #tpu.memory_space<vmem>>[vector<16xi32>, vector<16xi32>, vector<16xi32>, vector<16xi32>], vector<16xf32>,
      %ge3A_2358 = arith.constant 999936 : i32
      %ge3A_2359 = arith.cmpi sge, %squeeze3A_2344, %ge3A_2358 : i32
      %sub3A_2360 = arith.constant 999936 : i32
      %sub3A_2361 = arith.subi %squeeze3A_2344, %sub3A_2360 : i32
      %max3A_2362 = arith.constant 0 : i32
      %max3A_2363 = arith.maxsi %sub3A_2361, %max3A_2362 : i32
      %min3A_2364 = arith.constant 63 : i32
      %min3A_2365 = arith.minsi %max3A_2363, %min3A_2364 : i32
      %broadcast_in_dim3A_2366 = vector.broadcast %min3A_2365 : i32 to vector<16xi32>
      %gather3A_2367 = tpu.vector_load_idx %arg15[%broadcast_in_dim3A_2366, %iota3A] : memref<64x128xf32, #tpu.memory_space<vmem>>[vector<16xi32>, vector<16xi32>], vector<16xf32>,
      %add3A_2368 = arith.constant 16 : i32
      %add3A_2369 = vector.broadcast %add3A_2368 : i32 to vector<16xi32>
      %add3A_2370 = arith.addi %iota3A, %add3A_2369 : vector<16xi32>
      %gather3A_2371 = tpu.vector_load_idx %arg15[%broadcast_in_dim3A_2366, %add3A_2370] : memref<64x128xf32, #tpu.memory_space<vmem>>[vector<16xi32>, vector<16xi32>], vector<16xf32>,
      %broadcast_in_dim3A_2372 = vector.broadcast %ge3A_2359 : i1 to vector<16xi1>
      %select_n3A_2373 = arith.select %broadcast_in_dim3A_2372, %gather3A_2367, %gather3A_2353 : vector<16xi1>, vector<16xf32>
      %broadcast_in_dim3A_2374 = vector.broadcast %ge3A_2359 : i1 to vector<16xi1>
      %select_n3A_2375 = arith.select %broadcast_in_dim3A_2374, %gather3A_2371, %gather3A_2357 : vector<16xi1>, vector<16xf32>
      %mul3A_2376 = arith.constant 16 : i32
      %mul3A_2377 = arith.muli %scan3A_8, %mul3A_2376 : i32
      %add3A_2378 = arith.constant 512 : i32
      %add3A_2379 = arith.addi %add3A_2378, %mul3A_2377 : i32
      %add3A_2380 = arith.constant 11 : i32
      %add3A_2381 = arith.addi %add3A_2379, %add3A_2380 : i32
      %mul3A_2382 = arith.constant 32 : i32
      %mul3A_2383 = arith.muli %add3A_2381, %mul3A_2382 : i32
      %swap3A_2384 = arith.index_cast %mul3A_2383 : i32 to index
      %swap3A_2385 = tpu.vector_load %arg13[%swap3A_2384] {strides = array<i32>} : memref<32768xf32, #tpu.memory_space<vmem>>, vector<16xf32>,
      tpu.vector_store %arg13[%swap3A_2384], %select_n3A_2373 {strides = array<i32>} : memref<32768xf32, #tpu.memory_space<vmem>>, vector<16xf32>,
      %mul3A_2386 = arith.constant 32 : i32
      %mul3A_2387 = arith.muli %add3A_2381, %mul3A_2386 : i32
      %add3A_2388 = arith.constant 16 : i32
      %add3A_2389 = arith.addi %mul3A_2387, %add3A_2388 : i32
      %swap3A_2390 = arith.index_cast %add3A_2389 : i32 to index
      %swap3A_2391 = tpu.vector_load %arg13[%swap3A_2390] {strides = array<i32>} : memref<32768xf32, #tpu.memory_space<vmem>>, vector<16xf32>,
      tpu.vector_store %arg13[%swap3A_2390], %select_n3A_2375 {strides = array<i32>} : memref<32768xf32, #tpu.memory_space<vmem>>, vector<16xf32>,
      %broadcast_in_dim3A_2392 = arith.constant 1 : i32
      %broadcast_in_dim3A_2393 = vector.broadcast %broadcast_in_dim3A_2392 : i32 to vector<16xi32>
      %dma_wait3A_2394 = arith.constant 1 : i32
      %dma_wait3A_2395 = arith.constant 0 : i32
      %dma_wait3A_2396 = arith.constant 0 : i32
      %dma_wait3A_2397 = arith.constant 0 : i32
      %dma_wait3A_2398 = tpu.memref_slice %arg12[%dma_wait3A_2394, %dma_wait3A_2395, %dma_wait3A_2396, %dma_wait3A_2397] : memref<2x4x32x128xf32, #tpu.memory_space<vmem>> -> memref<1x1x32x128xf32, #tpu.memory_space<vmem>>
      %dma_wait3A_2399 = tpu.memref_squeeze %dma_wait3A_2398 : memref<1x1x32x128xf32, #tpu.memory_space<vmem>> -> memref<32x128xf32, #tpu.memory_space<vmem>>
      %dma_wait3A_2400 = arith.constant 0 : i32
      %dma_wait3A_2401 = arith.constant 0 : i32
      %dma_wait3A_2402 = tpu.memref_slice %arg5[%dma_wait3A_2400, %dma_wait3A_2401] : memref<32x1000000xf32, #tpu.memory_space<hbm>> -> memref<32x128xf32, #tpu.memory_space<hbm>>
      %dma_wait3A_2403 = arith.constant 0 : i32
      %dma_wait3A_2404 = arith.constant 0 : i32
      %dma_wait3A_2405 = tpu.memref_slice %arg12[%dma_wait3A_2394, %dma_wait3A_2395, %dma_wait3A_2403, %dma_wait3A_2404] : memref<2x4x32x128xf32, #tpu.memory_space<vmem>> -> memref<1x1x32x128xf32, #tpu.memory_space<vmem>>
      %dma_wait3A_2406 = tpu.memref_squeeze %dma_wait3A_2405 : memref<1x1x32x128xf32, #tpu.memory_space<vmem>> -> memref<32x128xf32, #tpu.memory_space<vmem>>
      %dma_wait3A_2407 = arith.constant 0 : i32
      %dma_wait3A_2408 = arith.constant 0 : i32
      %dma_wait3A_2409 = tpu.memref_slice %arg5[%dma_wait3A_2407, %dma_wait3A_2408] : memref<32x1000000xf32, #tpu.memory_space<hbm>> -> memref<32x128xf32, #tpu.memory_space<hbm>>
      tpu.wait_dma2 semaphore(%arg18 : memref<!tpu.dma_semaphore, #tpu.memory_space<semaphore_mem>>) src(%dma_wait3A_2409 : memref<32x128xf32, #tpu.memory_space<hbm>>) dst(%dma_wait3A_2406 : memref<32x128xf32, #tpu.memory_space<vmem>>)
      %slice3A_2410 = vector.extract_strided_slice %get3A_18 {offsets = [12], sizes = [1], strides = [1]} : vector<16xi32> to vector<1xi32>
      %squeeze3A_2411 = vector.extract %slice3A_2410[0] : i32 from vector<1xi32>
      %slice3A_2412 = vector.extract_strided_slice %min3A_24 {offsets = [12], sizes = [1], strides = [1]} : vector<16xi32> to vector<1xi32>
      %squeeze3A_2413 = vector.extract %slice3A_2412[0] : i32 from vector<1xi32>
      %sub3A_2414 = arith.subi %squeeze3A_2411, %squeeze3A_2413 : i32
      %min3A_2415 = arith.constant 127 : i32
      %min3A_2416 = arith.minsi %sub3A_2414, %min3A_2415 : i32
      %broadcast_in_dim3A_2417 = vector.broadcast %min3A_2416 : i32 to vector<16xi32>
      %broadcast_in_dim3A_2418 = arith.constant 0 : i32
      %broadcast_in_dim3A_2419 = vector.broadcast %broadcast_in_dim3A_2418 : i32 to vector<16xi32>
      %gather3A_2420 = tpu.vector_load_idx %arg12[%broadcast_in_dim3A_2393, %broadcast_in_dim3A_2419, %iota3A, %broadcast_in_dim3A_2417] : memref<2x4x32x128xf32, #tpu.memory_space<vmem>>[vector<16xi32>, vector<16xi32>, vector<16xi32>, vector<16xi32>], vector<16xf32>,
      %add3A_2421 = arith.constant 16 : i32
      %add3A_2422 = vector.broadcast %add3A_2421 : i32 to vector<16xi32>
      %add3A_2423 = arith.addi %iota3A, %add3A_2422 : vector<16xi32>
      %gather3A_2424 = tpu.vector_load_idx %arg12[%broadcast_in_dim3A_2393, %broadcast_in_dim3A_2419, %add3A_2423, %broadcast_in_dim3A_2417] : memref<2x4x32x128xf32, #tpu.memory_space<vmem>>[vector<16xi32>, vector<16xi32>, vector<16xi32>, vector<16xi32>], vector<16xf32>,
      %ge3A_2425 = arith.constant 999936 : i32
      %ge3A_2426 = arith.cmpi sge, %squeeze3A_2411, %ge3A_2425 : i32
      %sub3A_2427 = arith.constant 999936 : i32
      %sub3A_2428 = arith.subi %squeeze3A_2411, %sub3A_2427 : i32
      %max3A_2429 = arith.constant 0 : i32
      %max3A_2430 = arith.maxsi %sub3A_2428, %max3A_2429 : i32
      %min3A_2431 = arith.constant 63 : i32
      %min3A_2432 = arith.minsi %max3A_2430, %min3A_2431 : i32
      %broadcast_in_dim3A_2433 = vector.broadcast %min3A_2432 : i32 to vector<16xi32>
      %gather3A_2434 = tpu.vector_load_idx %arg15[%broadcast_in_dim3A_2433, %iota3A] : memref<64x128xf32, #tpu.memory_space<vmem>>[vector<16xi32>, vector<16xi32>], vector<16xf32>,
      %add3A_2435 = arith.constant 16 : i32
      %add3A_2436 = vector.broadcast %add3A_2435 : i32 to vector<16xi32>
      %add3A_2437 = arith.addi %iota3A, %add3A_2436 : vector<16xi32>
      %gather3A_2438 = tpu.vector_load_idx %arg15[%broadcast_in_dim3A_2433, %add3A_2437] : memref<64x128xf32, #tpu.memory_space<vmem>>[vector<16xi32>, vector<16xi32>], vector<16xf32>,
      %broadcast_in_dim3A_2439 = vector.broadcast %ge3A_2426 : i1 to vector<16xi1>
      %select_n3A_2440 = arith.select %broadcast_in_dim3A_2439, %gather3A_2434, %gather3A_2420 : vector<16xi1>, vector<16xf32>
      %broadcast_in_dim3A_2441 = vector.broadcast %ge3A_2426 : i1 to vector<16xi1>
      %select_n3A_2442 = arith.select %broadcast_in_dim3A_2441, %gather3A_2438, %gather3A_2424 : vector<16xi1>, vector<16xf32>
      %mul3A_2443 = arith.constant 16 : i32
      %mul3A_2444 = arith.muli %scan3A_8, %mul3A_2443 : i32
      %add3A_2445 = arith.constant 512 : i32
      %add3A_2446 = arith.addi %add3A_2445, %mul3A_2444 : i32
      %add3A_2447 = arith.constant 12 : i32
      %add3A_2448 = arith.addi %add3A_2446, %add3A_2447 : i32
      %mul3A_2449 = arith.constant 32 : i32
      %mul3A_2450 = arith.muli %add3A_2448, %mul3A_2449 : i32
      %swap3A_2451 = arith.index_cast %mul3A_2450 : i32 to index
      %swap3A_2452 = tpu.vector_load %arg13[%swap3A_2451] {strides = array<i32>} : memref<32768xf32, #tpu.memory_space<vmem>>, vector<16xf32>,
      tpu.vector_store %arg13[%swap3A_2451], %select_n3A_2440 {strides = array<i32>} : memref<32768xf32, #tpu.memory_space<vmem>>, vector<16xf32>,
      %mul3A_2453 = arith.constant 32 : i32
      %mul3A_2454 = arith.muli %add3A_2448, %mul3A_2453 : i32
      %add3A_2455 = arith.constant 16 : i32
      %add3A_2456 = arith.addi %mul3A_2454, %add3A_2455 : i32
      %swap3A_2457 = arith.index_cast %add3A_2456 : i32 to index
      %swap3A_2458 = tpu.vector_load %arg13[%swap3A_2457] {strides = array<i32>} : memref<32768xf32, #tpu.memory_space<vmem>>, vector<16xf32>,
      tpu.vector_store %arg13[%swap3A_2457], %select_n3A_2442 {strides = array<i32>} : memref<32768xf32, #tpu.memory_space<vmem>>, vector<16xf32>,
      %dma_wait3A_2459 = arith.constant 1 : i32
      %dma_wait3A_2460 = arith.constant 1 : i32
      %dma_wait3A_2461 = arith.constant 0 : i32
      %dma_wait3A_2462 = arith.constant 0 : i32
      %dma_wait3A_2463 = tpu.memref_slice %arg12[%dma_wait3A_2459, %dma_wait3A_2460, %dma_wait3A_2461, %dma_wait3A_2462] : memref<2x4x32x128xf32, #tpu.memory_space<vmem>> -> memref<1x1x32x128xf32, #tpu.memory_space<vmem>>
      %dma_wait3A_2464 = tpu.memref_squeeze %dma_wait3A_2463 : memref<1x1x32x128xf32, #tpu.memory_space<vmem>> -> memref<32x128xf32, #tpu.memory_space<vmem>>
      %dma_wait3A_2465 = arith.constant 0 : i32
      %dma_wait3A_2466 = arith.constant 0 : i32
      %dma_wait3A_2467 = tpu.memref_slice %arg5[%dma_wait3A_2465, %dma_wait3A_2466] : memref<32x1000000xf32, #tpu.memory_space<hbm>> -> memref<32x128xf32, #tpu.memory_space<hbm>>
      %dma_wait3A_2468 = arith.constant 0 : i32
      %dma_wait3A_2469 = arith.constant 0 : i32
      %dma_wait3A_2470 = tpu.memref_slice %arg12[%dma_wait3A_2459, %dma_wait3A_2460, %dma_wait3A_2468, %dma_wait3A_2469] : memref<2x4x32x128xf32, #tpu.memory_space<vmem>> -> memref<1x1x32x128xf32, #tpu.memory_space<vmem>>
      %dma_wait3A_2471 = tpu.memref_squeeze %dma_wait3A_2470 : memref<1x1x32x128xf32, #tpu.memory_space<vmem>> -> memref<32x128xf32, #tpu.memory_space<vmem>>
      %dma_wait3A_2472 = arith.constant 0 : i32
      %dma_wait3A_2473 = arith.constant 0 : i32
      %dma_wait3A_2474 = tpu.memref_slice %arg5[%dma_wait3A_2472, %dma_wait3A_2473] : memref<32x1000000xf32, #tpu.memory_space<hbm>> -> memref<32x128xf32, #tpu.memory_space<hbm>>
      tpu.wait_dma2 semaphore(%arg18 : memref<!tpu.dma_semaphore, #tpu.memory_space<semaphore_mem>>) src(%dma_wait3A_2474 : memref<32x128xf32, #tpu.memory_space<hbm>>) dst(%dma_wait3A_2471 : memref<32x128xf32, #tpu.memory_space<vmem>>)
      %slice3A_2475 = vector.extract_strided_slice %get3A_18 {offsets = [13], sizes = [1], strides = [1]} : vector<16xi32> to vector<1xi32>
      %squeeze3A_2476 = vector.extract %slice3A_2475[0] : i32 from vector<1xi32>
      %slice3A_2477 = vector.extract_strided_slice %min3A_24 {offsets = [13], sizes = [1], strides = [1]} : vector<16xi32> to vector<1xi32>
      %squeeze3A_2478 = vector.extract %slice3A_2477[0] : i32 from vector<1xi32>
      %sub3A_2479 = arith.subi %squeeze3A_2476, %squeeze3A_2478 : i32
      %min3A_2480 = arith.constant 127 : i32
      %min3A_2481 = arith.minsi %sub3A_2479, %min3A_2480 : i32
      %broadcast_in_dim3A_2482 = vector.broadcast %min3A_2481 : i32 to vector<16xi32>
      %broadcast_in_dim3A_2483 = arith.constant 1 : i32
      %broadcast_in_dim3A_2484 = vector.broadcast %broadcast_in_dim3A_2483 : i32 to vector<16xi32>
      %gather3A_2485 = tpu.vector_load_idx %arg12[%broadcast_in_dim3A_2393, %broadcast_in_dim3A_2484, %iota3A, %broadcast_in_dim3A_2482] : memref<2x4x32x128xf32, #tpu.memory_space<vmem>>[vector<16xi32>, vector<16xi32>, vector<16xi32>, vector<16xi32>], vector<16xf32>,
      %add3A_2486 = arith.constant 16 : i32
      %add3A_2487 = vector.broadcast %add3A_2486 : i32 to vector<16xi32>
      %add3A_2488 = arith.addi %iota3A, %add3A_2487 : vector<16xi32>
      %gather3A_2489 = tpu.vector_load_idx %arg12[%broadcast_in_dim3A_2393, %broadcast_in_dim3A_2484, %add3A_2488, %broadcast_in_dim3A_2482] : memref<2x4x32x128xf32, #tpu.memory_space<vmem>>[vector<16xi32>, vector<16xi32>, vector<16xi32>, vector<16xi32>], vector<16xf32>,
      %ge3A_2490 = arith.constant 999936 : i32
      %ge3A_2491 = arith.cmpi sge, %squeeze3A_2476, %ge3A_2490 : i32
      %sub3A_2492 = arith.constant 999936 : i32
      %sub3A_2493 = arith.subi %squeeze3A_2476, %sub3A_2492 : i32
      %max3A_2494 = arith.constant 0 : i32
      %max3A_2495 = arith.maxsi %sub3A_2493, %max3A_2494 : i32
      %min3A_2496 = arith.constant 63 : i32
      %min3A_2497 = arith.minsi %max3A_2495, %min3A_2496 : i32
      %broadcast_in_dim3A_2498 = vector.broadcast %min3A_2497 : i32 to vector<16xi32>
      %gather3A_2499 = tpu.vector_load_idx %arg15[%broadcast_in_dim3A_2498, %iota3A] : memref<64x128xf32, #tpu.memory_space<vmem>>[vector<16xi32>, vector<16xi32>], vector<16xf32>,
      %add3A_2500 = arith.constant 16 : i32
      %add3A_2501 = vector.broadcast %add3A_2500 : i32 to vector<16xi32>
      %add3A_2502 = arith.addi %iota3A, %add3A_2501 : vector<16xi32>
      %gather3A_2503 = tpu.vector_load_idx %arg15[%broadcast_in_dim3A_2498, %add3A_2502] : memref<64x128xf32, #tpu.memory_space<vmem>>[vector<16xi32>, vector<16xi32>], vector<16xf32>,
      %broadcast_in_dim3A_2504 = vector.broadcast %ge3A_2491 : i1 to vector<16xi1>
      %select_n3A_2505 = arith.select %broadcast_in_dim3A_2504, %gather3A_2499, %gather3A_2485 : vector<16xi1>, vector<16xf32>
      %broadcast_in_dim3A_2506 = vector.broadcast %ge3A_2491 : i1 to vector<16xi1>
      %select_n3A_2507 = arith.select %broadcast_in_dim3A_2506, %gather3A_2503, %gather3A_2489 : vector<16xi1>, vector<16xf32>
      %mul3A_2508 = arith.constant 16 : i32
      %mul3A_2509 = arith.muli %scan3A_8, %mul3A_2508 : i32
      %add3A_2510 = arith.constant 512 : i32
      %add3A_2511 = arith.addi %add3A_2510, %mul3A_2509 : i32
      %add3A_2512 = arith.constant 13 : i32
      %add3A_2513 = arith.addi %add3A_2511, %add3A_2512 : i32
      %mul3A_2514 = arith.constant 32 : i32
      %mul3A_2515 = arith.muli %add3A_2513, %mul3A_2514 : i32
      %swap3A_2516 = arith.index_cast %mul3A_2515 : i32 to index
      %swap3A_2517 = tpu.vector_load %arg13[%swap3A_2516] {strides = array<i32>} : memref<32768xf32, #tpu.memory_space<vmem>>, vector<16xf32>,
      tpu.vector_store %arg13[%swap3A_2516], %select_n3A_2505 {strides = array<i32>} : memref<32768xf32, #tpu.memory_space<vmem>>, vector<16xf32>,
      %mul3A_2518 = arith.constant 32 : i32
      %mul3A_2519 = arith.muli %add3A_2513, %mul3A_2518 : i32
      %add3A_2520 = arith.constant 16 : i32
      %add3A_2521 = arith.addi %mul3A_2519, %add3A_2520 : i32
      %swap3A_2522 = arith.index_cast %add3A_2521 : i32 to index
      %swap3A_2523 = tpu.vector_load %arg13[%swap3A_2522] {strides = array<i32>} : memref<32768xf32, #tpu.memory_space<vmem>>, vector<16xf32>,
      tpu.vector_store %arg13[%swap3A_2522], %select_n3A_2507 {strides = array<i32>} : memref<32768xf32, #tpu.memory_space<vmem>>, vector<16xf32>,
      %dma_wait3A_2524 = arith.constant 1 : i32
      %dma_wait3A_2525 = arith.constant 2 : i32
      %dma_wait3A_2526 = arith.constant 0 : i32
      %dma_wait3A_2527 = arith.constant 0 : i32
      %dma_wait3A_2528 = tpu.memref_slice %arg12[%dma_wait3A_2524, %dma_wait3A_2525, %dma_wait3A_2526, %dma_wait3A_2527] : memref<2x4x32x128xf32, #tpu.memory_space<vmem>> -> memref<1x1x32x128xf32, #tpu.memory_space<vmem>>
      %dma_wait3A_2529 = tpu.memref_squeeze %dma_wait3A_2528 : memref<1x1x32x128xf32, #tpu.memory_space<vmem>> -> memref<32x128xf32, #tpu.memory_space<vmem>>
      %dma_wait3A_2530 = arith.constant 0 : i32
      %dma_wait3A_2531 = arith.constant 0 : i32
      %dma_wait3A_2532 = tpu.memref_slice %arg5[%dma_wait3A_2530, %dma_wait3A_2531] : memref<32x1000000xf32, #tpu.memory_space<hbm>> -> memref<32x128xf32, #tpu.memory_space<hbm>>
      %dma_wait3A_2533 = arith.constant 0 : i32
      %dma_wait3A_2534 = arith.constant 0 : i32
      %dma_wait3A_2535 = tpu.memref_slice %arg12[%dma_wait3A_2524, %dma_wait3A_2525, %dma_wait3A_2533, %dma_wait3A_2534] : memref<2x4x32x128xf32, #tpu.memory_space<vmem>> -> memref<1x1x32x128xf32, #tpu.memory_space<vmem>>
      %dma_wait3A_2536 = tpu.memref_squeeze %dma_wait3A_2535 : memref<1x1x32x128xf32, #tpu.memory_space<vmem>> -> memref<32x128xf32, #tpu.memory_space<vmem>>
      %dma_wait3A_2537 = arith.constant 0 : i32
      %dma_wait3A_2538 = arith.constant 0 : i32
      %dma_wait3A_2539 = tpu.memref_slice %arg5[%dma_wait3A_2537, %dma_wait3A_2538] : memref<32x1000000xf32, #tpu.memory_space<hbm>> -> memref<32x128xf32, #tpu.memory_space<hbm>>
      tpu.wait_dma2 semaphore(%arg18 : memref<!tpu.dma_semaphore, #tpu.memory_space<semaphore_mem>>) src(%dma_wait3A_2539 : memref<32x128xf32, #tpu.memory_space<hbm>>) dst(%dma_wait3A_2536 : memref<32x128xf32, #tpu.memory_space<vmem>>)
      %slice3A_2540 = vector.extract_strided_slice %get3A_18 {offsets = [14], sizes = [1], strides = [1]} : vector<16xi32> to vector<1xi32>
      %squeeze3A_2541 = vector.extract %slice3A_2540[0] : i32 from vector<1xi32>
      %slice3A_2542 = vector.extract_strided_slice %min3A_24 {offsets = [14], sizes = [1], strides = [1]} : vector<16xi32> to vector<1xi32>
      %squeeze3A_2543 = vector.extract %slice3A_2542[0] : i32 from vector<1xi32>
      %sub3A_2544 = arith.subi %squeeze3A_2541, %squeeze3A_2543 : i32
      %min3A_2545 = arith.constant 127 : i32
      %min3A_2546 = arith.minsi %sub3A_2544, %min3A_2545 : i32
      %broadcast_in_dim3A_2547 = vector.broadcast %min3A_2546 : i32 to vector<16xi32>
      %broadcast_in_dim3A_2548 = arith.constant 2 : i32
      %broadcast_in_dim3A_2549 = vector.broadcast %broadcast_in_dim3A_2548 : i32 to vector<16xi32>
      %gather3A_2550 = tpu.vector_load_idx %arg12[%broadcast_in_dim3A_2393, %broadcast_in_dim3A_2549, %iota3A, %broadcast_in_dim3A_2547] : memref<2x4x32x128xf32, #tpu.memory_space<vmem>>[vector<16xi32>, vector<16xi32>, vector<16xi32>, vector<16xi32>], vector<16xf32>,
      %add3A_2551 = arith.constant 16 : i32
      %add3A_2552 = vector.broadcast %add3A_2551 : i32 to vector<16xi32>
      %add3A_2553 = arith.addi %iota3A, %add3A_2552 : vector<16xi32>
      %gather3A_2554 = tpu.vector_load_idx %arg12[%broadcast_in_dim3A_2393, %broadcast_in_dim3A_2549, %add3A_2553, %broadcast_in_dim3A_2547] : memref<2x4x32x128xf32, #tpu.memory_space<vmem>>[vector<16xi32>, vector<16xi32>, vector<16xi32>, vector<16xi32>], vector<16xf32>,
      %ge3A_2555 = arith.constant 999936 : i32
      %ge3A_2556 = arith.cmpi sge, %squeeze3A_2541, %ge3A_2555 : i32
      %sub3A_2557 = arith.constant 999936 : i32
      %sub3A_2558 = arith.subi %squeeze3A_2541, %sub3A_2557 : i32
      %max3A_2559 = arith.constant 0 : i32
      %max3A_2560 = arith.maxsi %sub3A_2558, %max3A_2559 : i32
      %min3A_2561 = arith.constant 63 : i32
      %min3A_2562 = arith.minsi %max3A_2560, %min3A_2561 : i32
      %broadcast_in_dim3A_2563 = vector.broadcast %min3A_2562 : i32 to vector<16xi32>
      %gather3A_2564 = tpu.vector_load_idx %arg15[%broadcast_in_dim3A_2563, %iota3A] : memref<64x128xf32, #tpu.memory_space<vmem>>[vector<16xi32>, vector<16xi32>], vector<16xf32>,
      %add3A_2565 = arith.constant 16 : i32
      %add3A_2566 = vector.broadcast %add3A_2565 : i32 to vector<16xi32>
      %add3A_2567 = arith.addi %iota3A, %add3A_2566 : vector<16xi32>
      %gather3A_2568 = tpu.vector_load_idx %arg15[%broadcast_in_dim3A_2563, %add3A_2567] : memref<64x128xf32, #tpu.memory_space<vmem>>[vector<16xi32>, vector<16xi32>], vector<16xf32>,
      %broadcast_in_dim3A_2569 = vector.broadcast %ge3A_2556 : i1 to vector<16xi1>
      %select_n3A_2570 = arith.select %broadcast_in_dim3A_2569, %gather3A_2564, %gather3A_2550 : vector<16xi1>, vector<16xf32>
      %broadcast_in_dim3A_2571 = vector.broadcast %ge3A_2556 : i1 to vector<16xi1>
      %select_n3A_2572 = arith.select %broadcast_in_dim3A_2571, %gather3A_2568, %gather3A_2554 : vector<16xi1>, vector<16xf32>
      %mul3A_2573 = arith.constant 16 : i32
      %mul3A_2574 = arith.muli %scan3A_8, %mul3A_2573 : i32
      %add3A_2575 = arith.constant 512 : i32
      %add3A_2576 = arith.addi %add3A_2575, %mul3A_2574 : i32
      %add3A_2577 = arith.constant 14 : i32
      %add3A_2578 = arith.addi %add3A_2576, %add3A_2577 : i32
      %mul3A_2579 = arith.constant 32 : i32
      %mul3A_2580 = arith.muli %add3A_2578, %mul3A_2579 : i32
      %swap3A_2581 = arith.index_cast %mul3A_2580 : i32 to index
      %swap3A_2582 = tpu.vector_load %arg13[%swap3A_2581] {strides = array<i32>} : memref<32768xf32, #tpu.memory_space<vmem>>, vector<16xf32>,
      tpu.vector_store %arg13[%swap3A_2581], %select_n3A_2570 {strides = array<i32>} : memref<32768xf32, #tpu.memory_space<vmem>>, vector<16xf32>,
      %mul3A_2583 = arith.constant 32 : i32
      %mul3A_2584 = arith.muli %add3A_2578, %mul3A_2583 : i32
      %add3A_2585 = arith.constant 16 : i32
      %add3A_2586 = arith.addi %mul3A_2584, %add3A_2585 : i32
      %swap3A_2587 = arith.index_cast %add3A_2586 : i32 to index
      %swap3A_2588 = tpu.vector_load %arg13[%swap3A_2587] {strides = array<i32>} : memref<32768xf32, #tpu.memory_space<vmem>>, vector<16xf32>,
      tpu.vector_store %arg13[%swap3A_2587], %select_n3A_2572 {strides = array<i32>} : memref<32768xf32, #tpu.memory_space<vmem>>, vector<16xf32>,
      %dma_wait3A_2589 = arith.constant 1 : i32
      %dma_wait3A_2590 = arith.constant 3 : i32
      %dma_wait3A_2591 = arith.constant 0 : i32
      %dma_wait3A_2592 = arith.constant 0 : i32
      %dma_wait3A_2593 = tpu.memref_slice %arg12[%dma_wait3A_2589, %dma_wait3A_2590, %dma_wait3A_2591, %dma_wait3A_2592] : memref<2x4x32x128xf32, #tpu.memory_space<vmem>> -> memref<1x1x32x128xf32, #tpu.memory_space<vmem>>
      %dma_wait3A_2594 = tpu.memref_squeeze %dma_wait3A_2593 : memref<1x1x32x128xf32, #tpu.memory_space<vmem>> -> memref<32x128xf32, #tpu.memory_space<vmem>>
      %dma_wait3A_2595 = arith.constant 0 : i32
      %dma_wait3A_2596 = arith.constant 0 : i32
      %dma_wait3A_2597 = tpu.memref_slice %arg5[%dma_wait3A_2595, %dma_wait3A_2596] : memref<32x1000000xf32, #tpu.memory_space<hbm>> -> memref<32x128xf32, #tpu.memory_space<hbm>>
      %dma_wait3A_2598 = arith.constant 0 : i32
      %dma_wait3A_2599 = arith.constant 0 : i32
      %dma_wait3A_2600 = tpu.memref_slice %arg12[%dma_wait3A_2589, %dma_wait3A_2590, %dma_wait3A_2598, %dma_wait3A_2599] : memref<2x4x32x128xf32, #tpu.memory_space<vmem>> -> memref<1x1x32x128xf32, #tpu.memory_space<vmem>>
      %dma_wait3A_2601 = tpu.memref_squeeze %dma_wait3A_2600 : memref<1x1x32x128xf32, #tpu.memory_space<vmem>> -> memref<32x128xf32, #tpu.memory_space<vmem>>
      %dma_wait3A_2602 = arith.constant 0 : i32
      %dma_wait3A_2603 = arith.constant 0 : i32
      %dma_wait3A_2604 = tpu.memref_slice %arg5[%dma_wait3A_2602, %dma_wait3A_2603] : memref<32x1000000xf32, #tpu.memory_space<hbm>> -> memref<32x128xf32, #tpu.memory_space<hbm>>
      tpu.wait_dma2 semaphore(%arg18 : memref<!tpu.dma_semaphore, #tpu.memory_space<semaphore_mem>>) src(%dma_wait3A_2604 : memref<32x128xf32, #tpu.memory_space<hbm>>) dst(%dma_wait3A_2601 : memref<32x128xf32, #tpu.memory_space<vmem>>)
      %slice3A_2605 = vector.extract_strided_slice %get3A_18 {offsets = [15], sizes = [1], strides = [1]} : vector<16xi32> to vector<1xi32>
      %squeeze3A_2606 = vector.extract %slice3A_2605[0] : i32 from vector<1xi32>
      %slice3A_2607 = vector.extract_strided_slice %min3A_24 {offsets = [15], sizes = [1], strides = [1]} : vector<16xi32> to vector<1xi32>
      %squeeze3A_2608 = vector.extract %slice3A_2607[0] : i32 from vector<1xi32>
      %sub3A_2609 = arith.subi %squeeze3A_2606, %squeeze3A_2608 : i32
      %min3A_2610 = arith.constant 127 : i32
      %min3A_2611 = arith.minsi %sub3A_2609, %min3A_2610 : i32
      %broadcast_in_dim3A_2612 = vector.broadcast %min3A_2611 : i32 to vector<16xi32>
      %broadcast_in_dim3A_2613 = arith.constant 3 : i32
      %broadcast_in_dim3A_2614 = vector.broadcast %broadcast_in_dim3A_2613 : i32 to vector<16xi32>
      %gather3A_2615 = tpu.vector_load_idx %arg12[%broadcast_in_dim3A_2393, %broadcast_in_dim3A_2614, %iota3A, %broadcast_in_dim3A_2612] : memref<2x4x32x128xf32, #tpu.memory_space<vmem>>[vector<16xi32>, vector<16xi32>, vector<16xi32>, vector<16xi32>], vector<16xf32>,
      %add3A_2616 = arith.constant 16 : i32
      %add3A_2617 = vector.broadcast %add3A_2616 : i32 to vector<16xi32>
      %add3A_2618 = arith.addi %iota3A, %add3A_2617 : vector<16xi32>
      %gather3A_2619 = tpu.vector_load_idx %arg12[%broadcast_in_dim3A_2393, %broadcast_in_dim3A_2614, %add3A_2618, %broadcast_in_dim3A_2612] : memref<2x4x32x128xf32, #tpu.memory_space<vmem>>[vector<16xi32>, vector<16xi32>, vector<16xi32>, vector<16xi32>], vector<16xf32>,
      %ge3A_2620 = arith.constant 999936 : i32
      %ge3A_2621 = arith.cmpi sge, %squeeze3A_2606, %ge3A_2620 : i32
      %sub3A_2622 = arith.constant 999936 : i32
      %sub3A_2623 = arith.subi %squeeze3A_2606, %sub3A_2622 : i32
      %max3A_2624 = arith.constant 0 : i32
      %max3A_2625 = arith.maxsi %sub3A_2623, %max3A_2624 : i32
      %min3A_2626 = arith.constant 63 : i32
      %min3A_2627 = arith.minsi %max3A_2625, %min3A_2626 : i32
      %broadcast_in_dim3A_2628 = vector.broadcast %min3A_2627 : i32 to vector<16xi32>
      %gather3A_2629 = tpu.vector_load_idx %arg15[%broadcast_in_dim3A_2628, %iota3A] : memref<64x128xf32, #tpu.memory_space<vmem>>[vector<16xi32>, vector<16xi32>], vector<16xf32>,
      %add3A_2630 = arith.constant 16 : i32
      %add3A_2631 = vector.broadcast %add3A_2630 : i32 to vector<16xi32>
      %add3A_2632 = arith.addi %iota3A, %add3A_2631 : vector<16xi32>
      %gather3A_2633 = tpu.vector_load_idx %arg15[%broadcast_in_dim3A_2628, %add3A_2632] : memref<64x128xf32, #tpu.memory_space<vmem>>[vector<16xi32>, vector<16xi32>], vector<16xf32>,
      %broadcast_in_dim3A_2634 = vector.broadcast %ge3A_2621 : i1 to vector<16xi1>
      %select_n3A_2635 = arith.select %broadcast_in_dim3A_2634, %gather3A_2629, %gather3A_2615 : vector<16xi1>, vector<16xf32>
      %broadcast_in_dim3A_2636 = vector.broadcast %ge3A_2621 : i1 to vector<16xi1>
      %select_n3A_2637 = arith.select %broadcast_in_dim3A_2636, %gather3A_2633, %gather3A_2619 : vector<16xi1>, vector<16xf32>
      %mul3A_2638 = arith.constant 16 : i32
      %mul3A_2639 = arith.muli %scan3A_8, %mul3A_2638 : i32
      %add3A_2640 = arith.constant 512 : i32
      %add3A_2641 = arith.addi %add3A_2640, %mul3A_2639 : i32
      %add3A_2642 = arith.constant 15 : i32
      %add3A_2643 = arith.addi %add3A_2641, %add3A_2642 : i32
      %mul3A_2644 = arith.constant 32 : i32
      %mul3A_2645 = arith.muli %add3A_2643, %mul3A_2644 : i32
      %swap3A_2646 = arith.index_cast %mul3A_2645 : i32 to index
      %swap3A_2647 = tpu.vector_load %arg13[%swap3A_2646] {strides = array<i32>} : memref<32768xf32, #tpu.memory_space<vmem>>, vector<16xf32>,
      tpu.vector_store %arg13[%swap3A_2646], %select_n3A_2635 {strides = array<i32>} : memref<32768xf32, #tpu.memory_space<vmem>>, vector<16xf32>,
      %mul3A_2648 = arith.constant 32 : i32
      %mul3A_2649 = arith.muli %add3A_2643, %mul3A_2648 : i32
      %add3A_2650 = arith.constant 16 : i32
      %add3A_2651 = arith.addi %mul3A_2649, %add3A_2650 : i32
      %swap3A_2652 = arith.index_cast %add3A_2651 : i32 to index
      %swap3A_2653 = tpu.vector_load %arg13[%swap3A_2652] {strides = array<i32>} : memref<32768xf32, #tpu.memory_space<vmem>>, vector<16xf32>,
      tpu.vector_store %arg13[%swap3A_2652], %select_n3A_2637 {strides = array<i32>} : memref<32768xf32, #tpu.memory_space<vmem>>, vector<16xf32>,
      %mul3A_2654 = arith.constant 16 : i32
      %mul3A_2655 = arith.muli %scan3A_8, %mul3A_2654 : i32
      %add3A_2656 = vector.broadcast %mul3A_2655 : i32 to vector<16xi32>
      %add3A_2657 = arith.addi %add3A_2656, %iota3A : vector<16xi32>
      %mul3A_2658 = arith.constant 16 : i32
      %mul3A_2659 = arith.muli %scan3A_8, %mul3A_2658 : i32
      %get3A_2660 = arith.index_cast %mul3A_2659 : i32 to index
      %get3A_2661 = tpu.vector_load %arg10[%get3A_2660] {strides = array<i32>} : memref<512xi32, #tpu.memory_space<vmem>>, vector<16xi32>,
      %broadcast_in_dim3A_2662 = arith.constant 0.000000e+00 : f32
      %broadcast_in_dim3A_2663 = vector.broadcast %broadcast_in_dim3A_2662 : f32 to vector<16xf32>
      %mul3A_2664 = arith.constant 32 : i32
      %mul3A_2665 = vector.broadcast %mul3A_2664 : i32 to vector<16xi32>
      %mul3A_2666 = arith.muli %add3A_2657, %mul3A_2665 : vector<16xi32>
      %add3A_2667 = arith.constant 0 : i32
      %add3A_2668 = vector.broadcast %add3A_2667 : i32 to vector<16xi32>
      %add3A_2669 = arith.addi %mul3A_2666, %add3A_2668 : vector<16xi32>
      %gather3A_2670 = tpu.vector_load_idx %arg13[%add3A_2669] : memref<32768xf32, #tpu.memory_space<vmem>>[vector<16xi32>], vector<16xf32>,
      %add3A_2671 = arith.constant 512 : i32
      %add3A_2672 = vector.broadcast %add3A_2671 : i32 to vector<16xi32>
      %add3A_2673 = arith.addi %add3A_2657, %add3A_2672 : vector<16xi32>
      %mul3A_2674 = arith.constant 32 : i32
      %mul3A_2675 = vector.broadcast %mul3A_2674 : i32 to vector<16xi32>
      %mul3A_2676 = arith.muli %add3A_2673, %mul3A_2675 : vector<16xi32>
      %add3A_2677 = arith.constant 0 : i32
      %add3A_2678 = vector.broadcast %add3A_2677 : i32 to vector<16xi32>
      %add3A_2679 = arith.addi %mul3A_2676, %add3A_2678 : vector<16xi32>
      %gather3A_2680 = tpu.vector_load_idx %arg13[%add3A_2679] : memref<32768xf32, #tpu.memory_space<vmem>>[vector<16xi32>], vector<16xf32>,
      %broadcast_in_dim3A_2681 = arith.constant 0 : i32
      %broadcast_in_dim3A_2682 = vector.broadcast %broadcast_in_dim3A_2681 : i32 to vector<16xi32>
      %gather3A_2683 = tpu.vector_load_idx %arg14[%broadcast_in_dim3A_2682, %get3A_2661] : memref<32x1024xf32, #tpu.memory_space<vmem>>[vector<16xi32>, vector<16xi32>], vector<16xf32>,
      %mul3A_2684 = arith.mulf %gather3A_2670, %gather3A_2683 : vector<16xf32>
      %mul3A_2685 = arith.mulf %mul3A_2684, %gather3A_2680 : vector<16xf32>
      %add3A_2686 = arith.addf %broadcast_in_dim3A_2663, %mul3A_2685 : vector<16xf32>
      %mul3A_2687 = arith.constant 32 : i32
      %mul3A_2688 = vector.broadcast %mul3A_2687 : i32 to vector<16xi32>
      %mul3A_2689 = arith.muli %add3A_2657, %mul3A_2688 : vector<16xi32>
      %add3A_2690 = arith.constant 1 : i32
      %add3A_2691 = vector.broadcast %add3A_2690 : i32 to vector<16xi32>
      %add3A_2692 = arith.addi %mul3A_2689, %add3A_2691 : vector<16xi32>
      %gather3A_2693 = tpu.vector_load_idx %arg13[%add3A_2692] : memref<32768xf32, #tpu.memory_space<vmem>>[vector<16xi32>], vector<16xf32>,
      %add3A_2694 = arith.constant 512 : i32
      %add3A_2695 = vector.broadcast %add3A_2694 : i32 to vector<16xi32>
      %add3A_2696 = arith.addi %add3A_2657, %add3A_2695 : vector<16xi32>
      %mul3A_2697 = arith.constant 32 : i32
      %mul3A_2698 = vector.broadcast %mul3A_2697 : i32 to vector<16xi32>
      %mul3A_2699 = arith.muli %add3A_2696, %mul3A_2698 : vector<16xi32>
      %add3A_2700 = arith.constant 1 : i32
      %add3A_2701 = vector.broadcast %add3A_2700 : i32 to vector<16xi32>
      %add3A_2702 = arith.addi %mul3A_2699, %add3A_2701 : vector<16xi32>
      %gather3A_2703 = tpu.vector_load_idx %arg13[%add3A_2702] : memref<32768xf32, #tpu.memory_space<vmem>>[vector<16xi32>], vector<16xf32>,
      %broadcast_in_dim3A_2704 = arith.constant 1 : i32
      %broadcast_in_dim3A_2705 = vector.broadcast %broadcast_in_dim3A_2704 : i32 to vector<16xi32>
      %gather3A_2706 = tpu.vector_load_idx %arg14[%broadcast_in_dim3A_2705, %get3A_2661] : memref<32x1024xf32, #tpu.memory_space<vmem>>[vector<16xi32>, vector<16xi32>], vector<16xf32>,
      %mul3A_2707 = arith.mulf %gather3A_2693, %gather3A_2706 : vector<16xf32>
      %mul3A_2708 = arith.mulf %mul3A_2707, %gather3A_2703 : vector<16xf32>
      %add3A_2709 = arith.addf %add3A_2686, %mul3A_2708 : vector<16xf32>
      %mul3A_2710 = arith.constant 32 : i32
      %mul3A_2711 = vector.broadcast %mul3A_2710 : i32 to vector<16xi32>
      %mul3A_2712 = arith.muli %add3A_2657, %mul3A_2711 : vector<16xi32>
      %add3A_2713 = arith.constant 2 : i32
      %add3A_2714 = vector.broadcast %add3A_2713 : i32 to vector<16xi32>
      %add3A_2715 = arith.addi %mul3A_2712, %add3A_2714 : vector<16xi32>
      %gather3A_2716 = tpu.vector_load_idx %arg13[%add3A_2715] : memref<32768xf32, #tpu.memory_space<vmem>>[vector<16xi32>], vector<16xf32>,
      %add3A_2717 = arith.constant 512 : i32
      %add3A_2718 = vector.broadcast %add3A_2717 : i32 to vector<16xi32>
      %add3A_2719 = arith.addi %add3A_2657, %add3A_2718 : vector<16xi32>
      %mul3A_2720 = arith.constant 32 : i32
      %mul3A_2721 = vector.broadcast %mul3A_2720 : i32 to vector<16xi32>
      %mul3A_2722 = arith.muli %add3A_2719, %mul3A_2721 : vector<16xi32>
      %add3A_2723 = arith.constant 2 : i32
      %add3A_2724 = vector.broadcast %add3A_2723 : i32 to vector<16xi32>
      %add3A_2725 = arith.addi %mul3A_2722, %add3A_2724 : vector<16xi32>
      %gather3A_2726 = tpu.vector_load_idx %arg13[%add3A_2725] : memref<32768xf32, #tpu.memory_space<vmem>>[vector<16xi32>], vector<16xf32>,
      %broadcast_in_dim3A_2727 = arith.constant 2 : i32
      %broadcast_in_dim3A_2728 = vector.broadcast %broadcast_in_dim3A_2727 : i32 to vector<16xi32>
      %gather3A_2729 = tpu.vector_load_idx %arg14[%broadcast_in_dim3A_2728, %get3A_2661] : memref<32x1024xf32, #tpu.memory_space<vmem>>[vector<16xi32>, vector<16xi32>], vector<16xf32>,
      %mul3A_2730 = arith.mulf %gather3A_2716, %gather3A_2729 : vector<16xf32>
      %mul3A_2731 = arith.mulf %mul3A_2730, %gather3A_2726 : vector<16xf32>
      %add3A_2732 = arith.addf %add3A_2709, %mul3A_2731 : vector<16xf32>
      %mul3A_2733 = arith.constant 32 : i32
      %mul3A_2734 = vector.broadcast %mul3A_2733 : i32 to vector<16xi32>
      %mul3A_2735 = arith.muli %add3A_2657, %mul3A_2734 : vector<16xi32>
      %add3A_2736 = arith.constant 3 : i32
      %add3A_2737 = vector.broadcast %add3A_2736 : i32 to vector<16xi32>
      %add3A_2738 = arith.addi %mul3A_2735, %add3A_2737 : vector<16xi32>
      %gather3A_2739 = tpu.vector_load_idx %arg13[%add3A_2738] : memref<32768xf32, #tpu.memory_space<vmem>>[vector<16xi32>], vector<16xf32>,
      %add3A_2740 = arith.constant 512 : i32
      %add3A_2741 = vector.broadcast %add3A_2740 : i32 to vector<16xi32>
      %add3A_2742 = arith.addi %add3A_2657, %add3A_2741 : vector<16xi32>
      %mul3A_2743 = arith.constant 32 : i32
      %mul3A_2744 = vector.broadcast %mul3A_2743 : i32 to vector<16xi32>
      %mul3A_2745 = arith.muli %add3A_2742, %mul3A_2744 : vector<16xi32>
      %add3A_2746 = arith.constant 3 : i32
      %add3A_2747 = vector.broadcast %add3A_2746 : i32 to vector<16xi32>
      %add3A_2748 = arith.addi %mul3A_2745, %add3A_2747 : vector<16xi32>
      %gather3A_2749 = tpu.vector_load_idx %arg13[%add3A_2748] : memref<32768xf32, #tpu.memory_space<vmem>>[vector<16xi32>], vector<16xf32>,
      %broadcast_in_dim3A_2750 = arith.constant 3 : i32
      %broadcast_in_dim3A_2751 = vector.broadcast %broadcast_in_dim3A_2750 : i32 to vector<16xi32>
      %gather3A_2752 = tpu.vector_load_idx %arg14[%broadcast_in_dim3A_2751, %get3A_2661] : memref<32x1024xf32, #tpu.memory_space<vmem>>[vector<16xi32>, vector<16xi32>], vector<16xf32>,
      %mul3A_2753 = arith.mulf %gather3A_2739, %gather3A_2752 : vector<16xf32>
      %mul3A_2754 = arith.mulf %mul3A_2753, %gather3A_2749 : vector<16xf32>
      %add3A_2755 = arith.addf %add3A_2732, %mul3A_2754 : vector<16xf32>
      %mul3A_2756 = arith.constant 32 : i32
      %mul3A_2757 = vector.broadcast %mul3A_2756 : i32 to vector<16xi32>
      %mul3A_2758 = arith.muli %add3A_2657, %mul3A_2757 : vector<16xi32>
      %add3A_2759 = arith.constant 4 : i32
      %add3A_2760 = vector.broadcast %add3A_2759 : i32 to vector<16xi32>
      %add3A_2761 = arith.addi %mul3A_2758, %add3A_2760 : vector<16xi32>
      %gather3A_2762 = tpu.vector_load_idx %arg13[%add3A_2761] : memref<32768xf32, #tpu.memory_space<vmem>>[vector<16xi32>], vector<16xf32>,
      %add3A_2763 = arith.constant 512 : i32
      %add3A_2764 = vector.broadcast %add3A_2763 : i32 to vector<16xi32>
      %add3A_2765 = arith.addi %add3A_2657, %add3A_2764 : vector<16xi32>
      %mul3A_2766 = arith.constant 32 : i32
      %mul3A_2767 = vector.broadcast %mul3A_2766 : i32 to vector<16xi32>
      %mul3A_2768 = arith.muli %add3A_2765, %mul3A_2767 : vector<16xi32>
      %add3A_2769 = arith.constant 4 : i32
      %add3A_2770 = vector.broadcast %add3A_2769 : i32 to vector<16xi32>
      %add3A_2771 = arith.addi %mul3A_2768, %add3A_2770 : vector<16xi32>
      %gather3A_2772 = tpu.vector_load_idx %arg13[%add3A_2771] : memref<32768xf32, #tpu.memory_space<vmem>>[vector<16xi32>], vector<16xf32>,
      %broadcast_in_dim3A_2773 = arith.constant 4 : i32
      %broadcast_in_dim3A_2774 = vector.broadcast %broadcast_in_dim3A_2773 : i32 to vector<16xi32>
      %gather3A_2775 = tpu.vector_load_idx %arg14[%broadcast_in_dim3A_2774, %get3A_2661] : memref<32x1024xf32, #tpu.memory_space<vmem>>[vector<16xi32>, vector<16xi32>], vector<16xf32>,
      %mul3A_2776 = arith.mulf %gather3A_2762, %gather3A_2775 : vector<16xf32>
      %mul3A_2777 = arith.mulf %mul3A_2776, %gather3A_2772 : vector<16xf32>
      %add3A_2778 = arith.addf %add3A_2755, %mul3A_2777 : vector<16xf32>
      %mul3A_2779 = arith.constant 32 : i32
      %mul3A_2780 = vector.broadcast %mul3A_2779 : i32 to vector<16xi32>
      %mul3A_2781 = arith.muli %add3A_2657, %mul3A_2780 : vector<16xi32>
      %add3A_2782 = arith.constant 5 : i32
      %add3A_2783 = vector.broadcast %add3A_2782 : i32 to vector<16xi32>
      %add3A_2784 = arith.addi %mul3A_2781, %add3A_2783 : vector<16xi32>
      %gather3A_2785 = tpu.vector_load_idx %arg13[%add3A_2784] : memref<32768xf32, #tpu.memory_space<vmem>>[vector<16xi32>], vector<16xf32>,
      %add3A_2786 = arith.constant 512 : i32
      %add3A_2787 = vector.broadcast %add3A_2786 : i32 to vector<16xi32>
      %add3A_2788 = arith.addi %add3A_2657, %add3A_2787 : vector<16xi32>
      %mul3A_2789 = arith.constant 32 : i32
      %mul3A_2790 = vector.broadcast %mul3A_2789 : i32 to vector<16xi32>
      %mul3A_2791 = arith.muli %add3A_2788, %mul3A_2790 : vector<16xi32>
      %add3A_2792 = arith.constant 5 : i32
      %add3A_2793 = vector.broadcast %add3A_2792 : i32 to vector<16xi32>
      %add3A_2794 = arith.addi %mul3A_2791, %add3A_2793 : vector<16xi32>
      %gather3A_2795 = tpu.vector_load_idx %arg13[%add3A_2794] : memref<32768xf32, #tpu.memory_space<vmem>>[vector<16xi32>], vector<16xf32>,
      %broadcast_in_dim3A_2796 = arith.constant 5 : i32
      %broadcast_in_dim3A_2797 = vector.broadcast %broadcast_in_dim3A_2796 : i32 to vector<16xi32>
      %gather3A_2798 = tpu.vector_load_idx %arg14[%broadcast_in_dim3A_2797, %get3A_2661] : memref<32x1024xf32, #tpu.memory_space<vmem>>[vector<16xi32>, vector<16xi32>], vector<16xf32>,
      %mul3A_2799 = arith.mulf %gather3A_2785, %gather3A_2798 : vector<16xf32>
      %mul3A_2800 = arith.mulf %mul3A_2799, %gather3A_2795 : vector<16xf32>
      %add3A_2801 = arith.addf %add3A_2778, %mul3A_2800 : vector<16xf32>
      %mul3A_2802 = arith.constant 32 : i32
      %mul3A_2803 = vector.broadcast %mul3A_2802 : i32 to vector<16xi32>
      %mul3A_2804 = arith.muli %add3A_2657, %mul3A_2803 : vector<16xi32>
      %add3A_2805 = arith.constant 6 : i32
      %add3A_2806 = vector.broadcast %add3A_2805 : i32 to vector<16xi32>
      %add3A_2807 = arith.addi %mul3A_2804, %add3A_2806 : vector<16xi32>
      %gather3A_2808 = tpu.vector_load_idx %arg13[%add3A_2807] : memref<32768xf32, #tpu.memory_space<vmem>>[vector<16xi32>], vector<16xf32>,
      %add3A_2809 = arith.constant 512 : i32
      %add3A_2810 = vector.broadcast %add3A_2809 : i32 to vector<16xi32>
      %add3A_2811 = arith.addi %add3A_2657, %add3A_2810 : vector<16xi32>
      %mul3A_2812 = arith.constant 32 : i32
      %mul3A_2813 = vector.broadcast %mul3A_2812 : i32 to vector<16xi32>
      %mul3A_2814 = arith.muli %add3A_2811, %mul3A_2813 : vector<16xi32>
      %add3A_2815 = arith.constant 6 : i32
      %add3A_2816 = vector.broadcast %add3A_2815 : i32 to vector<16xi32>
      %add3A_2817 = arith.addi %mul3A_2814, %add3A_2816 : vector<16xi32>
      %gather3A_2818 = tpu.vector_load_idx %arg13[%add3A_2817] : memref<32768xf32, #tpu.memory_space<vmem>>[vector<16xi32>], vector<16xf32>,
      %broadcast_in_dim3A_2819 = arith.constant 6 : i32
      %broadcast_in_dim3A_2820 = vector.broadcast %broadcast_in_dim3A_2819 : i32 to vector<16xi32>
      %gather3A_2821 = tpu.vector_load_idx %arg14[%broadcast_in_dim3A_2820, %get3A_2661] : memref<32x1024xf32, #tpu.memory_space<vmem>>[vector<16xi32>, vector<16xi32>], vector<16xf32>,
      %mul3A_2822 = arith.mulf %gather3A_2808, %gather3A_2821 : vector<16xf32>
      %mul3A_2823 = arith.mulf %mul3A_2822, %gather3A_2818 : vector<16xf32>
      %add3A_2824 = arith.addf %add3A_2801, %mul3A_2823 : vector<16xf32>
      %mul3A_2825 = arith.constant 32 : i32
      %mul3A_2826 = vector.broadcast %mul3A_2825 : i32 to vector<16xi32>
      %mul3A_2827 = arith.muli %add3A_2657, %mul3A_2826 : vector<16xi32>
      %add3A_2828 = arith.constant 7 : i32
      %add3A_2829 = vector.broadcast %add3A_2828 : i32 to vector<16xi32>
      %add3A_2830 = arith.addi %mul3A_2827, %add3A_2829 : vector<16xi32>
      %gather3A_2831 = tpu.vector_load_idx %arg13[%add3A_2830] : memref<32768xf32, #tpu.memory_space<vmem>>[vector<16xi32>], vector<16xf32>,
      %add3A_2832 = arith.constant 512 : i32
      %add3A_2833 = vector.broadcast %add3A_2832 : i32 to vector<16xi32>
      %add3A_2834 = arith.addi %add3A_2657, %add3A_2833 : vector<16xi32>
      %mul3A_2835 = arith.constant 32 : i32
      %mul3A_2836 = vector.broadcast %mul3A_2835 : i32 to vector<16xi32>
      %mul3A_2837 = arith.muli %add3A_2834, %mul3A_2836 : vector<16xi32>
      %add3A_2838 = arith.constant 7 : i32
      %add3A_2839 = vector.broadcast %add3A_2838 : i32 to vector<16xi32>
      %add3A_2840 = arith.addi %mul3A_2837, %add3A_2839 : vector<16xi32>
      %gather3A_2841 = tpu.vector_load_idx %arg13[%add3A_2840] : memref<32768xf32, #tpu.memory_space<vmem>>[vector<16xi32>], vector<16xf32>,
      %broadcast_in_dim3A_2842 = arith.constant 7 : i32
      %broadcast_in_dim3A_2843 = vector.broadcast %broadcast_in_dim3A_2842 : i32 to vector<16xi32>
      %gather3A_2844 = tpu.vector_load_idx %arg14[%broadcast_in_dim3A_2843, %get3A_2661] : memref<32x1024xf32, #tpu.memory_space<vmem>>[vector<16xi32>, vector<16xi32>], vector<16xf32>,
      %mul3A_2845 = arith.mulf %gather3A_2831, %gather3A_2844 : vector<16xf32>
      %mul3A_2846 = arith.mulf %mul3A_2845, %gather3A_2841 : vector<16xf32>
      %add3A_2847 = arith.addf %add3A_2824, %mul3A_2846 : vector<16xf32>
      %mul3A_2848 = arith.constant 32 : i32
      %mul3A_2849 = vector.broadcast %mul3A_2848 : i32 to vector<16xi32>
      %mul3A_2850 = arith.muli %add3A_2657, %mul3A_2849 : vector<16xi32>
      %add3A_2851 = arith.constant 8 : i32
      %add3A_2852 = vector.broadcast %add3A_2851 : i32 to vector<16xi32>
      %add3A_2853 = arith.addi %mul3A_2850, %add3A_2852 : vector<16xi32>
      %gather3A_2854 = tpu.vector_load_idx %arg13[%add3A_2853] : memref<32768xf32, #tpu.memory_space<vmem>>[vector<16xi32>], vector<16xf32>,
      %add3A_2855 = arith.constant 512 : i32
      %add3A_2856 = vector.broadcast %add3A_2855 : i32 to vector<16xi32>
      %add3A_2857 = arith.addi %add3A_2657, %add3A_2856 : vector<16xi32>
      %mul3A_2858 = arith.constant 32 : i32
      %mul3A_2859 = vector.broadcast %mul3A_2858 : i32 to vector<16xi32>
      %mul3A_2860 = arith.muli %add3A_2857, %mul3A_2859 : vector<16xi32>
      %add3A_2861 = arith.constant 8 : i32
      %add3A_2862 = vector.broadcast %add3A_2861 : i32 to vector<16xi32>
      %add3A_2863 = arith.addi %mul3A_2860, %add3A_2862 : vector<16xi32>
      %gather3A_2864 = tpu.vector_load_idx %arg13[%add3A_2863] : memref<32768xf32, #tpu.memory_space<vmem>>[vector<16xi32>], vector<16xf32>,
      %broadcast_in_dim3A_2865 = arith.constant 8 : i32
      %broadcast_in_dim3A_2866 = vector.broadcast %broadcast_in_dim3A_2865 : i32 to vector<16xi32>
      %gather3A_2867 = tpu.vector_load_idx %arg14[%broadcast_in_dim3A_2866, %get3A_2661] : memref<32x1024xf32, #tpu.memory_space<vmem>>[vector<16xi32>, vector<16xi32>], vector<16xf32>,
      %mul3A_2868 = arith.mulf %gather3A_2854, %gather3A_2867 : vector<16xf32>
      %mul3A_2869 = arith.mulf %mul3A_2868, %gather3A_2864 : vector<16xf32>
      %add3A_2870 = arith.addf %add3A_2847, %mul3A_2869 : vector<16xf32>
      %mul3A_2871 = arith.constant 32 : i32
      %mul3A_2872 = vector.broadcast %mul3A_2871 : i32 to vector<16xi32>
      %mul3A_2873 = arith.muli %add3A_2657, %mul3A_2872 : vector<16xi32>
      %add3A_2874 = arith.constant 9 : i32
      %add3A_2875 = vector.broadcast %add3A_2874 : i32 to vector<16xi32>
      %add3A_2876 = arith.addi %mul3A_2873, %add3A_2875 : vector<16xi32>
      %gather3A_2877 = tpu.vector_load_idx %arg13[%add3A_2876] : memref<32768xf32, #tpu.memory_space<vmem>>[vector<16xi32>], vector<16xf32>,
      %add3A_2878 = arith.constant 512 : i32
      %add3A_2879 = vector.broadcast %add3A_2878 : i32 to vector<16xi32>
      %add3A_2880 = arith.addi %add3A_2657, %add3A_2879 : vector<16xi32>
      %mul3A_2881 = arith.constant 32 : i32
      %mul3A_2882 = vector.broadcast %mul3A_2881 : i32 to vector<16xi32>
      %mul3A_2883 = arith.muli %add3A_2880, %mul3A_2882 : vector<16xi32>
      %add3A_2884 = arith.constant 9 : i32
      %add3A_2885 = vector.broadcast %add3A_2884 : i32 to vector<16xi32>
      %add3A_2886 = arith.addi %mul3A_2883, %add3A_2885 : vector<16xi32>
      %gather3A_2887 = tpu.vector_load_idx %arg13[%add3A_2886] : memref<32768xf32, #tpu.memory_space<vmem>>[vector<16xi32>], vector<16xf32>,
      %broadcast_in_dim3A_2888 = arith.constant 9 : i32
      %broadcast_in_dim3A_2889 = vector.broadcast %broadcast_in_dim3A_2888 : i32 to vector<16xi32>
      %gather3A_2890 = tpu.vector_load_idx %arg14[%broadcast_in_dim3A_2889, %get3A_2661] : memref<32x1024xf32, #tpu.memory_space<vmem>>[vector<16xi32>, vector<16xi32>], vector<16xf32>,
      %mul3A_2891 = arith.mulf %gather3A_2877, %gather3A_2890 : vector<16xf32>
      %mul3A_2892 = arith.mulf %mul3A_2891, %gather3A_2887 : vector<16xf32>
      %add3A_2893 = arith.addf %add3A_2870, %mul3A_2892 : vector<16xf32>
      %mul3A_2894 = arith.constant 32 : i32
      %mul3A_2895 = vector.broadcast %mul3A_2894 : i32 to vector<16xi32>
      %mul3A_2896 = arith.muli %add3A_2657, %mul3A_2895 : vector<16xi32>
      %add3A_2897 = arith.constant 10 : i32
      %add3A_2898 = vector.broadcast %add3A_2897 : i32 to vector<16xi32>
      %add3A_2899 = arith.addi %mul3A_2896, %add3A_2898 : vector<16xi32>
      %gather3A_2900 = tpu.vector_load_idx %arg13[%add3A_2899] : memref<32768xf32, #tpu.memory_space<vmem>>[vector<16xi32>], vector<16xf32>,
      %add3A_2901 = arith.constant 512 : i32
      %add3A_2902 = vector.broadcast %add3A_2901 : i32 to vector<16xi32>
      %add3A_2903 = arith.addi %add3A_2657, %add3A_2902 : vector<16xi32>
      %mul3A_2904 = arith.constant 32 : i32
      %mul3A_2905 = vector.broadcast %mul3A_2904 : i32 to vector<16xi32>
      %mul3A_2906 = arith.muli %add3A_2903, %mul3A_2905 : vector<16xi32>
      %add3A_2907 = arith.constant 10 : i32
      %add3A_2908 = vector.broadcast %add3A_2907 : i32 to vector<16xi32>
      %add3A_2909 = arith.addi %mul3A_2906, %add3A_2908 : vector<16xi32>
      %gather3A_2910 = tpu.vector_load_idx %arg13[%add3A_2909] : memref<32768xf32, #tpu.memory_space<vmem>>[vector<16xi32>], vector<16xf32>,
      %broadcast_in_dim3A_2911 = arith.constant 10 : i32
      %broadcast_in_dim3A_2912 = vector.broadcast %broadcast_in_dim3A_2911 : i32 to vector<16xi32>
      %gather3A_2913 = tpu.vector_load_idx %arg14[%broadcast_in_dim3A_2912, %get3A_2661] : memref<32x1024xf32, #tpu.memory_space<vmem>>[vector<16xi32>, vector<16xi32>], vector<16xf32>,
      %mul3A_2914 = arith.mulf %gather3A_2900, %gather3A_2913 : vector<16xf32>
      %mul3A_2915 = arith.mulf %mul3A_2914, %gather3A_2910 : vector<16xf32>
      %add3A_2916 = arith.addf %add3A_2893, %mul3A_2915 : vector<16xf32>
      %mul3A_2917 = arith.constant 32 : i32
      %mul3A_2918 = vector.broadcast %mul3A_2917 : i32 to vector<16xi32>
      %mul3A_2919 = arith.muli %add3A_2657, %mul3A_2918 : vector<16xi32>
      %add3A_2920 = arith.constant 11 : i32
      %add3A_2921 = vector.broadcast %add3A_2920 : i32 to vector<16xi32>
      %add3A_2922 = arith.addi %mul3A_2919, %add3A_2921 : vector<16xi32>
      %gather3A_2923 = tpu.vector_load_idx %arg13[%add3A_2922] : memref<32768xf32, #tpu.memory_space<vmem>>[vector<16xi32>], vector<16xf32>,
      %add3A_2924 = arith.constant 512 : i32
      %add3A_2925 = vector.broadcast %add3A_2924 : i32 to vector<16xi32>
      %add3A_2926 = arith.addi %add3A_2657, %add3A_2925 : vector<16xi32>
      %mul3A_2927 = arith.constant 32 : i32
      %mul3A_2928 = vector.broadcast %mul3A_2927 : i32 to vector<16xi32>
      %mul3A_2929 = arith.muli %add3A_2926, %mul3A_2928 : vector<16xi32>
      %add3A_2930 = arith.constant 11 : i32
      %add3A_2931 = vector.broadcast %add3A_2930 : i32 to vector<16xi32>
      %add3A_2932 = arith.addi %mul3A_2929, %add3A_2931 : vector<16xi32>
      %gather3A_2933 = tpu.vector_load_idx %arg13[%add3A_2932] : memref<32768xf32, #tpu.memory_space<vmem>>[vector<16xi32>], vector<16xf32>,
      %broadcast_in_dim3A_2934 = arith.constant 11 : i32
      %broadcast_in_dim3A_2935 = vector.broadcast %broadcast_in_dim3A_2934 : i32 to vector<16xi32>
      %gather3A_2936 = tpu.vector_load_idx %arg14[%broadcast_in_dim3A_2935, %get3A_2661] : memref<32x1024xf32, #tpu.memory_space<vmem>>[vector<16xi32>, vector<16xi32>], vector<16xf32>,
      %mul3A_2937 = arith.mulf %gather3A_2923, %gather3A_2936 : vector<16xf32>
      %mul3A_2938 = arith.mulf %mul3A_2937, %gather3A_2933 : vector<16xf32>
      %add3A_2939 = arith.addf %add3A_2916, %mul3A_2938 : vector<16xf32>
      %mul3A_2940 = arith.constant 32 : i32
      %mul3A_2941 = vector.broadcast %mul3A_2940 : i32 to vector<16xi32>
      %mul3A_2942 = arith.muli %add3A_2657, %mul3A_2941 : vector<16xi32>
      %add3A_2943 = arith.constant 12 : i32
      %add3A_2944 = vector.broadcast %add3A_2943 : i32 to vector<16xi32>
      %add3A_2945 = arith.addi %mul3A_2942, %add3A_2944 : vector<16xi32>
      %gather3A_2946 = tpu.vector_load_idx %arg13[%add3A_2945] : memref<32768xf32, #tpu.memory_space<vmem>>[vector<16xi32>], vector<16xf32>,
      %add3A_2947 = arith.constant 512 : i32
      %add3A_2948 = vector.broadcast %add3A_2947 : i32 to vector<16xi32>
      %add3A_2949 = arith.addi %add3A_2657, %add3A_2948 : vector<16xi32>
      %mul3A_2950 = arith.constant 32 : i32
      %mul3A_2951 = vector.broadcast %mul3A_2950 : i32 to vector<16xi32>
      %mul3A_2952 = arith.muli %add3A_2949, %mul3A_2951 : vector<16xi32>
      %add3A_2953 = arith.constant 12 : i32
      %add3A_2954 = vector.broadcast %add3A_2953 : i32 to vector<16xi32>
      %add3A_2955 = arith.addi %mul3A_2952, %add3A_2954 : vector<16xi32>
      %gather3A_2956 = tpu.vector_load_idx %arg13[%add3A_2955] : memref<32768xf32, #tpu.memory_space<vmem>>[vector<16xi32>], vector<16xf32>,
      %broadcast_in_dim3A_2957 = arith.constant 12 : i32
      %broadcast_in_dim3A_2958 = vector.broadcast %broadcast_in_dim3A_2957 : i32 to vector<16xi32>
      %gather3A_2959 = tpu.vector_load_idx %arg14[%broadcast_in_dim3A_2958, %get3A_2661] : memref<32x1024xf32, #tpu.memory_space<vmem>>[vector<16xi32>, vector<16xi32>], vector<16xf32>,
      %mul3A_2960 = arith.mulf %gather3A_2946, %gather3A_2959 : vector<16xf32>
      %mul3A_2961 = arith.mulf %mul3A_2960, %gather3A_2956 : vector<16xf32>
      %add3A_2962 = arith.addf %add3A_2939, %mul3A_2961 : vector<16xf32>
      %mul3A_2963 = arith.constant 32 : i32
      %mul3A_2964 = vector.broadcast %mul3A_2963 : i32 to vector<16xi32>
      %mul3A_2965 = arith.muli %add3A_2657, %mul3A_2964 : vector<16xi32>
      %add3A_2966 = arith.constant 13 : i32
      %add3A_2967 = vector.broadcast %add3A_2966 : i32 to vector<16xi32>
      %add3A_2968 = arith.addi %mul3A_2965, %add3A_2967 : vector<16xi32>
      %gather3A_2969 = tpu.vector_load_idx %arg13[%add3A_2968] : memref<32768xf32, #tpu.memory_space<vmem>>[vector<16xi32>], vector<16xf32>,
      %add3A_2970 = arith.constant 512 : i32
      %add3A_2971 = vector.broadcast %add3A_2970 : i32 to vector<16xi32>
      %add3A_2972 = arith.addi %add3A_2657, %add3A_2971 : vector<16xi32>
      %mul3A_2973 = arith.constant 32 : i32
      %mul3A_2974 = vector.broadcast %mul3A_2973 : i32 to vector<16xi32>
      %mul3A_2975 = arith.muli %add3A_2972, %mul3A_2974 : vector<16xi32>
      %add3A_2976 = arith.constant 13 : i32
      %add3A_2977 = vector.broadcast %add3A_2976 : i32 to vector<16xi32>
      %add3A_2978 = arith.addi %mul3A_2975, %add3A_2977 : vector<16xi32>
      %gather3A_2979 = tpu.vector_load_idx %arg13[%add3A_2978] : memref<32768xf32, #tpu.memory_space<vmem>>[vector<16xi32>], vector<16xf32>,
      %broadcast_in_dim3A_2980 = arith.constant 13 : i32
      %broadcast_in_dim3A_2981 = vector.broadcast %broadcast_in_dim3A_2980 : i32 to vector<16xi32>
      %gather3A_2982 = tpu.vector_load_idx %arg14[%broadcast_in_dim3A_2981, %get3A_2661] : memref<32x1024xf32, #tpu.memory_space<vmem>>[vector<16xi32>, vector<16xi32>], vector<16xf32>,
      %mul3A_2983 = arith.mulf %gather3A_2969, %gather3A_2982 : vector<16xf32>
      %mul3A_2984 = arith.mulf %mul3A_2983, %gather3A_2979 : vector<16xf32>
      %add3A_2985 = arith.addf %add3A_2962, %mul3A_2984 : vector<16xf32>
      %mul3A_2986 = arith.constant 32 : i32
      %mul3A_2987 = vector.broadcast %mul3A_2986 : i32 to vector<16xi32>
      %mul3A_2988 = arith.muli %add3A_2657, %mul3A_2987 : vector<16xi32>
      %add3A_2989 = arith.constant 14 : i32
      %add3A_2990 = vector.broadcast %add3A_2989 : i32 to vector<16xi32>
      %add3A_2991 = arith.addi %mul3A_2988, %add3A_2990 : vector<16xi32>
      %gather3A_2992 = tpu.vector_load_idx %arg13[%add3A_2991] : memref<32768xf32, #tpu.memory_space<vmem>>[vector<16xi32>], vector<16xf32>,
      %add3A_2993 = arith.constant 512 : i32
      %add3A_2994 = vector.broadcast %add3A_2993 : i32 to vector<16xi32>
      %add3A_2995 = arith.addi %add3A_2657, %add3A_2994 : vector<16xi32>
      %mul3A_2996 = arith.constant 32 : i32
      %mul3A_2997 = vector.broadcast %mul3A_2996 : i32 to vector<16xi32>
      %mul3A_2998 = arith.muli %add3A_2995, %mul3A_2997 : vector<16xi32>
      %add3A_2999 = arith.constant 14 : i32
      %add3A_3000 = vector.broadcast %add3A_2999 : i32 to vector<16xi32>
      %add3A_3001 = arith.addi %mul3A_2998, %add3A_3000 : vector<16xi32>
      %gather3A_3002 = tpu.vector_load_idx %arg13[%add3A_3001] : memref<32768xf32, #tpu.memory_space<vmem>>[vector<16xi32>], vector<16xf32>,
      %broadcast_in_dim3A_3003 = arith.constant 14 : i32
      %broadcast_in_dim3A_3004 = vector.broadcast %broadcast_in_dim3A_3003 : i32 to vector<16xi32>
      %gather3A_3005 = tpu.vector_load_idx %arg14[%broadcast_in_dim3A_3004, %get3A_2661] : memref<32x1024xf32, #tpu.memory_space<vmem>>[vector<16xi32>, vector<16xi32>], vector<16xf32>,
      %mul3A_3006 = arith.mulf %gather3A_2992, %gather3A_3005 : vector<16xf32>
      %mul3A_3007 = arith.mulf %mul3A_3006, %gather3A_3002 : vector<16xf32>
      %add3A_3008 = arith.addf %add3A_2985, %mul3A_3007 : vector<16xf32>
      %mul3A_3009 = arith.constant 32 : i32
      %mul3A_3010 = vector.broadcast %mul3A_3009 : i32 to vector<16xi32>
      %mul3A_3011 = arith.muli %add3A_2657, %mul3A_3010 : vector<16xi32>
      %add3A_3012 = arith.constant 15 : i32
      %add3A_3013 = vector.broadcast %add3A_3012 : i32 to vector<16xi32>
      %add3A_3014 = arith.addi %mul3A_3011, %add3A_3013 : vector<16xi32>
      %gather3A_3015 = tpu.vector_load_idx %arg13[%add3A_3014] : memref<32768xf32, #tpu.memory_space<vmem>>[vector<16xi32>], vector<16xf32>,
      %add3A_3016 = arith.constant 512 : i32
      %add3A_3017 = vector.broadcast %add3A_3016 : i32 to vector<16xi32>
      %add3A_3018 = arith.addi %add3A_2657, %add3A_3017 : vector<16xi32>
      %mul3A_3019 = arith.constant 32 : i32
      %mul3A_3020 = vector.broadcast %mul3A_3019 : i32 to vector<16xi32>
      %mul3A_3021 = arith.muli %add3A_3018, %mul3A_3020 : vector<16xi32>
      %add3A_3022 = arith.constant 15 : i32
      %add3A_3023 = vector.broadcast %add3A_3022 : i32 to vector<16xi32>
      %add3A_3024 = arith.addi %mul3A_3021, %add3A_3023 : vector<16xi32>
      %gather3A_3025 = tpu.vector_load_idx %arg13[%add3A_3024] : memref<32768xf32, #tpu.memory_space<vmem>>[vector<16xi32>], vector<16xf32>,
      %broadcast_in_dim3A_3026 = arith.constant 15 : i32
      %broadcast_in_dim3A_3027 = vector.broadcast %broadcast_in_dim3A_3026 : i32 to vector<16xi32>
      %gather3A_3028 = tpu.vector_load_idx %arg14[%broadcast_in_dim3A_3027, %get3A_2661] : memref<32x1024xf32, #tpu.memory_space<vmem>>[vector<16xi32>, vector<16xi32>], vector<16xf32>,
      %mul3A_3029 = arith.mulf %gather3A_3015, %gather3A_3028 : vector<16xf32>
      %mul3A_3030 = arith.mulf %mul3A_3029, %gather3A_3025 : vector<16xf32>
      %add3A_3031 = arith.addf %add3A_3008, %mul3A_3030 : vector<16xf32>
      %mul3A_3032 = arith.constant 32 : i32
      %mul3A_3033 = vector.broadcast %mul3A_3032 : i32 to vector<16xi32>
      %mul3A_3034 = arith.muli %add3A_2657, %mul3A_3033 : vector<16xi32>
      %add3A_3035 = arith.constant 16 : i32
      %add3A_3036 = vector.broadcast %add3A_3035 : i32 to vector<16xi32>
      %add3A_3037 = arith.addi %mul3A_3034, %add3A_3036 : vector<16xi32>
      %gather3A_3038 = tpu.vector_load_idx %arg13[%add3A_3037] : memref<32768xf32, #tpu.memory_space<vmem>>[vector<16xi32>], vector<16xf32>,
      %add3A_3039 = arith.constant 512 : i32
      %add3A_3040 = vector.broadcast %add3A_3039 : i32 to vector<16xi32>
      %add3A_3041 = arith.addi %add3A_2657, %add3A_3040 : vector<16xi32>
      %mul3A_3042 = arith.constant 32 : i32
      %mul3A_3043 = vector.broadcast %mul3A_3042 : i32 to vector<16xi32>
      %mul3A_3044 = arith.muli %add3A_3041, %mul3A_3043 : vector<16xi32>
      %add3A_3045 = arith.constant 16 : i32
      %add3A_3046 = vector.broadcast %add3A_3045 : i32 to vector<16xi32>
      %add3A_3047 = arith.addi %mul3A_3044, %add3A_3046 : vector<16xi32>
      %gather3A_3048 = tpu.vector_load_idx %arg13[%add3A_3047] : memref<32768xf32, #tpu.memory_space<vmem>>[vector<16xi32>], vector<16xf32>,
      %broadcast_in_dim3A_3049 = arith.constant 16 : i32
      %broadcast_in_dim3A_3050 = vector.broadcast %broadcast_in_dim3A_3049 : i32 to vector<16xi32>
      %gather3A_3051 = tpu.vector_load_idx %arg14[%broadcast_in_dim3A_3050, %get3A_2661] : memref<32x1024xf32, #tpu.memory_space<vmem>>[vector<16xi32>, vector<16xi32>], vector<16xf32>,
      %mul3A_3052 = arith.mulf %gather3A_3038, %gather3A_3051 : vector<16xf32>
      %mul3A_3053 = arith.mulf %mul3A_3052, %gather3A_3048 : vector<16xf32>
      %add3A_3054 = arith.addf %add3A_3031, %mul3A_3053 : vector<16xf32>
      %mul3A_3055 = arith.constant 32 : i32
      %mul3A_3056 = vector.broadcast %mul3A_3055 : i32 to vector<16xi32>
      %mul3A_3057 = arith.muli %add3A_2657, %mul3A_3056 : vector<16xi32>
      %add3A_3058 = arith.constant 17 : i32
      %add3A_3059 = vector.broadcast %add3A_3058 : i32 to vector<16xi32>
      %add3A_3060 = arith.addi %mul3A_3057, %add3A_3059 : vector<16xi32>
      %gather3A_3061 = tpu.vector_load_idx %arg13[%add3A_3060] : memref<32768xf32, #tpu.memory_space<vmem>>[vector<16xi32>], vector<16xf32>,
      %add3A_3062 = arith.constant 512 : i32
      %add3A_3063 = vector.broadcast %add3A_3062 : i32 to vector<16xi32>
      %add3A_3064 = arith.addi %add3A_2657, %add3A_3063 : vector<16xi32>
      %mul3A_3065 = arith.constant 32 : i32
      %mul3A_3066 = vector.broadcast %mul3A_3065 : i32 to vector<16xi32>
      %mul3A_3067 = arith.muli %add3A_3064, %mul3A_3066 : vector<16xi32>
      %add3A_3068 = arith.constant 17 : i32
      %add3A_3069 = vector.broadcast %add3A_3068 : i32 to vector<16xi32>
      %add3A_3070 = arith.addi %mul3A_3067, %add3A_3069 : vector<16xi32>
      %gather3A_3071 = tpu.vector_load_idx %arg13[%add3A_3070] : memref<32768xf32, #tpu.memory_space<vmem>>[vector<16xi32>], vector<16xf32>,
      %broadcast_in_dim3A_3072 = arith.constant 17 : i32
      %broadcast_in_dim3A_3073 = vector.broadcast %broadcast_in_dim3A_3072 : i32 to vector<16xi32>
      %gather3A_3074 = tpu.vector_load_idx %arg14[%broadcast_in_dim3A_3073, %get3A_2661] : memref<32x1024xf32, #tpu.memory_space<vmem>>[vector<16xi32>, vector<16xi32>], vector<16xf32>,
      %mul3A_3075 = arith.mulf %gather3A_3061, %gather3A_3074 : vector<16xf32>
      %mul3A_3076 = arith.mulf %mul3A_3075, %gather3A_3071 : vector<16xf32>
      %add3A_3077 = arith.addf %add3A_3054, %mul3A_3076 : vector<16xf32>
      %mul3A_3078 = arith.constant 32 : i32
      %mul3A_3079 = vector.broadcast %mul3A_3078 : i32 to vector<16xi32>
      %mul3A_3080 = arith.muli %add3A_2657, %mul3A_3079 : vector<16xi32>
      %add3A_3081 = arith.constant 18 : i32
      %add3A_3082 = vector.broadcast %add3A_3081 : i32 to vector<16xi32>
      %add3A_3083 = arith.addi %mul3A_3080, %add3A_3082 : vector<16xi32>
      %gather3A_3084 = tpu.vector_load_idx %arg13[%add3A_3083] : memref<32768xf32, #tpu.memory_space<vmem>>[vector<16xi32>], vector<16xf32>,
      %add3A_3085 = arith.constant 512 : i32
      %add3A_3086 = vector.broadcast %add3A_3085 : i32 to vector<16xi32>
      %add3A_3087 = arith.addi %add3A_2657, %add3A_3086 : vector<16xi32>
      %mul3A_3088 = arith.constant 32 : i32
      %mul3A_3089 = vector.broadcast %mul3A_3088 : i32 to vector<16xi32>
      %mul3A_3090 = arith.muli %add3A_3087, %mul3A_3089 : vector<16xi32>
      %add3A_3091 = arith.constant 18 : i32
      %add3A_3092 = vector.broadcast %add3A_3091 : i32 to vector<16xi32>
      %add3A_3093 = arith.addi %mul3A_3090, %add3A_3092 : vector<16xi32>
      %gather3A_3094 = tpu.vector_load_idx %arg13[%add3A_3093] : memref<32768xf32, #tpu.memory_space<vmem>>[vector<16xi32>], vector<16xf32>,
      %broadcast_in_dim3A_3095 = arith.constant 18 : i32
      %broadcast_in_dim3A_3096 = vector.broadcast %broadcast_in_dim3A_3095 : i32 to vector<16xi32>
      %gather3A_3097 = tpu.vector_load_idx %arg14[%broadcast_in_dim3A_3096, %get3A_2661] : memref<32x1024xf32, #tpu.memory_space<vmem>>[vector<16xi32>, vector<16xi32>], vector<16xf32>,
      %mul3A_3098 = arith.mulf %gather3A_3084, %gather3A_3097 : vector<16xf32>
      %mul3A_3099 = arith.mulf %mul3A_3098, %gather3A_3094 : vector<16xf32>
      %add3A_3100 = arith.addf %add3A_3077, %mul3A_3099 : vector<16xf32>
      %mul3A_3101 = arith.constant 32 : i32
      %mul3A_3102 = vector.broadcast %mul3A_3101 : i32 to vector<16xi32>
      %mul3A_3103 = arith.muli %add3A_2657, %mul3A_3102 : vector<16xi32>
      %add3A_3104 = arith.constant 19 : i32
      %add3A_3105 = vector.broadcast %add3A_3104 : i32 to vector<16xi32>
      %add3A_3106 = arith.addi %mul3A_3103, %add3A_3105 : vector<16xi32>
      %gather3A_3107 = tpu.vector_load_idx %arg13[%add3A_3106] : memref<32768xf32, #tpu.memory_space<vmem>>[vector<16xi32>], vector<16xf32>,
      %add3A_3108 = arith.constant 512 : i32
      %add3A_3109 = vector.broadcast %add3A_3108 : i32 to vector<16xi32>
      %add3A_3110 = arith.addi %add3A_2657, %add3A_3109 : vector<16xi32>
      %mul3A_3111 = arith.constant 32 : i32
      %mul3A_3112 = vector.broadcast %mul3A_3111 : i32 to vector<16xi32>
      %mul3A_3113 = arith.muli %add3A_3110, %mul3A_3112 : vector<16xi32>
      %add3A_3114 = arith.constant 19 : i32
      %add3A_3115 = vector.broadcast %add3A_3114 : i32 to vector<16xi32>
      %add3A_3116 = arith.addi %mul3A_3113, %add3A_3115 : vector<16xi32>
      %gather3A_3117 = tpu.vector_load_idx %arg13[%add3A_3116] : memref<32768xf32, #tpu.memory_space<vmem>>[vector<16xi32>], vector<16xf32>,
      %broadcast_in_dim3A_3118 = arith.constant 19 : i32
      %broadcast_in_dim3A_3119 = vector.broadcast %broadcast_in_dim3A_3118 : i32 to vector<16xi32>
      %gather3A_3120 = tpu.vector_load_idx %arg14[%broadcast_in_dim3A_3119, %get3A_2661] : memref<32x1024xf32, #tpu.memory_space<vmem>>[vector<16xi32>, vector<16xi32>], vector<16xf32>,
      %mul3A_3121 = arith.mulf %gather3A_3107, %gather3A_3120 : vector<16xf32>
      %mul3A_3122 = arith.mulf %mul3A_3121, %gather3A_3117 : vector<16xf32>
      %add3A_3123 = arith.addf %add3A_3100, %mul3A_3122 : vector<16xf32>
      %mul3A_3124 = arith.constant 32 : i32
      %mul3A_3125 = vector.broadcast %mul3A_3124 : i32 to vector<16xi32>
      %mul3A_3126 = arith.muli %add3A_2657, %mul3A_3125 : vector<16xi32>
      %add3A_3127 = arith.constant 20 : i32
      %add3A_3128 = vector.broadcast %add3A_3127 : i32 to vector<16xi32>
      %add3A_3129 = arith.addi %mul3A_3126, %add3A_3128 : vector<16xi32>
      %gather3A_3130 = tpu.vector_load_idx %arg13[%add3A_3129] : memref<32768xf32, #tpu.memory_space<vmem>>[vector<16xi32>], vector<16xf32>,
      %add3A_3131 = arith.constant 512 : i32
      %add3A_3132 = vector.broadcast %add3A_3131 : i32 to vector<16xi32>
      %add3A_3133 = arith.addi %add3A_2657, %add3A_3132 : vector<16xi32>
      %mul3A_3134 = arith.constant 32 : i32
      %mul3A_3135 = vector.broadcast %mul3A_3134 : i32 to vector<16xi32>
      %mul3A_3136 = arith.muli %add3A_3133, %mul3A_3135 : vector<16xi32>
      %add3A_3137 = arith.constant 20 : i32
      %add3A_3138 = vector.broadcast %add3A_3137 : i32 to vector<16xi32>
      %add3A_3139 = arith.addi %mul3A_3136, %add3A_3138 : vector<16xi32>
      %gather3A_3140 = tpu.vector_load_idx %arg13[%add3A_3139] : memref<32768xf32, #tpu.memory_space<vmem>>[vector<16xi32>], vector<16xf32>,
      %broadcast_in_dim3A_3141 = arith.constant 20 : i32
      %broadcast_in_dim3A_3142 = vector.broadcast %broadcast_in_dim3A_3141 : i32 to vector<16xi32>
      %gather3A_3143 = tpu.vector_load_idx %arg14[%broadcast_in_dim3A_3142, %get3A_2661] : memref<32x1024xf32, #tpu.memory_space<vmem>>[vector<16xi32>, vector<16xi32>], vector<16xf32>,
      %mul3A_3144 = arith.mulf %gather3A_3130, %gather3A_3143 : vector<16xf32>
      %mul3A_3145 = arith.mulf %mul3A_3144, %gather3A_3140 : vector<16xf32>
      %add3A_3146 = arith.addf %add3A_3123, %mul3A_3145 : vector<16xf32>
      %mul3A_3147 = arith.constant 32 : i32
      %mul3A_3148 = vector.broadcast %mul3A_3147 : i32 to vector<16xi32>
      %mul3A_3149 = arith.muli %add3A_2657, %mul3A_3148 : vector<16xi32>
      %add3A_3150 = arith.constant 21 : i32
      %add3A_3151 = vector.broadcast %add3A_3150 : i32 to vector<16xi32>
      %add3A_3152 = arith.addi %mul3A_3149, %add3A_3151 : vector<16xi32>
      %gather3A_3153 = tpu.vector_load_idx %arg13[%add3A_3152] : memref<32768xf32, #tpu.memory_space<vmem>>[vector<16xi32>], vector<16xf32>,
      %add3A_3154 = arith.constant 512 : i32
      %add3A_3155 = vector.broadcast %add3A_3154 : i32 to vector<16xi32>
      %add3A_3156 = arith.addi %add3A_2657, %add3A_3155 : vector<16xi32>
      %mul3A_3157 = arith.constant 32 : i32
      %mul3A_3158 = vector.broadcast %mul3A_3157 : i32 to vector<16xi32>
      %mul3A_3159 = arith.muli %add3A_3156, %mul3A_3158 : vector<16xi32>
      %add3A_3160 = arith.constant 21 : i32
      %add3A_3161 = vector.broadcast %add3A_3160 : i32 to vector<16xi32>
      %add3A_3162 = arith.addi %mul3A_3159, %add3A_3161 : vector<16xi32>
      %gather3A_3163 = tpu.vector_load_idx %arg13[%add3A_3162] : memref<32768xf32, #tpu.memory_space<vmem>>[vector<16xi32>], vector<16xf32>,
      %broadcast_in_dim3A_3164 = arith.constant 21 : i32
      %broadcast_in_dim3A_3165 = vector.broadcast %broadcast_in_dim3A_3164 : i32 to vector<16xi32>
      %gather3A_3166 = tpu.vector_load_idx %arg14[%broadcast_in_dim3A_3165, %get3A_2661] : memref<32x1024xf32, #tpu.memory_space<vmem>>[vector<16xi32>, vector<16xi32>], vector<16xf32>,
      %mul3A_3167 = arith.mulf %gather3A_3153, %gather3A_3166 : vector<16xf32>
      %mul3A_3168 = arith.mulf %mul3A_3167, %gather3A_3163 : vector<16xf32>
      %add3A_3169 = arith.addf %add3A_3146, %mul3A_3168 : vector<16xf32>
      %mul3A_3170 = arith.constant 32 : i32
      %mul3A_3171 = vector.broadcast %mul3A_3170 : i32 to vector<16xi32>
      %mul3A_3172 = arith.muli %add3A_2657, %mul3A_3171 : vector<16xi32>
      %add3A_3173 = arith.constant 22 : i32
      %add3A_3174 = vector.broadcast %add3A_3173 : i32 to vector<16xi32>
      %add3A_3175 = arith.addi %mul3A_3172, %add3A_3174 : vector<16xi32>
      %gather3A_3176 = tpu.vector_load_idx %arg13[%add3A_3175] : memref<32768xf32, #tpu.memory_space<vmem>>[vector<16xi32>], vector<16xf32>,
      %add3A_3177 = arith.constant 512 : i32
      %add3A_3178 = vector.broadcast %add3A_3177 : i32 to vector<16xi32>
      %add3A_3179 = arith.addi %add3A_2657, %add3A_3178 : vector<16xi32>
      %mul3A_3180 = arith.constant 32 : i32
      %mul3A_3181 = vector.broadcast %mul3A_3180 : i32 to vector<16xi32>
      %mul3A_3182 = arith.muli %add3A_3179, %mul3A_3181 : vector<16xi32>
      %add3A_3183 = arith.constant 22 : i32
      %add3A_3184 = vector.broadcast %add3A_3183 : i32 to vector<16xi32>
      %add3A_3185 = arith.addi %mul3A_3182, %add3A_3184 : vector<16xi32>
      %gather3A_3186 = tpu.vector_load_idx %arg13[%add3A_3185] : memref<32768xf32, #tpu.memory_space<vmem>>[vector<16xi32>], vector<16xf32>,
      %broadcast_in_dim3A_3187 = arith.constant 22 : i32
      %broadcast_in_dim3A_3188 = vector.broadcast %broadcast_in_dim3A_3187 : i32 to vector<16xi32>
      %gather3A_3189 = tpu.vector_load_idx %arg14[%broadcast_in_dim3A_3188, %get3A_2661] : memref<32x1024xf32, #tpu.memory_space<vmem>>[vector<16xi32>, vector<16xi32>], vector<16xf32>,
      %mul3A_3190 = arith.mulf %gather3A_3176, %gather3A_3189 : vector<16xf32>
      %mul3A_3191 = arith.mulf %mul3A_3190, %gather3A_3186 : vector<16xf32>
      %add3A_3192 = arith.addf %add3A_3169, %mul3A_3191 : vector<16xf32>
      %mul3A_3193 = arith.constant 32 : i32
      %mul3A_3194 = vector.broadcast %mul3A_3193 : i32 to vector<16xi32>
      %mul3A_3195 = arith.muli %add3A_2657, %mul3A_3194 : vector<16xi32>
      %add3A_3196 = arith.constant 23 : i32
      %add3A_3197 = vector.broadcast %add3A_3196 : i32 to vector<16xi32>
      %add3A_3198 = arith.addi %mul3A_3195, %add3A_3197 : vector<16xi32>
      %gather3A_3199 = tpu.vector_load_idx %arg13[%add3A_3198] : memref<32768xf32, #tpu.memory_space<vmem>>[vector<16xi32>], vector<16xf32>,
      %add3A_3200 = arith.constant 512 : i32
      %add3A_3201 = vector.broadcast %add3A_3200 : i32 to vector<16xi32>
      %add3A_3202 = arith.addi %add3A_2657, %add3A_3201 : vector<16xi32>
      %mul3A_3203 = arith.constant 32 : i32
      %mul3A_3204 = vector.broadcast %mul3A_3203 : i32 to vector<16xi32>
      %mul3A_3205 = arith.muli %add3A_3202, %mul3A_3204 : vector<16xi32>
      %add3A_3206 = arith.constant 23 : i32
      %add3A_3207 = vector.broadcast %add3A_3206 : i32 to vector<16xi32>
      %add3A_3208 = arith.addi %mul3A_3205, %add3A_3207 : vector<16xi32>
      %gather3A_3209 = tpu.vector_load_idx %arg13[%add3A_3208] : memref<32768xf32, #tpu.memory_space<vmem>>[vector<16xi32>], vector<16xf32>,
      %broadcast_in_dim3A_3210 = arith.constant 23 : i32
      %broadcast_in_dim3A_3211 = vector.broadcast %broadcast_in_dim3A_3210 : i32 to vector<16xi32>
      %gather3A_3212 = tpu.vector_load_idx %arg14[%broadcast_in_dim3A_3211, %get3A_2661] : memref<32x1024xf32, #tpu.memory_space<vmem>>[vector<16xi32>, vector<16xi32>], vector<16xf32>,
      %mul3A_3213 = arith.mulf %gather3A_3199, %gather3A_3212 : vector<16xf32>
      %mul3A_3214 = arith.mulf %mul3A_3213, %gather3A_3209 : vector<16xf32>
      %add3A_3215 = arith.addf %add3A_3192, %mul3A_3214 : vector<16xf32>
      %mul3A_3216 = arith.constant 32 : i32
      %mul3A_3217 = vector.broadcast %mul3A_3216 : i32 to vector<16xi32>
      %mul3A_3218 = arith.muli %add3A_2657, %mul3A_3217 : vector<16xi32>
      %add3A_3219 = arith.constant 24 : i32
      %add3A_3220 = vector.broadcast %add3A_3219 : i32 to vector<16xi32>
      %add3A_3221 = arith.addi %mul3A_3218, %add3A_3220 : vector<16xi32>
      %gather3A_3222 = tpu.vector_load_idx %arg13[%add3A_3221] : memref<32768xf32, #tpu.memory_space<vmem>>[vector<16xi32>], vector<16xf32>,
      %add3A_3223 = arith.constant 512 : i32
      %add3A_3224 = vector.broadcast %add3A_3223 : i32 to vector<16xi32>
      %add3A_3225 = arith.addi %add3A_2657, %add3A_3224 : vector<16xi32>
      %mul3A_3226 = arith.constant 32 : i32
      %mul3A_3227 = vector.broadcast %mul3A_3226 : i32 to vector<16xi32>
      %mul3A_3228 = arith.muli %add3A_3225, %mul3A_3227 : vector<16xi32>
      %add3A_3229 = arith.constant 24 : i32
      %add3A_3230 = vector.broadcast %add3A_3229 : i32 to vector<16xi32>
      %add3A_3231 = arith.addi %mul3A_3228, %add3A_3230 : vector<16xi32>
      %gather3A_3232 = tpu.vector_load_idx %arg13[%add3A_3231] : memref<32768xf32, #tpu.memory_space<vmem>>[vector<16xi32>], vector<16xf32>,
      %broadcast_in_dim3A_3233 = arith.constant 24 : i32
      %broadcast_in_dim3A_3234 = vector.broadcast %broadcast_in_dim3A_3233 : i32 to vector<16xi32>
      %gather3A_3235 = tpu.vector_load_idx %arg14[%broadcast_in_dim3A_3234, %get3A_2661] : memref<32x1024xf32, #tpu.memory_space<vmem>>[vector<16xi32>, vector<16xi32>], vector<16xf32>,
      %mul3A_3236 = arith.mulf %gather3A_3222, %gather3A_3235 : vector<16xf32>
      %mul3A_3237 = arith.mulf %mul3A_3236, %gather3A_3232 : vector<16xf32>
      %add3A_3238 = arith.addf %add3A_3215, %mul3A_3237 : vector<16xf32>
      %mul3A_3239 = arith.constant 32 : i32
      %mul3A_3240 = vector.broadcast %mul3A_3239 : i32 to vector<16xi32>
      %mul3A_3241 = arith.muli %add3A_2657, %mul3A_3240 : vector<16xi32>
      %add3A_3242 = arith.constant 25 : i32
      %add3A_3243 = vector.broadcast %add3A_3242 : i32 to vector<16xi32>
      %add3A_3244 = arith.addi %mul3A_3241, %add3A_3243 : vector<16xi32>
      %gather3A_3245 = tpu.vector_load_idx %arg13[%add3A_3244] : memref<32768xf32, #tpu.memory_space<vmem>>[vector<16xi32>], vector<16xf32>,
      %add3A_3246 = arith.constant 512 : i32
      %add3A_3247 = vector.broadcast %add3A_3246 : i32 to vector<16xi32>
      %add3A_3248 = arith.addi %add3A_2657, %add3A_3247 : vector<16xi32>
      %mul3A_3249 = arith.constant 32 : i32
      %mul3A_3250 = vector.broadcast %mul3A_3249 : i32 to vector<16xi32>
      %mul3A_3251 = arith.muli %add3A_3248, %mul3A_3250 : vector<16xi32>
      %add3A_3252 = arith.constant 25 : i32
      %add3A_3253 = vector.broadcast %add3A_3252 : i32 to vector<16xi32>
      %add3A_3254 = arith.addi %mul3A_3251, %add3A_3253 : vector<16xi32>
      %gather3A_3255 = tpu.vector_load_idx %arg13[%add3A_3254] : memref<32768xf32, #tpu.memory_space<vmem>>[vector<16xi32>], vector<16xf32>,
      %broadcast_in_dim3A_3256 = arith.constant 25 : i32
      %broadcast_in_dim3A_3257 = vector.broadcast %broadcast_in_dim3A_3256 : i32 to vector<16xi32>
      %gather3A_3258 = tpu.vector_load_idx %arg14[%broadcast_in_dim3A_3257, %get3A_2661] : memref<32x1024xf32, #tpu.memory_space<vmem>>[vector<16xi32>, vector<16xi32>], vector<16xf32>,
      %mul3A_3259 = arith.mulf %gather3A_3245, %gather3A_3258 : vector<16xf32>
      %mul3A_3260 = arith.mulf %mul3A_3259, %gather3A_3255 : vector<16xf32>
      %add3A_3261 = arith.addf %add3A_3238, %mul3A_3260 : vector<16xf32>
      %mul3A_3262 = arith.constant 32 : i32
      %mul3A_3263 = vector.broadcast %mul3A_3262 : i32 to vector<16xi32>
      %mul3A_3264 = arith.muli %add3A_2657, %mul3A_3263 : vector<16xi32>
      %add3A_3265 = arith.constant 26 : i32
      %add3A_3266 = vector.broadcast %add3A_3265 : i32 to vector<16xi32>
      %add3A_3267 = arith.addi %mul3A_3264, %add3A_3266 : vector<16xi32>
      %gather3A_3268 = tpu.vector_load_idx %arg13[%add3A_3267] : memref<32768xf32, #tpu.memory_space<vmem>>[vector<16xi32>], vector<16xf32>,
      %add3A_3269 = arith.constant 512 : i32
      %add3A_3270 = vector.broadcast %add3A_3269 : i32 to vector<16xi32>
      %add3A_3271 = arith.addi %add3A_2657, %add3A_3270 : vector<16xi32>
      %mul3A_3272 = arith.constant 32 : i32
      %mul3A_3273 = vector.broadcast %mul3A_3272 : i32 to vector<16xi32>
      %mul3A_3274 = arith.muli %add3A_3271, %mul3A_3273 : vector<16xi32>
      %add3A_3275 = arith.constant 26 : i32
      %add3A_3276 = vector.broadcast %add3A_3275 : i32 to vector<16xi32>
      %add3A_3277 = arith.addi %mul3A_3274, %add3A_3276 : vector<16xi32>
      %gather3A_3278 = tpu.vector_load_idx %arg13[%add3A_3277] : memref<32768xf32, #tpu.memory_space<vmem>>[vector<16xi32>], vector<16xf32>,
      %broadcast_in_dim3A_3279 = arith.constant 26 : i32
      %broadcast_in_dim3A_3280 = vector.broadcast %broadcast_in_dim3A_3279 : i32 to vector<16xi32>
      %gather3A_3281 = tpu.vector_load_idx %arg14[%broadcast_in_dim3A_3280, %get3A_2661] : memref<32x1024xf32, #tpu.memory_space<vmem>>[vector<16xi32>, vector<16xi32>], vector<16xf32>,
      %mul3A_3282 = arith.mulf %gather3A_3268, %gather3A_3281 : vector<16xf32>
      %mul3A_3283 = arith.mulf %mul3A_3282, %gather3A_3278 : vector<16xf32>
      %add3A_3284 = arith.addf %add3A_3261, %mul3A_3283 : vector<16xf32>
      %mul3A_3285 = arith.constant 32 : i32
      %mul3A_3286 = vector.broadcast %mul3A_3285 : i32 to vector<16xi32>
      %mul3A_3287 = arith.muli %add3A_2657, %mul3A_3286 : vector<16xi32>
      %add3A_3288 = arith.constant 27 : i32
      %add3A_3289 = vector.broadcast %add3A_3288 : i32 to vector<16xi32>
      %add3A_3290 = arith.addi %mul3A_3287, %add3A_3289 : vector<16xi32>
      %gather3A_3291 = tpu.vector_load_idx %arg13[%add3A_3290] : memref<32768xf32, #tpu.memory_space<vmem>>[vector<16xi32>], vector<16xf32>,
      %add3A_3292 = arith.constant 512 : i32
      %add3A_3293 = vector.broadcast %add3A_3292 : i32 to vector<16xi32>
      %add3A_3294 = arith.addi %add3A_2657, %add3A_3293 : vector<16xi32>
      %mul3A_3295 = arith.constant 32 : i32
      %mul3A_3296 = vector.broadcast %mul3A_3295 : i32 to vector<16xi32>
      %mul3A_3297 = arith.muli %add3A_3294, %mul3A_3296 : vector<16xi32>
      %add3A_3298 = arith.constant 27 : i32
      %add3A_3299 = vector.broadcast %add3A_3298 : i32 to vector<16xi32>
      %add3A_3300 = arith.addi %mul3A_3297, %add3A_3299 : vector<16xi32>
      %gather3A_3301 = tpu.vector_load_idx %arg13[%add3A_3300] : memref<32768xf32, #tpu.memory_space<vmem>>[vector<16xi32>], vector<16xf32>,
      %broadcast_in_dim3A_3302 = arith.constant 27 : i32
      %broadcast_in_dim3A_3303 = vector.broadcast %broadcast_in_dim3A_3302 : i32 to vector<16xi32>
      %gather3A_3304 = tpu.vector_load_idx %arg14[%broadcast_in_dim3A_3303, %get3A_2661] : memref<32x1024xf32, #tpu.memory_space<vmem>>[vector<16xi32>, vector<16xi32>], vector<16xf32>,
      %mul3A_3305 = arith.mulf %gather3A_3291, %gather3A_3304 : vector<16xf32>
      %mul3A_3306 = arith.mulf %mul3A_3305, %gather3A_3301 : vector<16xf32>
      %add3A_3307 = arith.addf %add3A_3284, %mul3A_3306 : vector<16xf32>
      %mul3A_3308 = arith.constant 32 : i32
      %mul3A_3309 = vector.broadcast %mul3A_3308 : i32 to vector<16xi32>
      %mul3A_3310 = arith.muli %add3A_2657, %mul3A_3309 : vector<16xi32>
      %add3A_3311 = arith.constant 28 : i32
      %add3A_3312 = vector.broadcast %add3A_3311 : i32 to vector<16xi32>
      %add3A_3313 = arith.addi %mul3A_3310, %add3A_3312 : vector<16xi32>
      %gather3A_3314 = tpu.vector_load_idx %arg13[%add3A_3313] : memref<32768xf32, #tpu.memory_space<vmem>>[vector<16xi32>], vector<16xf32>,
      %add3A_3315 = arith.constant 512 : i32
      %add3A_3316 = vector.broadcast %add3A_3315 : i32 to vector<16xi32>
      %add3A_3317 = arith.addi %add3A_2657, %add3A_3316 : vector<16xi32>
      %mul3A_3318 = arith.constant 32 : i32
      %mul3A_3319 = vector.broadcast %mul3A_3318 : i32 to vector<16xi32>
      %mul3A_3320 = arith.muli %add3A_3317, %mul3A_3319 : vector<16xi32>
      %add3A_3321 = arith.constant 28 : i32
      %add3A_3322 = vector.broadcast %add3A_3321 : i32 to vector<16xi32>
      %add3A_3323 = arith.addi %mul3A_3320, %add3A_3322 : vector<16xi32>
      %gather3A_3324 = tpu.vector_load_idx %arg13[%add3A_3323] : memref<32768xf32, #tpu.memory_space<vmem>>[vector<16xi32>], vector<16xf32>,
      %broadcast_in_dim3A_3325 = arith.constant 28 : i32
      %broadcast_in_dim3A_3326 = vector.broadcast %broadcast_in_dim3A_3325 : i32 to vector<16xi32>
      %gather3A_3327 = tpu.vector_load_idx %arg14[%broadcast_in_dim3A_3326, %get3A_2661] : memref<32x1024xf32, #tpu.memory_space<vmem>>[vector<16xi32>, vector<16xi32>], vector<16xf32>,
      %mul3A_3328 = arith.mulf %gather3A_3314, %gather3A_3327 : vector<16xf32>
      %mul3A_3329 = arith.mulf %mul3A_3328, %gather3A_3324 : vector<16xf32>
      %add3A_3330 = arith.addf %add3A_3307, %mul3A_3329 : vector<16xf32>
      %mul3A_3331 = arith.constant 32 : i32
      %mul3A_3332 = vector.broadcast %mul3A_3331 : i32 to vector<16xi32>
      %mul3A_3333 = arith.muli %add3A_2657, %mul3A_3332 : vector<16xi32>
      %add3A_3334 = arith.constant 29 : i32
      %add3A_3335 = vector.broadcast %add3A_3334 : i32 to vector<16xi32>
      %add3A_3336 = arith.addi %mul3A_3333, %add3A_3335 : vector<16xi32>
      %gather3A_3337 = tpu.vector_load_idx %arg13[%add3A_3336] : memref<32768xf32, #tpu.memory_space<vmem>>[vector<16xi32>], vector<16xf32>,
      %add3A_3338 = arith.constant 512 : i32
      %add3A_3339 = vector.broadcast %add3A_3338 : i32 to vector<16xi32>
      %add3A_3340 = arith.addi %add3A_2657, %add3A_3339 : vector<16xi32>
      %mul3A_3341 = arith.constant 32 : i32
      %mul3A_3342 = vector.broadcast %mul3A_3341 : i32 to vector<16xi32>
      %mul3A_3343 = arith.muli %add3A_3340, %mul3A_3342 : vector<16xi32>
      %add3A_3344 = arith.constant 29 : i32
      %add3A_3345 = vector.broadcast %add3A_3344 : i32 to vector<16xi32>
      %add3A_3346 = arith.addi %mul3A_3343, %add3A_3345 : vector<16xi32>
      %gather3A_3347 = tpu.vector_load_idx %arg13[%add3A_3346] : memref<32768xf32, #tpu.memory_space<vmem>>[vector<16xi32>], vector<16xf32>,
      %broadcast_in_dim3A_3348 = arith.constant 29 : i32
      %broadcast_in_dim3A_3349 = vector.broadcast %broadcast_in_dim3A_3348 : i32 to vector<16xi32>
      %gather3A_3350 = tpu.vector_load_idx %arg14[%broadcast_in_dim3A_3349, %get3A_2661] : memref<32x1024xf32, #tpu.memory_space<vmem>>[vector<16xi32>, vector<16xi32>], vector<16xf32>,
      %mul3A_3351 = arith.mulf %gather3A_3337, %gather3A_3350 : vector<16xf32>
      %mul3A_3352 = arith.mulf %mul3A_3351, %gather3A_3347 : vector<16xf32>
      %add3A_3353 = arith.addf %add3A_3330, %mul3A_3352 : vector<16xf32>
      %mul3A_3354 = arith.constant 32 : i32
      %mul3A_3355 = vector.broadcast %mul3A_3354 : i32 to vector<16xi32>
      %mul3A_3356 = arith.muli %add3A_2657, %mul3A_3355 : vector<16xi32>
      %add3A_3357 = arith.constant 30 : i32
      %add3A_3358 = vector.broadcast %add3A_3357 : i32 to vector<16xi32>
      %add3A_3359 = arith.addi %mul3A_3356, %add3A_3358 : vector<16xi32>
      %gather3A_3360 = tpu.vector_load_idx %arg13[%add3A_3359] : memref<32768xf32, #tpu.memory_space<vmem>>[vector<16xi32>], vector<16xf32>,
      %add3A_3361 = arith.constant 512 : i32
      %add3A_3362 = vector.broadcast %add3A_3361 : i32 to vector<16xi32>
      %add3A_3363 = arith.addi %add3A_2657, %add3A_3362 : vector<16xi32>
      %mul3A_3364 = arith.constant 32 : i32
      %mul3A_3365 = vector.broadcast %mul3A_3364 : i32 to vector<16xi32>
      %mul3A_3366 = arith.muli %add3A_3363, %mul3A_3365 : vector<16xi32>
      %add3A_3367 = arith.constant 30 : i32
      %add3A_3368 = vector.broadcast %add3A_3367 : i32 to vector<16xi32>
      %add3A_3369 = arith.addi %mul3A_3366, %add3A_3368 : vector<16xi32>
      %gather3A_3370 = tpu.vector_load_idx %arg13[%add3A_3369] : memref<32768xf32, #tpu.memory_space<vmem>>[vector<16xi32>], vector<16xf32>,
      %broadcast_in_dim3A_3371 = arith.constant 30 : i32
      %broadcast_in_dim3A_3372 = vector.broadcast %broadcast_in_dim3A_3371 : i32 to vector<16xi32>
      %gather3A_3373 = tpu.vector_load_idx %arg14[%broadcast_in_dim3A_3372, %get3A_2661] : memref<32x1024xf32, #tpu.memory_space<vmem>>[vector<16xi32>, vector<16xi32>], vector<16xf32>,
      %mul3A_3374 = arith.mulf %gather3A_3360, %gather3A_3373 : vector<16xf32>
      %mul3A_3375 = arith.mulf %mul3A_3374, %gather3A_3370 : vector<16xf32>
      %add3A_3376 = arith.addf %add3A_3353, %mul3A_3375 : vector<16xf32>
      %mul3A_3377 = arith.constant 32 : i32
      %mul3A_3378 = vector.broadcast %mul3A_3377 : i32 to vector<16xi32>
      %mul3A_3379 = arith.muli %add3A_2657, %mul3A_3378 : vector<16xi32>
      %add3A_3380 = arith.constant 31 : i32
      %add3A_3381 = vector.broadcast %add3A_3380 : i32 to vector<16xi32>
      %add3A_3382 = arith.addi %mul3A_3379, %add3A_3381 : vector<16xi32>
      %gather3A_3383 = tpu.vector_load_idx %arg13[%add3A_3382] : memref<32768xf32, #tpu.memory_space<vmem>>[vector<16xi32>], vector<16xf32>,
      %add3A_3384 = arith.constant 512 : i32
      %add3A_3385 = vector.broadcast %add3A_3384 : i32 to vector<16xi32>
      %add3A_3386 = arith.addi %add3A_2657, %add3A_3385 : vector<16xi32>
      %mul3A_3387 = arith.constant 32 : i32
      %mul3A_3388 = vector.broadcast %mul3A_3387 : i32 to vector<16xi32>
      %mul3A_3389 = arith.muli %add3A_3386, %mul3A_3388 : vector<16xi32>
      %add3A_3390 = arith.constant 31 : i32
      %add3A_3391 = vector.broadcast %add3A_3390 : i32 to vector<16xi32>
      %add3A_3392 = arith.addi %mul3A_3389, %add3A_3391 : vector<16xi32>
      %gather3A_3393 = tpu.vector_load_idx %arg13[%add3A_3392] : memref<32768xf32, #tpu.memory_space<vmem>>[vector<16xi32>], vector<16xf32>,
      %broadcast_in_dim3A_3394 = arith.constant 31 : i32
      %broadcast_in_dim3A_3395 = vector.broadcast %broadcast_in_dim3A_3394 : i32 to vector<16xi32>
      %gather3A_3396 = tpu.vector_load_idx %arg14[%broadcast_in_dim3A_3395, %get3A_2661] : memref<32x1024xf32, #tpu.memory_space<vmem>>[vector<16xi32>, vector<16xi32>], vector<16xf32>,
      %mul3A_3397 = arith.mulf %gather3A_3383, %gather3A_3396 : vector<16xf32>
      %mul3A_3398 = arith.mulf %mul3A_3397, %gather3A_3393 : vector<16xf32>
      %add3A_3399 = arith.addf %add3A_3376, %mul3A_3398 : vector<16xf32>
      %neg3A = arith.constant 0.000000e+00 : f32
      %neg3A_3400 = vector.broadcast %neg3A : f32 to vector<16xf32>
      %neg3A_3401 = arith.subf %neg3A_3400, %add3A_3399 : vector<16xf32>
      %exp3A = math.exp %neg3A_3401 : vector<16xf32>
      %add3A_3402 = arith.constant 1.000000e+00 : f32
      %add3A_3403 = vector.broadcast %add3A_3402 : f32 to vector<16xf32>
      %add3A_3404 = arith.addf %add3A_3403, %exp3A : vector<16xf32>
      %div3A = arith.constant 1.000000e+00 : f32
      %div3A_3405 = vector.broadcast %div3A : f32 to vector<16xf32>
      %div3A_3406 = arith.divf %div3A_3405, %add3A_3404 : vector<16xf32>
      %mul3A_3407 = arith.constant 16 : i32
      %mul3A_3408 = arith.muli %scan3A_8, %mul3A_3407 : i32
      %swap3A_3409 = arith.index_cast %mul3A_3408 : i32 to index
      %swap3A_3410 = tpu.vector_load %arg16[%swap3A_3409] {strides = array<i32>} : memref<512xf32, #tpu.memory_space<vmem>>, vector<16xf32>,
      tpu.vector_store %arg16[%swap3A_3409], %div3A_3406 {strides = array<i32>} : memref<512xf32, #tpu.memory_space<vmem>>, vector<16xf32>,
    }
    %scan3A_7 = arith.constant 32 : i32
    "tpu.region"() ({
      %run_scoped3A = tpu.sem_alloc : memref<!tpu.dma_semaphore, #tpu.memory_space<semaphore_mem>>
      %dma_start3A = tpu.memref_slice %arg8[%mul3A_2] : memref<16384xf32, #tpu.memory_space<hbm>> -> memref<512xf32, #tpu.memory_space<hbm>>
      %dma_start3A_8 = tpu.memref_slice %arg8[%mul3A_2] : memref<16384xf32, #tpu.memory_space<hbm>> -> memref<512xf32, #tpu.memory_space<hbm>>
      tpu.enqueue_dma source(%arg16 : memref<512xf32, #tpu.memory_space<vmem>>) target(%dma_start3A_8 : memref<512xf32, #tpu.memory_space<hbm>>) target_semaphore(%run_scoped3A : memref<!tpu.dma_semaphore, #tpu.memory_space<semaphore_mem>>)
      %dma_wait3A = tpu.memref_slice %arg8[%mul3A_2] : memref<16384xf32, #tpu.memory_space<hbm>> -> memref<512xf32, #tpu.memory_space<hbm>>
      %dma_wait3A_9 = tpu.memref_slice %arg8[%mul3A_2] : memref<16384xf32, #tpu.memory_space<hbm>> -> memref<512xf32, #tpu.memory_space<hbm>>
      tpu.wait_dma2 semaphore(%run_scoped3A : memref<!tpu.dma_semaphore, #tpu.memory_space<semaphore_mem>>) src(%arg16 : memref<512xf32, #tpu.memory_space<vmem>>) dst(%dma_wait3A_9 : memref<512xf32, #tpu.memory_space<hbm>>)
      tpu.yield
    }) : () -> ()
    return
  }
}

</mosaic_0001>

<sc_bundles>
// kernel: kernel.3.cloned.1.call-start
scs
__scs_entry_jumppad:
0x0: {  	(pc) =	sbr.rel $0x88, $3  }
0x1: {  	(tag) =	ssettag $0x0;
	lr =	simm.s32 $0x1  }
0x2: {  	[smem:$0x3F9C] =	sst lr;
	_ =	strace $0xD0000000  }
0x3: {  	_ = 	snop  }
0x4: {  	_ = 	snop  }
0x5: {  	_ = 	snop  }
0x6: {  	_ = 	snop  }
0x7: {  	_ = 	snop  }
__scs_overlays_trampoline_lowered:
0x8: {  	[smem:$0x3FAB] =	sst s0  }
0x9: {  	[smem:$0x3FAC] =	sst s1  }
0xa: {  	[smem:$0x3FAD] =	sst s2  }
0xb: {  	[smem:$0x3FAE] =	sst s3  }
0xc: {  	[smem:$0x3FAF] =	sst s4  }
0xd: {  	[smem:$0x3FB0] =	sst s5  }
0xe: {  	[smem:$0x3FB1] =	sst s6  }
0xf: {  	[smem:$0x3FB2] =	sst s7  }
0x10: {  	[smem:$0x3FB3] =	sst s8  }
0x11: {  	[smem:$0x3FB4] =	sst s9;
	s0 =	simm.s32 @!p0 $0x0  }
0x12: {  	s1 =	sld [smem:$0x3F9A];
	s0 =	simm.s32 @p0 $0x1  }
0x13: {  	[smem:$0x3FB5] =	sst s0;
	s0 =	simm.s32 @!p1 $0x0  }
0x14: {  	s2 =	sld [smem:$0x3F99];
	s0 =	simm.s32 @p1 $0x1  }
0x15: {  	[smem:$0x3FB6] =	sst s0;
	s0 =	simm.s32 @!p2 $0x0  }
0x16: {  	s3 =	sld [smem:$0x3FDB];
	s0 =	simm.s32 @p2 $0x1  }
0x17: {  	s4 =	simm.s32 $0x1BF5;
	[smem:$0x3FB8] =	sst s0  }
0x18: {  	s0 =	sld [smem:$0x3F9B];
	_ =	swait.ge [sflag:s4], $0x0  }
0x19: {  	s7 =	sld [smem:$0x3F9C]  }
0x1a: {  	s8 =	sadd.s32 $0xFFFFE003, lr  }
0x1b: {  	s9 =	sadd.s32 $0xFFFFFEF7, lr;
	s5 =	simm.s32 $0xFFFFFFFF;
	p2 =	slt.u32 s8, $0xFFFFF086  }
0x1c: {  	p1 =	slt.u32 s9, $0xF7A;
	s5 =	simm.s32 @!p2 $0x0  }
0x1d: {  	s5 =	simm.s32 @p1 $0x1;
	p0 =	seq.s32 s7, s2  }
0x1e: {  	s7 =	smul.u32 @!p0 $0xF7A, s2;
	p2 =	seq.s32 @!p0 s5, $0x0  }
0x1f: {  	s9 =	smul.u32 $0xF7A, s1;
	s8 =	simm.s32 @!p0 $0x1BF5;
	p2 =	por !p2, p0  }
0x20: {  	[sflag:s8] =	ssyncset.s32 @!p0 $0xFFFFF086;
	s6 =	sadd.s32 @!p0 s3, s7;
	s7 =	simm.s32 @!p0 $0x108  }
0x21: {  	s3 =	sadd.s32 s3, s9;
	s6 =	sadd.s32 @!p0 $0x88, s6;
	s7 =	simm.s32 @p2 $0x1082  }
0x22: {  	[simem:s7], [sflag:s8] =	dma.local @!p0 [hbm:s6], $0xF7A  }
0x23: {  	s9 =	sor.u32 $0xD0000000, s2;
	s6 =	simm.s32 $0x108;
	_ =	swait.ge @!p0 [sflag:s8], $0x0  }
0x24: {  	s3 =	sadd.s32 $0x88, s3;
	s6 =	simm.s32 @!p1 $0x1082;
	[sflag:s4] =	ssyncset.s32 $0xFFFFF086  }
0x25: {  	[simem:s6], [sflag:s4] =	dma.local [hbm:s3], $0xF7A  }
0x26: {  	[smem:$0x3F9C] =	sst s1;
	(tag) =	ssettag s2;
	_ =	strace s9  }
0x27: {  	s1 =	sld [smem:$0x3FAC]  }
0x28: {  	s2 =	sld [smem:$0x3FAD]  }
0x29: {  	s4 =	sld [smem:$0x3FAF]  }
0x2a: {  	p0 =	seq.s32 s5, $0x0;
	s5 =	sld [smem:$0x3FB0]  }
0x2b: {  	s6 =	sld [smem:$0x3FB1]  }
0x2c: {  	s7 =	sld [smem:$0x3FB2]  }
0x2d: {  	s3 =	simm.s32 $0x108;
	s8 =	sld [smem:$0x3FB3]  }
0x2e: {  	s3 =	simm.s32 @!p0 $0x1082;
	s9 =	sld [smem:$0x3FB4]  }
0x2f: {  	lr =	sadd.s32 s0, s3;
	s0 =	sld [smem:$0x3FAB]  }
0x30: {  	s3 =	sld [smem:$0x3FAE]  }
0x31: {  	[smem:$0x3FB7] =	sst s10  }
0x32: {  	s10 =	sld [smem:$0x3FB5];
	_ =	sdelay $0x3  }
0x33: {  	p0 =	seq.s32 s10, $0x1;
	s10 =	sld [smem:$0x3FB7];
	_ =	sdelay $0x3  }
0x34: {  	[smem:$0x3FB7] =	sst s10  }
0x35: {  	s10 =	sld [smem:$0x3FB6];
	_ =	sdelay $0x3  }
0x36: {  	p1 =	seq.s32 s10, $0x1;
	s10 =	sld [smem:$0x3FB7];
	_ =	sdelay $0x3  }
0x37: {  	[smem:$0x3FB7] =	sst s10  }
0x38: {  	s10 =	sld [smem:$0x3FB8]  }
0x39: {  	_ = 	snop;
	(pc) =	sbr.ind lr, $3  }
0x3a: {  	_ = 	snop  }
0x3b: {  	_ = 	snop  }
0x3c: {  	p2 =	seq.s32 s10, $0x1;
	s10 =	sld [smem:$0x3FB7]  }
0x3d: {  	_ =	shalt  }
0x3e: {  	_ =	shalt  }
0x3f: {  	_ =	shalt  }
0x40: {  	_ =	shalt  }
0x41: {  	_ =	shalt  }
0x42: {  	_ =	shalt  }
0x43: {  	_ =	shalt  }
0x44: {  	_ =	shalt  }
0x45: {  	_ =	shalt  }
0x46: {  	_ =	shalt  }
0x47: {  	_ =	shalt  }
0x48: {  	_ =	shalt  }
0x49: {  	_ =	shalt  }
0x4a: {  	_ =	shalt  }
0x4b: {  	_ =	shalt  }
0x4c: {  	_ =	shalt  }
0x4d: {  	_ =	shalt  }
0x4e: {  	_ =	shalt  }
0x4f: {  	_ =	shalt  }
0x50: {  	_ =	shalt  }
0x51: {  	_ =	shalt  }
0x52: {  	_ =	shalt  }
0x53: {  	_ =	shalt  }
0x54: {  	_ =	shalt  }
0x55: {  	_ =	shalt  }
0x56: {  	_ =	shalt  }
0x57: {  	_ =	shalt  }
0x58: {  	_ =	shalt  }
0x59: {  	_ =	shalt  }
0x5a: {  	_ =	shalt  }
0x5b: {  	_ =	shalt  }
0x5c: {  	_ =	shalt  }
0x5d: {  	_ =	shalt  }
0x5e: {  	_ =	shalt  }
0x5f: {  	_ =	shalt  }
0x60: {  	_ =	shalt  }
0x61: {  	_ =	shalt  }
0x62: {  	_ =	shalt  }
0x63: {  	_ =	shalt  }
0x64: {  	_ =	shalt  }
0x65: {  	_ =	shalt  }
0x66: {  	_ =	shalt  }
0x67: {  	_ =	shalt  }
0x68: {  	_ =	shalt  }
0x69: {  	_ =	shalt  }
0x6a: {  	_ =	shalt  }
0x6b: {  	_ =	shalt  }
0x6c: {  	_ =	shalt  }
0x6d: {  	_ =	shalt  }
0x6e: {  	_ =	shalt  }
0x6f: {  	_ =	shalt  }
0x70: {  	_ =	shalt  }
0x71: {  	_ =	shalt  }
0x72: {  	_ =	shalt  }
0x73: {  	_ =	shalt  }
0x74: {  	_ =	shalt  }
0x75: {  	_ =	shalt  }
0x76: {  	_ =	shalt  }
0x77: {  	_ =	shalt  }
0x78: {  	_ =	shalt  }
0x79: {  	_ =	shalt  }
0x7a: {  	_ =	shalt  }
0x7b: {  	_ =	shalt  }
0x7c: {  	_ =	shalt  }
0x7d: {  	_ =	shalt  }
0x7e: {  	_ =	shalt  }
0x7f: {  	_ =	shalt  }
0x80: {  	_ =	shalt  }
0x81: {  	_ =	shalt  }
0x82: {  	_ =	shalt  }
0x83: {  	_ =	shalt  }
0x84: {  	_ =	shalt  }
0x85: {  	_ =	shalt  }
0x86: {  	_ =	shalt  }
0x87: {  	_ =	shalt  }
.Lfunc_end0:
.L_simem_size_0:
called_computation_lowered:
.L_overlay_start_0:
0x88: {  	s2 =	sld [smem:$0x3FD9]  }
0x89: {  	s3 =	sld [smem:$0x3FFE];
	_ =	sdelay $0x1  }
0x8a: {  	s1 =	srdreg.scid  }
0x8b: {  	s0 =	sand.u32 $0x1, s1  }
0x8c: {  	s17 =	sshll.u32 s0, $0xA;
	s2 =	sadd.s32 s3, s2  }
0x8d: {  	s2 =	sadd.s32 s2, s17  }
0x8e: {  	[smem:$0x3FC3] =	sst s2  }
0x8f: {  	_ = 	snop  }
0x90: {  	s2 =	sld [smem:$0x3FC9]  }
0x91: {  	s18 =	sld [smem:$0x3FC8]  }
0x92: {  	s4 =	sld [smem:$0x3FC7]  }
0x93: {  	s5 =	sld [smem:$0x3FC6]  }
0x94: {  	s6 =	sld [smem:$0x3FD0];
	(tm) =	ssettm $0x1  }
0x95: {  	s7 =	sld [smem:$0x3FFB];
	_ =	sdelay $0x3  }
0x96: {  	_ =	strace s7  }
0x97: {  	s7 =	sld [smem:$0x3FFC];
	_ =	sdelay $0x3  }
0x98: {  	_ =	strace s7  }
0x99: {  	s7 =	sld [smem:$0x3FFD];
	_ =	sdelay $0x3  }
0x9a: {  	_ =	strace s7  }
0x9b: {  	_ =	strace $0x8FFFFFFF  }
0x9c: {  	s19 =	sld [smem:$0x3FDB];
	_ =	sdelay $0x1  }
0x9d: {  	s8 =	simm.s32 $_scs_section_size  }
0x9e: {  	s9 =	simm.s32 $_size__tile_overlayer_lowered;
	s10 =	simm.s32 $_tile_overlayer_lowered  }
0x9f: {  	s22 =	simm.s32 $0x1BFF;
	s21 =	sshll.u32 s10, $0x1;
	s7 =	sadd.s32 s8, s19  }
0xa0: {  	s11 =	simm.s32 $0x0;
	s20 =	sshll.u32 s9, $0x1;
	s9 =	sadd.s32 s21, s7  }
0xa1: {  	[timem:s11], [sflag:s22] =	dma.local [hbm:s9], s20  }
0xa2: {  	_ =	swait.ge [sflag:s22], s20  }
0xa3: {  	s8 =	ssub.s32 $0x0, s20;
	[sflag:s22] =	ssyncset.done $0x0  }
0xa4: {  	[sflag:s22] =	ssyncadd.s32 s8;
	_ =	sdelay $0x1  }
0xa5: {  	s23 =	simm.s32 $0x1B8B  }
0xa6: {  	_ =	swait.ge [sflag:s23], $0x1  }
0xa7: {  	[sflag:s23] =	ssyncset.done $0x0  }
0xa8: {  	s25 =	simm.s32 $0x1B8E;
	s24 =	sld [smem:$0x3FFE];
	[sflag:s23] =	ssyncadd.s32 $0xFFFFFFFF  }
0xa9: {  	s26 =	simm.s32 $execute0_lowered;
	[smem:$0x3FD2] =	sst s25  }
0xaa: {  	s9 =	sshll.u32 s26, $0x1;
	_ =	strace $0x80000046;
	[dreg:$0x1] =	wrdreg $0xFFFFFFFF  }
0xab: {  	s28 =	simm.s32 $_size_execute0_lowered;
	s7 =	sadd.s32 s7, s9;
	[dreg:$0x0] =	wrdreg $0x0  }
0xac: {  	s9 =	sshll.u32 s28, $0x1;
	[dreg:$0x2] =	wrdreg s7  }
0xad: {  	[dreg:$0x3] =	wrdreg s9  }
0xae: {  	[dreg:$0x4] =	wrdreg $0xC0  }
0xaf: {  	_ =	task [dreg:s11], $0x5FFFF  }
0xb0: {  	[dreg:$0x1] =	wrdreg $0xFFFFFFFF  }
0xb1: {  	[dreg:$0x0] =	wrdreg $0x60  }
0xb2: {  	[dreg:$0x2] =	wrdreg s2  }
0xb3: {  	[dreg:$0x3] =	wrdreg s18  }
0xb4: {  	[dreg:$0x4] =	wrdreg s4  }
0xb5: {  	[dreg:$0x5] =	wrdreg s5  }
0xb6: {  	[dreg:$0x6] =	wrdreg s24  }
0xb7: {  	[dreg:$0x7] =	wrdreg s6  }
0xb8: {  	[dreg:$0x8] =	wrdreg $0x9  }
0xb9: {  	_ =	task.clear_ibuf [dreg:s11], $0x9FFFF;
	_ =	strace $0x90000046  }
0xba: {  	s29 =	simm.s32 $0x9;
	_ =	strace $0x80000048  }
0xbb: {  	_ =	swait.ge [sflag:s29], $0x1  }
0xbc: {  	[sflag:s29] =	ssyncadd.s32 $0xFFFFFFFF  }
0xbd: {  	_ =	strace $0x90000048  }
0xbe: {  	_ =	sfence  }
0xbf: {  	s30 =	sld [smem:$0x0];
	_ =	sdelay $0x2  }
0xc0: {  	s31 =	sshll.u32 s1, $0xD;
	s1 =	sshrl.u32 s1, $0x2  }
0xc1: {  	s3 =	sand.u32 $0x4000, s31;
	s1 =	sadd.s32 s1, s30  }
0xc2: {  	s0 =	sor.u32 s3, s0;
	s1 =	sshll.u32 s1, $0x11  }
0xc3: {  	s0 =	sor.u32 s1, s0  }
0xc4: {  	s0 =	sadd.s32 $0x8F2B, s0  }
0xc5: {  	[sflag:s0] =	ssyncadd.remote.s32 $0x1  }
0xc6: {  	_ =	sfence.sel $0xFFFF  }
0xc7: {  	[dreg:$0x0] =	wrdreg $0xFFFFFFFF;
	(pc) =	sbr.abs _section_cstart, $3  }
0xc8: {  	[dreg:$0x1] =	wrdreg $0xFFFFFFFF  }
0xc9: {  	_ =	task.clear_ibuf [dreg:s11], $0x2FFFF;
	_ =	strace $0x9FFFFFFF  }
0xca: {  	(tm) =	ssettm $0x7FFFFFFF  }
0xcb: {  	_ =	shalt  }
tec
execute0_lowered:
.L_overlay_start_1:
0x0: {  	(tag) =	ssettag $0x1  }
0x1: {  	s0 =	rddreg [dreg:$0x0]  }
0x2: {  	s2 =	rddreg [dreg:$0x1]  }
0x3: {  	s3 =	rddreg [dreg:$0x2]  }
0x4: {  	s1 =	rddreg [dreg:$0x3]  }
0x5: {  	s4 =	rddreg [dreg:$0x4]  }
0x6: {  	s5 =	rddreg [dreg:$0x5];
	s10 =	simm.s32 $0x0  }
0x7: {  	[smem:$0x7FF] =	sst s10;
	s9 =	sadd.s32 $0x800, s4  }
0x8: {  	s12 =	sadd.s32 $0x400, s4;
	_ =	strace $0x80000047;
	[dreg:$0x7] =	wrdreg s9  }
0x9: {  	s6 =	srdreg.scid;
	s15 =	sadd.s32 $0x880, s4;
	[dreg:$0x8] =	wrdreg s12  }
0xa: {  	s8 =	stileid.u32;
	s16 =	sadd.s32 $0x900, s4;
	[dreg:$0xc] =	wrdreg s15  }
0xb: {  	s29 =	simm.s32 $0x400;
	s17 =	sadd.s32 $0x980, s4;
	[dreg:$0xd] =	wrdreg s16  }
0xc: {  	s30 =	simm.s32 $0x7A1400;
	s18 =	sadd.s32 $0xA00, s4;
	[dreg:$0xe] =	wrdreg s17  }
0xd: {  	s31 =	simm.s32 $0x600;
	s19 =	sadd.s32 $0xA80, s4;
	[dreg:$0xf] =	wrdreg s18  }
0xe: {  	s28 =	simm.s32 $0x5600;
	s20 =	sadd.s32 $0xB00, s4;
	[dreg:$0x10] =	wrdreg s19  }
0xf: {  	s6 =	sand.u32 $0x1, s6;
	s21 =	sadd.s32 $0xB80, s4;
	[dreg:$0x11] =	wrdreg s20  }
0x10: {  	s8 =	sshll.u32 s8, $0x7;
	s24 =	sadd.s32 $0xC00, s4;
	[dreg:$0x12] =	wrdreg s21  }
0x11: {  	s25 =	sadd.s32 $0x1000, s4;
	s26 =	sadd.s32 $0x1400, s4;
	[dreg:$0x15] =	wrdreg s24  }
0x12: {  	s7 =	ssub.s32 $0x2, s6;
	s6 =	sshll.u32 s6, $0x6;
	[dreg:$0x16] =	wrdreg s25  }
0x13: {  	v0 =	vlaneseq.u32;
	[dreg:$0x17] =	wrdreg s26;
	s12 =	simm.s32 $0x2600;
	s25 =	simm.s32 $0x3600  }
0x14: {  	v1 =	vmul.u32 $0x80, v0;
	s26 =	simm.s32 $0x3600;
	s11 =	sshrl.u32 s7, $0x1;
	s6 =	sor.u32 s6, s8  }
0x15: {  	s24 =	simm.s32 $0x7600;
	s7 =	ssub.s32 s7, s11;
	s0 =	sadd.s32 s0, s6  }
0x16: {  	v3 =	vor.u32 $0x10, v0;
	v13 =	vmul.u32 $0x20, v0;
	v2 =	vor.u32 $0x800, v1;
	s13 =	sadd.s32 s3, s6;
	s14 =	sadd.s32 s2, s6;
	[dreg:$0x9] =	wrdreg s0  }
0x17: {  	v4 =	vor.u32 $0x1000, v1;
	v5 =	vor.u32 $0x1800, v1;
	v6 =	vor.u32 $0x2000, v1;
	s22 =	sadd.s32 s5, s6;
	s2 =	simm.s32 $0x3;
	[dreg:$0xa] =	wrdreg s13  }
0x18: {  	v7 =	vor.u32 $0x2800, v1;
	v8 =	vor.u32 $0x3000, v1;
	v9 =	vor.u32 $0x3800, v1;
	s11 =	simm.s32 $0x1600;
	s5 =	simm.s32 $0x1;
	[dreg:$0xb] =	wrdreg s14  }
0x19: {  	v10 =	vor.u32 $0x4000, v1;
	v11 =	vor.u32 $0x4800, v1;
	v12 =	vor.u32 $0x5000, v1;
	s6 =	simm.s32 $0x2;
	s3 =	simm.s32 $0x0;
	[dreg:$0x13] =	wrdreg s22  }
0x1a: {  	v14 =	vor.u32 $0x5800, v1;
	v15 =	vor.u32 $0x6000, v1;
	v16 =	vor.u32 $0x6800, v1;
	s23 =	smax.u32 s7, $0x1;
	s22 =	simm.s32 $0x18600;
	s13 =	simm.s32 $0x4600  }
0x1b: {  	v17 =	vor.u32 $0x7000, v1;
	v18 =	vor.u32 $0x7800, v1;
	v19 =	vor.u32 $0x4000, v13;
	s7 =	simm.s32 $0x8600;
	[dreg:$0x14] =	wrdreg s23;
	s23 =	simm.s32 $0x10600  }
.LBB2_1:
0x1c: {  	[dreg:$0x18] =	wrdreg s3  }
0x1d: {  	s0 =	rddreg [dreg:$0x9]  }
0x1e: {  	[tilespmem:s10], [sflag:$0x3] =	stream.linear.gather [hbm4b:s0+s10], $0x200, $0x38;
	[tilespmem:$0x1A800] =	vst v63  }
0x1f: {  	_ =	swait.ge [sflag:s2], $0x200  }
0x20: {  	[sflag:s2] =	ssyncset.done $0x0  }
0x21: {  	s16 =	rddreg [dreg:$0xa];
	[sflag:s2] =	ssyncadd.s32 $0xFFFFFE00  }
0x22: {  	[tilespmem:s29], [sflag:$0x3] =	stream.linear.gather [hbm4b:s16+s10], $0x200, $0x38;
	[tilespmem:$0x1A800] =	vst v63  }
0x23: {  	_ =	swait.ge [sflag:s2], $0x200  }
0x24: {  	[sflag:s2] =	ssyncset.done $0x0  }
0x25: {  	s16 =	simm.s32 $0x200;
	s17 =	rddreg [dreg:$0xb];
	[sflag:s2] =	ssyncadd.s32 $0xFFFFFE00  }
0x26: {  	[tilespmem:s16], [sflag:$0x3] =	stream.linear.gather [hbm4b:s17+s10], $0x200, $0x38;
	[tilespmem:$0x1A800] =	vst v63  }
0x27: {  	_ =	swait.ge [sflag:s2], $0x200  }
0x28: {  	[sflag:s2] =	ssyncset.done $0x0  }
0x29: {  	s18 =	rddreg [dreg:$0x8];
	[sflag:s2] =	ssyncadd.s32 $0xFFFFFE00  }
0x2a: {  	[tilespmem:s22], [sflag:$0x3] =	stream.linear.gather [hbm4b:s18+s10], $0x2000, $0x38;
	[tilespmem:$0x1A800] =	vst v63  }
0x2b: {  	_ =	swait.ge [sflag:s2], $0x2000  }
0x2c: {  	[sflag:s2] =	ssyncset.done $0x0  }
0x2d: {  	s19 =	rddreg [dreg:$0x7];
	[sflag:s2] =	ssyncadd.s32 $0xFFFFE000  }
0x2e: {  	[tilespmem:s23], [sflag:$0x3] =	stream.linear.gather [hbm4b:s19+s10], $0x400, $0x38;
	[tilespmem:$0x1A800] =	vst v63  }
0x2f: {  	s21 =	simm.s32 $0x12600;
	s20 =	rddreg [dreg:$0x15]  }
0x30: {  	[tilespmem:s21], [sflag:$0x3] =	stream.linear.gather [hbm4b:s20+s10], $0x400, $0x38;
	[tilespmem:$0x1A800] =	vst v63  }
0x31: {  	s4 =	simm.s32 $0x14600;
	s3 =	rddreg [dreg:$0x16]  }
0x32: {  	[tilespmem:s4], [sflag:$0x3] =	stream.linear.gather [hbm4b:s3+s10], $0x400, $0x38;
	[tilespmem:$0x1A800] =	vst v63  }
0x33: {  	s9 =	simm.s32 $0x16600;
	s8 =	rddreg [dreg:$0x17]  }
0x34: {  	[tilespmem:s9], [sflag:$0x3] =	stream.linear.gather [hbm4b:s8+s10], $0x400, $0x38;
	[tilespmem:$0x1A800] =	vst v63  }
0x35: {  	_ =	swait.ge [sflag:s2], $0x1000  }
0x36: {  	[sflag:s2] =	ssyncset.done $0x0  }
0x37: {  	s15 =	simm.s32 $0x10A00;
	s14 =	rddreg [dreg:$0xc];
	[sflag:s2] =	ssyncadd.s32 $0xFFFFF000  }
0x38: {  	[tilespmem:s15], [sflag:$0x3] =	stream.linear.gather [hbm4b:s14+s10], $0x400, $0x38;
	[tilespmem:$0x1A800] =	vst v63  }
0x39: {  	s8 =	simm.s32 $0x12A00;
	s17 =	sadd.s32 $0x400, s14  }
0x3a: {  	[tilespmem:s8], [sflag:$0x3] =	stream.linear.gather [hbm4b:s17+s10], $0x400, $0x38;
	[tilespmem:$0x1A800] =	vst v63  }
0x3b: {  	s19 =	simm.s32 $0x14A00;
	s18 =	sadd.s32 $0x800, s14  }
0x3c: {  	[tilespmem:s19], [sflag:$0x3] =	stream.linear.gather [hbm4b:s18+s10], $0x400, $0x38;
	[tilespmem:$0x1A800] =	vst v63  }
0x3d: {  	s21 =	simm.s32 $0x16A00;
	s20 =	sadd.s32 $0xC00, s14  }
0x3e: {  	[tilespmem:s21], [sflag:$0x3] =	stream.linear.gather [hbm4b:s20+s10], $0x400, $0x38;
	[tilespmem:$0x1A800] =	vst v63  }
0x3f: {  	_ =	swait.ge [sflag:s2], $0x1000  }
0x40: {  	[sflag:s2] =	ssyncset.done $0x0  }
0x41: {  	s9 =	simm.s32 $0x10E00;
	s4 =	rddreg [dreg:$0xd];
	[sflag:s2] =	ssyncadd.s32 $0xFFFFF000  }
0x42: {  	[tilespmem:s9], [sflag:$0x3] =	stream.linear.gather [hbm4b:s4+s10], $0x400, $0x38;
	[tilespmem:$0x1A800] =	vst v63  }
0x43: {  	s15 =	simm.s32 $0x12E00;
	s14 =	sadd.s32 $0x400, s4  }
0x44: {  	[tilespmem:s15], [sflag:$0x3] =	stream.linear.gather [hbm4b:s14+s10], $0x400, $0x38;
	[tilespmem:$0x1A800] =	vst v63  }
0x45: {  	s18 =	simm.s32 $0x14E00;
	s17 =	sadd.s32 $0x800, s4  }
0x46: {  	[tilespmem:s18], [sflag:$0x3] =	stream.linear.gather [hbm4b:s17+s10], $0x400, $0x38;
	[tilespmem:$0x1A800] =	vst v63  }
0x47: {  	s20 =	simm.s32 $0x16E00;
	s19 =	sadd.s32 $0xC00, s4  }
0x48: {  	[tilespmem:s20], [sflag:$0x3] =	stream.linear.gather [hbm4b:s19+s10], $0x400, $0x38;
	[tilespmem:$0x1A800] =	vst v63  }
0x49: {  	_ =	swait.ge [sflag:s2], $0x1000  }
0x4a: {  	[sflag:s2] =	ssyncset.done $0x0  }
0x4b: {  	s4 =	simm.s32 $0x11200;
	s21 =	rddreg [dreg:$0xe];
	[sflag:s2] =	ssyncadd.s32 $0xFFFFF000  }
0x4c: {  	[tilespmem:s4], [sflag:$0x3] =	stream.linear.gather [hbm4b:s21+s10], $0x400, $0x38;
	[tilespmem:$0x1A800] =	vst v63  }
0x4d: {  	s9 =	simm.s32 $0x13200;
	s8 =	sadd.s32 $0x400, s21  }
0x4e: {  	[tilespmem:s9], [sflag:$0x3] =	stream.linear.gather [hbm4b:s8+s10], $0x400, $0x38;
	[tilespmem:$0x1A800] =	vst v63  }
0x4f: {  	s15 =	simm.s32 $0x15200;
	s14 =	sadd.s32 $0x800, s21  }
0x50: {  	[tilespmem:s15], [sflag:$0x3] =	stream.linear.gather [hbm4b:s14+s10], $0x400, $0x38;
	[tilespmem:$0x1A800] =	vst v63  }
0x51: {  	s18 =	simm.s32 $0x17200;
	s17 =	sadd.s32 $0xC00, s21  }
0x52: {  	[tilespmem:s18], [sflag:$0x3] =	stream.linear.gather [hbm4b:s17+s10], $0x400, $0x38;
	[tilespmem:$0x1A800] =	vst v63  }
0x53: {  	_ =	swait.ge [sflag:s2], $0x1000  }
0x54: {  	[sflag:s2] =	ssyncset.done $0x0  }
0x55: {  	s20 =	simm.s32 $0x11600;
	s19 =	rddreg [dreg:$0xf];
	[sflag:s2] =	ssyncadd.s32 $0xFFFFF000  }
0x56: {  	[tilespmem:s20], [sflag:$0x3] =	stream.linear.gather [hbm4b:s19+s10], $0x400, $0x38;
	[tilespmem:$0x1A800] =	vst v63  }
0x57: {  	s4 =	simm.s32 $0x13600;
	s21 =	sadd.s32 $0x400, s19  }
0x58: {  	[tilespmem:s4], [sflag:$0x3] =	stream.linear.gather [hbm4b:s21+s10], $0x400, $0x38;
	[tilespmem:$0x1A800] =	vst v63  }
0x59: {  	s9 =	simm.s32 $0x15600;
	s8 =	sadd.s32 $0x800, s19  }
0x5a: {  	[tilespmem:s9], [sflag:$0x3] =	stream.linear.gather [hbm4b:s8+s10], $0x400, $0x38;
	[tilespmem:$0x1A800] =	vst v63  }
0x5b: {  	s15 =	simm.s32 $0x17600;
	s14 =	sadd.s32 $0xC00, s19  }
0x5c: {  	[tilespmem:s15], [sflag:$0x3] =	stream.linear.gather [hbm4b:s14+s10], $0x400, $0x38;
	[tilespmem:$0x1A800] =	vst v63  }
0x5d: {  	_ =	swait.ge [sflag:s2], $0x1000  }
0x5e: {  	[sflag:s2] =	ssyncset.done $0x0  }
0x5f: {  	s18 =	simm.s32 $0x11A00;
	s17 =	rddreg [dreg:$0x10];
	[sflag:s2] =	ssyncadd.s32 $0xFFFFF000  }
0x60: {  	[tilespmem:s18], [sflag:$0x3] =	stream.linear.gather [hbm4b:s17+s10], $0x400, $0x38;
	[tilespmem:$0x1A800] =	vst v63  }
0x61: {  	s20 =	simm.s32 $0x13A00;
	s19 =	sadd.s32 $0x400, s17  }
0x62: {  	[tilespmem:s20], [sflag:$0x3] =	stream.linear.gather [hbm4b:s19+s10], $0x400, $0x38;
	[tilespmem:$0x1A800] =	vst v63  }
0x63: {  	s4 =	simm.s32 $0x15A00;
	s21 =	sadd.s32 $0x800, s17  }
0x64: {  	[tilespmem:s4], [sflag:$0x3] =	stream.linear.gather [hbm4b:s21+s10], $0x400, $0x38;
	[tilespmem:$0x1A800] =	vst v63  }
0x65: {  	s14 =	simm.s32 $0x17A00;
	s9 =	sadd.s32 $0xC00, s17  }
0x66: {  	[tilespmem:s14], [sflag:$0x3] =	stream.linear.gather [hbm4b:s9+s10], $0x400, $0x38;
	[tilespmem:$0x1A800] =	vst v63  }
0x67: {  	_ =	swait.ge [sflag:s2], $0x1000  }
0x68: {  	[sflag:s2] =	ssyncset.done $0x0  }
0x69: {  	s17 =	simm.s32 $0x11E00;
	s15 =	rddreg [dreg:$0x11];
	[sflag:s2] =	ssyncadd.s32 $0xFFFFF000  }
0x6a: {  	[tilespmem:s17], [sflag:$0x3] =	stream.linear.gather [hbm4b:s15+s10], $0x400, $0x38;
	[tilespmem:$0x1A800] =	vst v63  }
0x6b: {  	s19 =	simm.s32 $0x13E00;
	s18 =	sadd.s32 $0x400, s15  }
0x6c: {  	[tilespmem:s19], [sflag:$0x3] =	stream.linear.gather [hbm4b:s18+s10], $0x400, $0x38;
	[tilespmem:$0x1A800] =	vst v63  }
0x6d: {  	s21 =	simm.s32 $0x15E00;
	s20 =	sadd.s32 $0x800, s15  }
0x6e: {  	[tilespmem:s21], [sflag:$0x3] =	stream.linear.gather [hbm4b:s20+s10], $0x400, $0x38;
	[tilespmem:$0x1A800] =	vst v63  }
0x6f: {  	s8 =	simm.s32 $0x17E00;
	s4 =	sadd.s32 $0xC00, s15  }
0x70: {  	[tilespmem:s8], [sflag:$0x3] =	stream.linear.gather [hbm4b:s4+s10], $0x400, $0x38;
	[tilespmem:$0x1A800] =	vst v63  }
0x71: {  	_ =	swait.ge [sflag:s2], $0x1000  }
0x72: {  	[sflag:s2] =	ssyncset.done $0x0  }
0x73: {  	s14 =	simm.s32 $0x12200;
	s9 =	rddreg [dreg:$0x12];
	[sflag:s2] =	ssyncadd.s32 $0xFFFFF000  }
0x74: {  	[tilespmem:s14], [sflag:$0x3] =	stream.linear.gather [hbm4b:s9+s10], $0x400, $0x38;
	[tilespmem:$0x1A800] =	vst v63  }
0x75: {  	s17 =	simm.s32 $0x14200;
	s15 =	sadd.s32 $0x400, s9  }
0x76: {  	[tilespmem:s17], [sflag:$0x3] =	stream.linear.gather [hbm4b:s15+s10], $0x400, $0x38;
	[tilespmem:$0x1A800] =	vst v63  }
0x77: {  	s19 =	simm.s32 $0x16200;
	s18 =	sadd.s32 $0x800, s9  }
0x78: {  	[tilespmem:s19], [sflag:$0x3] =	stream.linear.gather [hbm4b:s18+s10], $0x400, $0x38;
	[tilespmem:$0x1A800] =	vst v63  }
0x79: {  	s21 =	simm.s32 $0x18200;
	s20 =	sadd.s32 $0xC00, s9  }
0x7a: {  	[tilespmem:s21], [sflag:$0x3] =	stream.linear.gather [hbm4b:s20+s10], $0x400, $0x38;
	[tilespmem:$0x1A800] =	vst v63  }
0x7b: {  	s9 =	simm.s32 $0x0;
	_ =	swait.ge [sflag:s2], $0x1000  }
0x7c: {  	s17 =	simm.s32 $0x0;
	s18 =	simm.s32 $0x1A600;
	[sflag:s2] =	ssyncset.done $0x0  }
0x7d: {  	s19 =	simm.s32 $0x400;
	s20 =	simm.s32 $0x0;
	[sflag:s2] =	ssyncadd.s32 $0xFFFFF000  }
.LBB2_2:
0x7e: {  	v21 =	vld [tilespmem:s20+$0x0];
	_ =	sdelay $0x4  }
0x7f: {  	v20 =	vand.u32 $0xFFFFFF80, v21  }
0x80: {  	vm0 =	vlt.s32 v20, $0xF4180  }
0x81: {  	v22 =	vnsel vm0, $0xF4180, v20  }
0x82: {  	(v2sf) =	vpush v22, $0x0  }
0x83: {  	(v2sf) =	vpush v22, $0x1;
	_ =	sdelay $0x3  }
0x84: {  	(v2sf) =	vpush v22, $0x2;
	_ =	sdelay $0x2  }
0x85: {  	(v2sf) =	vpush v22, $0x3  }
0x86: {  	(v2sf) =	vpush v22, $0x4;
	_ =	sdelay $0x3  }
0x87: {  	(v2sf) =	vpush v22, $0x5;
	_ =	sdelay $0x1  }
0x88: {  	s10 =	spop (v2sf)  }
0x89: {  	s14 =	spop (v2sf);
	s3 =	sadd.s32 s1, s10  }
0x8a: {  	v20 =	vld [tilespmem:s19+$0x0];
	[tilespmem:s31], [sflag:$0x1] =	stream.strided.gather [hbm4b:s3+s29], $0x1000, s30, s29, $0x38  }
0x8b: {  	s4 =	sadd.s32 s1, s14  }
0x8c: {  	[tilespmem:s11], [sflag:$0x1] =	stream.strided.gather [hbm4b:s4+s29], $0x1000, s30, s29, $0x38;
	[tilespmem:$0x1A800] =	vst v63  }
0x8d: {  	s11 =	spop (v2sf)  }
0x8e: {  	s8 =	sadd.s32 s1, s11  }
0x8f: {  	[tilespmem:s12], [sflag:$0x1] =	stream.strided.gather [hbm4b:s8+s29], $0x1000, s30, s29, $0x38;
	[tilespmem:$0x1A800] =	vst v63  }
0x90: {  	s8 =	spop (v2sf)  }
0x91: {  	s12 =	sadd.s32 s1, s8;
	s3 =	spop (v2sf)  }
0x92: {  	[tilespmem:s25], [sflag:$0x1] =	stream.strided.gather [hbm4b:s12+s29], $0x1000, s30, s29, $0x38;
	[tilespmem:$0x1A800] =	vst v63  }
0x93: {  	s15 =	sadd.s32 s1, s3  }
0x94: {  	[tilespmem:s13], [sflag:$0x2] =	stream.strided.gather [hbm4b:s15+s29], $0x1000, s30, s29, $0x38;
	[tilespmem:$0x1A800] =	vst v63  }
0x95: {  	s15 =	spop (v2sf)  }
0x96: {  	s21 =	sadd.s32 s1, s15  }
0x97: {  	[tilespmem:s28], [sflag:$0x2] =	stream.strided.gather [hbm4b:s21+s29], $0x1000, s30, s29, $0x38;
	[tilespmem:$0x1A800] =	vst v63  }
0x98: {  	(v2sf) =	vpush v22, $0x6  }
0x99: {  	(v2sf) =	vpush v22, $0x7;
	_ =	sdelay $0xd  }
0x9a: {  	s13 =	spop (v2sf)  }
0x9b: {  	s4 =	simm.s32 $0x6600;
	s0 =	sadd.s32 s1, s13;
	s12 =	spop (v2sf)  }
0x9c: {  	[tilespmem:s4], [sflag:$0x2] =	stream.strided.gather [hbm4b:s0+s29], $0x1000, s30, s29, $0x38;
	[tilespmem:$0x1A800] =	vst v63  }
0x9d: {  	s21 =	sadd.s32 s1, s12  }
0x9e: {  	[tilespmem:s24], [sflag:$0x2] =	stream.strided.gather [hbm4b:s21+s29], $0x1000, s30, s29, $0x38;
	[tilespmem:$0x1A800] =	vst v63  }
0x9f: {  	_ =	swait.ge [sflag:s5], $0x1000  }
0xa0: {  	(v2sf) =	vpush v21, $0x0;
	_ =	sdelay $0xe  }
0xa1: {  	s2 =	spop (v2sf)  }
0xa2: {  	s10 =	ssub.s32 s2, s10;
	s0 =	sadd.s32 $0xFFF0BE00, s2  }
0xa3: {  	p0 =	slt.s32 s10, $0x7F;
	p1 =	sgt.s32 s0, $0x0  }
0xa4: {  	s10 =	simm.s32 @!p0 $0x7F;
	s0 =	simm.s32 @!p1 $0x0  }
0xa5: {  	v23 =	vadd.s32 s10, v1;
	s0 =	smin.u32 s0, $0x3F  }
0xa6: {  	v24 =	vadd.s32 s10, v2;
	s0 =	sshll.u32 s0, $0x7  }
0xa7: {  	v25 =	vor.u32 s0, v0  }
0xa8: {  	[sflag:s5] =	ssyncset.done $0x0;
	v26 =	vor.u32 s0, v3  }
0xa9: {  	[sflag:s5] =	ssyncadd.s32 $0xFFFFF000  }
0xaa: {  	v23 =	vld.idx.msk [tilespmem:v23+s31+$0x0], $0xffff  }
0xab: {  	v24 =	vld.idx.msk [tilespmem:v24+s31+$0x0], $0xffff  }
0xac: {  	v25 =	vld.idx.msk [tilespmem:v25+s22+$0x0], $0xffff  }
0xad: {  	v26 =	vld.idx.msk [tilespmem:v26+s22+$0x0], $0xffff;
	_ =	sdelay $0x2  }
0xae: {  	p5 =	sgt.s32 s2, $0xF41FF  }
0xaf: {  	s10 =	sshra.s32 s9, $0x2;
	v23 =	vpsel p5, v25, v23  }
0xb0: {  	v24 =	vpsel p5, v26, v24;
	[tilespmem:s10+$0x8600] =	vst v23  }
0xb1: {  	[tilespmem:s10+$0x8610] =	vst v24  }
0xb2: {  	_ =	swait.ge [sflag:s5], $0x1000  }
0xb3: {  	(v2sf) =	vpush v21, $0x1;
	_ =	sdelay $0xe  }
0xb4: {  	s2 =	spop (v2sf)  }
0xb5: {  	s14 =	ssub.s32 s2, s14;
	s21 =	sadd.s32 $0xFFF0BE00, s2  }
0xb6: {  	p0 =	slt.s32 s14, $0x7F;
	p1 =	sgt.s32 s21, $0x0  }
0xb7: {  	s14 =	simm.s32 @!p0 $0x7F;
	s21 =	simm.s32 @!p1 $0x0  }
0xb8: {  	v34 =	vadd.s32 s14, v4;
	s21 =	smin.u32 s21, $0x3F  }
0xb9: {  	v35 =	vadd.s32 s14, v5;
	s21 =	sshll.u32 s21, $0x7  }
0xba: {  	v36 =	vor.u32 s21, v0  }
0xbb: {  	[sflag:s5] =	ssyncset.done $0x0;
	v37 =	vor.u32 s21, v3  }
0xbc: {  	[sflag:s5] =	ssyncadd.s32 $0xFFFFF000  }
0xbd: {  	v23 =	vld.idx.msk [tilespmem:v34+s31+$0x0], $0xffff  }
0xbe: {  	v24 =	vld.idx.msk [tilespmem:v35+s31+$0x0], $0xffff  }
0xbf: {  	v25 =	vld.idx.msk [tilespmem:v36+s22+$0x0], $0xffff  }
0xc0: {  	v26 =	vld.idx.msk [tilespmem:v37+s22+$0x0], $0xffff;
	_ =	sdelay $0x2  }
0xc1: {  	p6 =	sgt.s32 s2, $0xF41FF  }
0xc2: {  	v23 =	vpsel p6, v25, v23  }
0xc3: {  	v24 =	vpsel p6, v26, v24;
	[tilespmem:s10+$0x8620] =	vst v23  }
0xc4: {  	[tilespmem:s10+$0x8630] =	vst v24  }
0xc5: {  	_ =	swait.ge [sflag:s5], $0x1000  }
0xc6: {  	(v2sf) =	vpush v21, $0x2;
	_ =	sdelay $0xe  }
0xc7: {  	s2 =	spop (v2sf)  }
0xc8: {  	s11 =	ssub.s32 s2, s11;
	s14 =	sadd.s32 $0xFFF0BE00, s2  }
0xc9: {  	p0 =	slt.s32 s11, $0x7F;
	p1 =	sgt.s32 s14, $0x0  }
0xca: {  	s11 =	simm.s32 @!p0 $0x7F;
	s14 =	simm.s32 @!p1 $0x0  }
0xcb: {  	v38 =	vadd.s32 s11, v6;
	s14 =	smin.u32 s14, $0x3F  }
0xcc: {  	v39 =	vadd.s32 s11, v7;
	s14 =	sshll.u32 s14, $0x7  }
0xcd: {  	v40 =	vor.u32 s14, v0  }
0xce: {  	[sflag:s5] =	ssyncset.done $0x0;
	v41 =	vor.u32 s14, v3  }
0xcf: {  	[sflag:s5] =	ssyncadd.s32 $0xFFFFF000  }
0xd0: {  	v23 =	vld.idx.msk [tilespmem:v38+s31+$0x0], $0xffff  }
0xd1: {  	v24 =	vld.idx.msk [tilespmem:v39+s31+$0x0], $0xffff  }
0xd2: {  	v25 =	vld.idx.msk [tilespmem:v40+s22+$0x0], $0xffff  }
0xd3: {  	v26 =	vld.idx.msk [tilespmem:v41+s22+$0x0], $0xffff;
	_ =	sdelay $0x2  }
0xd4: {  	p1 =	sgt.s32 s2, $0xF41FF  }
0xd5: {  	v23 =	vpsel p1, v25, v23  }
0xd6: {  	v24 =	vpsel p1, v26, v24;
	[tilespmem:s10+$0x8640] =	vst v23  }
0xd7: {  	[tilespmem:s10+$0x8650] =	vst v24  }
0xd8: {  	_ =	swait.ge [sflag:s5], $0x1000  }
0xd9: {  	(v2sf) =	vpush v21, $0x3;
	_ =	sdelay $0xe  }
0xda: {  	s21 =	spop (v2sf)  }
0xdb: {  	s8 =	ssub.s32 s21, s8;
	s11 =	sadd.s32 $0xFFF0BE00, s21  }
0xdc: {  	(v2sf) =	vpush v22, $0x8;
	p0 =	slt.s32 s8, $0x7F;
	p1 =	sgt.s32 s11, $0x0  }
0xdd: {  	(v2sf) =	vpush v22, $0x9;
	s8 =	simm.s32 @!p0 $0x7F;
	s11 =	simm.s32 @!p1 $0x0  }
0xde: {  	v42 =	vadd.s32 s8, v8;
	s11 =	smin.u32 s11, $0x3F  }
0xdf: {  	v43 =	vadd.s32 s8, v9;
	s2 =	sshll.u32 s11, $0x7  }
0xe0: {  	v44 =	vor.u32 s2, v0  }
0xe1: {  	[sflag:s5] =	ssyncset.done $0x0;
	(v2sf) =	vpush v22, $0xA;
	v45 =	vor.u32 s2, v3  }
0xe2: {  	[sflag:s5] =	ssyncadd.s32 $0xFFFFF000  }
0xe3: {  	v23 =	vld.idx.msk [tilespmem:v42+s31+$0x0], $0xffff  }
0xe4: {  	(v2sf) =	vpush v22, $0xB;
	v24 =	vld.idx.msk [tilespmem:v43+s31+$0x0], $0xffff  }
0xe5: {  	v25 =	vld.idx.msk [tilespmem:v44+s22+$0x0], $0xffff  }
0xe6: {  	v26 =	vld.idx.msk [tilespmem:v45+s22+$0x0], $0xffff;
	_ =	sdelay $0x2  }
0xe7: {  	p2 =	sgt.s32 s21, $0xF41FF  }
0xe8: {  	v23 =	vpsel p2, v25, v23  }
0xe9: {  	s21 =	spop (v2sf);
	v24 =	vpsel p2, v26, v24;
	[tilespmem:s10+$0x8660] =	vst v23  }
0xea: {  	s11 =	sadd.s32 s1, s21;
	s8 =	spop (v2sf);
	[tilespmem:s10+$0x8670] =	vst v24  }
0xeb: {  	[tilespmem:s31], [sflag:$0x1] =	stream.strided.gather [hbm4b:s11+s29], $0x1000, s30, s29, $0x38;
	[tilespmem:$0x1A800] =	vst v63  }
0xec: {  	s2 =	simm.s32 $0x1600;
	s14 =	sadd.s32 s1, s8  }
0xed: {  	[tilespmem:s2], [sflag:$0x1] =	stream.strided.gather [hbm4b:s14+s29], $0x1000, s30, s29, $0x38;
	[tilespmem:$0x1A800] =	vst v63  }
0xee: {  	s14 =	spop (v2sf)  }
0xef: {  	s25 =	simm.s32 $0x2600;
	s11 =	sadd.s32 s1, s14  }
0xf0: {  	[tilespmem:s25], [sflag:$0x1] =	stream.strided.gather [hbm4b:s11+s29], $0x1000, s30, s29, $0x38;
	[tilespmem:$0x1A800] =	vst v63  }
0xf1: {  	s11 =	spop (v2sf)  }
0xf2: {  	s2 =	sadd.s32 s1, s11  }
0xf3: {  	[tilespmem:s26], [sflag:$0x1] =	stream.strided.gather [hbm4b:s2+s29], $0x1000, s30, s29, $0x38;
	[tilespmem:$0x1A800] =	vst v63  }
0xf4: {  	_ =	swait.ge [sflag:s6], $0x1000  }
0xf5: {  	(v2sf) =	vpush v21, $0x4;
	_ =	sdelay $0xe  }
0xf6: {  	s0 =	spop (v2sf)  }
0xf7: {  	s3 =	ssub.s32 s0, s3;
	s2 =	sadd.s32 $0xFFF0BE00, s0  }
0xf8: {  	p0 =	slt.s32 s3, $0x7F;
	p1 =	sgt.s32 s2, $0x0  }
0xf9: {  	s3 =	simm.s32 @!p0 $0x7F;
	s2 =	simm.s32 @!p1 $0x0  }
0xfa: {  	v46 =	vadd.s32 s3, v10;
	s2 =	smin.u32 s2, $0x3F  }
0xfb: {  	v47 =	vadd.s32 s3, v11;
	s2 =	sshll.u32 s2, $0x7  }
0xfc: {  	v48 =	vor.u32 s2, v0  }
0xfd: {  	[sflag:s6] =	ssyncset.done $0x0;
	v49 =	vor.u32 s2, v3  }
0xfe: {  	[sflag:s6] =	ssyncadd.s32 $0xFFFFF000  }
0xff: {  	v23 =	vld.idx.msk [tilespmem:v46+s31+$0x0], $0xffff  }
0x100: {  	v24 =	vld.idx.msk [tilespmem:v47+s31+$0x0], $0xffff  }
0x101: {  	v25 =	vld.idx.msk [tilespmem:v48+s22+$0x0], $0xffff  }
0x102: {  	v26 =	vld.idx.msk [tilespmem:v49+s22+$0x0], $0xffff;
	_ =	sdelay $0x2  }
0x103: {  	p3 =	sgt.s32 s0, $0xF41FF  }
0x104: {  	v23 =	vpsel p3, v25, v23  }
0x105: {  	v24 =	vpsel p3, v26, v24;
	[tilespmem:s10+$0x8680] =	vst v23  }
0x106: {  	[tilespmem:s10+$0x8690] =	vst v24  }
0x107: {  	_ =	swait.ge [sflag:s6], $0x1000  }
0x108: {  	(v2sf) =	vpush v21, $0x5;
	_ =	sdelay $0xe  }
0x109: {  	s0 =	spop (v2sf)  }
0x10a: {  	s2 =	ssub.s32 s0, s15;
	s3 =	sadd.s32 $0xFFF0BE00, s0  }
0x10b: {  	p0 =	slt.s32 s2, $0x7F;
	p1 =	sgt.s32 s3, $0x0  }
0x10c: {  	s2 =	simm.s32 @!p0 $0x7F;
	s3 =	simm.s32 @!p1 $0x0  }
0x10d: {  	v50 =	vadd.s32 s2, v12;
	s3 =	smin.u32 s3, $0x3F  }
0x10e: {  	v51 =	vadd.s32 s2, v14;
	s3 =	sshll.u32 s3, $0x7  }
0x10f: {  	v52 =	vor.u32 s3, v0  }
0x110: {  	[sflag:s6] =	ssyncset.done $0x0;
	v53 =	vor.u32 s3, v3  }
0x111: {  	[sflag:s6] =	ssyncadd.s32 $0xFFFFF000  }
0x112: {  	v23 =	vld.idx.msk [tilespmem:v50+s31+$0x0], $0xffff  }
0x113: {  	v24 =	vld.idx.msk [tilespmem:v51+s31+$0x0], $0xffff  }
0x114: {  	v25 =	vld.idx.msk [tilespmem:v52+s22+$0x0], $0xffff  }
0x115: {  	v26 =	vld.idx.msk [tilespmem:v53+s22+$0x0], $0xffff;
	_ =	sdelay $0x2  }
0x116: {  	p4 =	sgt.s32 s0, $0xF41FF  }
0x117: {  	v23 =	vpsel p4, v25, v23  }
0x118: {  	v24 =	vpsel p4, v26, v24;
	[tilespmem:s10+$0x86A0] =	vst v23  }
0x119: {  	[tilespmem:s10+$0x86B0] =	vst v24  }
0x11a: {  	_ =	swait.ge [sflag:s6], $0x1000  }
0x11b: {  	(v2sf) =	vpush v21, $0x6;
	_ =	sdelay $0xe  }
0x11c: {  	s15 =	spop (v2sf)  }
0x11d: {  	s2 =	ssub.s32 s15, s13;
	s3 =	sadd.s32 $0xFFF0BE00, s15  }
0x11e: {  	p0 =	slt.s32 s2, $0x7F;
	p1 =	sgt.s32 s3, $0x0  }
0x11f: {  	s2 =	simm.s32 @!p0 $0x7F;
	s3 =	simm.s32 @!p1 $0x0  }
0x120: {  	v54 =	vadd.s32 s2, v15;
	s3 =	smin.u32 s3, $0x3F  }
0x121: {  	v55 =	vadd.s32 s2, v16;
	s13 =	sshll.u32 s3, $0x7  }
0x122: {  	v56 =	vor.u32 s13, v0  }
0x123: {  	[sflag:s6] =	ssyncset.done $0x0;
	v57 =	vor.u32 s13, v3  }
0x124: {  	[sflag:s6] =	ssyncadd.s32 $0xFFFFF000  }
0x125: {  	v23 =	vld.idx.msk [tilespmem:v54+s31+$0x0], $0xffff  }
0x126: {  	v24 =	vld.idx.msk [tilespmem:v55+s31+$0x0], $0xffff  }
0x127: {  	v25 =	vld.idx.msk [tilespmem:v56+s22+$0x0], $0xffff  }
0x128: {  	v26 =	vld.idx.msk [tilespmem:v57+s22+$0x0], $0xffff;
	_ =	sdelay $0x2  }
0x129: {  	p5 =	sgt.s32 s15, $0xF41FF  }
0x12a: {  	v23 =	vpsel p5, v25, v23  }
0x12b: {  	v24 =	vpsel p5, v26, v24;
	[tilespmem:s10+$0x86C0] =	vst v23  }
0x12c: {  	[tilespmem:s10+$0x86D0] =	vst v24  }
0x12d: {  	_ =	swait.ge [sflag:s6], $0x1000  }
0x12e: {  	(v2sf) =	vpush v21, $0x7;
	_ =	sdelay $0xe  }
0x12f: {  	s15 =	spop (v2sf)  }
0x130: {  	s2 =	ssub.s32 s15, s12;
	s3 =	sadd.s32 $0xFFF0BE00, s15  }
0x131: {  	(v2sf) =	vpush v22, $0xC;
	p0 =	slt.s32 s2, $0x7F;
	p1 =	sgt.s32 s3, $0x0  }
0x132: {  	s2 =	simm.s32 @!p0 $0x7F;
	s3 =	simm.s32 @!p1 $0x0  }
0x133: {  	v58 =	vadd.s32 s2, v17;
	s3 =	smin.u32 s3, $0x3F  }
0x134: {  	(v2sf) =	vpush v22, $0xD;
	v59 =	vadd.s32 s2, v18;
	s12 =	sshll.u32 s3, $0x7  }
0x135: {  	(v2sf) =	vpush v22, $0xE;
	v60 =	vor.u32 s12, v0  }
0x136: {  	[sflag:s6] =	ssyncset.done $0x0;
	v61 =	vor.u32 s12, v3  }
0x137: {  	[sflag:s6] =	ssyncadd.s32 $0xFFFFF000  }
0x138: {  	v23 =	vld.idx.msk [tilespmem:v58+s31+$0x0], $0xffff  }
0x139: {  	(v2sf) =	vpush v22, $0xF;
	v24 =	vld.idx.msk [tilespmem:v59+s31+$0x0], $0xffff  }
0x13a: {  	v25 =	vld.idx.msk [tilespmem:v60+s22+$0x0], $0xffff  }
0x13b: {  	v62 =	vld.idx.msk [tilespmem:v61+s22+$0x0], $0xffff;
	_ =	sdelay $0x2  }
0x13c: {  	p6 =	sgt.s32 s15, $0xF41FF  }
0x13d: {  	v23 =	vpsel p6, v25, v23  }
0x13e: {  	s3 =	spop (v2sf);
	v22 =	vpsel p6, v62, v24;
	[tilespmem:s10+$0x86E0] =	vst v23  }
0x13f: {  	s15 =	simm.s32 $0x4600;
	s13 =	sadd.s32 s1, s3;
	[tilespmem:s10+$0x86F0] =	vst v22  }
0x140: {  	[tilespmem:s15], [sflag:$0x2] =	stream.strided.gather [hbm4b:s13+s29], $0x1000, s30, s29, $0x38;
	[tilespmem:$0x1A800] =	vst v63  }
0x141: {  	s15 =	spop (v2sf)  }
0x142: {  	s28 =	simm.s32 $0x5600;
	s2 =	sadd.s32 s1, s15;
	s13 =	spop (v2sf)  }
0x143: {  	[tilespmem:s28], [sflag:$0x2] =	stream.strided.gather [hbm4b:s2+s29], $0x1000, s30, s29, $0x38;
	[tilespmem:$0x1A800] =	vst v63  }
0x144: {  	s12 =	sadd.s32 s1, s13  }
0x145: {  	[tilespmem:s4], [sflag:$0x2] =	stream.strided.gather [hbm4b:s12+s29], $0x1000, s30, s29, $0x38;
	[tilespmem:$0x1A800] =	vst v63  }
0x146: {  	s12 =	spop (v2sf)  }
0x147: {  	s2 =	sadd.s32 s1, s12  }
0x148: {  	[tilespmem:s24], [sflag:$0x2] =	stream.strided.gather [hbm4b:s2+s29], $0x1000, s30, s29, $0x38;
	[tilespmem:$0x1A800] =	vst v63  }
0x149: {  	_ =	swait.ge [sflag:s5], $0x1000  }
0x14a: {  	(v2sf) =	vpush v21, $0x8;
	_ =	sdelay $0xe  }
0x14b: {  	s4 =	spop (v2sf)  }
0x14c: {  	s2 =	ssub.s32 s4, s21;
	s21 =	sadd.s32 $0xFFF0BE00, s4  }
0x14d: {  	p0 =	slt.s32 s2, $0x7F;
	p1 =	sgt.s32 s21, $0x0  }
0x14e: {  	s2 =	simm.s32 @!p0 $0x7F;
	s21 =	simm.s32 @!p1 $0x0  }
0x14f: {  	v63 =	vadd.s32 s2, v1;
	s21 =	smin.u32 s21, $0x3F  }
0x150: {  	v28 =	vadd.s32 s2, v2;
	s21 =	sshll.u32 s21, $0x7  }
0x151: {  	v29 =	vor.u32 s21, v0  }
0x152: {  	[sflag:s5] =	ssyncset.done $0x0;
	v30 =	vor.u32 s21, v3  }
0x153: {  	[sflag:s5] =	ssyncadd.s32 $0xFFFFF000  }
0x154: {  	v22 =	vld.idx.msk [tilespmem:v63+s31+$0x0], $0xffff  }
0x155: {  	v23 =	vld.idx.msk [tilespmem:v28+s31+$0x0], $0xffff  }
0x156: {  	v24 =	vld.idx.msk [tilespmem:v29+s22+$0x0], $0xffff  }
0x157: {  	v25 =	vld.idx.msk [tilespmem:v30+s22+$0x0], $0xffff;
	_ =	sdelay $0x2  }
0x158: {  	p1 =	sgt.s32 s4, $0xF41FF  }
0x159: {  	v22 =	vpsel p1, v24, v22  }
0x15a: {  	v23 =	vpsel p1, v25, v23;
	[tilespmem:s10+$0x8700] =	vst v22  }
0x15b: {  	[tilespmem:s10+$0x8710] =	vst v23  }
0x15c: {  	_ =	swait.ge [sflag:s5], $0x1000  }
0x15d: {  	(v2sf) =	vpush v21, $0x9;
	_ =	sdelay $0xe  }
0x15e: {  	s4 =	spop (v2sf)  }
0x15f: {  	s2 =	ssub.s32 s4, s8;
	s8 =	sadd.s32 $0xFFF0BE00, s4  }
0x160: {  	p0 =	slt.s32 s2, $0x7F;
	p1 =	sgt.s32 s8, $0x0  }
0x161: {  	s2 =	simm.s32 @!p0 $0x7F;
	s8 =	simm.s32 @!p1 $0x0  }
0x162: {  	v31 =	vadd.s32 s2, v4;
	s8 =	smin.u32 s8, $0x3F  }
0x163: {  	v32 =	vadd.s32 s2, v5;
	s21 =	sshll.u32 s8, $0x7  }
0x164: {  	v33 =	vor.u32 s21, v0  }
0x165: {  	[sflag:s5] =	ssyncset.done $0x0;
	v34 =	vor.u32 s21, v3  }
0x166: {  	[sflag:s5] =	ssyncadd.s32 $0xFFFFF000  }
0x167: {  	v22 =	vld.idx.msk [tilespmem:v31+s31+$0x0], $0xffff  }
0x168: {  	v23 =	vld.idx.msk [tilespmem:v32+s31+$0x0], $0xffff  }
0x169: {  	v24 =	vld.idx.msk [tilespmem:v33+s22+$0x0], $0xffff  }
0x16a: {  	v25 =	vld.idx.msk [tilespmem:v34+s22+$0x0], $0xffff;
	_ =	sdelay $0x2  }
0x16b: {  	p2 =	sgt.s32 s4, $0xF41FF  }
0x16c: {  	v22 =	vpsel p2, v24, v22  }
0x16d: {  	v23 =	vpsel p2, v25, v23;
	[tilespmem:s10+$0x8720] =	vst v22  }
0x16e: {  	[tilespmem:s10+$0x8730] =	vst v23  }
0x16f: {  	_ =	swait.ge [sflag:s5], $0x1000  }
0x170: {  	(v2sf) =	vpush v21, $0xA;
	_ =	sdelay $0xe  }
0x171: {  	s4 =	spop (v2sf)  }
0x172: {  	s2 =	ssub.s32 s4, s14;
	s8 =	sadd.s32 $0xFFF0BE00, s4  }
0x173: {  	p0 =	slt.s32 s2, $0x7F;
	p1 =	sgt.s32 s8, $0x0  }
0x174: {  	s2 =	simm.s32 @!p0 $0x7F;
	s8 =	simm.s32 @!p1 $0x0  }
0x175: {  	v35 =	vadd.s32 s2, v6;
	s8 =	smin.u32 s8, $0x3F  }
0x176: {  	v36 =	vadd.s32 s2, v7;
	s21 =	sshll.u32 s8, $0x7  }
0x177: {  	v37 =	vor.u32 s21, v0  }
0x178: {  	[sflag:s5] =	ssyncset.done $0x0;
	v38 =	vor.u32 s21, v3  }
0x179: {  	[sflag:s5] =	ssyncadd.s32 $0xFFFFF000  }
0x17a: {  	v22 =	vld.idx.msk [tilespmem:v35+s31+$0x0], $0xffff  }
0x17b: {  	v23 =	vld.idx.msk [tilespmem:v36+s31+$0x0], $0xffff  }
0x17c: {  	v24 =	vld.idx.msk [tilespmem:v37+s22+$0x0], $0xffff  }
0x17d: {  	v25 =	vld.idx.msk [tilespmem:v38+s22+$0x0], $0xffff;
	_ =	sdelay $0x2  }
0x17e: {  	p3 =	sgt.s32 s4, $0xF41FF  }
0x17f: {  	v22 =	vpsel p3, v24, v22  }
0x180: {  	v23 =	vpsel p3, v25, v23;
	[tilespmem:s10+$0x8740] =	vst v22  }
0x181: {  	[tilespmem:s10+$0x8750] =	vst v23  }
0x182: {  	_ =	swait.ge [sflag:s5], $0x1000  }
0x183: {  	(v2sf) =	vpush v21, $0xB;
	_ =	sdelay $0xd  }
0x184: {  	v39 =	vand.u32 $0xFFFFFF80, v20  }
0x185: {  	vm15 =	vlt.s32 v39, $0xF4180;
	s4 =	spop (v2sf)  }
0x186: {  	v22 =	vnsel vm15, $0xF4180, v39;
	s2 =	ssub.s32 s4, s11;
	s8 =	sadd.s32 $0xFFF0BE00, s4  }
0x187: {  	(v2sf) =	vpush v22, $0x0;
	p0 =	slt.s32 s2, $0x7F;
	p1 =	sgt.s32 s8, $0x0  }
0x188: {  	(v2sf) =	vpush v22, $0x1;
	s2 =	simm.s32 @!p0 $0x7F;
	s8 =	simm.s32 @!p1 $0x0  }
0x189: {  	v40 =	vadd.s32 s2, v8;
	s8 =	smin.u32 s8, $0x3F  }
0x18a: {  	(v2sf) =	vpush v22, $0x2;
	v41 =	vadd.s32 s2, v9;
	s11 =	sshll.u32 s8, $0x7  }
0x18b: {  	v42 =	vor.u32 s11, v0  }
0x18c: {  	[sflag:s5] =	ssyncset.done $0x0;
	v43 =	vor.u32 s11, v3  }
0x18d: {  	[sflag:s5] =	ssyncadd.s32 $0xFFFFF000  }
0x18e: {  	(v2sf) =	vpush v22, $0x3;
	v23 =	vld.idx.msk [tilespmem:v40+s31+$0x0], $0xffff  }
0x18f: {  	v24 =	vld.idx.msk [tilespmem:v41+s31+$0x0], $0xffff  }
0x190: {  	v25 =	vld.idx.msk [tilespmem:v42+s22+$0x0], $0xffff  }
0x191: {  	v26 =	vld.idx.msk [tilespmem:v43+s22+$0x0], $0xffff;
	_ =	sdelay $0x2  }
0x192: {  	p4 =	sgt.s32 s4, $0xF41FF  }
0x193: {  	v23 =	vpsel p4, v25, v23  }
0x194: {  	s21 =	spop (v2sf);
	v24 =	vpsel p4, v26, v24;
	[tilespmem:s10+$0x8760] =	vst v23  }
0x195: {  	s14 =	sadd.s32 s1, s21;
	s8 =	spop (v2sf);
	[tilespmem:s10+$0x8770] =	vst v24  }
0x196: {  	[tilespmem:s31], [sflag:$0x1] =	stream.strided.gather [hbm4b:s14+s29], $0x1000, s30, s29, $0x38;
	[tilespmem:$0x1A800] =	vst v63  }
0x197: {  	s4 =	simm.s32 $0x1600;
	s2 =	sadd.s32 s1, s8;
	s14 =	spop (v2sf)  }
0x198: {  	[tilespmem:s4], [sflag:$0x1] =	stream.strided.gather [hbm4b:s2+s29], $0x1000, s30, s29, $0x38;
	[tilespmem:$0x1A800] =	vst v63  }
0x199: {  	s11 =	sadd.s32 s1, s14  }
0x19a: {  	[tilespmem:s25], [sflag:$0x1] =	stream.strided.gather [hbm4b:s11+s29], $0x1000, s30, s29, $0x38;
	[tilespmem:$0x1A800] =	vst v63  }
0x19b: {  	s11 =	spop (v2sf)  }
0x19c: {  	s2 =	sadd.s32 s1, s11  }
0x19d: {  	[tilespmem:s26], [sflag:$0x1] =	stream.strided.gather [hbm4b:s2+s29], $0x1000, s30, s29, $0x38;
	[tilespmem:$0x1A800] =	vst v63  }
0x19e: {  	_ =	swait.ge [sflag:s6], $0x1000  }
0x19f: {  	(v2sf) =	vpush v21, $0xC;
	_ =	sdelay $0xe  }
0x1a0: {  	s4 =	spop (v2sf)  }
0x1a1: {  	s2 =	ssub.s32 s4, s3;
	s3 =	sadd.s32 $0xFFF0BE00, s4  }
0x1a2: {  	p0 =	slt.s32 s2, $0x7F;
	p1 =	sgt.s32 s3, $0x0  }
0x1a3: {  	s2 =	simm.s32 @!p0 $0x7F;
	s3 =	simm.s32 @!p1 $0x0  }
0x1a4: {  	v44 =	vadd.s32 s2, v10;
	s3 =	smin.u32 s3, $0x3F  }
0x1a5: {  	v45 =	vadd.s32 s2, v11;
	s3 =	sshll.u32 s3, $0x7  }
0x1a6: {  	v46 =	vor.u32 s3, v0  }
0x1a7: {  	[sflag:s6] =	ssyncset.done $0x0;
	v47 =	vor.u32 s3, v3  }
0x1a8: {  	[sflag:s6] =	ssyncadd.s32 $0xFFFFF000  }
0x1a9: {  	v23 =	vld.idx.msk [tilespmem:v44+s31+$0x0], $0xffff  }
0x1aa: {  	v24 =	vld.idx.msk [tilespmem:v45+s31+$0x0], $0xffff  }
0x1ab: {  	v25 =	vld.idx.msk [tilespmem:v46+s22+$0x0], $0xffff  }
0x1ac: {  	v26 =	vld.idx.msk [tilespmem:v47+s22+$0x0], $0xffff;
	_ =	sdelay $0x2  }
0x1ad: {  	p5 =	sgt.s32 s4, $0xF41FF  }
0x1ae: {  	v23 =	vpsel p5, v25, v23  }
0x1af: {  	v24 =	vpsel p5, v26, v24;
	[tilespmem:s10+$0x8780] =	vst v23  }
0x1b0: {  	[tilespmem:s10+$0x8790] =	vst v24  }
0x1b1: {  	_ =	swait.ge [sflag:s6], $0x1000  }
0x1b2: {  	(v2sf) =	vpush v21, $0xD;
	_ =	sdelay $0xe  }
0x1b3: {  	s0 =	spop (v2sf)  }
0x1b4: {  	s2 =	ssub.s32 s0, s15;
	s3 =	sadd.s32 $0xFFF0BE00, s0  }
0x1b5: {  	p0 =	slt.s32 s2, $0x7F;
	p1 =	sgt.s32 s3, $0x0  }
0x1b6: {  	s2 =	simm.s32 @!p0 $0x7F;
	s3 =	simm.s32 @!p1 $0x0  }
0x1b7: {  	v48 =	vadd.s32 s2, v12;
	s3 =	smin.u32 s3, $0x3F  }
0x1b8: {  	v49 =	vadd.s32 s2, v14;
	s4 =	sshll.u32 s3, $0x7  }
0x1b9: {  	v50 =	vor.u32 s4, v0  }
0x1ba: {  	[sflag:s6] =	ssyncset.done $0x0;
	v51 =	vor.u32 s4, v3  }
0x1bb: {  	[sflag:s6] =	ssyncadd.s32 $0xFFFFF000  }
0x1bc: {  	v23 =	vld.idx.msk [tilespmem:v48+s31+$0x0], $0xffff  }
0x1bd: {  	v24 =	vld.idx.msk [tilespmem:v49+s31+$0x0], $0xffff  }
0x1be: {  	v25 =	vld.idx.msk [tilespmem:v50+s22+$0x0], $0xffff  }
0x1bf: {  	v26 =	vld.idx.msk [tilespmem:v51+s22+$0x0], $0xffff;
	_ =	sdelay $0x2  }
0x1c0: {  	p6 =	sgt.s32 s0, $0xF41FF  }
0x1c1: {  	v23 =	vpsel p6, v25, v23  }
0x1c2: {  	v24 =	vpsel p6, v26, v24;
	[tilespmem:s10+$0x87A0] =	vst v23  }
0x1c3: {  	[tilespmem:s10+$0x87B0] =	vst v24  }
0x1c4: {  	_ =	swait.ge [sflag:s6], $0x1000  }
0x1c5: {  	(v2sf) =	vpush v21, $0xE;
	_ =	sdelay $0xe  }
0x1c6: {  	s15 =	spop (v2sf)  }
0x1c7: {  	s2 =	ssub.s32 s15, s13;
	s3 =	sadd.s32 $0xFFF0BE00, s15  }
0x1c8: {  	p0 =	slt.s32 s2, $0x7F;
	p1 =	sgt.s32 s3, $0x0  }
0x1c9: {  	s2 =	simm.s32 @!p0 $0x7F;
	s3 =	simm.s32 @!p1 $0x0  }
0x1ca: {  	v52 =	vadd.s32 s2, v15;
	s3 =	smin.u32 s3, $0x3F  }
0x1cb: {  	v53 =	vadd.s32 s2, v16;
	s3 =	sshll.u32 s3, $0x7  }
0x1cc: {  	v54 =	vor.u32 s3, v0  }
0x1cd: {  	[sflag:s6] =	ssyncset.done $0x0;
	v55 =	vor.u32 s3, v3  }
0x1ce: {  	[sflag:s6] =	ssyncadd.s32 $0xFFFFF000  }
0x1cf: {  	v23 =	vld.idx.msk [tilespmem:v52+s31+$0x0], $0xffff  }
0x1d0: {  	v24 =	vld.idx.msk [tilespmem:v53+s31+$0x0], $0xffff  }
0x1d1: {  	v25 =	vld.idx.msk [tilespmem:v54+s22+$0x0], $0xffff  }
0x1d2: {  	v26 =	vld.idx.msk [tilespmem:v55+s22+$0x0], $0xffff;
	_ =	sdelay $0x2  }
0x1d3: {  	p1 =	sgt.s32 s15, $0xF41FF  }
0x1d4: {  	v23 =	vpsel p1, v25, v23  }
0x1d5: {  	v24 =	vpsel p1, v26, v24;
	[tilespmem:s10+$0x87C0] =	vst v23  }
0x1d6: {  	[tilespmem:s10+$0x87D0] =	vst v24  }
0x1d7: {  	_ =	swait.ge [sflag:s6], $0x1000  }
0x1d8: {  	(v2sf) =	vpush v21, $0xF;
	_ =	sdelay $0xe  }
0x1d9: {  	s4 =	spop (v2sf)  }
0x1da: {  	s2 =	ssub.s32 s4, s12;
	s3 =	sadd.s32 $0xFFF0BE00, s4  }
0x1db: {  	(v2sf) =	vpush v22, $0x4;
	p0 =	slt.s32 s2, $0x7F;
	p1 =	sgt.s32 s3, $0x0  }
0x1dc: {  	s2 =	simm.s32 @!p0 $0x7F;
	s3 =	simm.s32 @!p1 $0x0  }
0x1dd: {  	v56 =	vadd.s32 s2, v17;
	s3 =	smin.u32 s3, $0x3F  }
0x1de: {  	(v2sf) =	vpush v22, $0x5;
	v57 =	vadd.s32 s2, v18;
	s12 =	sshll.u32 s3, $0x7  }
0x1df: {  	(v2sf) =	vpush v22, $0x6;
	v58 =	vor.u32 s12, v0  }
0x1e0: {  	[sflag:s6] =	ssyncset.done $0x0;
	v59 =	vor.u32 s12, v3  }
0x1e1: {  	[sflag:s6] =	ssyncadd.s32 $0xFFFFF000  }
0x1e2: {  	v21 =	vld.idx.msk [tilespmem:v56+s31+$0x0], $0xffff  }
0x1e3: {  	(v2sf) =	vpush v22, $0x7;
	v23 =	vld.idx.msk [tilespmem:v57+s31+$0x0], $0xffff  }
0x1e4: {  	v24 =	vld.idx.msk [tilespmem:v58+s22+$0x0], $0xffff  }
0x1e5: {  	v25 =	vld.idx.msk [tilespmem:v59+s22+$0x0], $0xffff;
	_ =	sdelay $0x2  }
0x1e6: {  	p2 =	sgt.s32 s4, $0xF41FF  }
0x1e7: {  	v21 =	vpsel p2, v24, v21  }
0x1e8: {  	s3 =	spop (v2sf);
	v23 =	vpsel p2, v25, v23;
	[tilespmem:s10+$0x87E0] =	vst v21  }
0x1e9: {  	s15 =	simm.s32 $0x4600;
	s13 =	sadd.s32 s1, s3;
	[tilespmem:s10+$0x87F0] =	vst v23  }
0x1ea: {  	[tilespmem:s15], [sflag:$0x2] =	stream.strided.gather [hbm4b:s13+s29], $0x1000, s30, s29, $0x38;
	[tilespmem:$0x1A800] =	vst v63  }
0x1eb: {  	s15 =	spop (v2sf)  }
0x1ec: {  	s4 =	sadd.s32 s1, s15;
	s13 =	spop (v2sf)  }
0x1ed: {  	[tilespmem:s28], [sflag:$0x2] =	stream.strided.gather [hbm4b:s4+s29], $0x1000, s30, s29, $0x38;
	[tilespmem:$0x1A800] =	vst v63  }
0x1ee: {  	s4 =	simm.s32 $0x6600;
	s12 =	sadd.s32 s1, s13  }
0x1ef: {  	[tilespmem:s4], [sflag:$0x2] =	stream.strided.gather [hbm4b:s12+s29], $0x1000, s30, s29, $0x38;
	[tilespmem:$0x1A800] =	vst v63  }
0x1f0: {  	s12 =	spop (v2sf)  }
0x1f1: {  	s2 =	sadd.s32 s1, s12  }
0x1f2: {  	[tilespmem:s24], [sflag:$0x2] =	stream.strided.gather [hbm4b:s2+s29], $0x1000, s30, s29, $0x38;
	[tilespmem:$0x1A800] =	vst v63  }
0x1f3: {  	_ =	swait.ge [sflag:s5], $0x1000  }
0x1f4: {  	(v2sf) =	vpush v20, $0x0;
	_ =	sdelay $0xe  }
0x1f5: {  	s0 =	spop (v2sf)  }
0x1f6: {  	s2 =	ssub.s32 s0, s21;
	s21 =	sadd.s32 $0xFFF0BE00, s0  }
0x1f7: {  	p0 =	slt.s32 s2, $0x7F;
	p1 =	sgt.s32 s21, $0x0  }
0x1f8: {  	s2 =	simm.s32 @!p0 $0x7F;
	s21 =	simm.s32 @!p1 $0x0  }
0x1f9: {  	v60 =	vadd.s32 s2, v1;
	s21 =	smin.u32 s21, $0x3F  }
0x1fa: {  	v61 =	vadd.s32 s2, v2;
	s21 =	sshll.u32 s21, $0x7  }
0x1fb: {  	v62 =	vor.u32 s21, v0  }
0x1fc: {  	[sflag:s5] =	ssyncset.done $0x0;
	v63 =	vor.u32 s21, v3  }
0x1fd: {  	[sflag:s5] =	ssyncadd.s32 $0xFFFFF000  }
0x1fe: {  	v21 =	vld.idx.msk [tilespmem:v60+s31+$0x0], $0xffff  }
0x1ff: {  	v23 =	vld.idx.msk [tilespmem:v61+s31+$0x0], $0xffff  }
0x200: {  	v24 =	vld.idx.msk [tilespmem:v62+s22+$0x0], $0xffff  }
0x201: {  	v25 =	vld.idx.msk [tilespmem:v63+s22+$0x0], $0xffff;
	_ =	sdelay $0x2  }
0x202: {  	p3 =	sgt.s32 s0, $0xF41FF  }
0x203: {  	v21 =	vpsel p3, v24, v21  }
0x204: {  	v23 =	vpsel p3, v25, v23;
	[tilespmem:s10+$0xC600] =	vst v21  }
0x205: {  	[tilespmem:s10+$0xC610] =	vst v23  }
0x206: {  	_ =	swait.ge [sflag:s5], $0x1000  }
0x207: {  	(v2sf) =	vpush v20, $0x1;
	_ =	sdelay $0xe  }
0x208: {  	s21 =	spop (v2sf)  }
0x209: {  	s2 =	ssub.s32 s21, s8;
	s8 =	sadd.s32 $0xFFF0BE00, s21  }
0x20a: {  	p0 =	slt.s32 s2, $0x7F;
	p1 =	sgt.s32 s8, $0x0  }
0x20b: {  	s2 =	simm.s32 @!p0 $0x7F;
	s8 =	simm.s32 @!p1 $0x0  }
0x20c: {  	v28 =	vadd.s32 s2, v4;
	s8 =	smin.u32 s8, $0x3F  }
0x20d: {  	v29 =	vadd.s32 s2, v5;
	s8 =	sshll.u32 s8, $0x7  }
0x20e: {  	v30 =	vor.u32 s8, v0  }
0x20f: {  	[sflag:s5] =	ssyncset.done $0x0;
	v31 =	vor.u32 s8, v3  }
0x210: {  	[sflag:s5] =	ssyncadd.s32 $0xFFFFF000  }
0x211: {  	v21 =	vld.idx.msk [tilespmem:v28+s31+$0x0], $0xffff  }
0x212: {  	v23 =	vld.idx.msk [tilespmem:v29+s31+$0x0], $0xffff  }
0x213: {  	v24 =	vld.idx.msk [tilespmem:v30+s22+$0x0], $0xffff  }
0x214: {  	v25 =	vld.idx.msk [tilespmem:v31+s22+$0x0], $0xffff;
	_ =	sdelay $0x2  }
0x215: {  	p4 =	sgt.s32 s21, $0xF41FF  }
0x216: {  	v21 =	vpsel p4, v24, v21  }
0x217: {  	v23 =	vpsel p4, v25, v23;
	[tilespmem:s10+$0xC620] =	vst v21  }
0x218: {  	[tilespmem:s10+$0xC630] =	vst v23  }
0x219: {  	_ =	swait.ge [sflag:s5], $0x1000  }
0x21a: {  	(v2sf) =	vpush v20, $0x2;
	_ =	sdelay $0xe  }
0x21b: {  	s21 =	spop (v2sf)  }
0x21c: {  	s2 =	ssub.s32 s21, s14;
	s8 =	sadd.s32 $0xFFF0BE00, s21  }
0x21d: {  	p0 =	slt.s32 s2, $0x7F;
	p1 =	sgt.s32 s8, $0x0  }
0x21e: {  	s2 =	simm.s32 @!p0 $0x7F;
	s8 =	simm.s32 @!p1 $0x0  }
0x21f: {  	v32 =	vadd.s32 s2, v6;
	s8 =	smin.u32 s8, $0x3F  }
0x220: {  	v33 =	vadd.s32 s2, v7;
	s8 =	sshll.u32 s8, $0x7  }
0x221: {  	v34 =	vor.u32 s8, v0  }
0x222: {  	[sflag:s5] =	ssyncset.done $0x0;
	v35 =	vor.u32 s8, v3  }
0x223: {  	[sflag:s5] =	ssyncadd.s32 $0xFFFFF000  }
0x224: {  	v21 =	vld.idx.msk [tilespmem:v32+s31+$0x0], $0xffff  }
0x225: {  	v23 =	vld.idx.msk [tilespmem:v33+s31+$0x0], $0xffff  }
0x226: {  	v24 =	vld.idx.msk [tilespmem:v34+s22+$0x0], $0xffff  }
0x227: {  	v25 =	vld.idx.msk [tilespmem:v35+s22+$0x0], $0xffff;
	_ =	sdelay $0x2  }
0x228: {  	p5 =	sgt.s32 s21, $0xF41FF  }
0x229: {  	v21 =	vpsel p5, v24, v21  }
0x22a: {  	v23 =	vpsel p5, v25, v23;
	[tilespmem:s10+$0xC640] =	vst v21  }
0x22b: {  	[tilespmem:s10+$0xC650] =	vst v23  }
0x22c: {  	_ =	swait.ge [sflag:s5], $0x1000  }
0x22d: {  	(v2sf) =	vpush v20, $0x3;
	_ =	sdelay $0xe  }
0x22e: {  	s14 =	spop (v2sf)  }
0x22f: {  	s2 =	ssub.s32 s14, s11;
	s8 =	sadd.s32 $0xFFF0BE00, s14  }
0x230: {  	(v2sf) =	vpush v22, $0x8;
	p0 =	slt.s32 s2, $0x7F;
	p1 =	sgt.s32 s8, $0x0  }
0x231: {  	s2 =	simm.s32 @!p0 $0x7F;
	s8 =	simm.s32 @!p1 $0x0  }
0x232: {  	v36 =	vadd.s32 s2, v8;
	s8 =	smin.u32 s8, $0x3F  }
0x233: {  	(v2sf) =	vpush v22, $0x9;
	v37 =	vadd.s32 s2, v9;
	s21 =	sshll.u32 s8, $0x7  }
0x234: {  	v38 =	vor.u32 s21, v0  }
0x235: {  	[sflag:s5] =	ssyncset.done $0x0;
	v39 =	vor.u32 s21, v3  }
0x236: {  	[sflag:s5] =	ssyncadd.s32 $0xFFFFF000;
	(v2sf) =	vpush v22, $0xA  }
0x237: {  	v21 =	vld.idx.msk [tilespmem:v36+s31+$0x0], $0xffff  }
0x238: {  	v23 =	vld.idx.msk [tilespmem:v37+s31+$0x0], $0xffff  }
0x239: {  	(v2sf) =	vpush v22, $0xB;
	v24 =	vld.idx.msk [tilespmem:v38+s22+$0x0], $0xffff  }
0x23a: {  	v25 =	vld.idx.msk [tilespmem:v39+s22+$0x0], $0xffff;
	_ =	sdelay $0x2  }
0x23b: {  	p6 =	sgt.s32 s14, $0xF41FF  }
0x23c: {  	v21 =	vpsel p6, v24, v21  }
0x23d: {  	s21 =	spop (v2sf);
	v23 =	vpsel p6, v25, v23;
	[tilespmem:s10+$0xC660] =	vst v21  }
0x23e: {  	s8 =	sadd.s32 s1, s21;
	[tilespmem:s10+$0xC670] =	vst v23  }
0x23f: {  	[tilespmem:s31], [sflag:$0x1] =	stream.strided.gather [hbm4b:s8+s29], $0x1000, s30, s29, $0x38;
	[tilespmem:$0x1A800] =	vst v63  }
0x240: {  	s8 =	spop (v2sf)  }
0x241: {  	s14 =	simm.s32 $0x1600;
	s11 =	sadd.s32 s1, s8  }
0x242: {  	[tilespmem:s14], [sflag:$0x1] =	stream.strided.gather [hbm4b:s11+s29], $0x1000, s30, s29, $0x38;
	[tilespmem:$0x1A800] =	vst v63  }
0x243: {  	s14 =	spop (v2sf)  }
0x244: {  	s11 =	sadd.s32 s1, s14  }
0x245: {  	[tilespmem:s25], [sflag:$0x1] =	stream.strided.gather [hbm4b:s11+s29], $0x1000, s30, s29, $0x38;
	[tilespmem:$0x1A800] =	vst v63  }
0x246: {  	s11 =	spop (v2sf)  }
0x247: {  	s25 =	simm.s32 $0x3600;
	s2 =	sadd.s32 s1, s11  }
0x248: {  	[tilespmem:s25], [sflag:$0x1] =	stream.strided.gather [hbm4b:s2+s29], $0x1000, s30, s29, $0x38;
	[tilespmem:$0x1A800] =	vst v63  }
0x249: {  	_ =	swait.ge [sflag:s6], $0x1000  }
0x24a: {  	(v2sf) =	vpush v20, $0x4;
	_ =	sdelay $0xe  }
0x24b: {  	s0 =	spop (v2sf)  }
0x24c: {  	s2 =	ssub.s32 s0, s3;
	s3 =	sadd.s32 $0xFFF0BE00, s0  }
0x24d: {  	p0 =	slt.s32 s2, $0x7F;
	p1 =	sgt.s32 s3, $0x0  }
0x24e: {  	s2 =	simm.s32 @!p0 $0x7F;
	s3 =	simm.s32 @!p1 $0x0  }
0x24f: {  	v40 =	vadd.s32 s2, v10;
	s3 =	smin.u32 s3, $0x3F  }
0x250: {  	v41 =	vadd.s32 s2, v11;
	s3 =	sshll.u32 s3, $0x7  }
0x251: {  	v42 =	vor.u32 s3, v0  }
0x252: {  	[sflag:s6] =	ssyncset.done $0x0;
	v43 =	vor.u32 s3, v3  }
0x253: {  	[sflag:s6] =	ssyncadd.s32 $0xFFFFF000  }
0x254: {  	v21 =	vld.idx.msk [tilespmem:v40+s31+$0x0], $0xffff  }
0x255: {  	v23 =	vld.idx.msk [tilespmem:v41+s31+$0x0], $0xffff  }
0x256: {  	v24 =	vld.idx.msk [tilespmem:v42+s22+$0x0], $0xffff  }
0x257: {  	v25 =	vld.idx.msk [tilespmem:v43+s22+$0x0], $0xffff;
	_ =	sdelay $0x2  }
0x258: {  	p1 =	sgt.s32 s0, $0xF41FF  }
0x259: {  	v21 =	vpsel p1, v24, v21  }
0x25a: {  	v23 =	vpsel p1, v25, v23;
	[tilespmem:s10+$0xC680] =	vst v21  }
0x25b: {  	[tilespmem:s10+$0xC690] =	vst v23  }
0x25c: {  	_ =	swait.ge [sflag:s6], $0x1000  }
0x25d: {  	(v2sf) =	vpush v20, $0x5;
	_ =	sdelay $0xe  }
0x25e: {  	s0 =	spop (v2sf)  }
0x25f: {  	s2 =	ssub.s32 s0, s15;
	s3 =	sadd.s32 $0xFFF0BE00, s0  }
0x260: {  	p0 =	slt.s32 s2, $0x7F;
	p1 =	sgt.s32 s3, $0x0  }
0x261: {  	s2 =	simm.s32 @!p0 $0x7F;
	s3 =	simm.s32 @!p1 $0x0  }
0x262: {  	v44 =	vadd.s32 s2, v12;
	s3 =	smin.u32 s3, $0x3F  }
0x263: {  	v45 =	vadd.s32 s2, v14;
	s3 =	sshll.u32 s3, $0x7  }
0x264: {  	v46 =	vor.u32 s3, v0  }
0x265: {  	[sflag:s6] =	ssyncset.done $0x0;
	v47 =	vor.u32 s3, v3  }
0x266: {  	[sflag:s6] =	ssyncadd.s32 $0xFFFFF000  }
0x267: {  	v21 =	vld.idx.msk [tilespmem:v44+s31+$0x0], $0xffff  }
0x268: {  	v23 =	vld.idx.msk [tilespmem:v45+s31+$0x0], $0xffff  }
0x269: {  	v24 =	vld.idx.msk [tilespmem:v46+s22+$0x0], $0xffff  }
0x26a: {  	v25 =	vld.idx.msk [tilespmem:v47+s22+$0x0], $0xffff;
	_ =	sdelay $0x2  }
0x26b: {  	p2 =	sgt.s32 s0, $0xF41FF  }
0x26c: {  	v21 =	vpsel p2, v24, v21  }
0x26d: {  	v23 =	vpsel p2, v25, v23;
	[tilespmem:s10+$0xC6A0] =	vst v21  }
0x26e: {  	[tilespmem:s10+$0xC6B0] =	vst v23  }
0x26f: {  	_ =	swait.ge [sflag:s6], $0x1000  }
0x270: {  	(v2sf) =	vpush v20, $0x6;
	_ =	sdelay $0xe  }
0x271: {  	s15 =	spop (v2sf)  }
0x272: {  	s2 =	ssub.s32 s15, s13;
	s3 =	sadd.s32 $0xFFF0BE00, s15  }
0x273: {  	p0 =	slt.s32 s2, $0x7F;
	p1 =	sgt.s32 s3, $0x0  }
0x274: {  	s2 =	simm.s32 @!p0 $0x7F;
	s3 =	simm.s32 @!p1 $0x0  }
0x275: {  	v48 =	vadd.s32 s2, v15;
	s3 =	smin.u32 s3, $0x3F  }
0x276: {  	v49 =	vadd.s32 s2, v16;
	s13 =	sshll.u32 s3, $0x7  }
0x277: {  	v50 =	vor.u32 s13, v0  }
0x278: {  	[sflag:s6] =	ssyncset.done $0x0;
	v51 =	vor.u32 s13, v3  }
0x279: {  	[sflag:s6] =	ssyncadd.s32 $0xFFFFF000  }
0x27a: {  	v21 =	vld.idx.msk [tilespmem:v48+s31+$0x0], $0xffff  }
0x27b: {  	v23 =	vld.idx.msk [tilespmem:v49+s31+$0x0], $0xffff  }
0x27c: {  	v24 =	vld.idx.msk [tilespmem:v50+s22+$0x0], $0xffff  }
0x27d: {  	v25 =	vld.idx.msk [tilespmem:v51+s22+$0x0], $0xffff;
	_ =	sdelay $0x2  }
0x27e: {  	p3 =	sgt.s32 s15, $0xF41FF  }
0x27f: {  	v21 =	vpsel p3, v24, v21  }
0x280: {  	v23 =	vpsel p3, v25, v23;
	[tilespmem:s10+$0xC6C0] =	vst v21  }
0x281: {  	[tilespmem:s10+$0xC6D0] =	vst v23  }
0x282: {  	_ =	swait.ge [sflag:s6], $0x1000  }
0x283: {  	(v2sf) =	vpush v20, $0x7;
	_ =	sdelay $0xe  }
0x284: {  	s15 =	spop (v2sf)  }
0x285: {  	s2 =	ssub.s32 s15, s12;
	s3 =	sadd.s32 $0xFFF0BE00, s15  }
0x286: {  	(v2sf) =	vpush v22, $0xC;
	p0 =	slt.s32 s2, $0x7F;
	p1 =	sgt.s32 s3, $0x0  }
0x287: {  	(v2sf) =	vpush v22, $0xD;
	s2 =	simm.s32 @!p0 $0x7F;
	s3 =	simm.s32 @!p1 $0x0  }
0x288: {  	v52 =	vadd.s32 s2, v17;
	s3 =	smin.u32 s3, $0x3F  }
0x289: {  	(v2sf) =	vpush v22, $0xE;
	v53 =	vadd.s32 s2, v18;
	s3 =	sshll.u32 s3, $0x7  }
0x28a: {  	v54 =	vor.u32 s3, v0  }
0x28b: {  	[sflag:s6] =	ssyncset.done $0x0;
	v55 =	vor.u32 s3, v3  }
0x28c: {  	[sflag:s6] =	ssyncadd.s32 $0xFFFFF000  }
0x28d: {  	(v2sf) =	vpush v22, $0xF;
	v21 =	vld.idx.msk [tilespmem:v52+s31+$0x0], $0xffff  }
0x28e: {  	v56 =	vld.idx.msk [tilespmem:v53+s31+$0x0], $0xffff  }
0x28f: {  	v57 =	vld.idx.msk [tilespmem:v54+s22+$0x0], $0xffff  }
0x290: {  	v58 =	vld.idx.msk [tilespmem:v55+s22+$0x0], $0xffff;
	_ =	sdelay $0x2  }
0x291: {  	p4 =	sgt.s32 s15, $0xF41FF  }
0x292: {  	v21 =	vpsel p4, v57, v21  }
0x293: {  	s3 =	spop (v2sf);
	v22 =	vpsel p4, v58, v56;
	[tilespmem:s10+$0xC6E0] =	vst v21  }
0x294: {  	s13 =	simm.s32 $0x4600;
	s15 =	spop (v2sf);
	s12 =	sadd.s32 s1, s3;
	[tilespmem:s10+$0xC6F0] =	vst v22  }
0x295: {  	[tilespmem:s13], [sflag:$0x2] =	stream.strided.gather [hbm4b:s12+s29], $0x1000, s30, s29, $0x38;
	[tilespmem:$0x1A800] =	vst v63  }
0x296: {  	s28 =	simm.s32 $0x5600;
	s2 =	sadd.s32 s1, s15;
	s13 =	spop (v2sf)  }
0x297: {  	[tilespmem:s28], [sflag:$0x2] =	stream.strided.gather [hbm4b:s2+s29], $0x1000, s30, s29, $0x38;
	[tilespmem:$0x1A800] =	vst v63  }
0x298: {  	s12 =	sadd.s32 s1, s13  }
0x299: {  	[tilespmem:s4], [sflag:$0x2] =	stream.strided.gather [hbm4b:s12+s29], $0x1000, s30, s29, $0x38;
	[tilespmem:$0x1A800] =	vst v63  }
0x29a: {  	s12 =	spop (v2sf)  }
0x29b: {  	s0 =	simm.s32 $0x7600;
	s4 =	sadd.s32 s1, s12  }
0x29c: {  	[tilespmem:s0], [sflag:$0x2] =	stream.strided.gather [hbm4b:s4+s29], $0x1000, s30, s29, $0x38;
	[tilespmem:$0x1A800] =	vst v63  }
0x29d: {  	_ =	swait.ge [sflag:s5], $0x1000  }
0x29e: {  	(v2sf) =	vpush v20, $0x8;
	_ =	sdelay $0xe  }
0x29f: {  	s4 =	spop (v2sf)  }
0x2a0: {  	s2 =	ssub.s32 s4, s21;
	s21 =	sadd.s32 $0xFFF0BE00, s4  }
0x2a1: {  	p0 =	slt.s32 s2, $0x7F;
	p1 =	sgt.s32 s21, $0x0  }
0x2a2: {  	s2 =	simm.s32 @!p0 $0x7F;
	s21 =	simm.s32 @!p1 $0x0  }
0x2a3: {  	v59 =	vadd.s32 s2, v1;
	s21 =	smin.u32 s21, $0x3F  }
0x2a4: {  	v60 =	vadd.s32 s2, v2;
	s21 =	sshll.u32 s21, $0x7  }
0x2a5: {  	v61 =	vor.u32 s21, v0  }
0x2a6: {  	[sflag:s5] =	ssyncset.done $0x0;
	v62 =	vor.u32 s21, v3  }
0x2a7: {  	[sflag:s5] =	ssyncadd.s32 $0xFFFFF000  }
0x2a8: {  	v21 =	vld.idx.msk [tilespmem:v59+s31+$0x0], $0xffff  }
0x2a9: {  	v22 =	vld.idx.msk [tilespmem:v60+s31+$0x0], $0xffff  }
0x2aa: {  	v23 =	vld.idx.msk [tilespmem:v61+s22+$0x0], $0xffff  }
0x2ab: {  	v24 =	vld.idx.msk [tilespmem:v62+s22+$0x0], $0xffff;
	_ =	sdelay $0x2  }
0x2ac: {  	p5 =	sgt.s32 s4, $0xF41FF  }
0x2ad: {  	v21 =	vpsel p5, v23, v21  }
0x2ae: {  	v22 =	vpsel p5, v24, v22;
	[tilespmem:s10+$0xC700] =	vst v21  }
0x2af: {  	[tilespmem:s10+$0xC710] =	vst v22  }
0x2b0: {  	_ =	swait.ge [sflag:s5], $0x1000  }
0x2b1: {  	(v2sf) =	vpush v20, $0x9;
	_ =	sdelay $0xe  }
0x2b2: {  	s4 =	spop (v2sf)  }
0x2b3: {  	s2 =	ssub.s32 s4, s8;
	s8 =	sadd.s32 $0xFFF0BE00, s4  }
0x2b4: {  	p0 =	slt.s32 s2, $0x7F;
	p1 =	sgt.s32 s8, $0x0  }
0x2b5: {  	s2 =	simm.s32 @!p0 $0x7F;
	s8 =	simm.s32 @!p1 $0x0  }
0x2b6: {  	v63 =	vadd.s32 s2, v4;
	s8 =	smin.u32 s8, $0x3F  }
0x2b7: {  	v28 =	vadd.s32 s2, v5;
	s21 =	sshll.u32 s8, $0x7  }
0x2b8: {  	v29 =	vor.u32 s21, v0  }
0x2b9: {  	[sflag:s5] =	ssyncset.done $0x0;
	v30 =	vor.u32 s21, v3  }
0x2ba: {  	[sflag:s5] =	ssyncadd.s32 $0xFFFFF000  }
0x2bb: {  	v21 =	vld.idx.msk [tilespmem:v63+s31+$0x0], $0xffff  }
0x2bc: {  	v22 =	vld.idx.msk [tilespmem:v28+s31+$0x0], $0xffff  }
0x2bd: {  	v23 =	vld.idx.msk [tilespmem:v29+s22+$0x0], $0xffff  }
0x2be: {  	v24 =	vld.idx.msk [tilespmem:v30+s22+$0x0], $0xffff;
	_ =	sdelay $0x2  }
0x2bf: {  	p6 =	sgt.s32 s4, $0xF41FF  }
0x2c0: {  	v21 =	vpsel p6, v23, v21  }
0x2c1: {  	v22 =	vpsel p6, v24, v22;
	[tilespmem:s10+$0xC720] =	vst v21  }
0x2c2: {  	[tilespmem:s10+$0xC730] =	vst v22  }
0x2c3: {  	_ =	swait.ge [sflag:s5], $0x1000  }
0x2c4: {  	(v2sf) =	vpush v20, $0xA;
	_ =	sdelay $0xe  }
0x2c5: {  	s4 =	spop (v2sf)  }
0x2c6: {  	s2 =	ssub.s32 s4, s14;
	s8 =	sadd.s32 $0xFFF0BE00, s4  }
0x2c7: {  	p0 =	slt.s32 s2, $0x7F;
	p1 =	sgt.s32 s8, $0x0  }
0x2c8: {  	s2 =	simm.s32 @!p0 $0x7F;
	s8 =	simm.s32 @!p1 $0x0  }
0x2c9: {  	v31 =	vadd.s32 s2, v6;
	s8 =	smin.u32 s8, $0x3F  }
0x2ca: {  	v32 =	vadd.s32 s2, v7;
	s14 =	sshll.u32 s8, $0x7  }
0x2cb: {  	v33 =	vor.u32 s14, v0  }
0x2cc: {  	[sflag:s5] =	ssyncset.done $0x0;
	v34 =	vor.u32 s14, v3  }
0x2cd: {  	[sflag:s5] =	ssyncadd.s32 $0xFFFFF000  }
0x2ce: {  	v21 =	vld.idx.msk [tilespmem:v31+s31+$0x0], $0xffff  }
0x2cf: {  	v22 =	vld.idx.msk [tilespmem:v32+s31+$0x0], $0xffff  }
0x2d0: {  	v23 =	vld.idx.msk [tilespmem:v33+s22+$0x0], $0xffff  }
0x2d1: {  	v24 =	vld.idx.msk [tilespmem:v34+s22+$0x0], $0xffff;
	_ =	sdelay $0x2  }
0x2d2: {  	p1 =	sgt.s32 s4, $0xF41FF  }
0x2d3: {  	v21 =	vpsel p1, v23, v21  }
0x2d4: {  	v22 =	vpsel p1, v24, v22;
	[tilespmem:s10+$0xC740] =	vst v21  }
0x2d5: {  	[tilespmem:s10+$0xC750] =	vst v22  }
0x2d6: {  	_ =	swait.ge [sflag:s5], $0x1000  }
0x2d7: {  	(v2sf) =	vpush v20, $0xB;
	_ =	sdelay $0xe  }
0x2d8: {  	s21 =	spop (v2sf)  }
0x2d9: {  	s2 =	ssub.s32 s21, s11;
	s8 =	sadd.s32 $0xFFF0BE00, s21  }
0x2da: {  	p0 =	slt.s32 s2, $0x7F;
	p1 =	sgt.s32 s8, $0x0  }
0x2db: {  	s2 =	simm.s32 @!p0 $0x7F;
	s8 =	simm.s32 @!p1 $0x0  }
0x2dc: {  	v35 =	vadd.s32 s2, v8;
	s8 =	smin.u32 s8, $0x3F  }
0x2dd: {  	v36 =	vadd.s32 s2, v9;
	s4 =	sshll.u32 s8, $0x7  }
0x2de: {  	v37 =	vor.u32 s4, v0  }
0x2df: {  	[sflag:s5] =	ssyncset.done $0x0;
	v38 =	vor.u32 s4, v3  }
0x2e0: {  	[sflag:s5] =	ssyncadd.s32 $0xFFFFF000  }
0x2e1: {  	v21 =	vld.idx.msk [tilespmem:v35+s31+$0x0], $0xffff  }
0x2e2: {  	v22 =	vld.idx.msk [tilespmem:v36+s31+$0x0], $0xffff  }
0x2e3: {  	v23 =	vld.idx.msk [tilespmem:v37+s22+$0x0], $0xffff  }
0x2e4: {  	v24 =	vld.idx.msk [tilespmem:v38+s22+$0x0], $0xffff;
	_ =	sdelay $0x2  }
0x2e5: {  	p2 =	sgt.s32 s21, $0xF41FF  }
0x2e6: {  	v21 =	vpsel p2, v23, v21  }
0x2e7: {  	v22 =	vpsel p2, v24, v22;
	[tilespmem:s10+$0xC760] =	vst v21  }
0x2e8: {  	[tilespmem:s10+$0xC770] =	vst v22  }
0x2e9: {  	_ =	swait.ge [sflag:s6], $0x1000  }
0x2ea: {  	(v2sf) =	vpush v20, $0xC;
	_ =	sdelay $0xe  }
0x2eb: {  	s8 =	spop (v2sf)  }
0x2ec: {  	s2 =	ssub.s32 s8, s3;
	s3 =	sadd.s32 $0xFFF0BE00, s8  }
0x2ed: {  	p0 =	slt.s32 s2, $0x7F;
	p1 =	sgt.s32 s3, $0x0  }
0x2ee: {  	s2 =	simm.s32 @!p0 $0x7F;
	s3 =	simm.s32 @!p1 $0x0  }
0x2ef: {  	v39 =	vadd.s32 s2, v10;
	s3 =	smin.u32 s3, $0x3F  }
0x2f0: {  	v40 =	vadd.s32 s2, v11;
	s14 =	sshll.u32 s3, $0x7  }
0x2f1: {  	v41 =	vor.u32 s14, v0  }
0x2f2: {  	[sflag:s6] =	ssyncset.done $0x0;
	v42 =	vor.u32 s14, v3  }
0x2f3: {  	[sflag:s6] =	ssyncadd.s32 $0xFFFFF000  }
0x2f4: {  	v21 =	vld.idx.msk [tilespmem:v39+s31+$0x0], $0xffff  }
0x2f5: {  	v22 =	vld.idx.msk [tilespmem:v40+s31+$0x0], $0xffff  }
0x2f6: {  	v23 =	vld.idx.msk [tilespmem:v41+s22+$0x0], $0xffff  }
0x2f7: {  	v24 =	vld.idx.msk [tilespmem:v42+s22+$0x0], $0xffff;
	_ =	sdelay $0x2  }
0x2f8: {  	p3 =	sgt.s32 s8, $0xF41FF  }
0x2f9: {  	v21 =	vpsel p3, v23, v21  }
0x2fa: {  	v22 =	vpsel p3, v24, v22;
	[tilespmem:s10+$0xC780] =	vst v21  }
0x2fb: {  	[tilespmem:s10+$0xC790] =	vst v22  }
0x2fc: {  	_ =	swait.ge [sflag:s6], $0x1000  }
0x2fd: {  	(v2sf) =	vpush v20, $0xD;
	_ =	sdelay $0xe  }
0x2fe: {  	s21 =	spop (v2sf)  }
0x2ff: {  	s2 =	ssub.s32 s21, s15;
	s3 =	sadd.s32 $0xFFF0BE00, s21  }
0x300: {  	p0 =	slt.s32 s2, $0x7F;
	p1 =	sgt.s32 s3, $0x0  }
0x301: {  	s2 =	simm.s32 @!p0 $0x7F;
	s3 =	simm.s32 @!p1 $0x0  }
0x302: {  	v43 =	vadd.s32 s2, v12;
	s3 =	smin.u32 s3, $0x3F  }
0x303: {  	v44 =	vadd.s32 s2, v14;
	s4 =	sshll.u32 s3, $0x7  }
0x304: {  	v45 =	vor.u32 s4, v0  }
0x305: {  	[sflag:s6] =	ssyncset.done $0x0;
	v46 =	vor.u32 s4, v3  }
0x306: {  	[sflag:s6] =	ssyncadd.s32 $0xFFFFF000  }
0x307: {  	v21 =	vld.idx.msk [tilespmem:v43+s31+$0x0], $0xffff  }
0x308: {  	v22 =	vld.idx.msk [tilespmem:v44+s31+$0x0], $0xffff  }
0x309: {  	v23 =	vld.idx.msk [tilespmem:v45+s22+$0x0], $0xffff  }
0x30a: {  	v24 =	vld.idx.msk [tilespmem:v46+s22+$0x0], $0xffff;
	_ =	sdelay $0x2  }
0x30b: {  	p4 =	sgt.s32 s21, $0xF41FF  }
0x30c: {  	v21 =	vpsel p4, v23, v21  }
0x30d: {  	v22 =	vpsel p4, v24, v22;
	[tilespmem:s10+$0xC7A0] =	vst v21  }
0x30e: {  	[tilespmem:s10+$0xC7B0] =	vst v22  }
0x30f: {  	_ =	swait.ge [sflag:s6], $0x1000  }
0x310: {  	(v2sf) =	vpush v20, $0xE;
	_ =	sdelay $0xe  }
0x311: {  	s8 =	spop (v2sf)  }
0x312: {  	s2 =	ssub.s32 s8, s13;
	s3 =	sadd.s32 $0xFFF0BE00, s8  }
0x313: {  	p0 =	slt.s32 s2, $0x7F;
	p1 =	sgt.s32 s3, $0x0  }
0x314: {  	s2 =	simm.s32 @!p0 $0x7F;
	s3 =	simm.s32 @!p1 $0x0  }
0x315: {  	v47 =	vadd.s32 s2, v15;
	s3 =	smin.u32 s3, $0x3F  }
0x316: {  	v48 =	vadd.s32 s2, v16;
	s14 =	sshll.u32 s3, $0x7  }
0x317: {  	v49 =	vor.u32 s14, v0  }
0x318: {  	[sflag:s6] =	ssyncset.done $0x0;
	v50 =	vor.u32 s14, v3  }
0x319: {  	[sflag:s6] =	ssyncadd.s32 $0xFFFFF000  }
0x31a: {  	v21 =	vld.idx.msk [tilespmem:v47+s31+$0x0], $0xffff  }
0x31b: {  	v22 =	vld.idx.msk [tilespmem:v48+s31+$0x0], $0xffff  }
0x31c: {  	v23 =	vld.idx.msk [tilespmem:v49+s22+$0x0], $0xffff  }
0x31d: {  	v24 =	vld.idx.msk [tilespmem:v50+s22+$0x0], $0xffff;
	_ =	sdelay $0x2  }
0x31e: {  	p5 =	sgt.s32 s8, $0xF41FF  }
0x31f: {  	v21 =	vpsel p5, v23, v21  }
0x320: {  	v22 =	vpsel p5, v24, v22;
	[tilespmem:s10+$0xC7C0] =	vst v21  }
0x321: {  	[tilespmem:s10+$0xC7D0] =	vst v22  }
0x322: {  	_ =	swait.ge [sflag:s6], $0x1000  }
0x323: {  	(v2sf) =	vpush v20, $0xF;
	_ =	sdelay $0xe  }
0x324: {  	s15 =	spop (v2sf)  }
0x325: {  	s2 =	ssub.s32 s15, s12;
	s3 =	sadd.s32 $0xFFF0BE00, s15  }
0x326: {  	p0 =	slt.s32 s2, $0x7F;
	p1 =	sgt.s32 s3, $0x0  }
0x327: {  	s2 =	simm.s32 @!p0 $0x7F;
	s3 =	simm.s32 @!p1 $0x0  }
0x328: {  	v20 =	vadd.s32 s2, v17;
	s3 =	smin.u32 s3, $0x3F  }
0x329: {  	v51 =	vadd.s32 s2, v18;
	s21 =	sshll.u32 s3, $0x7  }
0x32a: {  	v52 =	vor.u32 s21, v0  }
0x32b: {  	[sflag:s6] =	ssyncset.done $0x0;
	v53 =	vor.u32 s21, v3  }
0x32c: {  	[sflag:s6] =	ssyncadd.s32 $0xFFFFF000  }
0x32d: {  	v20 =	vld.idx.msk [tilespmem:v20+s31+$0x0], $0xffff  }
0x32e: {  	v21 =	vld.idx.msk [tilespmem:v51+s31+$0x0], $0xffff  }
0x32f: {  	v22 =	vld.idx.msk [tilespmem:v52+s22+$0x0], $0xffff  }
0x330: {  	v23 =	vld.idx.msk [tilespmem:v53+s22+$0x0], $0xffff;
	_ =	sdelay $0x2  }
0x331: {  	p6 =	sgt.s32 s15, $0xF41FF  }
0x332: {  	v20 =	vpsel p6, v22, v20  }
0x333: {  	v21 =	vpsel p6, v23, v21;
	[tilespmem:s10+$0xC7E0] =	vst v20;
	v20 =	vmov s17  }
0x334: {  	[tilespmem:s10+$0xC7F0] =	vst v21;
	v20 =	vshll.u32 v20, $0x5  }
0x335: {  	v54 =	vld [tilespmem:s16+$0x0];
	v21 =	vor.u32 v13, v20  }
0x336: {  	v20 =	vor.u32 v19, v20  }
0x337: {  	v56 =	vor.u32 $0x1, v21  }
0x338: {  	v57 =	vor.u32 $0x1, v20  }
0x339: {  	v28 =	vor.u32 $0x2, v21  }
0x33a: {  	v30 =	vor.u32 $0x2, v20;
	v55 =	vshll.u32 v54, $0x3;
	v58 =	vld.idx.msk [tilespmem:v21+s7+$0x0], $0xffff  }
0x33b: {  	v32 =	vor.u32 $0x3, v21;
	v22 =	vand.u32 $0x7F, v54;
	v23 =	vand.u32 $0xFFFFFC00, v55;
	v27 =	vld.idx.msk [tilespmem:v20+s7+$0x0], $0xffff  }
0x33c: {  	v33 =	vor.u32 $0x3, v20;
	v22 =	vor.u32 v22, v23;
	v23 =	vld.idx.msk [tilespmem:v56+s7+$0x0], $0xffff  }
0x33d: {  	v35 =	vor.u32 $0x4, v21;
	v24 =	vld.idx.msk [tilespmem:v57+s7+$0x0], $0xffff  }
0x33e: {  	v36 =	vor.u32 $0x4, v20;
	v28 =	vld.idx.msk [tilespmem:v28+s7+$0x0], $0xffff  }
0x33f: {  	v38 =	vor.u32 $0x5, v21;
	v30 =	vld.idx.msk [tilespmem:v30+s7+$0x0], $0xffff  }
0x340: {  	v39 =	vor.u32 $0x5, v20;
	v32 =	vld.idx.msk [tilespmem:v32+s7+$0x0], $0xffff  }
0x341: {  	v41 =	vor.u32 $0x6, v21;
	v33 =	vld.idx.msk [tilespmem:v33+s7+$0x0], $0xffff  }
0x342: {  	v42 =	vor.u32 $0x6, v20;
	v35 =	vld.idx.msk [tilespmem:v35+s7+$0x0], $0xffff  }
0x343: {  	v44 =	vor.u32 $0x7, v21;
	v36 =	vld.idx.msk [tilespmem:v36+s7+$0x0], $0xffff  }
0x344: {  	v45 =	vor.u32 $0x7, v20;
	v38 =	vld.idx.msk [tilespmem:v38+s7+$0x0], $0xffff  }
0x345: {  	v48 =	vor.u32 $0x8, v20;
	v39 =	vld.idx.msk [tilespmem:v39+s7+$0x0], $0xffff  }
0x346: {  	v41 =	vld.idx.msk [tilespmem:v41+s7+$0x0], $0xffff  }
0x347: {  	v42 =	vld.idx.msk [tilespmem:v42+s7+$0x0], $0xffff;
	v59 =	vor.u32 $0x80, v22  }
0x348: {  	v44 =	vld.idx.msk [tilespmem:v44+s7+$0x0], $0xffff;
	v31 =	vor.u32 $0x100, v22  }
0x349: {  	v45 =	vld.idx.msk [tilespmem:v45+s7+$0x0], $0xffff;
	v34 =	vor.u32 $0x180, v22  }
0x34a: {  	v48 =	vld.idx.msk [tilespmem:v48+s7+$0x0], $0xffff;
	v37 =	vor.u32 $0x200, v22  }
0x34b: {  	v40 =	vor.u32 $0x280, v22;
	v29 =	vld.idx.msk [tilespmem:v22+s23+$0x0], $0xffff  }
0x34c: {  	v43 =	vor.u32 $0x300, v22;
	v26 =	vld.idx.msk [tilespmem:v59+s23+$0x0], $0xffff  }
0x34d: {  	v46 =	vor.u32 $0x380, v22;
	v31 =	vld.idx.msk [tilespmem:v31+s23+$0x0], $0xffff  }
0x34e: {  	v47 =	vor.u32 $0x8, v21;
	v34 =	vld.idx.msk [tilespmem:v34+s23+$0x0], $0xffff  }
0x34f: {  	v49 =	vadd.s32 $0x2000, v22;
	v37 =	vld.idx.msk [tilespmem:v37+s23+$0x0], $0xffff  }
0x350: {  	v50 =	vor.u32 $0x9, v21;
	v40 =	vld.idx.msk [tilespmem:v40+s23+$0x0], $0xffff  }
0x351: {  	v60 =	vadd.s32 $0x2080, v22;
	v43 =	vld.idx.msk [tilespmem:v43+s23+$0x0], $0xffff  }
0x352: {  	v62 =	vadd.s32 $0x2100, v22;
	v46 =	vld.idx.msk [tilespmem:v46+s23+$0x0], $0xffff  }
0x353: {  	v56 =	vor.u32 $0xB, v20;
	v25 =	vmul.f32 v29, v58;
	v29 =	vld.idx.msk [tilespmem:v47+s7+$0x0], $0xffff  }
0x354: {  	v59 =	vor.u32 $0xC, v21;
	v23 =	vmul.f32 v26, v23;
	v26 =	vld.idx.msk [tilespmem:v49+s23+$0x0], $0xffff  }
0x355: {  	v61 =	vor.u32 $0xA, v20;
	v49 =	vld.idx.msk [tilespmem:v50+s7+$0x0], $0xffff  }
0x356: {  	v51 =	vor.u32 $0x9, v20;
	v28 =	vmul.f32 v31, v28;
	v31 =	vld.idx.msk [tilespmem:v60+s23+$0x0], $0xffff  }
0x357: {  	v63 =	vor.u32 $0xB, v21;
	v58 =	vmul.f32 v34, v32;
	v34 =	vld.idx.msk [tilespmem:v62+s23+$0x0], $0xffff  }
0x358: {  	v52 =	vor.u32 $0xA, v21;
	v35 =	vmul.f32 v37, v35;
	v37 =	vld.idx.msk [tilespmem:v56+s7+$0x0], $0xffff  }
0x359: {  	v60 =	vor.u32 $0xC, v20;
	v32 =	vld.idx.msk [tilespmem:v59+s7+$0x0], $0xffff;
	v25 =	vmul.f32 v25, v27  }
0x35a: {  	v62 =	vadd.s32 $0x2200, v22;
	v27 =	vld.idx.msk [tilespmem:v61+s7+$0x0], $0xffff  }
0x35b: {  	v56 =	vadd.s32 $0x2280, v22;
	v23 =	vmul.f32 v23, v24;
	v24 =	vld.idx.msk [tilespmem:v51+s7+$0x0], $0xffff;
	v25 =	vadd.f32 $0.0e+00, v25  }
0x35c: {  	v59 =	vor.u32 $0xE, v20;
	v28 =	vmul.f32 v28, v30;
	v30 =	vld.idx.msk [tilespmem:v63+s7+$0x0], $0xffff  }
0x35d: {  	v57 =	vadd.s32 $0x2180, v22;
	v23 =	vadd.f32 v23, v25;
	v25 =	vld.idx.msk [tilespmem:v52+s7+$0x0], $0xffff  }
0x35e: {  	v55 =	vmul.f32 v40, v38;
	v63 =	vor.u32 $0xD, v21;
	v40 =	vld.idx.msk [tilespmem:v60+s7+$0x0], $0xffff  }
0x35f: {  	v53 =	vadd.s32 $0x2380, v22;
	v61 =	vmul.f32 v58, v33;
	v33 =	vld.idx.msk [tilespmem:v62+s23+$0x0], $0xffff  }
0x360: {  	v38 =	vld.idx.msk [tilespmem:v56+s23+$0x0], $0xffff;
	v52 =	vor.u32 $0xF, v20  }
0x361: {  	v54 =	vor.u32 $0xD, v20;
	v35 =	vmul.f32 v35, v36;
	v36 =	vld.idx.msk [tilespmem:v59+s7+$0x0], $0xffff;
	v56 =	vor.u32 $0x10, v20  }
0x362: {  	v60 =	vmul.f32 v43, v41;
	v26 =	vmul.f32 v26, v29;
	v23 =	vadd.f32 v28, v23;
	v28 =	vld.idx.msk [tilespmem:v57+s23+$0x0], $0xffff  }
0x363: {  	v58 =	vmul.f32 v55, v39;
	v59 =	vor.u32 $0x11, v20;
	v41 =	vld.idx.msk [tilespmem:v63+s7+$0x0], $0xffff  }
0x364: {  	v57 =	vor.u32 $0xE, v21;
	v39 =	vmul.f32 v60, v42;
	v26 =	vmul.f32 v26, v48;
	v48 =	vld.idx.msk [tilespmem:v53+s23+$0x0], $0xffff  }
0x365: {  	v63 =	vmul.f32 v46, v44;
	v60 =	vadd.s32 $0x4080, v22;
	v23 =	vadd.f32 v61, v23;
	v44 =	vld.idx.msk [tilespmem:v52+s7+$0x0], $0xffff  }
0x366: {  	v50 =	vadd.s32 $0x4100, v22;
	v25 =	vmul.f32 v34, v25;
	v34 =	vld.idx.msk [tilespmem:v56+s7+$0x0], $0xffff  }
0x367: {  	v51 =	vor.u32 $0x13, v21;
	v23 =	vadd.f32 v35, v23;
	v35 =	vld.idx.msk [tilespmem:v54+s7+$0x0], $0xffff  }
0x368: {  	v53 =	vor.u32 $0x13, v20;
	v54 =	vmul.f32 v63, v45;
	v45 =	vld.idx.msk [tilespmem:v59+s7+$0x0], $0xffff  }
0x369: {  	v61 =	vadd.s32 $0x2300, v22;
	v46 =	vld.idx.msk [tilespmem:v57+s7+$0x0], $0xffff  }
0x36a: {  	v62 =	vor.u32 $0xF, v21;
	v31 =	vmul.f32 v31, v49;
	v25 =	vmul.f32 v25, v27;
	v27 =	vld.idx.msk [tilespmem:v60+s23+$0x0], $0xffff  }
0x36b: {  	v63 =	vmul.f32 v28, v30;
	v30 =	vld.idx.msk [tilespmem:v50+s23+$0x0], $0xffff;
	v23 =	vadd.f32 v58, v23;
	v58 =	vor.u32 $0x11, v21  }
0x36c: {  	v59 =	vor.u32 $0x15, v21;
	v38 =	vmul.f32 v38, v41;
	v41 =	vld.idx.msk [tilespmem:v51+s7+$0x0], $0xffff  }
0x36d: {  	v55 =	vor.u32 $0x10, v21;
	v24 =	vmul.f32 v31, v24;
	v31 =	vld.idx.msk [tilespmem:v53+s7+$0x0], $0xffff  }
0x36e: {  	v29 =	vld.idx.msk [tilespmem:v61+s23+$0x0], $0xffff;
	v61 =	vor.u32 $0x12, v21;
	v23 =	vadd.f32 v39, v23  }
0x36f: {  	v57 =	vadd.s32 $0x4000, v22;
	v39 =	vld.idx.msk [tilespmem:v62+s7+$0x0], $0xffff  }
0x370: {  	v23 =	vadd.f32 v54, v23;
	v54 =	vadd.s32 $0x4180, v22;
	v28 =	vld.idx.msk [tilespmem:v58+s7+$0x0], $0xffff  }
0x371: {  	v62 =	vor.u32 $0x12, v20;
	v58 =	vmul.f32 v38, v35;
	v35 =	vld.idx.msk [tilespmem:v59+s7+$0x0], $0xffff  }
0x372: {  	v56 =	vor.u32 $0x14, v20;
	v23 =	vadd.f32 v26, v23;
	v26 =	vld.idx.msk [tilespmem:v55+s7+$0x0], $0xffff  }
0x373: {  	v32 =	vmul.f32 v33, v32;
	v52 =	vmul.f32 v63, v37;
	v63 =	vor.u32 $0x16, v21;
	v33 =	vld.idx.msk [tilespmem:v61+s7+$0x0], $0xffff  }
0x374: {  	v59 =	vadd.s32 $0x6000, v22;
	v23 =	vadd.f32 v24, v23;
	v24 =	vld.idx.msk [tilespmem:v57+s23+$0x0], $0xffff  }
0x375: {  	v51 =	vor.u32 $0x17, v21;
	v37 =	vld.idx.msk [tilespmem:v54+s23+$0x0], $0xffff  }
0x376: {  	v61 =	vadd.s32 $0x4280, v22;
	v23 =	vadd.f32 v25, v23;
	v25 =	vld.idx.msk [tilespmem:v62+s7+$0x0], $0xffff  }
0x377: {  	v57 =	vadd.s32 $0x4200, v22;
	v62 =	vmul.f32 v48, v39;
	v39 =	vld.idx.msk [tilespmem:v56+s7+$0x0], $0xffff  }
0x378: {  	v60 =	vor.u32 $0x15, v20;
	v27 =	vmul.f32 v27, v28;
	v28 =	vld.idx.msk [tilespmem:v63+s7+$0x0], $0xffff  }
0x379: {  	v32 =	vmul.f32 v32, v40;
	v50 =	vadd.s32 $0x4300, v22;
	v47 =	vld.idx.msk [tilespmem:v59+s23+$0x0], $0xffff;
	v23 =	vadd.f32 v52, v23  }
0x37a: {  	v55 =	vor.u32 $0x14, v21;
	v30 =	vmul.f32 v30, v33;
	v33 =	vld.idx.msk [tilespmem:v51+s7+$0x0], $0xffff  }
0x37b: {  	v29 =	vmul.f32 v29, v46;
	v48 =	vor.u32 $0x16, v20;
	v52 =	vld.idx.msk [tilespmem:v61+s23+$0x0], $0xffff;
	v23 =	vadd.f32 v32, v23  }
0x37c: {  	v46 =	vor.u32 $0x1A, v21;
	v54 =	vadd.s32 $0x4380, v22;
	v43 =	vld.idx.msk [tilespmem:v57+s23+$0x0], $0xffff  }
0x37d: {  	v29 =	vmul.f32 v29, v36;
	v24 =	vmul.f32 v24, v26;
	v26 =	vld.idx.msk [tilespmem:v60+s7+$0x0], $0xffff;
	v23 =	vadd.f32 v58, v23  }
0x37e: {  	v51 =	vor.u32 $0x1B, v21;
	v57 =	vld.idx.msk [tilespmem:v50+s23+$0x0], $0xffff  }
0x37f: {  	v49 =	vmul.f32 v62, v44;
	v62 =	vor.u32 $0x19, v20;
	v32 =	vld.idx.msk [tilespmem:v55+s7+$0x0], $0xffff;
	v23 =	vadd.f32 v29, v23  }
0x380: {  	v63 =	vadd.s32 $0x6080, v22;
	v40 =	vld.idx.msk [tilespmem:v48+s7+$0x0], $0xffff  }
0x381: {  	v50 =	vadd.s32 $0x6100, v22;
	v24 =	vmul.f32 v24, v34;
	v34 =	vld.idx.msk [tilespmem:v54+s23+$0x0], $0xffff;
	v23 =	vadd.f32 v49, v23  }
0x382: {  	v55 =	vor.u32 $0x18, v21;
	v54 =	vld.idx.msk [tilespmem:v46+s7+$0x0], $0xffff  }
0x383: {  	v56 =	vmul.f32 v27, v45;
	v60 =	vor.u32 $0x19, v21;
	v59 =	vld.idx.msk [tilespmem:v51+s7+$0x0], $0xffff;
	v23 =	vadd.f32 v24, v23  }
0x384: {  	v61 =	vmul.f32 v37, v41;
	v48 =	vor.u32 $0x1A, v20;
	v29 =	vmul.f32 v52, v35;
	v35 =	vld.idx.msk [tilespmem:v62+s7+$0x0], $0xffff  }
0x385: {  	v53 =	vor.u32 $0x17, v20;
	v25 =	vmul.f32 v30, v25;
	v52 =	vld.idx.msk [tilespmem:v63+s23+$0x0], $0xffff;
	v23 =	vadd.f32 v56, v23  }
0x386: {  	v58 =	vor.u32 $0x18, v20;
	v45 =	vmul.f32 v61, v31;
	v27 =	vmul.f32 v57, v28;
	v57 =	vld.idx.msk [tilespmem:v50+s23+$0x0], $0xffff  }
0x387: {  	v62 =	vor.u32 $0x1D, v21;
	v41 =	vld.idx.msk [tilespmem:v55+s7+$0x0], $0xffff;
	v32 =	vmul.f32 v43, v32;
	v23 =	vadd.f32 v25, v23  }
0x388: {  	v55 =	vadd.s32 $0x6180, v22;
	v49 =	vld.idx.msk [tilespmem:v60+s7+$0x0], $0xffff  }
0x389: {  	v28 =	vld.idx.msk [tilespmem:v48+s7+$0x0], $0xffff;
	v48 =	vor.u32 $0x1E, v21;
	v32 =	vmul.f32 v32, v39;
	v23 =	vadd.f32 v45, v23  }
0x38a: {  	v60 =	vadd.s32 $0x6200, v22;
	v24 =	vld.idx.msk [tilespmem:v53+s7+$0x0], $0xffff  }
0x38b: {  	v26 =	vmul.f32 v29, v26;
	v30 =	vld.idx.msk [tilespmem:v58+s7+$0x0], $0xffff;
	v53 =	vor.u32 $0x1B, v20;
	v23 =	vadd.f32 v32, v23  }
0x38c: {  	v44 =	vor.u32 $0x1D, v20;
	v27 =	vmul.f32 v27, v40;
	v51 =	vld.idx.msk [tilespmem:v62+s7+$0x0], $0xffff  }
0x38d: {  	v33 =	vmul.f32 v34, v33;
	v56 =	vor.u32 $0x1C, v21;
	v63 =	vld.idx.msk [tilespmem:v55+s23+$0x0], $0xffff;
	v23 =	vadd.f32 v26, v23  }
0x38e: {  	v46 =	vadd.s32 $0x6280, v22;
	v58 =	vor.u32 $0x1C, v20;
	v55 =	vld.idx.msk [tilespmem:v48+s7+$0x0], $0xffff;
	v25 =	vmul.f32 v52, v49  }
0x38f: {  	v49 =	vld.idx.msk [tilespmem:v60+s23+$0x0], $0xffff;
	v24 =	vmul.f32 v33, v24;
	v45 =	vmul.f32 v47, v41;
	v23 =	vadd.f32 v27, v23  }
0x390: {  	v21 =	vor.u32 $0x1F, v21;
	v61 =	vld.idx.msk [tilespmem:v53+s7+$0x0], $0xffff  }
0x391: {  	v52 =	vadd.s32 $0x6300, v22;
	v53 =	vld.idx.msk [tilespmem:v44+s7+$0x0], $0xffff;
	v30 =	vmul.f32 v45, v30;
	v23 =	vadd.f32 v24, v23  }
0x392: {  	v50 =	vor.u32 $0x1E, v20;
	v22 =	vadd.s32 $0x6380, v22;
	v32 =	vld.idx.msk [tilespmem:v56+s7+$0x0], $0xffff  }
0x393: {  	v47 =	vld.idx.msk [tilespmem:v58+s7+$0x0], $0xffff;
	v25 =	vmul.f32 v25, v35;
	v26 =	vmul.f32 v57, v54;
	v23 =	vadd.f32 v30, v23  }
0x394: {  	v20 =	vor.u32 $0x1F, v20;
	v54 =	vld.idx.msk [tilespmem:v46+s23+$0x0], $0xffff  }
0x395: {  	v21 =	vld.idx.msk [tilespmem:v21+s7+$0x0], $0xffff;
	v26 =	vmul.f32 v26, v28;
	v27 =	vmul.f32 v63, v59;
	v23 =	vadd.f32 v25, v23  }
0x396: {  	v57 =	vld.idx.msk [tilespmem:v52+s23+$0x0], $0xffff  }
0x397: {  	v56 =	vld.idx.msk [tilespmem:v50+s7+$0x0], $0xffff;
	v59 =	vmul.f32 v49, v32;
	v58 =	vmul.f32 v27, v61;
	v23 =	vadd.f32 v26, v23  }
0x398: {  	v22 =	vld.idx.msk [tilespmem:v22+s23+$0x0], $0xffff  }
0x399: {  	v24 =	vmul.f32 v59, v47;
	v60 =	vmul.f32 v54, v51;
	v23 =	vadd.f32 v58, v23  }
0x39a: {  	v20 =	vld.idx.msk [tilespmem:v20+s7+$0x0], $0xffff  }
0x39b: {  	v61 =	vmul.f32 v60, v53;
	v25 =	vmul.f32 v57, v55;
	v23 =	vadd.f32 v24, v23;
	_ =	sdelay $0x1  }
0x39c: {  	v21 =	vmul.f32 v22, v21;
	v62 =	vmul.f32 v25, v56;
	v23 =	vadd.f32 v61, v23;
	_ =	sdelay $0x1  }
0x39d: {  	v20 =	vmul.f32 v21, v20;
	v63 =	vadd.f32 v62, v23;
	_ =	sdelay $0x1  }
0x39e: {  	v20 =	vadd.f32 v20, v63;
	_ =	sdelay $0x1  }
0x39f: {  	v20 =	vsub.f32 $0.0e+00, v20;
	_ =	sdelay $0x1  }
0x3a0: {  	v20 =	vmul.f32 $1.442695020e+00, v20;
	_ =	sdelay $0x1  }
0x3a1: {  	(erf) = vpow2.f32 v20;
	_ =	sdelay $0x8  }
0x3a2: {  	v20 =	vpop (erf)  }
0x3a3: {  	v20 =	vadd.f32 $1.000000000e+00, v20;
	_ =	sdelay $0x1  }
0x3a4: {  	(erf) = vrcp.f32 v20;
	_ =	sdelay $0x4  }
0x3a5: {  	p0 =	sne.s32 s9, $0xF800  }
.Ltmp0:
0x3a6: {  	_ = 	snop;
	(pc) =	sbr.rel @p0 .LBB2_2-.Ltmp0, $4  }
0x3a7: {  	_ = 	snop  }
0x3a8: {  	s20 =	sadd.s32 $0x10, s20;
	s19 =	sadd.s32 $0x10, s19;
	s11 =	simm.s32 $0x1600  }
0x3a9: {  	s13 =	simm.s32 $0x4600;
	s12 =	simm.s32 $0x2600;
	s9 =	sadd.s32 $0x800, s9;
	v20 =	vpop (erf)  }
0x3aa: {  	s17 =	sadd.s32 $0x10, s17;
	s16 =	sadd.s32 $0x10, s16;
	[tilespmem:s18+$0x0] =	vst v20;
	s18 =	sadd.s32 $0x10, s18  }
0x3ab: {  	s10 =	simm.s32 $0x0;
	s0 =	rddreg [dreg:$0x13];
	s2 =	simm.s32 $0x1A600  }
0x3ac: {  	[hbm4b:s0+s10] =	stream.linear.scatter [tilespmem:s2], [sflag:$0x3], $0x200, $0x38;
	[tilespmem:$0x1A800] =	vst v63  }
0x3ad: {  	s2 =	simm.s32 $0x3  }
0x3ae: {  	_ =	swait.ge [sflag:s2], $0x200  }
0x3af: {  	s3 =	rddreg [dreg:$0x18]  }
0x3b0: {  	s21 =	rddreg [dreg:$0x14];
	s3 =	sadd.s32 $0x1, s3  }
0x3b1: {  	p0 =	sne.s32 s3, s21  }
.Ltmp1:
0x3b2: {  	_ = 	snop;
	(pc) =	sbr.rel @p0 .LBB2_1-.Ltmp1, $3  }
0x3b3: {  	_ =	sdelay $0x1  }
0x3b4: {  	[sflag:s2] =	ssyncset.done $0x0  }
0x3b5: {  	[sflag:s2] =	ssyncadd.s32 $0xFFFFFE00  }
0x3b6: {  	_ =	sfence.sel $0x180000  }
0x3b7: {  	[bflag:$0x0] =	sbarrier.arrive $0xFFFF  }
0x3b8: {  	_ =	strace $0x90000047  }
0x3b9: {  	s0 =	stileid.u32;
	[bflag:$0x2] =	sbarrier.arrive $0xFFFF  }
0x3ba: {  	p0 =	sne.s32 s0, $0x0;
	s0 =	rddreg [dreg:$0x6]  }
0x3bb: {  	s0 =	sadd.s32 @!p0 $0x100000, s0  }
0x3bc: {  	[sflag:s0] =	ssyncadd.tile.s32 @!p0 $0x1;
	_ =	shalt  }
.Lfunc_end2:
_tile_overlayer_lowered:
.L_overlay_start_2:
0x3bd: {  	(tag) =	ssettag $0x2  }
0x3be: {  	s0 =	rddreg [dreg:$0x0];
	s2 =	stileid.u32  }
0x3bf: {  	s1 =	rddreg [dreg:$0x1];
	p0 =	sne.s32 s2, $0x0  }
0x3c0: {  	s3 =	rddreg [dreg:$0x2];
	[bflag:$0x3] =	sbarrier.arrive $0xFFFF;
	s2 =	simm.s32 @!p0 $0x1C03  }
0x3c1: {  	[timem:s3], [sflag:s2] =	dma.local @!p0 [hbm:s0], s1  }
0x3c2: {  	s0 =	simm.s32 @!p0 $0x3  }
0x3c3: {  	_ =	swait.ge @!p0 [sflag:s0], s1  }
0x3c4: {  	s1 =	ssub.s32 @!p0 $0x0, s1;
	[sflag:s0] =	ssyncset.done @!p0 $0x0  }
0x3c5: {  	[sflag:s0] =	ssyncadd.s32 @!p0 s1  }
0x3c6: {  	[bflag:$0x3] =	sbarrier.arrive $0xFFFF  }
0x3c7: {  	_ =	shalt  }

</sc_bundles>
